<compile_context>
chip_gen: v7x
topology: tpu7x:2x2x1
jax: 0.10.2.dev20260603
libtpu: 0.0.44.dev20260713+nightly
codegen_flags: <defaults>
</compile_context>

<pallas_src>
import functools
import math

import jax
import jax.numpy as jnp
from jax import lax
from jax.experimental import pallas as pl
from jax.experimental.pallas import tpu as pltpu
from jax.experimental.pallas import tpu_sc as plsc

E = 8
TOP_K = 2
D = 768
H = 256
EPS_LN = 1e-5
N = 2048

BK = 256
NBLK = 2 * N // BK + E
NSLOT = NBLK * BK
NPAIR = 2 * N
LCAP = NPAIR + BK
LCAP2 = LCAP + 16
BN = 512

NC = 2
NS = 16
NW = NC * NS
GROWS = NSLOT // NW
TOKT = N // NW


def _router_body(x_ref, wr_ref, br_ref, e0_ref, e1_ref, w0_ref, w1_ref):
    xb = x_ref[...]
    logits = jnp.dot(xb, wr_ref[...], preferred_element_type=jnp.float32)
    logits = logits + br_ref[...]
    m = jnp.max(logits, axis=-1, keepdims=True)
    p = jnp.exp(logits - m)
    p = p / jnp.sum(p, axis=-1, keepdims=True)

    iota_e = lax.broadcasted_iota(jnp.int32, (BN, E), 1)
    m1 = jnp.max(p, axis=-1, keepdims=True)
    idx1 = jnp.min(jnp.where(p == m1, iota_e, E), axis=-1, keepdims=True)
    p_rest = jnp.where(iota_e == idx1, -jnp.inf, p)
    m2 = jnp.max(p_rest, axis=-1, keepdims=True)
    idx2 = jnp.min(jnp.where(p_rest == m2, iota_e, E), axis=-1, keepdims=True)
    denom = jnp.maximum(m1 + m2, 1e-9)
    half = 0.5 / denom
    e0_ref[...] = idx1[:, 0]
    e1_ref[...] = idx2[:, 0]
    w0_ref[...] = (m1 * half)[:, 0]
    w1_ref[...] = (m2 * half)[:, 0]


def _router(x2, Wr, br2):
    return pl.pallas_call(
        _router_body,
        grid=(N // BN,),
        in_specs=[
            pl.BlockSpec((BN, D), lambda i: (i, 0)),
            pl.BlockSpec((D, E), lambda i: (0, 0)),
            pl.BlockSpec((1, E), lambda i: (0, 0)),
        ],
        out_specs=[
            pl.BlockSpec((BN,), lambda i: (i,)),
            pl.BlockSpec((BN,), lambda i: (i,)),
            pl.BlockSpec((BN,), lambda i: (i,)),
            pl.BlockSpec((BN,), lambda i: (i,)),
        ],
        out_shape=[
            jax.ShapeDtypeStruct((N,), jnp.int32),
            jax.ShapeDtypeStruct((N,), jnp.int32),
            jax.ShapeDtypeStruct((N,), jnp.float32),
            jax.ShapeDtypeStruct((N,), jnp.float32),
        ],
    )(x2, Wr, br2)


_MESH = plsc.VectorSubcoreMesh(core_axis_name="c", subcore_axis_name="s")


@functools.partial(
    pl.kernel,
    mesh=_MESH,
    compiler_params=pltpu.CompilerParams(needs_layout_passes=False),
    out_type=(
        jax.ShapeDtypeStruct((NSLOT, D), jnp.float32),
        jax.ShapeDtypeStruct((NSLOT,), jnp.float32),
        jax.ShapeDtypeStruct((NPAIR + 512,), jnp.int32),
        jax.ShapeDtypeStruct((32,), jnp.int32),
        jax.ShapeDtypeStruct((NC * NSLOT,), jnp.int32),
    ),
    scratch_types=[
        pltpu.VMEM((NPAIR,), jnp.int32),
        pltpu.VMEM((NPAIR,), jnp.float32),
        pltpu.VMEM((LCAP2,), jnp.int32),
        pltpu.VMEM((LCAP2,), jnp.float32),
        pltpu.VMEM((LCAP2,), jnp.int32),
        pltpu.VMEM((LCAP2,), jnp.int32),
        pltpu.VMEM((NS * 16,), jnp.int32),
        pltpu.VMEM((16,), jnp.int32),
        pltpu.VMEM((32,), jnp.int32),
        pltpu.VMEM((NSLOT // NS,), jnp.int32),
        pltpu.VMEM((NSLOT // NS,), jnp.float32),
        pltpu.VMEM((GROWS // 2,), jnp.int32),
        pltpu.VMEM((GROWS // 2, D), jnp.float32),
        pltpu.VMEM_SHARED((NS * 16,), jnp.int32),
        pltpu.SemaphoreType.DMA,
    ],
)
def _dispatch(e0_hbm, e1_hbm, w0_hbm, w1_hbm, x_hbm,
              xg, swt, inv, map32, rows,
              eidv, wtv, ltok, lwt, lpid, gpos, cnts_all, vtmp, map_v,
              zero_i, zero_f, idxc, grows, cshared, sem):
    cid = lax.axis_index("c")
    sid = lax.axis_index("s")
    g = cid * NS + sid
    iota = lax.iota(jnp.int32, 16)
    zi16 = jnp.zeros((16,), jnp.int32)
    zf16 = jnp.zeros((16,), jnp.float32)

    zchunk = NSLOT // NS

    def _zfill(i, _):
        zero_i[pl.ds(i * 16, 16)] = zi16
        zero_f[pl.ds(i * 16, 16)] = zf16
        return 0

    lax.fori_loop(0, zchunk // 16, _zfill, 0)
    pltpu.sync_copy(zero_i, rows.at[pl.ds(pl.multiple_of(cid * NSLOT + sid * zchunk, 8), zchunk)])
    pltpu.sync_copy(zero_f, swt.at[pl.ds(pl.multiple_of(sid * zchunk, 8), zchunk)])

    @pl.when(sid < E)
    def _():
        pltpu.sync_copy(e0_hbm, eidv.at[pl.ds(0, N)])
        pltpu.sync_copy(e1_hbm, eidv.at[pl.ds(N, N)])
        pltpu.sync_copy(w0_hbm, wtv.at[pl.ds(0, N)])
        pltpu.sync_copy(w1_hbm, wtv.at[pl.ds(N, N)])
        sent = jnp.full((16,), NPAIR, jnp.int32) + sid

        def _pf(i, _):
            ltok[pl.ds(i * 16, 16)] = zi16
            lwt[pl.ds(i * 16, 16)] = zf16
            lpid[pl.ds(i * 16, 16)] = sent
            return 0

        lax.fori_loop(0, LCAP2 // 16, _pf, 0)

        dnums = lax.GatherDimensionNumbers(
            offset_dims=(), collapsed_slice_dims=(0,), start_index_map=(0,))

        def _shift(v, k):
            idx = jnp.maximum(iota - k, 0)
            return lax.gather(v, idx[:, None], dnums, slice_sizes=(1,),
                              mode=lax.GatherScatterMode.PROMISE_IN_BOUNDS)

        def _cbody(j, off):
            ev = eidv[pl.ds(j * 16, 16)]
            wv = wtv[pl.ds(j * 16, 16)]
            pidv = j * 16 + iota
            tokv = pidv & (N - 1)
            mask = ev == sid
            s = jnp.where(mask, 1, 0)
            for k in (1, 2, 4, 8):
                s = s + jnp.where(iota >= k, _shift(s, k), 0)
            posv = jnp.where(mask, off + s - 1, LCAP + iota)
            plsc.store_scatter(ltok, [posv], tokv)
            plsc.store_scatter(lwt, [posv], wv)
            plsc.store_scatter(lpid, [posv], pidv)
            cnt = plsc.all_reduce_population_count(mask)
            return off + jnp.max(cnt)

        c_e = lax.fori_loop(0, NPAIR // 16, _cbody, jnp.int32(0))
        lpid[pl.ds(LCAP, 16)] = sent
        vtmp[...] = jnp.zeros((16,), jnp.int32) + c_e

    @pl.when(sid >= E)
    def _():
        vtmp[...] = zi16

    pltpu.sync_copy(vtmp, cshared.at[pl.ds(pl.multiple_of(sid * 16, 8), 16)])
    plsc.subcore_barrier()
    for t in range(E):
        pltpu.sync_copy(cshared.at[pl.ds(t * 16, 16)],
                        cnts_all.at[pl.ds(t * 16, 16)])

    counts = [jnp.max(cnts_all[pl.ds(t * 16, 16)]) for t in range(E)]
    aligned = [((c + BK - 1) // BK) * BK for c in counts]
    my_base = jnp.int32(0)
    my_aligned = jnp.int32(0)
    for t in range(E):
        my_base = my_base + jnp.where(sid > t, aligned[t], 0)
        my_aligned = my_aligned + jnp.where(sid == t, aligned[t], 0)

    @pl.when(sid < E)
    def _():
        def _cp(jb, _):
            pltpu.sync_copy(
                ltok.at[pl.ds(jb * BK, BK)],
                rows.at[pl.ds(pl.multiple_of(cid * NSLOT + my_base + jb * BK, 8), BK)])
            pltpu.sync_copy(
                lwt.at[pl.ds(jb * BK, BK)],
                swt.at[pl.ds(pl.multiple_of(my_base + jb * BK, 8), BK)])
            return 0

        lax.fori_loop(0, my_aligned // BK, _cp, 0)

        def _gp(i, _):
            gpos[pl.ds(i * 16, 16)] = my_base + i * 16 + iota
            return 0

        lax.fori_loop(0, LCAP2 // 16, _gp, 0)
        pltpu.async_copy(gpos, inv.at[lpid], sem).wait()

    @pl.when(sid == E)
    def _():
        m0 = jnp.zeros((16,), jnp.int32)
        m1 = jnp.zeros((16,), jnp.int32)
        cumb = jnp.int32(0)
        for t in range(E):
            cumb = cumb + aligned[t] // BK
            m0 = m0 + jnp.where(iota >= cumb, 1, 0)
            m1 = m1 + jnp.where(iota + 16 >= cumb, 1, 0)
        map_v[pl.ds(0, 16)] = jnp.minimum(m0, E - 1)
        map_v[pl.ds(16, 16)] = jnp.minimum(m1, E - 1)
        pltpu.sync_copy(map_v, map32)

    plsc.subcore_barrier()

    base_row = g * GROWS
    for c in range(2):
        pltpu.sync_copy(
            rows.at[pl.ds(pl.multiple_of(cid * NSLOT + base_row + c * (GROWS // 2), 8),
                          GROWS // 2)], idxc)
        pltpu.async_copy(x_hbm.at[idxc], grows, sem).wait()
        pltpu.sync_copy(
            grows, xg.at[pl.ds(pl.multiple_of(base_row + c * (GROWS // 2), 8), GROWS // 2)])


def _group_body(map_ref, xg_ref, w1_ref, b1_ref, g1_ref, beta1_ref,
                w2_ref, b2_ref, swt_ref, out_ref):
    del map_ref
    xb = xg_ref[...]
    h = jnp.dot(xb, w1_ref[0], preferred_element_type=jnp.float32)
    h = h + b1_ref[0]
    s1 = jnp.sum(h, axis=-1, keepdims=True)
    s2 = jnp.sum(h * h, axis=-1, keepdims=True)
    mu = s1 * (1.0 / H)
    var = s2 * (1.0 / H) - mu * mu
    hn = (h - mu) * lax.rsqrt(var + EPS_LN)
    hn = hn * g1_ref[0] + beta1_ref[0]
    swc = jnp.transpose(swt_ref[0], (1, 0))
    t = swc * hn
    a = t + t * lax.erf(hn * (1.0 / math.sqrt(2.0)))
    out = jnp.dot(a, w2_ref[0], preferred_element_type=jnp.float32)
    out_ref[...] = out + (2.0 * swc) * b2_ref[0]


def _grouped(map32, xg, W1, b1, g1, beta1, W2, b2, swt3):
    grid_spec = pltpu.PrefetchScalarGridSpec(
        num_scalar_prefetch=1,
        grid=(NBLK,),
        in_specs=[
            pl.BlockSpec((BK, D), lambda i, m: (i, 0)),
            pl.BlockSpec((1, D, H), lambda i, m: (m[i], 0, 0)),
            pl.BlockSpec((1, 1, H), lambda i, m: (m[i], 0, 0)),
            pl.BlockSpec((1, 1, H), lambda i, m: (m[i], 0, 0)),
            pl.BlockSpec((1, 1, H), lambda i, m: (m[i], 0, 0)),
            pl.BlockSpec((1, H, D), lambda i, m: (m[i], 0, 0)),
            pl.BlockSpec((1, 1, D), lambda i, m: (m[i], 0, 0)),
            pl.BlockSpec((1, 1, BK), lambda i, m: (i, 0, 0)),
        ],
        out_specs=pl.BlockSpec((BK, D), lambda i, m: (i, 0)),
    )
    return pl.pallas_call(
        _group_body,
        grid_spec=grid_spec,
        out_shape=jax.ShapeDtypeStruct((NSLOT, D), jnp.float32),
    )(map32, xg, W1, b1, g1, beta1, W2, b2, swt3)


@functools.partial(
    pl.kernel,
    mesh=_MESH,
    compiler_params=pltpu.CompilerParams(needs_layout_passes=False),
    out_type=jax.ShapeDtypeStruct((N, D), jnp.float32),
    scratch_types=[
        pltpu.VMEM((TOKT,), jnp.int32),
        pltpu.VMEM((TOKT,), jnp.int32),
        pltpu.VMEM((TOKT, D), jnp.float32),
        pltpu.VMEM((TOKT, D), jnp.float32),
        pltpu.SemaphoreType.DMA,
    ],
)
def _combine(out_hbm, inv_hbm, y_hbm, i0, i1, r0, r1, sem):
    cid = lax.axis_index("c")
    sid = lax.axis_index("s")
    g = cid * NS + sid
    base = g * TOKT
    pltpu.sync_copy(inv_hbm.at[pl.ds(pl.multiple_of(base, 8), TOKT)], i0)
    pltpu.sync_copy(inv_hbm.at[pl.ds(pl.multiple_of(N + base, 8), TOKT)], i1)
    pltpu.async_copy(out_hbm.at[i0], r0, sem).wait()
    pltpu.async_copy(out_hbm.at[i1], r1, sem).wait()

    def _row(i, _):
        for j in range(D // 16):
            sl = pl.ds(j * 16, 16)
            r0[i, sl] = r0[i, sl] + r1[i, sl]
        return 0

    lax.fori_loop(0, TOKT, _row, 0)
    pltpu.sync_copy(r0, y_hbm.at[pl.ds(pl.multiple_of(base, 8), TOKT)])


@jax.jit
def kernel(x, Wr, br, W1, b1, g1, beta1, W2, b2):
    orig_shape = x.shape
    x2 = x.reshape(N, D)
    e0, e1, w0, w1 = _router(x2, Wr, br.reshape(1, E))
    xg, swt, inv, map32, _ = _dispatch(e0, e1, w0, w1, x2)
    out = _grouped(map32, xg, W1, b1.reshape(E, 1, H), g1.reshape(E, 1, H),
                   beta1.reshape(E, 1, H), W2, b2.reshape(E, 1, D),
                   swt.reshape(NBLK, 1, BK))
    y = _combine(out, inv)
    return y.reshape(orig_shape)

# --- scband reference (transcript-rebuilt; emitter-appended) ---
"""Pipeline reference for scband-sparse-top-kmo-e-13159779795307 (READ-ONLY COPY).

The authoritative reference and input builder live on the scoring server;
editing this copy changes nothing except your own understanding.
"""

import jax, jax.numpy as jnp
import numpy as np

E = 8
TOP_K = 2
D = 768
H = 256
B, S = 1, 2048
EPS_LN = 1e-5


def setup_inputs(seed: int = 0) -> dict:
    key = jax.random.key(seed)
    ks = jax.random.split(key, 10)
    x = jax.random.normal(ks[0], (B, S, D), dtype=jnp.float32)
    Wr = jax.random.normal(ks[1], (D, E), dtype=jnp.float32) * 0.02
    br = jnp.zeros((E,), dtype=jnp.float32)
    W1 = jax.random.normal(ks[2], (E, D, H), dtype=jnp.float32) * 0.02
    b1 = jnp.zeros((E, H), dtype=jnp.float32)
    g1 = jnp.ones((E, H), dtype=jnp.float32)
    beta1 = jnp.zeros((E, H), dtype=jnp.float32)
    W2 = jax.random.normal(ks[3], (E, H, D), dtype=jnp.float32) * 0.02
    b2 = jnp.zeros((E, D), dtype=jnp.float32)
    return {"x": x, "Wr": Wr, "br": br, "W1": W1, "b1": b1, "g1": g1, "beta1": beta1, "W2": W2, "b2": b2}


def _expert_mlp(x_flat, W1, b1, g1, beta1, W2, b2):
    # x_flat: [N, D]; stacked expert params over E
    h = jnp.einsum('nd,edh->neh', x_flat, W1) + b1[None, :, :]  # [N, E, H]
    mu = jnp.mean(h, axis=-1, keepdims=True)
    var = jnp.mean((h - mu) ** 2, axis=-1, keepdims=True)
    hn = (h - mu) / jnp.sqrt(var + EPS_LN)
    hn = hn * g1[None, :, :] + beta1[None, :, :]
    a = jax.nn.gelu(hn, approximate=False)
    out = jnp.einsum('neh,ehd->ned', a, W2) + b2[None, :, :]  # [N, E, D]
    return out


def reference(x, Wr, br, W1, b1, g1, beta1, W2, b2):
    original_shape = x.shape[:-1]
    x_flat = x.reshape(-1, x.shape[-1])  # [N, D]
    router_logits = (x_flat @ Wr + br) / max(1.0, 1e-6)  # temperature = 1.0
    router_probs = jax.nn.softmax(router_logits, axis=-1)  # [N, E]
    topk_weights, topk_indices = jax.lax.top_k(router_probs, TOP_K)  # [N, k]
    topk_weights = topk_weights / jnp.maximum(jnp.sum(topk_weights, axis=-1, keepdims=True), 1e-9)
    expert_outputs = _expert_mlp(x_flat, W1, b1, g1, beta1, W2, b2)  # [N, E, D]
    gather_idx = topk_indices[:, :, None]  # [N, k, 1]
    selected = jnp.take_along_axis(expert_outputs, gather_idx, axis=1)  # [N, k, D]
    y_flat = jnp.sum(selected * topk_weights[:, :, None], axis=1)  # [N, D]
    y = y_flat.reshape(*original_shape, y_flat.shape[-1])
    return y

if __name__ == "__main__":
    import jax
    _d = setup_inputs()
    print(jax.jit(kernel)(*tuple(_d.values())))

</pallas_src>

<mosaic_0001>
#map = affine_map<(d0, d1) -> (0, 0)>
#map1 = affine_map<(d0, d1) -> (0)>
module attributes {stable_mosaic.version = 14 : i64} {
  func.func @_combine(%arg0: i32, %arg1: i32, %arg2: memref<6144x768xf32, #tpu.memory_space<hbm>>, %arg3: memref<4608xi32, #tpu.memory_space<hbm>>, %arg4: memref<2048x768xf32, #tpu.memory_space<hbm>>, %arg5: memref<64xi32, #tpu.memory_space<vmem>>, %arg6: memref<64xi32, #tpu.memory_space<vmem>>, %arg7: memref<64x768xf32, #tpu.memory_space<vmem>>, %arg8: memref<64x768xf32, #tpu.memory_space<vmem>>, %arg9: memref<!tpu.dma_semaphore, #tpu.memory_space<semaphore_mem>>) attributes {dimension_semantics = [#tpu.dimension_semantics<core_parallel>, #tpu.dimension_semantics<subcore_parallel>], iteration_bounds = array<i64: 2, 16>, scalar_prefetch = 0 : i64, scratch_operands = 5 : i64, tpu.core_type = #tpu.core_type<sc_vector_subcore>, window_params = [{transform_indices = #map}, {transform_indices = #map1}, {transform_indices = #map}]} {
    %mul3A = arith.constant 16 : i32
    %mul3A_0 = arith.muli %arg0, %mul3A : i32
    %add3A = arith.addi %mul3A_0, %arg1 : i32
    %mul3A_1 = arith.constant 64 : i32
    %mul3A_2 = arith.muli %add3A, %mul3A_1 : i32
    %multiple_of3A = tpu.assume_multiple %mul3A_2, 8 : i32
    "tpu.region"() ({
      %run_scoped3A = tpu.sem_alloc : memref<!tpu.dma_semaphore, #tpu.memory_space<semaphore_mem>>
      %dma_start3A_23 = tpu.memref_slice %arg3[%multiple_of3A] : memref<4608xi32, #tpu.memory_space<hbm>> -> memref<64xi32, #tpu.memory_space<hbm>>
      %dma_start3A_24 = tpu.memref_slice %arg3[%multiple_of3A] : memref<4608xi32, #tpu.memory_space<hbm>> -> memref<64xi32, #tpu.memory_space<hbm>>
      tpu.enqueue_dma source(%dma_start3A_24 : memref<64xi32, #tpu.memory_space<hbm>>) target(%arg5 : memref<64xi32, #tpu.memory_space<vmem>>) target_semaphore(%run_scoped3A : memref<!tpu.dma_semaphore, #tpu.memory_space<semaphore_mem>>)
      %dma_wait3A_25 = tpu.memref_slice %arg3[%multiple_of3A] : memref<4608xi32, #tpu.memory_space<hbm>> -> memref<64xi32, #tpu.memory_space<hbm>>
      %dma_wait3A_26 = tpu.memref_slice %arg3[%multiple_of3A] : memref<4608xi32, #tpu.memory_space<hbm>> -> memref<64xi32, #tpu.memory_space<hbm>>
      tpu.wait_dma2 semaphore(%run_scoped3A : memref<!tpu.dma_semaphore, #tpu.memory_space<semaphore_mem>>) src(%dma_wait3A_26 : memref<64xi32, #tpu.memory_space<hbm>>) dst(%arg5 : memref<64xi32, #tpu.memory_space<vmem>>)
      tpu.yield
    }) : () -> ()
    %add3A_3 = arith.constant 2048 : i32
    %add3A_4 = arith.addi %add3A_3, %mul3A_2 : i32
    %multiple_of3A_5 = tpu.assume_multiple %add3A_4, 8 : i32
    "tpu.region"() ({
      %run_scoped3A = tpu.sem_alloc : memref<!tpu.dma_semaphore, #tpu.memory_space<semaphore_mem>>
      %dma_start3A_23 = tpu.memref_slice %arg3[%multiple_of3A_5] : memref<4608xi32, #tpu.memory_space<hbm>> -> memref<64xi32, #tpu.memory_space<hbm>>
      %dma_start3A_24 = tpu.memref_slice %arg3[%multiple_of3A_5] : memref<4608xi32, #tpu.memory_space<hbm>> -> memref<64xi32, #tpu.memory_space<hbm>>
      tpu.enqueue_dma source(%dma_start3A_24 : memref<64xi32, #tpu.memory_space<hbm>>) target(%arg6 : memref<64xi32, #tpu.memory_space<vmem>>) target_semaphore(%run_scoped3A : memref<!tpu.dma_semaphore, #tpu.memory_space<semaphore_mem>>)
      %dma_wait3A_25 = tpu.memref_slice %arg3[%multiple_of3A_5] : memref<4608xi32, #tpu.memory_space<hbm>> -> memref<64xi32, #tpu.memory_space<hbm>>
      %dma_wait3A_26 = tpu.memref_slice %arg3[%multiple_of3A_5] : memref<4608xi32, #tpu.memory_space<hbm>> -> memref<64xi32, #tpu.memory_space<hbm>>
      tpu.wait_dma2 semaphore(%run_scoped3A : memref<!tpu.dma_semaphore, #tpu.memory_space<semaphore_mem>>) src(%dma_wait3A_26 : memref<64xi32, #tpu.memory_space<hbm>>) dst(%arg6 : memref<64xi32, #tpu.memory_space<vmem>>)
      tpu.yield
    }) : () -> ()
    %dma_start3A = arith.constant 0 : i32
    %dma_start3A_6 = arith.constant 0 : i32
    %dma_start3A_7 = tpu.memref_slice %arg2[%dma_start3A, %dma_start3A_6] : memref<6144x768xf32, #tpu.memory_space<hbm>> -> memref<6144x768xf32, #tpu.memory_space<hbm>>
    tpu.enqueue_indirect_dma source(%dma_start3A_7 : memref<6144x768xf32, #tpu.memory_space<hbm>>) target(%arg7 : memref<64x768xf32, #tpu.memory_space<vmem>>) offsets(%arg5 : memref<64xi32, #tpu.memory_space<vmem>>) semaphore(%arg9 : memref<!tpu.dma_semaphore, #tpu.memory_space<semaphore_mem>>)
    %dma_wait3A = arith.constant 0 : i32
    %dma_wait3A_8 = arith.constant 0 : i32
    %dma_wait3A_9 = tpu.memref_slice %arg2[%dma_wait3A, %dma_wait3A_8] : memref<6144x768xf32, #tpu.memory_space<hbm>> -> memref<6144x768xf32, #tpu.memory_space<hbm>>
    tpu.wait_indirect_dma semaphore(%arg9 : memref<!tpu.dma_semaphore, #tpu.memory_space<semaphore_mem>>) src(%dma_wait3A_9 : memref<6144x768xf32, #tpu.memory_space<hbm>>) dst(%arg7 : memref<64x768xf32, #tpu.memory_space<vmem>>)
    %dma_start3A_10 = arith.constant 0 : i32
    %dma_start3A_11 = arith.constant 0 : i32
    %dma_start3A_12 = tpu.memref_slice %arg2[%dma_start3A_10, %dma_start3A_11] : memref<6144x768xf32, #tpu.memory_space<hbm>> -> memref<6144x768xf32, #tpu.memory_space<hbm>>
    tpu.enqueue_indirect_dma source(%dma_start3A_12 : memref<6144x768xf32, #tpu.memory_space<hbm>>) target(%arg8 : memref<64x768xf32, #tpu.memory_space<vmem>>) offsets(%arg6 : memref<64xi32, #tpu.memory_space<vmem>>) semaphore(%arg9 : memref<!tpu.dma_semaphore, #tpu.memory_space<semaphore_mem>>)
    %dma_wait3A_13 = arith.constant 0 : i32
    %dma_wait3A_14 = arith.constant 0 : i32
    %dma_wait3A_15 = tpu.memref_slice %arg2[%dma_wait3A_13, %dma_wait3A_14] : memref<6144x768xf32, #tpu.memory_space<hbm>> -> memref<6144x768xf32, #tpu.memory_space<hbm>>
    tpu.wait_indirect_dma semaphore(%arg9 : memref<!tpu.dma_semaphore, #tpu.memory_space<semaphore_mem>>) src(%dma_wait3A_15 : memref<6144x768xf32, #tpu.memory_space<hbm>>) dst(%arg8 : memref<64x768xf32, #tpu.memory_space<vmem>>)
    %scan3A = arith.constant 0 : i32
    %scan3A_16 = arith.constant 0 : i32
    %scan3A_17 = arith.constant 64 : i32
    %scan3A_18 = arith.addi %scan3A_16, %scan3A_17 : i32
    %scan3A_19 = arith.constant 1 : i32
    %scan3A_20 = scf.for %scan3A_23 = %scan3A_16 to %scan3A_18 step %scan3A_19 iter_args(%scan3A_24 = %scan3A) -> (i32)  : i32 {
      %get3A = arith.index_cast %scan3A_23 : i32 to index
      %get3A_25 = arith.constant 0 : index
      %get3A_26 = tpu.vector_load %arg7[%get3A, %get3A_25] {strides = array<i32>} : memref<64x768xf32, #tpu.memory_space<vmem>>, vector<16xf32>,
      %get3A_27 = arith.index_cast %scan3A_23 : i32 to index
      %get3A_28 = arith.constant 0 : index
      %get3A_29 = tpu.vector_load %arg8[%get3A_27, %get3A_28] {strides = array<i32>} : memref<64x768xf32, #tpu.memory_space<vmem>>, vector<16xf32>,
      %add3A_30 = arith.addf %get3A_26, %get3A_29 : vector<16xf32>
      %swap3A = arith.index_cast %scan3A_23 : i32 to index
      %swap3A_31 = arith.constant 0 : index
      %swap3A_32 = tpu.vector_load %arg7[%swap3A, %swap3A_31] {strides = array<i32>} : memref<64x768xf32, #tpu.memory_space<vmem>>, vector<16xf32>,
      tpu.vector_store %arg7[%swap3A, %swap3A_31], %add3A_30 {strides = array<i32>} : memref<64x768xf32, #tpu.memory_space<vmem>>, vector<16xf32>,
      %get3A_33 = arith.index_cast %scan3A_23 : i32 to index
      %get3A_34 = arith.constant 16 : index
      %get3A_35 = tpu.vector_load %arg7[%get3A_33, %get3A_34] {strides = array<i32>} : memref<64x768xf32, #tpu.memory_space<vmem>>, vector<16xf32>,
      %get3A_36 = arith.index_cast %scan3A_23 : i32 to index
      %get3A_37 = arith.constant 16 : index
      %get3A_38 = tpu.vector_load %arg8[%get3A_36, %get3A_37] {strides = array<i32>} : memref<64x768xf32, #tpu.memory_space<vmem>>, vector<16xf32>,
      %add3A_39 = arith.addf %get3A_35, %get3A_38 : vector<16xf32>
      %swap3A_40 = arith.index_cast %scan3A_23 : i32 to index
      %swap3A_41 = arith.constant 16 : index
      %swap3A_42 = tpu.vector_load %arg7[%swap3A_40, %swap3A_41] {strides = array<i32>} : memref<64x768xf32, #tpu.memory_space<vmem>>, vector<16xf32>,
      tpu.vector_store %arg7[%swap3A_40, %swap3A_41], %add3A_39 {strides = array<i32>} : memref<64x768xf32, #tpu.memory_space<vmem>>, vector<16xf32>,
      %get3A_43 = arith.index_cast %scan3A_23 : i32 to index
      %get3A_44 = arith.constant 32 : index
      %get3A_45 = tpu.vector_load %arg7[%get3A_43, %get3A_44] {strides = array<i32>} : memref<64x768xf32, #tpu.memory_space<vmem>>, vector<16xf32>,
      %get3A_46 = arith.index_cast %scan3A_23 : i32 to index
      %get3A_47 = arith.constant 32 : index
      %get3A_48 = tpu.vector_load %arg8[%get3A_46, %get3A_47] {strides = array<i32>} : memref<64x768xf32, #tpu.memory_space<vmem>>, vector<16xf32>,
      %add3A_49 = arith.addf %get3A_45, %get3A_48 : vector<16xf32>
      %swap3A_50 = arith.index_cast %scan3A_23 : i32 to index
      %swap3A_51 = arith.constant 32 : index
      %swap3A_52 = tpu.vector_load %arg7[%swap3A_50, %swap3A_51] {strides = array<i32>} : memref<64x768xf32, #tpu.memory_space<vmem>>, vector<16xf32>,
      tpu.vector_store %arg7[%swap3A_50, %swap3A_51], %add3A_49 {strides = array<i32>} : memref<64x768xf32, #tpu.memory_space<vmem>>, vector<16xf32>,
      %get3A_53 = arith.index_cast %scan3A_23 : i32 to index
      %get3A_54 = arith.constant 48 : index
      %get3A_55 = tpu.vector_load %arg7[%get3A_53, %get3A_54] {strides = array<i32>} : memref<64x768xf32, #tpu.memory_space<vmem>>, vector<16xf32>,
      %get3A_56 = arith.index_cast %scan3A_23 : i32 to index
      %get3A_57 = arith.constant 48 : index
      %get3A_58 = tpu.vector_load %arg8[%get3A_56, %get3A_57] {strides = array<i32>} : memref<64x768xf32, #tpu.memory_space<vmem>>, vector<16xf32>,
      %add3A_59 = arith.addf %get3A_55, %get3A_58 : vector<16xf32>
      %swap3A_60 = arith.index_cast %scan3A_23 : i32 to index
      %swap3A_61 = arith.constant 48 : index
      %swap3A_62 = tpu.vector_load %arg7[%swap3A_60, %swap3A_61] {strides = array<i32>} : memref<64x768xf32, #tpu.memory_space<vmem>>, vector<16xf32>,
      tpu.vector_store %arg7[%swap3A_60, %swap3A_61], %add3A_59 {strides = array<i32>} : memref<64x768xf32, #tpu.memory_space<vmem>>, vector<16xf32>,
      %get3A_63 = arith.index_cast %scan3A_23 : i32 to index
      %get3A_64 = arith.constant 64 : index
      %get3A_65 = tpu.vector_load %arg7[%get3A_63, %get3A_64] {strides = array<i32>} : memref<64x768xf32, #tpu.memory_space<vmem>>, vector<16xf32>,
      %get3A_66 = arith.index_cast %scan3A_23 : i32 to index
      %get3A_67 = arith.constant 64 : index
      %get3A_68 = tpu.vector_load %arg8[%get3A_66, %get3A_67] {strides = array<i32>} : memref<64x768xf32, #tpu.memory_space<vmem>>, vector<16xf32>,
      %add3A_69 = arith.addf %get3A_65, %get3A_68 : vector<16xf32>
      %swap3A_70 = arith.index_cast %scan3A_23 : i32 to index
      %swap3A_71 = arith.constant 64 : index
      %swap3A_72 = tpu.vector_load %arg7[%swap3A_70, %swap3A_71] {strides = array<i32>} : memref<64x768xf32, #tpu.memory_space<vmem>>, vector<16xf32>,
      tpu.vector_store %arg7[%swap3A_70, %swap3A_71], %add3A_69 {strides = array<i32>} : memref<64x768xf32, #tpu.memory_space<vmem>>, vector<16xf32>,
      %get3A_73 = arith.index_cast %scan3A_23 : i32 to index
      %get3A_74 = arith.constant 80 : index
      %get3A_75 = tpu.vector_load %arg7[%get3A_73, %get3A_74] {strides = array<i32>} : memref<64x768xf32, #tpu.memory_space<vmem>>, vector<16xf32>,
      %get3A_76 = arith.index_cast %scan3A_23 : i32 to index
      %get3A_77 = arith.constant 80 : index
      %get3A_78 = tpu.vector_load %arg8[%get3A_76, %get3A_77] {strides = array<i32>} : memref<64x768xf32, #tpu.memory_space<vmem>>, vector<16xf32>,
      %add3A_79 = arith.addf %get3A_75, %get3A_78 : vector<16xf32>
      %swap3A_80 = arith.index_cast %scan3A_23 : i32 to index
      %swap3A_81 = arith.constant 80 : index
      %swap3A_82 = tpu.vector_load %arg7[%swap3A_80, %swap3A_81] {strides = array<i32>} : memref<64x768xf32, #tpu.memory_space<vmem>>, vector<16xf32>,
      tpu.vector_store %arg7[%swap3A_80, %swap3A_81], %add3A_79 {strides = array<i32>} : memref<64x768xf32, #tpu.memory_space<vmem>>, vector<16xf32>,
      %get3A_83 = arith.index_cast %scan3A_23 : i32 to index
      %get3A_84 = arith.constant 96 : index
      %get3A_85 = tpu.vector_load %arg7[%get3A_83, %get3A_84] {strides = array<i32>} : memref<64x768xf32, #tpu.memory_space<vmem>>, vector<16xf32>,
      %get3A_86 = arith.index_cast %scan3A_23 : i32 to index
      %get3A_87 = arith.constant 96 : index
      %get3A_88 = tpu.vector_load %arg8[%get3A_86, %get3A_87] {strides = array<i32>} : memref<64x768xf32, #tpu.memory_space<vmem>>, vector<16xf32>,
      %add3A_89 = arith.addf %get3A_85, %get3A_88 : vector<16xf32>
      %swap3A_90 = arith.index_cast %scan3A_23 : i32 to index
      %swap3A_91 = arith.constant 96 : index
      %swap3A_92 = tpu.vector_load %arg7[%swap3A_90, %swap3A_91] {strides = array<i32>} : memref<64x768xf32, #tpu.memory_space<vmem>>, vector<16xf32>,
      tpu.vector_store %arg7[%swap3A_90, %swap3A_91], %add3A_89 {strides = array<i32>} : memref<64x768xf32, #tpu.memory_space<vmem>>, vector<16xf32>,
      %get3A_93 = arith.index_cast %scan3A_23 : i32 to index
      %get3A_94 = arith.constant 112 : index
      %get3A_95 = tpu.vector_load %arg7[%get3A_93, %get3A_94] {strides = array<i32>} : memref<64x768xf32, #tpu.memory_space<vmem>>, vector<16xf32>,
      %get3A_96 = arith.index_cast %scan3A_23 : i32 to index
      %get3A_97 = arith.constant 112 : index
      %get3A_98 = tpu.vector_load %arg8[%get3A_96, %get3A_97] {strides = array<i32>} : memref<64x768xf32, #tpu.memory_space<vmem>>, vector<16xf32>,
      %add3A_99 = arith.addf %get3A_95, %get3A_98 : vector<16xf32>
      %swap3A_100 = arith.index_cast %scan3A_23 : i32 to index
      %swap3A_101 = arith.constant 112 : index
      %swap3A_102 = tpu.vector_load %arg7[%swap3A_100, %swap3A_101] {strides = array<i32>} : memref<64x768xf32, #tpu.memory_space<vmem>>, vector<16xf32>,
      tpu.vector_store %arg7[%swap3A_100, %swap3A_101], %add3A_99 {strides = array<i32>} : memref<64x768xf32, #tpu.memory_space<vmem>>, vector<16xf32>,
      %get3A_103 = arith.index_cast %scan3A_23 : i32 to index
      %get3A_104 = arith.constant 128 : index
      %get3A_105 = tpu.vector_load %arg7[%get3A_103, %get3A_104] {strides = array<i32>} : memref<64x768xf32, #tpu.memory_space<vmem>>, vector<16xf32>,
      %get3A_106 = arith.index_cast %scan3A_23 : i32 to index
      %get3A_107 = arith.constant 128 : index
      %get3A_108 = tpu.vector_load %arg8[%get3A_106, %get3A_107] {strides = array<i32>} : memref<64x768xf32, #tpu.memory_space<vmem>>, vector<16xf32>,
      %add3A_109 = arith.addf %get3A_105, %get3A_108 : vector<16xf32>
      %swap3A_110 = arith.index_cast %scan3A_23 : i32 to index
      %swap3A_111 = arith.constant 128 : index
      %swap3A_112 = tpu.vector_load %arg7[%swap3A_110, %swap3A_111] {strides = array<i32>} : memref<64x768xf32, #tpu.memory_space<vmem>>, vector<16xf32>,
      tpu.vector_store %arg7[%swap3A_110, %swap3A_111], %add3A_109 {strides = array<i32>} : memref<64x768xf32, #tpu.memory_space<vmem>>, vector<16xf32>,
      %get3A_113 = arith.index_cast %scan3A_23 : i32 to index
      %get3A_114 = arith.constant 144 : index
      %get3A_115 = tpu.vector_load %arg7[%get3A_113, %get3A_114] {strides = array<i32>} : memref<64x768xf32, #tpu.memory_space<vmem>>, vector<16xf32>,
      %get3A_116 = arith.index_cast %scan3A_23 : i32 to index
      %get3A_117 = arith.constant 144 : index
      %get3A_118 = tpu.vector_load %arg8[%get3A_116, %get3A_117] {strides = array<i32>} : memref<64x768xf32, #tpu.memory_space<vmem>>, vector<16xf32>,
      %add3A_119 = arith.addf %get3A_115, %get3A_118 : vector<16xf32>
      %swap3A_120 = arith.index_cast %scan3A_23 : i32 to index
      %swap3A_121 = arith.constant 144 : index
      %swap3A_122 = tpu.vector_load %arg7[%swap3A_120, %swap3A_121] {strides = array<i32>} : memref<64x768xf32, #tpu.memory_space<vmem>>, vector<16xf32>,
      tpu.vector_store %arg7[%swap3A_120, %swap3A_121], %add3A_119 {strides = array<i32>} : memref<64x768xf32, #tpu.memory_space<vmem>>, vector<16xf32>,
      %get3A_123 = arith.index_cast %scan3A_23 : i32 to index
      %get3A_124 = arith.constant 160 : index
      %get3A_125 = tpu.vector_load %arg7[%get3A_123, %get3A_124] {strides = array<i32>} : memref<64x768xf32, #tpu.memory_space<vmem>>, vector<16xf32>,
      %get3A_126 = arith.index_cast %scan3A_23 : i32 to index
      %get3A_127 = arith.constant 160 : index
      %get3A_128 = tpu.vector_load %arg8[%get3A_126, %get3A_127] {strides = array<i32>} : memref<64x768xf32, #tpu.memory_space<vmem>>, vector<16xf32>,
      %add3A_129 = arith.addf %get3A_125, %get3A_128 : vector<16xf32>
      %swap3A_130 = arith.index_cast %scan3A_23 : i32 to index
      %swap3A_131 = arith.constant 160 : index
      %swap3A_132 = tpu.vector_load %arg7[%swap3A_130, %swap3A_131] {strides = array<i32>} : memref<64x768xf32, #tpu.memory_space<vmem>>, vector<16xf32>,
      tpu.vector_store %arg7[%swap3A_130, %swap3A_131], %add3A_129 {strides = array<i32>} : memref<64x768xf32, #tpu.memory_space<vmem>>, vector<16xf32>,
      %get3A_133 = arith.index_cast %scan3A_23 : i32 to index
      %get3A_134 = arith.constant 176 : index
      %get3A_135 = tpu.vector_load %arg7[%get3A_133, %get3A_134] {strides = array<i32>} : memref<64x768xf32, #tpu.memory_space<vmem>>, vector<16xf32>,
      %get3A_136 = arith.index_cast %scan3A_23 : i32 to index
      %get3A_137 = arith.constant 176 : index
      %get3A_138 = tpu.vector_load %arg8[%get3A_136, %get3A_137] {strides = array<i32>} : memref<64x768xf32, #tpu.memory_space<vmem>>, vector<16xf32>,
      %add3A_139 = arith.addf %get3A_135, %get3A_138 : vector<16xf32>
      %swap3A_140 = arith.index_cast %scan3A_23 : i32 to index
      %swap3A_141 = arith.constant 176 : index
      %swap3A_142 = tpu.vector_load %arg7[%swap3A_140, %swap3A_141] {strides = array<i32>} : memref<64x768xf32, #tpu.memory_space<vmem>>, vector<16xf32>,
      tpu.vector_store %arg7[%swap3A_140, %swap3A_141], %add3A_139 {strides = array<i32>} : memref<64x768xf32, #tpu.memory_space<vmem>>, vector<16xf32>,
      %get3A_143 = arith.index_cast %scan3A_23 : i32 to index
      %get3A_144 = arith.constant 192 : index
      %get3A_145 = tpu.vector_load %arg7[%get3A_143, %get3A_144] {strides = array<i32>} : memref<64x768xf32, #tpu.memory_space<vmem>>, vector<16xf32>,
      %get3A_146 = arith.index_cast %scan3A_23 : i32 to index
      %get3A_147 = arith.constant 192 : index
      %get3A_148 = tpu.vector_load %arg8[%get3A_146, %get3A_147] {strides = array<i32>} : memref<64x768xf32, #tpu.memory_space<vmem>>, vector<16xf32>,
      %add3A_149 = arith.addf %get3A_145, %get3A_148 : vector<16xf32>
      %swap3A_150 = arith.index_cast %scan3A_23 : i32 to index
      %swap3A_151 = arith.constant 192 : index
      %swap3A_152 = tpu.vector_load %arg7[%swap3A_150, %swap3A_151] {strides = array<i32>} : memref<64x768xf32, #tpu.memory_space<vmem>>, vector<16xf32>,
      tpu.vector_store %arg7[%swap3A_150, %swap3A_151], %add3A_149 {strides = array<i32>} : memref<64x768xf32, #tpu.memory_space<vmem>>, vector<16xf32>,
      %get3A_153 = arith.index_cast %scan3A_23 : i32 to index
      %get3A_154 = arith.constant 208 : index
      %get3A_155 = tpu.vector_load %arg7[%get3A_153, %get3A_154] {strides = array<i32>} : memref<64x768xf32, #tpu.memory_space<vmem>>, vector<16xf32>,
      %get3A_156 = arith.index_cast %scan3A_23 : i32 to index
      %get3A_157 = arith.constant 208 : index
      %get3A_158 = tpu.vector_load %arg8[%get3A_156, %get3A_157] {strides = array<i32>} : memref<64x768xf32, #tpu.memory_space<vmem>>, vector<16xf32>,
      %add3A_159 = arith.addf %get3A_155, %get3A_158 : vector<16xf32>
      %swap3A_160 = arith.index_cast %scan3A_23 : i32 to index
      %swap3A_161 = arith.constant 208 : index
      %swap3A_162 = tpu.vector_load %arg7[%swap3A_160, %swap3A_161] {strides = array<i32>} : memref<64x768xf32, #tpu.memory_space<vmem>>, vector<16xf32>,
      tpu.vector_store %arg7[%swap3A_160, %swap3A_161], %add3A_159 {strides = array<i32>} : memref<64x768xf32, #tpu.memory_space<vmem>>, vector<16xf32>,
      %get3A_163 = arith.index_cast %scan3A_23 : i32 to index
      %get3A_164 = arith.constant 224 : index
      %get3A_165 = tpu.vector_load %arg7[%get3A_163, %get3A_164] {strides = array<i32>} : memref<64x768xf32, #tpu.memory_space<vmem>>, vector<16xf32>,
      %get3A_166 = arith.index_cast %scan3A_23 : i32 to index
      %get3A_167 = arith.constant 224 : index
      %get3A_168 = tpu.vector_load %arg8[%get3A_166, %get3A_167] {strides = array<i32>} : memref<64x768xf32, #tpu.memory_space<vmem>>, vector<16xf32>,
      %add3A_169 = arith.addf %get3A_165, %get3A_168 : vector<16xf32>
      %swap3A_170 = arith.index_cast %scan3A_23 : i32 to index
      %swap3A_171 = arith.constant 224 : index
      %swap3A_172 = tpu.vector_load %arg7[%swap3A_170, %swap3A_171] {strides = array<i32>} : memref<64x768xf32, #tpu.memory_space<vmem>>, vector<16xf32>,
      tpu.vector_store %arg7[%swap3A_170, %swap3A_171], %add3A_169 {strides = array<i32>} : memref<64x768xf32, #tpu.memory_space<vmem>>, vector<16xf32>,
      %get3A_173 = arith.index_cast %scan3A_23 : i32 to index
      %get3A_174 = arith.constant 240 : index
      %get3A_175 = tpu.vector_load %arg7[%get3A_173, %get3A_174] {strides = array<i32>} : memref<64x768xf32, #tpu.memory_space<vmem>>, vector<16xf32>,
      %get3A_176 = arith.index_cast %scan3A_23 : i32 to index
      %get3A_177 = arith.constant 240 : index
      %get3A_178 = tpu.vector_load %arg8[%get3A_176, %get3A_177] {strides = array<i32>} : memref<64x768xf32, #tpu.memory_space<vmem>>, vector<16xf32>,
      %add3A_179 = arith.addf %get3A_175, %get3A_178 : vector<16xf32>
      %swap3A_180 = arith.index_cast %scan3A_23 : i32 to index
      %swap3A_181 = arith.constant 240 : index
      %swap3A_182 = tpu.vector_load %arg7[%swap3A_180, %swap3A_181] {strides = array<i32>} : memref<64x768xf32, #tpu.memory_space<vmem>>, vector<16xf32>,
      tpu.vector_store %arg7[%swap3A_180, %swap3A_181], %add3A_179 {strides = array<i32>} : memref<64x768xf32, #tpu.memory_space<vmem>>, vector<16xf32>,
      %get3A_183 = arith.index_cast %scan3A_23 : i32 to index
      %get3A_184 = arith.constant 256 : index
      %get3A_185 = tpu.vector_load %arg7[%get3A_183, %get3A_184] {strides = array<i32>} : memref<64x768xf32, #tpu.memory_space<vmem>>, vector<16xf32>,
      %get3A_186 = arith.index_cast %scan3A_23 : i32 to index
      %get3A_187 = arith.constant 256 : index
      %get3A_188 = tpu.vector_load %arg8[%get3A_186, %get3A_187] {strides = array<i32>} : memref<64x768xf32, #tpu.memory_space<vmem>>, vector<16xf32>,
      %add3A_189 = arith.addf %get3A_185, %get3A_188 : vector<16xf32>
      %swap3A_190 = arith.index_cast %scan3A_23 : i32 to index
      %swap3A_191 = arith.constant 256 : index
      %swap3A_192 = tpu.vector_load %arg7[%swap3A_190, %swap3A_191] {strides = array<i32>} : memref<64x768xf32, #tpu.memory_space<vmem>>, vector<16xf32>,
      tpu.vector_store %arg7[%swap3A_190, %swap3A_191], %add3A_189 {strides = array<i32>} : memref<64x768xf32, #tpu.memory_space<vmem>>, vector<16xf32>,
      %get3A_193 = arith.index_cast %scan3A_23 : i32 to index
      %get3A_194 = arith.constant 272 : index
      %get3A_195 = tpu.vector_load %arg7[%get3A_193, %get3A_194] {strides = array<i32>} : memref<64x768xf32, #tpu.memory_space<vmem>>, vector<16xf32>,
      %get3A_196 = arith.index_cast %scan3A_23 : i32 to index
      %get3A_197 = arith.constant 272 : index
      %get3A_198 = tpu.vector_load %arg8[%get3A_196, %get3A_197] {strides = array<i32>} : memref<64x768xf32, #tpu.memory_space<vmem>>, vector<16xf32>,
      %add3A_199 = arith.addf %get3A_195, %get3A_198 : vector<16xf32>
      %swap3A_200 = arith.index_cast %scan3A_23 : i32 to index
      %swap3A_201 = arith.constant 272 : index
      %swap3A_202 = tpu.vector_load %arg7[%swap3A_200, %swap3A_201] {strides = array<i32>} : memref<64x768xf32, #tpu.memory_space<vmem>>, vector<16xf32>,
      tpu.vector_store %arg7[%swap3A_200, %swap3A_201], %add3A_199 {strides = array<i32>} : memref<64x768xf32, #tpu.memory_space<vmem>>, vector<16xf32>,
      %get3A_203 = arith.index_cast %scan3A_23 : i32 to index
      %get3A_204 = arith.constant 288 : index
      %get3A_205 = tpu.vector_load %arg7[%get3A_203, %get3A_204] {strides = array<i32>} : memref<64x768xf32, #tpu.memory_space<vmem>>, vector<16xf32>,
      %get3A_206 = arith.index_cast %scan3A_23 : i32 to index
      %get3A_207 = arith.constant 288 : index
      %get3A_208 = tpu.vector_load %arg8[%get3A_206, %get3A_207] {strides = array<i32>} : memref<64x768xf32, #tpu.memory_space<vmem>>, vector<16xf32>,
      %add3A_209 = arith.addf %get3A_205, %get3A_208 : vector<16xf32>
      %swap3A_210 = arith.index_cast %scan3A_23 : i32 to index
      %swap3A_211 = arith.constant 288 : index
      %swap3A_212 = tpu.vector_load %arg7[%swap3A_210, %swap3A_211] {strides = array<i32>} : memref<64x768xf32, #tpu.memory_space<vmem>>, vector<16xf32>,
      tpu.vector_store %arg7[%swap3A_210, %swap3A_211], %add3A_209 {strides = array<i32>} : memref<64x768xf32, #tpu.memory_space<vmem>>, vector<16xf32>,
      %get3A_213 = arith.index_cast %scan3A_23 : i32 to index
      %get3A_214 = arith.constant 304 : index
      %get3A_215 = tpu.vector_load %arg7[%get3A_213, %get3A_214] {strides = array<i32>} : memref<64x768xf32, #tpu.memory_space<vmem>>, vector<16xf32>,
      %get3A_216 = arith.index_cast %scan3A_23 : i32 to index
      %get3A_217 = arith.constant 304 : index
      %get3A_218 = tpu.vector_load %arg8[%get3A_216, %get3A_217] {strides = array<i32>} : memref<64x768xf32, #tpu.memory_space<vmem>>, vector<16xf32>,
      %add3A_219 = arith.addf %get3A_215, %get3A_218 : vector<16xf32>
      %swap3A_220 = arith.index_cast %scan3A_23 : i32 to index
      %swap3A_221 = arith.constant 304 : index
      %swap3A_222 = tpu.vector_load %arg7[%swap3A_220, %swap3A_221] {strides = array<i32>} : memref<64x768xf32, #tpu.memory_space<vmem>>, vector<16xf32>,
      tpu.vector_store %arg7[%swap3A_220, %swap3A_221], %add3A_219 {strides = array<i32>} : memref<64x768xf32, #tpu.memory_space<vmem>>, vector<16xf32>,
      %get3A_223 = arith.index_cast %scan3A_23 : i32 to index
      %get3A_224 = arith.constant 320 : index
      %get3A_225 = tpu.vector_load %arg7[%get3A_223, %get3A_224] {strides = array<i32>} : memref<64x768xf32, #tpu.memory_space<vmem>>, vector<16xf32>,
      %get3A_226 = arith.index_cast %scan3A_23 : i32 to index
      %get3A_227 = arith.constant 320 : index
      %get3A_228 = tpu.vector_load %arg8[%get3A_226, %get3A_227] {strides = array<i32>} : memref<64x768xf32, #tpu.memory_space<vmem>>, vector<16xf32>,
      %add3A_229 = arith.addf %get3A_225, %get3A_228 : vector<16xf32>
      %swap3A_230 = arith.index_cast %scan3A_23 : i32 to index
      %swap3A_231 = arith.constant 320 : index
      %swap3A_232 = tpu.vector_load %arg7[%swap3A_230, %swap3A_231] {strides = array<i32>} : memref<64x768xf32, #tpu.memory_space<vmem>>, vector<16xf32>,
      tpu.vector_store %arg7[%swap3A_230, %swap3A_231], %add3A_229 {strides = array<i32>} : memref<64x768xf32, #tpu.memory_space<vmem>>, vector<16xf32>,
      %get3A_233 = arith.index_cast %scan3A_23 : i32 to index
      %get3A_234 = arith.constant 336 : index
      %get3A_235 = tpu.vector_load %arg7[%get3A_233, %get3A_234] {strides = array<i32>} : memref<64x768xf32, #tpu.memory_space<vmem>>, vector<16xf32>,
      %get3A_236 = arith.index_cast %scan3A_23 : i32 to index
      %get3A_237 = arith.constant 336 : index
      %get3A_238 = tpu.vector_load %arg8[%get3A_236, %get3A_237] {strides = array<i32>} : memref<64x768xf32, #tpu.memory_space<vmem>>, vector<16xf32>,
      %add3A_239 = arith.addf %get3A_235, %get3A_238 : vector<16xf32>
      %swap3A_240 = arith.index_cast %scan3A_23 : i32 to index
      %swap3A_241 = arith.constant 336 : index
      %swap3A_242 = tpu.vector_load %arg7[%swap3A_240, %swap3A_241] {strides = array<i32>} : memref<64x768xf32, #tpu.memory_space<vmem>>, vector<16xf32>,
      tpu.vector_store %arg7[%swap3A_240, %swap3A_241], %add3A_239 {strides = array<i32>} : memref<64x768xf32, #tpu.memory_space<vmem>>, vector<16xf32>,
      %get3A_243 = arith.index_cast %scan3A_23 : i32 to index
      %get3A_244 = arith.constant 352 : index
      %get3A_245 = tpu.vector_load %arg7[%get3A_243, %get3A_244] {strides = array<i32>} : memref<64x768xf32, #tpu.memory_space<vmem>>, vector<16xf32>,
      %get3A_246 = arith.index_cast %scan3A_23 : i32 to index
      %get3A_247 = arith.constant 352 : index
      %get3A_248 = tpu.vector_load %arg8[%get3A_246, %get3A_247] {strides = array<i32>} : memref<64x768xf32, #tpu.memory_space<vmem>>, vector<16xf32>,
      %add3A_249 = arith.addf %get3A_245, %get3A_248 : vector<16xf32>
      %swap3A_250 = arith.index_cast %scan3A_23 : i32 to index
      %swap3A_251 = arith.constant 352 : index
      %swap3A_252 = tpu.vector_load %arg7[%swap3A_250, %swap3A_251] {strides = array<i32>} : memref<64x768xf32, #tpu.memory_space<vmem>>, vector<16xf32>,
      tpu.vector_store %arg7[%swap3A_250, %swap3A_251], %add3A_249 {strides = array<i32>} : memref<64x768xf32, #tpu.memory_space<vmem>>, vector<16xf32>,
      %get3A_253 = arith.index_cast %scan3A_23 : i32 to index
      %get3A_254 = arith.constant 368 : index
      %get3A_255 = tpu.vector_load %arg7[%get3A_253, %get3A_254] {strides = array<i32>} : memref<64x768xf32, #tpu.memory_space<vmem>>, vector<16xf32>,
      %get3A_256 = arith.index_cast %scan3A_23 : i32 to index
      %get3A_257 = arith.constant 368 : index
      %get3A_258 = tpu.vector_load %arg8[%get3A_256, %get3A_257] {strides = array<i32>} : memref<64x768xf32, #tpu.memory_space<vmem>>, vector<16xf32>,
      %add3A_259 = arith.addf %get3A_255, %get3A_258 : vector<16xf32>
      %swap3A_260 = arith.index_cast %scan3A_23 : i32 to index
      %swap3A_261 = arith.constant 368 : index
      %swap3A_262 = tpu.vector_load %arg7[%swap3A_260, %swap3A_261] {strides = array<i32>} : memref<64x768xf32, #tpu.memory_space<vmem>>, vector<16xf32>,
      tpu.vector_store %arg7[%swap3A_260, %swap3A_261], %add3A_259 {strides = array<i32>} : memref<64x768xf32, #tpu.memory_space<vmem>>, vector<16xf32>,
      %get3A_263 = arith.index_cast %scan3A_23 : i32 to index
      %get3A_264 = arith.constant 384 : index
      %get3A_265 = tpu.vector_load %arg7[%get3A_263, %get3A_264] {strides = array<i32>} : memref<64x768xf32, #tpu.memory_space<vmem>>, vector<16xf32>,
      %get3A_266 = arith.index_cast %scan3A_23 : i32 to index
      %get3A_267 = arith.constant 384 : index
      %get3A_268 = tpu.vector_load %arg8[%get3A_266, %get3A_267] {strides = array<i32>} : memref<64x768xf32, #tpu.memory_space<vmem>>, vector<16xf32>,
      %add3A_269 = arith.addf %get3A_265, %get3A_268 : vector<16xf32>
      %swap3A_270 = arith.index_cast %scan3A_23 : i32 to index
      %swap3A_271 = arith.constant 384 : index
      %swap3A_272 = tpu.vector_load %arg7[%swap3A_270, %swap3A_271] {strides = array<i32>} : memref<64x768xf32, #tpu.memory_space<vmem>>, vector<16xf32>,
      tpu.vector_store %arg7[%swap3A_270, %swap3A_271], %add3A_269 {strides = array<i32>} : memref<64x768xf32, #tpu.memory_space<vmem>>, vector<16xf32>,
      %get3A_273 = arith.index_cast %scan3A_23 : i32 to index
      %get3A_274 = arith.constant 400 : index
      %get3A_275 = tpu.vector_load %arg7[%get3A_273, %get3A_274] {strides = array<i32>} : memref<64x768xf32, #tpu.memory_space<vmem>>, vector<16xf32>,
      %get3A_276 = arith.index_cast %scan3A_23 : i32 to index
      %get3A_277 = arith.constant 400 : index
      %get3A_278 = tpu.vector_load %arg8[%get3A_276, %get3A_277] {strides = array<i32>} : memref<64x768xf32, #tpu.memory_space<vmem>>, vector<16xf32>,
      %add3A_279 = arith.addf %get3A_275, %get3A_278 : vector<16xf32>
      %swap3A_280 = arith.index_cast %scan3A_23 : i32 to index
      %swap3A_281 = arith.constant 400 : index
      %swap3A_282 = tpu.vector_load %arg7[%swap3A_280, %swap3A_281] {strides = array<i32>} : memref<64x768xf32, #tpu.memory_space<vmem>>, vector<16xf32>,
      tpu.vector_store %arg7[%swap3A_280, %swap3A_281], %add3A_279 {strides = array<i32>} : memref<64x768xf32, #tpu.memory_space<vmem>>, vector<16xf32>,
      %get3A_283 = arith.index_cast %scan3A_23 : i32 to index
      %get3A_284 = arith.constant 416 : index
      %get3A_285 = tpu.vector_load %arg7[%get3A_283, %get3A_284] {strides = array<i32>} : memref<64x768xf32, #tpu.memory_space<vmem>>, vector<16xf32>,
      %get3A_286 = arith.index_cast %scan3A_23 : i32 to index
      %get3A_287 = arith.constant 416 : index
      %get3A_288 = tpu.vector_load %arg8[%get3A_286, %get3A_287] {strides = array<i32>} : memref<64x768xf32, #tpu.memory_space<vmem>>, vector<16xf32>,
      %add3A_289 = arith.addf %get3A_285, %get3A_288 : vector<16xf32>
      %swap3A_290 = arith.index_cast %scan3A_23 : i32 to index
      %swap3A_291 = arith.constant 416 : index
      %swap3A_292 = tpu.vector_load %arg7[%swap3A_290, %swap3A_291] {strides = array<i32>} : memref<64x768xf32, #tpu.memory_space<vmem>>, vector<16xf32>,
      tpu.vector_store %arg7[%swap3A_290, %swap3A_291], %add3A_289 {strides = array<i32>} : memref<64x768xf32, #tpu.memory_space<vmem>>, vector<16xf32>,
      %get3A_293 = arith.index_cast %scan3A_23 : i32 to index
      %get3A_294 = arith.constant 432 : index
      %get3A_295 = tpu.vector_load %arg7[%get3A_293, %get3A_294] {strides = array<i32>} : memref<64x768xf32, #tpu.memory_space<vmem>>, vector<16xf32>,
      %get3A_296 = arith.index_cast %scan3A_23 : i32 to index
      %get3A_297 = arith.constant 432 : index
      %get3A_298 = tpu.vector_load %arg8[%get3A_296, %get3A_297] {strides = array<i32>} : memref<64x768xf32, #tpu.memory_space<vmem>>, vector<16xf32>,
      %add3A_299 = arith.addf %get3A_295, %get3A_298 : vector<16xf32>
      %swap3A_300 = arith.index_cast %scan3A_23 : i32 to index
      %swap3A_301 = arith.constant 432 : index
      %swap3A_302 = tpu.vector_load %arg7[%swap3A_300, %swap3A_301] {strides = array<i32>} : memref<64x768xf32, #tpu.memory_space<vmem>>, vector<16xf32>,
      tpu.vector_store %arg7[%swap3A_300, %swap3A_301], %add3A_299 {strides = array<i32>} : memref<64x768xf32, #tpu.memory_space<vmem>>, vector<16xf32>,
      %get3A_303 = arith.index_cast %scan3A_23 : i32 to index
      %get3A_304 = arith.constant 448 : index
      %get3A_305 = tpu.vector_load %arg7[%get3A_303, %get3A_304] {strides = array<i32>} : memref<64x768xf32, #tpu.memory_space<vmem>>, vector<16xf32>,
      %get3A_306 = arith.index_cast %scan3A_23 : i32 to index
      %get3A_307 = arith.constant 448 : index
      %get3A_308 = tpu.vector_load %arg8[%get3A_306, %get3A_307] {strides = array<i32>} : memref<64x768xf32, #tpu.memory_space<vmem>>, vector<16xf32>,
      %add3A_309 = arith.addf %get3A_305, %get3A_308 : vector<16xf32>
      %swap3A_310 = arith.index_cast %scan3A_23 : i32 to index
      %swap3A_311 = arith.constant 448 : index
      %swap3A_312 = tpu.vector_load %arg7[%swap3A_310, %swap3A_311] {strides = array<i32>} : memref<64x768xf32, #tpu.memory_space<vmem>>, vector<16xf32>,
      tpu.vector_store %arg7[%swap3A_310, %swap3A_311], %add3A_309 {strides = array<i32>} : memref<64x768xf32, #tpu.memory_space<vmem>>, vector<16xf32>,
      %get3A_313 = arith.index_cast %scan3A_23 : i32 to index
      %get3A_314 = arith.constant 464 : index
      %get3A_315 = tpu.vector_load %arg7[%get3A_313, %get3A_314] {strides = array<i32>} : memref<64x768xf32, #tpu.memory_space<vmem>>, vector<16xf32>,
      %get3A_316 = arith.index_cast %scan3A_23 : i32 to index
      %get3A_317 = arith.constant 464 : index
      %get3A_318 = tpu.vector_load %arg8[%get3A_316, %get3A_317] {strides = array<i32>} : memref<64x768xf32, #tpu.memory_space<vmem>>, vector<16xf32>,
      %add3A_319 = arith.addf %get3A_315, %get3A_318 : vector<16xf32>
      %swap3A_320 = arith.index_cast %scan3A_23 : i32 to index
      %swap3A_321 = arith.constant 464 : index
      %swap3A_322 = tpu.vector_load %arg7[%swap3A_320, %swap3A_321] {strides = array<i32>} : memref<64x768xf32, #tpu.memory_space<vmem>>, vector<16xf32>,
      tpu.vector_store %arg7[%swap3A_320, %swap3A_321], %add3A_319 {strides = array<i32>} : memref<64x768xf32, #tpu.memory_space<vmem>>, vector<16xf32>,
      %get3A_323 = arith.index_cast %scan3A_23 : i32 to index
      %get3A_324 = arith.constant 480 : index
      %get3A_325 = tpu.vector_load %arg7[%get3A_323, %get3A_324] {strides = array<i32>} : memref<64x768xf32, #tpu.memory_space<vmem>>, vector<16xf32>,
      %get3A_326 = arith.index_cast %scan3A_23 : i32 to index
      %get3A_327 = arith.constant 480 : index
      %get3A_328 = tpu.vector_load %arg8[%get3A_326, %get3A_327] {strides = array<i32>} : memref<64x768xf32, #tpu.memory_space<vmem>>, vector<16xf32>,
      %add3A_329 = arith.addf %get3A_325, %get3A_328 : vector<16xf32>
      %swap3A_330 = arith.index_cast %scan3A_23 : i32 to index
      %swap3A_331 = arith.constant 480 : index
      %swap3A_332 = tpu.vector_load %arg7[%swap3A_330, %swap3A_331] {strides = array<i32>} : memref<64x768xf32, #tpu.memory_space<vmem>>, vector<16xf32>,
      tpu.vector_store %arg7[%swap3A_330, %swap3A_331], %add3A_329 {strides = array<i32>} : memref<64x768xf32, #tpu.memory_space<vmem>>, vector<16xf32>,
      %get3A_333 = arith.index_cast %scan3A_23 : i32 to index
      %get3A_334 = arith.constant 496 : index
      %get3A_335 = tpu.vector_load %arg7[%get3A_333, %get3A_334] {strides = array<i32>} : memref<64x768xf32, #tpu.memory_space<vmem>>, vector<16xf32>,
      %get3A_336 = arith.index_cast %scan3A_23 : i32 to index
      %get3A_337 = arith.constant 496 : index
      %get3A_338 = tpu.vector_load %arg8[%get3A_336, %get3A_337] {strides = array<i32>} : memref<64x768xf32, #tpu.memory_space<vmem>>, vector<16xf32>,
      %add3A_339 = arith.addf %get3A_335, %get3A_338 : vector<16xf32>
      %swap3A_340 = arith.index_cast %scan3A_23 : i32 to index
      %swap3A_341 = arith.constant 496 : index
      %swap3A_342 = tpu.vector_load %arg7[%swap3A_340, %swap3A_341] {strides = array<i32>} : memref<64x768xf32, #tpu.memory_space<vmem>>, vector<16xf32>,
      tpu.vector_store %arg7[%swap3A_340, %swap3A_341], %add3A_339 {strides = array<i32>} : memref<64x768xf32, #tpu.memory_space<vmem>>, vector<16xf32>,
      %get3A_343 = arith.index_cast %scan3A_23 : i32 to index
      %get3A_344 = arith.constant 512 : index
      %get3A_345 = tpu.vector_load %arg7[%get3A_343, %get3A_344] {strides = array<i32>} : memref<64x768xf32, #tpu.memory_space<vmem>>, vector<16xf32>,
      %get3A_346 = arith.index_cast %scan3A_23 : i32 to index
      %get3A_347 = arith.constant 512 : index
      %get3A_348 = tpu.vector_load %arg8[%get3A_346, %get3A_347] {strides = array<i32>} : memref<64x768xf32, #tpu.memory_space<vmem>>, vector<16xf32>,
      %add3A_349 = arith.addf %get3A_345, %get3A_348 : vector<16xf32>
      %swap3A_350 = arith.index_cast %scan3A_23 : i32 to index
      %swap3A_351 = arith.constant 512 : index
      %swap3A_352 = tpu.vector_load %arg7[%swap3A_350, %swap3A_351] {strides = array<i32>} : memref<64x768xf32, #tpu.memory_space<vmem>>, vector<16xf32>,
      tpu.vector_store %arg7[%swap3A_350, %swap3A_351], %add3A_349 {strides = array<i32>} : memref<64x768xf32, #tpu.memory_space<vmem>>, vector<16xf32>,
      %get3A_353 = arith.index_cast %scan3A_23 : i32 to index
      %get3A_354 = arith.constant 528 : index
      %get3A_355 = tpu.vector_load %arg7[%get3A_353, %get3A_354] {strides = array<i32>} : memref<64x768xf32, #tpu.memory_space<vmem>>, vector<16xf32>,
      %get3A_356 = arith.index_cast %scan3A_23 : i32 to index
      %get3A_357 = arith.constant 528 : index
      %get3A_358 = tpu.vector_load %arg8[%get3A_356, %get3A_357] {strides = array<i32>} : memref<64x768xf32, #tpu.memory_space<vmem>>, vector<16xf32>,
      %add3A_359 = arith.addf %get3A_355, %get3A_358 : vector<16xf32>
      %swap3A_360 = arith.index_cast %scan3A_23 : i32 to index
      %swap3A_361 = arith.constant 528 : index
      %swap3A_362 = tpu.vector_load %arg7[%swap3A_360, %swap3A_361] {strides = array<i32>} : memref<64x768xf32, #tpu.memory_space<vmem>>, vector<16xf32>,
      tpu.vector_store %arg7[%swap3A_360, %swap3A_361], %add3A_359 {strides = array<i32>} : memref<64x768xf32, #tpu.memory_space<vmem>>, vector<16xf32>,
      %get3A_363 = arith.index_cast %scan3A_23 : i32 to index
      %get3A_364 = arith.constant 544 : index
      %get3A_365 = tpu.vector_load %arg7[%get3A_363, %get3A_364] {strides = array<i32>} : memref<64x768xf32, #tpu.memory_space<vmem>>, vector<16xf32>,
      %get3A_366 = arith.index_cast %scan3A_23 : i32 to index
      %get3A_367 = arith.constant 544 : index
      %get3A_368 = tpu.vector_load %arg8[%get3A_366, %get3A_367] {strides = array<i32>} : memref<64x768xf32, #tpu.memory_space<vmem>>, vector<16xf32>,
      %add3A_369 = arith.addf %get3A_365, %get3A_368 : vector<16xf32>
      %swap3A_370 = arith.index_cast %scan3A_23 : i32 to index
      %swap3A_371 = arith.constant 544 : index
      %swap3A_372 = tpu.vector_load %arg7[%swap3A_370, %swap3A_371] {strides = array<i32>} : memref<64x768xf32, #tpu.memory_space<vmem>>, vector<16xf32>,
      tpu.vector_store %arg7[%swap3A_370, %swap3A_371], %add3A_369 {strides = array<i32>} : memref<64x768xf32, #tpu.memory_space<vmem>>, vector<16xf32>,
      %get3A_373 = arith.index_cast %scan3A_23 : i32 to index
      %get3A_374 = arith.constant 560 : index
      %get3A_375 = tpu.vector_load %arg7[%get3A_373, %get3A_374] {strides = array<i32>} : memref<64x768xf32, #tpu.memory_space<vmem>>, vector<16xf32>,
      %get3A_376 = arith.index_cast %scan3A_23 : i32 to index
      %get3A_377 = arith.constant 560 : index
      %get3A_378 = tpu.vector_load %arg8[%get3A_376, %get3A_377] {strides = array<i32>} : memref<64x768xf32, #tpu.memory_space<vmem>>, vector<16xf32>,
      %add3A_379 = arith.addf %get3A_375, %get3A_378 : vector<16xf32>
      %swap3A_380 = arith.index_cast %scan3A_23 : i32 to index
      %swap3A_381 = arith.constant 560 : index
      %swap3A_382 = tpu.vector_load %arg7[%swap3A_380, %swap3A_381] {strides = array<i32>} : memref<64x768xf32, #tpu.memory_space<vmem>>, vector<16xf32>,
      tpu.vector_store %arg7[%swap3A_380, %swap3A_381], %add3A_379 {strides = array<i32>} : memref<64x768xf32, #tpu.memory_space<vmem>>, vector<16xf32>,
      %get3A_383 = arith.index_cast %scan3A_23 : i32 to index
      %get3A_384 = arith.constant 576 : index
      %get3A_385 = tpu.vector_load %arg7[%get3A_383, %get3A_384] {strides = array<i32>} : memref<64x768xf32, #tpu.memory_space<vmem>>, vector<16xf32>,
      %get3A_386 = arith.index_cast %scan3A_23 : i32 to index
      %get3A_387 = arith.constant 576 : index
      %get3A_388 = tpu.vector_load %arg8[%get3A_386, %get3A_387] {strides = array<i32>} : memref<64x768xf32, #tpu.memory_space<vmem>>, vector<16xf32>,
      %add3A_389 = arith.addf %get3A_385, %get3A_388 : vector<16xf32>
      %swap3A_390 = arith.index_cast %scan3A_23 : i32 to index
      %swap3A_391 = arith.constant 576 : index
      %swap3A_392 = tpu.vector_load %arg7[%swap3A_390, %swap3A_391] {strides = array<i32>} : memref<64x768xf32, #tpu.memory_space<vmem>>, vector<16xf32>,
      tpu.vector_store %arg7[%swap3A_390, %swap3A_391], %add3A_389 {strides = array<i32>} : memref<64x768xf32, #tpu.memory_space<vmem>>, vector<16xf32>,
      %get3A_393 = arith.index_cast %scan3A_23 : i32 to index
      %get3A_394 = arith.constant 592 : index
      %get3A_395 = tpu.vector_load %arg7[%get3A_393, %get3A_394] {strides = array<i32>} : memref<64x768xf32, #tpu.memory_space<vmem>>, vector<16xf32>,
      %get3A_396 = arith.index_cast %scan3A_23 : i32 to index
      %get3A_397 = arith.constant 592 : index
      %get3A_398 = tpu.vector_load %arg8[%get3A_396, %get3A_397] {strides = array<i32>} : memref<64x768xf32, #tpu.memory_space<vmem>>, vector<16xf32>,
      %add3A_399 = arith.addf %get3A_395, %get3A_398 : vector<16xf32>
      %swap3A_400 = arith.index_cast %scan3A_23 : i32 to index
      %swap3A_401 = arith.constant 592 : index
      %swap3A_402 = tpu.vector_load %arg7[%swap3A_400, %swap3A_401] {strides = array<i32>} : memref<64x768xf32, #tpu.memory_space<vmem>>, vector<16xf32>,
      tpu.vector_store %arg7[%swap3A_400, %swap3A_401], %add3A_399 {strides = array<i32>} : memref<64x768xf32, #tpu.memory_space<vmem>>, vector<16xf32>,
      %get3A_403 = arith.index_cast %scan3A_23 : i32 to index
      %get3A_404 = arith.constant 608 : index
      %get3A_405 = tpu.vector_load %arg7[%get3A_403, %get3A_404] {strides = array<i32>} : memref<64x768xf32, #tpu.memory_space<vmem>>, vector<16xf32>,
      %get3A_406 = arith.index_cast %scan3A_23 : i32 to index
      %get3A_407 = arith.constant 608 : index
      %get3A_408 = tpu.vector_load %arg8[%get3A_406, %get3A_407] {strides = array<i32>} : memref<64x768xf32, #tpu.memory_space<vmem>>, vector<16xf32>,
      %add3A_409 = arith.addf %get3A_405, %get3A_408 : vector<16xf32>
      %swap3A_410 = arith.index_cast %scan3A_23 : i32 to index
      %swap3A_411 = arith.constant 608 : index
      %swap3A_412 = tpu.vector_load %arg7[%swap3A_410, %swap3A_411] {strides = array<i32>} : memref<64x768xf32, #tpu.memory_space<vmem>>, vector<16xf32>,
      tpu.vector_store %arg7[%swap3A_410, %swap3A_411], %add3A_409 {strides = array<i32>} : memref<64x768xf32, #tpu.memory_space<vmem>>, vector<16xf32>,
      %get3A_413 = arith.index_cast %scan3A_23 : i32 to index
      %get3A_414 = arith.constant 624 : index
      %get3A_415 = tpu.vector_load %arg7[%get3A_413, %get3A_414] {strides = array<i32>} : memref<64x768xf32, #tpu.memory_space<vmem>>, vector<16xf32>,
      %get3A_416 = arith.index_cast %scan3A_23 : i32 to index
      %get3A_417 = arith.constant 624 : index
      %get3A_418 = tpu.vector_load %arg8[%get3A_416, %get3A_417] {strides = array<i32>} : memref<64x768xf32, #tpu.memory_space<vmem>>, vector<16xf32>,
      %add3A_419 = arith.addf %get3A_415, %get3A_418 : vector<16xf32>
      %swap3A_420 = arith.index_cast %scan3A_23 : i32 to index
      %swap3A_421 = arith.constant 624 : index
      %swap3A_422 = tpu.vector_load %arg7[%swap3A_420, %swap3A_421] {strides = array<i32>} : memref<64x768xf32, #tpu.memory_space<vmem>>, vector<16xf32>,
      tpu.vector_store %arg7[%swap3A_420, %swap3A_421], %add3A_419 {strides = array<i32>} : memref<64x768xf32, #tpu.memory_space<vmem>>, vector<16xf32>,
      %get3A_423 = arith.index_cast %scan3A_23 : i32 to index
      %get3A_424 = arith.constant 640 : index
      %get3A_425 = tpu.vector_load %arg7[%get3A_423, %get3A_424] {strides = array<i32>} : memref<64x768xf32, #tpu.memory_space<vmem>>, vector<16xf32>,
      %get3A_426 = arith.index_cast %scan3A_23 : i32 to index
      %get3A_427 = arith.constant 640 : index
      %get3A_428 = tpu.vector_load %arg8[%get3A_426, %get3A_427] {strides = array<i32>} : memref<64x768xf32, #tpu.memory_space<vmem>>, vector<16xf32>,
      %add3A_429 = arith.addf %get3A_425, %get3A_428 : vector<16xf32>
      %swap3A_430 = arith.index_cast %scan3A_23 : i32 to index
      %swap3A_431 = arith.constant 640 : index
      %swap3A_432 = tpu.vector_load %arg7[%swap3A_430, %swap3A_431] {strides = array<i32>} : memref<64x768xf32, #tpu.memory_space<vmem>>, vector<16xf32>,
      tpu.vector_store %arg7[%swap3A_430, %swap3A_431], %add3A_429 {strides = array<i32>} : memref<64x768xf32, #tpu.memory_space<vmem>>, vector<16xf32>,
      %get3A_433 = arith.index_cast %scan3A_23 : i32 to index
      %get3A_434 = arith.constant 656 : index
      %get3A_435 = tpu.vector_load %arg7[%get3A_433, %get3A_434] {strides = array<i32>} : memref<64x768xf32, #tpu.memory_space<vmem>>, vector<16xf32>,
      %get3A_436 = arith.index_cast %scan3A_23 : i32 to index
      %get3A_437 = arith.constant 656 : index
      %get3A_438 = tpu.vector_load %arg8[%get3A_436, %get3A_437] {strides = array<i32>} : memref<64x768xf32, #tpu.memory_space<vmem>>, vector<16xf32>,
      %add3A_439 = arith.addf %get3A_435, %get3A_438 : vector<16xf32>
      %swap3A_440 = arith.index_cast %scan3A_23 : i32 to index
      %swap3A_441 = arith.constant 656 : index
      %swap3A_442 = tpu.vector_load %arg7[%swap3A_440, %swap3A_441] {strides = array<i32>} : memref<64x768xf32, #tpu.memory_space<vmem>>, vector<16xf32>,
      tpu.vector_store %arg7[%swap3A_440, %swap3A_441], %add3A_439 {strides = array<i32>} : memref<64x768xf32, #tpu.memory_space<vmem>>, vector<16xf32>,
      %get3A_443 = arith.index_cast %scan3A_23 : i32 to index
      %get3A_444 = arith.constant 672 : index
      %get3A_445 = tpu.vector_load %arg7[%get3A_443, %get3A_444] {strides = array<i32>} : memref<64x768xf32, #tpu.memory_space<vmem>>, vector<16xf32>,
      %get3A_446 = arith.index_cast %scan3A_23 : i32 to index
      %get3A_447 = arith.constant 672 : index
      %get3A_448 = tpu.vector_load %arg8[%get3A_446, %get3A_447] {strides = array<i32>} : memref<64x768xf32, #tpu.memory_space<vmem>>, vector<16xf32>,
      %add3A_449 = arith.addf %get3A_445, %get3A_448 : vector<16xf32>
      %swap3A_450 = arith.index_cast %scan3A_23 : i32 to index
      %swap3A_451 = arith.constant 672 : index
      %swap3A_452 = tpu.vector_load %arg7[%swap3A_450, %swap3A_451] {strides = array<i32>} : memref<64x768xf32, #tpu.memory_space<vmem>>, vector<16xf32>,
      tpu.vector_store %arg7[%swap3A_450, %swap3A_451], %add3A_449 {strides = array<i32>} : memref<64x768xf32, #tpu.memory_space<vmem>>, vector<16xf32>,
      %get3A_453 = arith.index_cast %scan3A_23 : i32 to index
      %get3A_454 = arith.constant 688 : index
      %get3A_455 = tpu.vector_load %arg7[%get3A_453, %get3A_454] {strides = array<i32>} : memref<64x768xf32, #tpu.memory_space<vmem>>, vector<16xf32>,
      %get3A_456 = arith.index_cast %scan3A_23 : i32 to index
      %get3A_457 = arith.constant 688 : index
      %get3A_458 = tpu.vector_load %arg8[%get3A_456, %get3A_457] {strides = array<i32>} : memref<64x768xf32, #tpu.memory_space<vmem>>, vector<16xf32>,
      %add3A_459 = arith.addf %get3A_455, %get3A_458 : vector<16xf32>
      %swap3A_460 = arith.index_cast %scan3A_23 : i32 to index
      %swap3A_461 = arith.constant 688 : index
      %swap3A_462 = tpu.vector_load %arg7[%swap3A_460, %swap3A_461] {strides = array<i32>} : memref<64x768xf32, #tpu.memory_space<vmem>>, vector<16xf32>,
      tpu.vector_store %arg7[%swap3A_460, %swap3A_461], %add3A_459 {strides = array<i32>} : memref<64x768xf32, #tpu.memory_space<vmem>>, vector<16xf32>,
      %get3A_463 = arith.index_cast %scan3A_23 : i32 to index
      %get3A_464 = arith.constant 704 : index
      %get3A_465 = tpu.vector_load %arg7[%get3A_463, %get3A_464] {strides = array<i32>} : memref<64x768xf32, #tpu.memory_space<vmem>>, vector<16xf32>,
      %get3A_466 = arith.index_cast %scan3A_23 : i32 to index
      %get3A_467 = arith.constant 704 : index
      %get3A_468 = tpu.vector_load %arg8[%get3A_466, %get3A_467] {strides = array<i32>} : memref<64x768xf32, #tpu.memory_space<vmem>>, vector<16xf32>,
      %add3A_469 = arith.addf %get3A_465, %get3A_468 : vector<16xf32>
      %swap3A_470 = arith.index_cast %scan3A_23 : i32 to index
      %swap3A_471 = arith.constant 704 : index
      %swap3A_472 = tpu.vector_load %arg7[%swap3A_470, %swap3A_471] {strides = array<i32>} : memref<64x768xf32, #tpu.memory_space<vmem>>, vector<16xf32>,
      tpu.vector_store %arg7[%swap3A_470, %swap3A_471], %add3A_469 {strides = array<i32>} : memref<64x768xf32, #tpu.memory_space<vmem>>, vector<16xf32>,
      %get3A_473 = arith.index_cast %scan3A_23 : i32 to index
      %get3A_474 = arith.constant 720 : index
      %get3A_475 = tpu.vector_load %arg7[%get3A_473, %get3A_474] {strides = array<i32>} : memref<64x768xf32, #tpu.memory_space<vmem>>, vector<16xf32>,
      %get3A_476 = arith.index_cast %scan3A_23 : i32 to index
      %get3A_477 = arith.constant 720 : index
      %get3A_478 = tpu.vector_load %arg8[%get3A_476, %get3A_477] {strides = array<i32>} : memref<64x768xf32, #tpu.memory_space<vmem>>, vector<16xf32>,
      %add3A_479 = arith.addf %get3A_475, %get3A_478 : vector<16xf32>
      %swap3A_480 = arith.index_cast %scan3A_23 : i32 to index
      %swap3A_481 = arith.constant 720 : index
      %swap3A_482 = tpu.vector_load %arg7[%swap3A_480, %swap3A_481] {strides = array<i32>} : memref<64x768xf32, #tpu.memory_space<vmem>>, vector<16xf32>,
      tpu.vector_store %arg7[%swap3A_480, %swap3A_481], %add3A_479 {strides = array<i32>} : memref<64x768xf32, #tpu.memory_space<vmem>>, vector<16xf32>,
      %get3A_483 = arith.index_cast %scan3A_23 : i32 to index
      %get3A_484 = arith.constant 736 : index
      %get3A_485 = tpu.vector_load %arg7[%get3A_483, %get3A_484] {strides = array<i32>} : memref<64x768xf32, #tpu.memory_space<vmem>>, vector<16xf32>,
      %get3A_486 = arith.index_cast %scan3A_23 : i32 to index
      %get3A_487 = arith.constant 736 : index
      %get3A_488 = tpu.vector_load %arg8[%get3A_486, %get3A_487] {strides = array<i32>} : memref<64x768xf32, #tpu.memory_space<vmem>>, vector<16xf32>,
      %add3A_489 = arith.addf %get3A_485, %get3A_488 : vector<16xf32>
      %swap3A_490 = arith.index_cast %scan3A_23 : i32 to index
      %swap3A_491 = arith.constant 736 : index
      %swap3A_492 = tpu.vector_load %arg7[%swap3A_490, %swap3A_491] {strides = array<i32>} : memref<64x768xf32, #tpu.memory_space<vmem>>, vector<16xf32>,
      tpu.vector_store %arg7[%swap3A_490, %swap3A_491], %add3A_489 {strides = array<i32>} : memref<64x768xf32, #tpu.memory_space<vmem>>, vector<16xf32>,
      %get3A_493 = arith.index_cast %scan3A_23 : i32 to index
      %get3A_494 = arith.constant 752 : index
      %get3A_495 = tpu.vector_load %arg7[%get3A_493, %get3A_494] {strides = array<i32>} : memref<64x768xf32, #tpu.memory_space<vmem>>, vector<16xf32>,
      %get3A_496 = arith.index_cast %scan3A_23 : i32 to index
      %get3A_497 = arith.constant 752 : index
      %get3A_498 = tpu.vector_load %arg8[%get3A_496, %get3A_497] {strides = array<i32>} : memref<64x768xf32, #tpu.memory_space<vmem>>, vector<16xf32>,
      %add3A_499 = arith.addf %get3A_495, %get3A_498 : vector<16xf32>
      %swap3A_500 = arith.index_cast %scan3A_23 : i32 to index
      %swap3A_501 = arith.constant 752 : index
      %swap3A_502 = tpu.vector_load %arg7[%swap3A_500, %swap3A_501] {strides = array<i32>} : memref<64x768xf32, #tpu.memory_space<vmem>>, vector<16xf32>,
      tpu.vector_store %arg7[%swap3A_500, %swap3A_501], %add3A_499 {strides = array<i32>} : memref<64x768xf32, #tpu.memory_space<vmem>>, vector<16xf32>,
      %scan3A_503 = arith.constant 0 : i32
      scf.yield %scan3A_503 : i32
    }
    %scan3A_21 = arith.constant 64 : i32
    %multiple_of3A_22 = tpu.assume_multiple %mul3A_2, 8 : i32
    "tpu.region"() ({
      %run_scoped3A = tpu.sem_alloc : memref<!tpu.dma_semaphore, #tpu.memory_space<semaphore_mem>>
      %dma_start3A_23 = arith.constant 0 : i32
      %dma_start3A_24 = tpu.memref_slice %arg4[%multiple_of3A_22, %dma_start3A_23] : memref<2048x768xf32, #tpu.memory_space<hbm>> -> memref<64x768xf32, #tpu.memory_space<hbm>>
      %dma_start3A_25 = arith.constant 0 : i32
      %dma_start3A_26 = tpu.memref_slice %arg4[%multiple_of3A_22, %dma_start3A_25] : memref<2048x768xf32, #tpu.memory_space<hbm>> -> memref<64x768xf32, #tpu.memory_space<hbm>>
      tpu.enqueue_dma source(%arg7 : memref<64x768xf32, #tpu.memory_space<vmem>>) target(%dma_start3A_26 : memref<64x768xf32, #tpu.memory_space<hbm>>) target_semaphore(%run_scoped3A : memref<!tpu.dma_semaphore, #tpu.memory_space<semaphore_mem>>)
      %dma_wait3A_27 = arith.constant 0 : i32
      %dma_wait3A_28 = tpu.memref_slice %arg4[%multiple_of3A_22, %dma_wait3A_27] : memref<2048x768xf32, #tpu.memory_space<hbm>> -> memref<64x768xf32, #tpu.memory_space<hbm>>
      %dma_wait3A_29 = arith.constant 0 : i32
      %dma_wait3A_30 = tpu.memref_slice %arg4[%multiple_of3A_22, %dma_wait3A_29] : memref<2048x768xf32, #tpu.memory_space<hbm>> -> memref<64x768xf32, #tpu.memory_space<hbm>>
      tpu.wait_dma2 semaphore(%run_scoped3A : memref<!tpu.dma_semaphore, #tpu.memory_space<semaphore_mem>>) src(%arg7 : memref<64x768xf32, #tpu.memory_space<vmem>>) dst(%dma_wait3A_30 : memref<64x768xf32, #tpu.memory_space<hbm>>)
      tpu.yield
    }) : () -> ()
    return
  }
}

#map = affine_map<(d0, d1) -> (0)>
#map1 = affine_map<(d0, d1) -> (0, 0)>
module attributes {stable_mosaic.version = 14 : i64} {
  func.func @_dispatch(%arg0: i32, %arg1: i32, %arg2: memref<2048xi32, #tpu.memory_space<hbm>>, %arg3: memref<2048xi32, #tpu.memory_space<hbm>>, %arg4: memref<2048xf32, #tpu.memory_space<hbm>>, %arg5: memref<2048xf32, #tpu.memory_space<hbm>>, %arg6: memref<2048x768xf32, #tpu.memory_space<hbm>>, %arg7: memref<6144x768xf32, #tpu.memory_space<hbm>>, %arg8: memref<6144xf32, #tpu.memory_space<hbm>>, %arg9: memref<4608xi32, #tpu.memory_space<hbm>>, %arg10: memref<32xi32, #tpu.memory_space<hbm>>, %arg11: memref<12288xi32, #tpu.memory_space<hbm>>, %arg12: memref<4096xi32, #tpu.memory_space<vmem>>, %arg13: memref<4096xf32, #tpu.memory_space<vmem>>, %arg14: memref<4368xi32, #tpu.memory_space<vmem>>, %arg15: memref<4368xf32, #tpu.memory_space<vmem>>, %arg16: memref<4368xi32, #tpu.memory_space<vmem>>, %arg17: memref<4368xi32, #tpu.memory_space<vmem>>, %arg18: memref<256xi32, #tpu.memory_space<vmem>>, %arg19: memref<16xi32, #tpu.memory_space<vmem>>, %arg20: memref<32xi32, #tpu.memory_space<vmem>>, %arg21: memref<384xi32, #tpu.memory_space<vmem>>, %arg22: memref<384xf32, #tpu.memory_space<vmem>>, %arg23: memref<96xi32, #tpu.memory_space<vmem>>, %arg24: memref<96x768xf32, #tpu.memory_space<vmem>>, %arg25: memref<256xi32, #tpu.memory_space<vmem_shared>>, %arg26: memref<!tpu.dma_semaphore, #tpu.memory_space<semaphore_mem>>) attributes {dimension_semantics = [#tpu.dimension_semantics<core_parallel>, #tpu.dimension_semantics<subcore_parallel>], iteration_bounds = array<i64: 2, 16>, scalar_prefetch = 0 : i64, scratch_operands = 15 : i64, tpu.core_type = #tpu.core_type<sc_vector_subcore>, window_params = [{transform_indices = #map}, {transform_indices = #map}, {transform_indices = #map}, {transform_indices = #map}, {transform_indices = #map1}, {transform_indices = #map1}, {transform_indices = #map}, {transform_indices = #map}, {transform_indices = #map}, {transform_indices = #map}]} {
    %mul3A = arith.constant 16 : i32
    %mul3A_0 = arith.muli %arg0, %mul3A : i32
    %add3A = arith.addi %mul3A_0, %arg1 : i32
    %iota3A = tpu.iota {dimensions = array<i32: 0>} : vector<16xi32>
    %broadcast_in_dim3A = arith.constant 0 : i32
    %broadcast_in_dim3A_1 = vector.broadcast %broadcast_in_dim3A : i32 to vector<16xi32>
    %broadcast_in_dim3A_2 = arith.constant 0.000000e+00 : f32
    %broadcast_in_dim3A_3 = vector.broadcast %broadcast_in_dim3A_2 : f32 to vector<16xf32>
    %scan3A = arith.constant 0 : i32
    %scan3A_4 = arith.constant 0 : i32
    %scan3A_5 = arith.constant 24 : i32
    %scan3A_6 = arith.addi %scan3A_4, %scan3A_5 : i32
    %scan3A_7 = arith.constant 1 : i32
    %scan3A_8 = scf.for %scan3A_458 = %scan3A_4 to %scan3A_6 step %scan3A_7 iter_args(%scan3A_459 = %scan3A) -> (i32)  : i32 {
      %mul3A_460 = arith.constant 16 : i32
      %mul3A_461 = arith.muli %scan3A_458, %mul3A_460 : i32
      %swap3A = arith.index_cast %mul3A_461 : i32 to index
      %swap3A_462 = tpu.vector_load %arg21[%swap3A] {strides = array<i32>} : memref<384xi32, #tpu.memory_space<vmem>>, vector<16xi32>,
      tpu.vector_store %arg21[%swap3A], %broadcast_in_dim3A_1 {strides = array<i32>} : memref<384xi32, #tpu.memory_space<vmem>>, vector<16xi32>,
      %mul3A_463 = arith.constant 16 : i32
      %mul3A_464 = arith.muli %scan3A_458, %mul3A_463 : i32
      %swap3A_465 = arith.index_cast %mul3A_464 : i32 to index
      %swap3A_466 = tpu.vector_load %arg22[%swap3A_465] {strides = array<i32>} : memref<384xf32, #tpu.memory_space<vmem>>, vector<16xf32>,
      tpu.vector_store %arg22[%swap3A_465], %broadcast_in_dim3A_3 {strides = array<i32>} : memref<384xf32, #tpu.memory_space<vmem>>, vector<16xf32>,
      %scan3A_467 = arith.constant 0 : i32
      scf.yield %scan3A_467 : i32
    }
    %scan3A_9 = arith.constant 24 : i32
    %mul3A_10 = arith.constant 6144 : i32
    %mul3A_11 = arith.muli %arg0, %mul3A_10 : i32
    %mul3A_12 = arith.constant 384 : i32
    %mul3A_13 = arith.muli %arg1, %mul3A_12 : i32
    %add3A_14 = arith.addi %mul3A_11, %mul3A_13 : i32
    %multiple_of3A = tpu.assume_multiple %add3A_14, 8 : i32
    "tpu.region"() ({
      %run_scoped3A = tpu.sem_alloc : memref<!tpu.dma_semaphore, #tpu.memory_space<semaphore_mem>>
      %dma_start3A_458 = tpu.memref_slice %arg11[%multiple_of3A] : memref<12288xi32, #tpu.memory_space<hbm>> -> memref<384xi32, #tpu.memory_space<hbm>>
      %dma_start3A_459 = tpu.memref_slice %arg11[%multiple_of3A] : memref<12288xi32, #tpu.memory_space<hbm>> -> memref<384xi32, #tpu.memory_space<hbm>>
      tpu.enqueue_dma source(%arg21 : memref<384xi32, #tpu.memory_space<vmem>>) target(%dma_start3A_459 : memref<384xi32, #tpu.memory_space<hbm>>) target_semaphore(%run_scoped3A : memref<!tpu.dma_semaphore, #tpu.memory_space<semaphore_mem>>)
      %dma_wait3A_460 = tpu.memref_slice %arg11[%multiple_of3A] : memref<12288xi32, #tpu.memory_space<hbm>> -> memref<384xi32, #tpu.memory_space<hbm>>
      %dma_wait3A_461 = tpu.memref_slice %arg11[%multiple_of3A] : memref<12288xi32, #tpu.memory_space<hbm>> -> memref<384xi32, #tpu.memory_space<hbm>>
      tpu.wait_dma2 semaphore(%run_scoped3A : memref<!tpu.dma_semaphore, #tpu.memory_space<semaphore_mem>>) src(%arg21 : memref<384xi32, #tpu.memory_space<vmem>>) dst(%dma_wait3A_461 : memref<384xi32, #tpu.memory_space<hbm>>)
      tpu.yield
    }) : () -> ()
    %mul3A_15 = arith.constant 384 : i32
    %mul3A_16 = arith.muli %arg1, %mul3A_15 : i32
    %multiple_of3A_17 = tpu.assume_multiple %mul3A_16, 8 : i32
    "tpu.region"() ({
      %run_scoped3A = tpu.sem_alloc : memref<!tpu.dma_semaphore, #tpu.memory_space<semaphore_mem>>
      %dma_start3A_458 = tpu.memref_slice %arg8[%multiple_of3A_17] : memref<6144xf32, #tpu.memory_space<hbm>> -> memref<384xf32, #tpu.memory_space<hbm>>
      %dma_start3A_459 = tpu.memref_slice %arg8[%multiple_of3A_17] : memref<6144xf32, #tpu.memory_space<hbm>> -> memref<384xf32, #tpu.memory_space<hbm>>
      tpu.enqueue_dma source(%arg22 : memref<384xf32, #tpu.memory_space<vmem>>) target(%dma_start3A_459 : memref<384xf32, #tpu.memory_space<hbm>>) target_semaphore(%run_scoped3A : memref<!tpu.dma_semaphore, #tpu.memory_space<semaphore_mem>>)
      %dma_wait3A_460 = tpu.memref_slice %arg8[%multiple_of3A_17] : memref<6144xf32, #tpu.memory_space<hbm>> -> memref<384xf32, #tpu.memory_space<hbm>>
      %dma_wait3A_461 = tpu.memref_slice %arg8[%multiple_of3A_17] : memref<6144xf32, #tpu.memory_space<hbm>> -> memref<384xf32, #tpu.memory_space<hbm>>
      tpu.wait_dma2 semaphore(%run_scoped3A : memref<!tpu.dma_semaphore, #tpu.memory_space<semaphore_mem>>) src(%arg22 : memref<384xf32, #tpu.memory_space<vmem>>) dst(%dma_wait3A_461 : memref<384xf32, #tpu.memory_space<hbm>>)
      tpu.yield
    }) : () -> ()
    %lt3A = arith.constant 8 : i32
    %lt3A_18 = arith.cmpi slt, %arg1, %lt3A : i32
    %convert_element_type3A = arith.extui %lt3A_18 : i1 to i32
    %cond3A = arith.constant 0 : i32
    %cond3A_19 = arith.cmpi ne, %convert_element_type3A, %cond3A : i32
    scf.if %cond3A_19 {
      "tpu.region"() ({
        %run_scoped3A = tpu.sem_alloc : memref<!tpu.dma_semaphore, #tpu.memory_space<semaphore_mem>>
        %dma_start3A_483 = arith.constant 0 : i32
        %dma_start3A_484 = tpu.memref_slice %arg12[%dma_start3A_483] : memref<4096xi32, #tpu.memory_space<vmem>> -> memref<2048xi32, #tpu.memory_space<vmem>>
        %dma_start3A_485 = arith.constant 0 : i32
        %dma_start3A_486 = tpu.memref_slice %arg12[%dma_start3A_485] : memref<4096xi32, #tpu.memory_space<vmem>> -> memref<2048xi32, #tpu.memory_space<vmem>>
        tpu.enqueue_dma source(%arg2 : memref<2048xi32, #tpu.memory_space<hbm>>) target(%dma_start3A_486 : memref<2048xi32, #tpu.memory_space<vmem>>) target_semaphore(%run_scoped3A : memref<!tpu.dma_semaphore, #tpu.memory_space<semaphore_mem>>)
        %dma_wait3A_487 = arith.constant 0 : i32
        %dma_wait3A_488 = tpu.memref_slice %arg12[%dma_wait3A_487] : memref<4096xi32, #tpu.memory_space<vmem>> -> memref<2048xi32, #tpu.memory_space<vmem>>
        %dma_wait3A_489 = arith.constant 0 : i32
        %dma_wait3A_490 = tpu.memref_slice %arg12[%dma_wait3A_489] : memref<4096xi32, #tpu.memory_space<vmem>> -> memref<2048xi32, #tpu.memory_space<vmem>>
        tpu.wait_dma2 semaphore(%run_scoped3A : memref<!tpu.dma_semaphore, #tpu.memory_space<semaphore_mem>>) src(%arg2 : memref<2048xi32, #tpu.memory_space<hbm>>) dst(%dma_wait3A_490 : memref<2048xi32, #tpu.memory_space<vmem>>)
        tpu.yield
      }) : () -> ()
      "tpu.region"() ({
        %run_scoped3A = tpu.sem_alloc : memref<!tpu.dma_semaphore, #tpu.memory_space<semaphore_mem>>
        %dma_start3A_483 = arith.constant 2048 : i32
        %dma_start3A_484 = tpu.memref_slice %arg12[%dma_start3A_483] : memref<4096xi32, #tpu.memory_space<vmem>> -> memref<2048xi32, #tpu.memory_space<vmem>>
        %dma_start3A_485 = arith.constant 2048 : i32
        %dma_start3A_486 = tpu.memref_slice %arg12[%dma_start3A_485] : memref<4096xi32, #tpu.memory_space<vmem>> -> memref<2048xi32, #tpu.memory_space<vmem>>
        tpu.enqueue_dma source(%arg3 : memref<2048xi32, #tpu.memory_space<hbm>>) target(%dma_start3A_486 : memref<2048xi32, #tpu.memory_space<vmem>>) target_semaphore(%run_scoped3A : memref<!tpu.dma_semaphore, #tpu.memory_space<semaphore_mem>>)
        %dma_wait3A_487 = arith.constant 2048 : i32
        %dma_wait3A_488 = tpu.memref_slice %arg12[%dma_wait3A_487] : memref<4096xi32, #tpu.memory_space<vmem>> -> memref<2048xi32, #tpu.memory_space<vmem>>
        %dma_wait3A_489 = arith.constant 2048 : i32
        %dma_wait3A_490 = tpu.memref_slice %arg12[%dma_wait3A_489] : memref<4096xi32, #tpu.memory_space<vmem>> -> memref<2048xi32, #tpu.memory_space<vmem>>
        tpu.wait_dma2 semaphore(%run_scoped3A : memref<!tpu.dma_semaphore, #tpu.memory_space<semaphore_mem>>) src(%arg3 : memref<2048xi32, #tpu.memory_space<hbm>>) dst(%dma_wait3A_490 : memref<2048xi32, #tpu.memory_space<vmem>>)
        tpu.yield
      }) : () -> ()
      "tpu.region"() ({
        %run_scoped3A = tpu.sem_alloc : memref<!tpu.dma_semaphore, #tpu.memory_space<semaphore_mem>>
        %dma_start3A_483 = arith.constant 0 : i32
        %dma_start3A_484 = tpu.memref_slice %arg13[%dma_start3A_483] : memref<4096xf32, #tpu.memory_space<vmem>> -> memref<2048xf32, #tpu.memory_space<vmem>>
        %dma_start3A_485 = arith.constant 0 : i32
        %dma_start3A_486 = tpu.memref_slice %arg13[%dma_start3A_485] : memref<4096xf32, #tpu.memory_space<vmem>> -> memref<2048xf32, #tpu.memory_space<vmem>>
        tpu.enqueue_dma source(%arg4 : memref<2048xf32, #tpu.memory_space<hbm>>) target(%dma_start3A_486 : memref<2048xf32, #tpu.memory_space<vmem>>) target_semaphore(%run_scoped3A : memref<!tpu.dma_semaphore, #tpu.memory_space<semaphore_mem>>)
        %dma_wait3A_487 = arith.constant 0 : i32
        %dma_wait3A_488 = tpu.memref_slice %arg13[%dma_wait3A_487] : memref<4096xf32, #tpu.memory_space<vmem>> -> memref<2048xf32, #tpu.memory_space<vmem>>
        %dma_wait3A_489 = arith.constant 0 : i32
        %dma_wait3A_490 = tpu.memref_slice %arg13[%dma_wait3A_489] : memref<4096xf32, #tpu.memory_space<vmem>> -> memref<2048xf32, #tpu.memory_space<vmem>>
        tpu.wait_dma2 semaphore(%run_scoped3A : memref<!tpu.dma_semaphore, #tpu.memory_space<semaphore_mem>>) src(%arg4 : memref<2048xf32, #tpu.memory_space<hbm>>) dst(%dma_wait3A_490 : memref<2048xf32, #tpu.memory_space<vmem>>)
        tpu.yield
      }) : () -> ()
      "tpu.region"() ({
        %run_scoped3A = tpu.sem_alloc : memref<!tpu.dma_semaphore, #tpu.memory_space<semaphore_mem>>
        %dma_start3A_483 = arith.constant 2048 : i32
        %dma_start3A_484 = tpu.memref_slice %arg13[%dma_start3A_483] : memref<4096xf32, #tpu.memory_space<vmem>> -> memref<2048xf32, #tpu.memory_space<vmem>>
        %dma_start3A_485 = arith.constant 2048 : i32
        %dma_start3A_486 = tpu.memref_slice %arg13[%dma_start3A_485] : memref<4096xf32, #tpu.memory_space<vmem>> -> memref<2048xf32, #tpu.memory_space<vmem>>
        tpu.enqueue_dma source(%arg5 : memref<2048xf32, #tpu.memory_space<hbm>>) target(%dma_start3A_486 : memref<2048xf32, #tpu.memory_space<vmem>>) target_semaphore(%run_scoped3A : memref<!tpu.dma_semaphore, #tpu.memory_space<semaphore_mem>>)
        %dma_wait3A_487 = arith.constant 2048 : i32
        %dma_wait3A_488 = tpu.memref_slice %arg13[%dma_wait3A_487] : memref<4096xf32, #tpu.memory_space<vmem>> -> memref<2048xf32, #tpu.memory_space<vmem>>
        %dma_wait3A_489 = arith.constant 2048 : i32
        %dma_wait3A_490 = tpu.memref_slice %arg13[%dma_wait3A_489] : memref<4096xf32, #tpu.memory_space<vmem>> -> memref<2048xf32, #tpu.memory_space<vmem>>
        tpu.wait_dma2 semaphore(%run_scoped3A : memref<!tpu.dma_semaphore, #tpu.memory_space<semaphore_mem>>) src(%arg5 : memref<2048xf32, #tpu.memory_space<hbm>>) dst(%dma_wait3A_490 : memref<2048xf32, #tpu.memory_space<vmem>>)
        tpu.yield
      }) : () -> ()
      %broadcast_in_dim3A_458 = arith.constant 4096 : i32
      %broadcast_in_dim3A_459 = vector.broadcast %broadcast_in_dim3A_458 : i32 to vector<16xi32>
      %add3A_460 = vector.broadcast %arg1 : i32 to vector<16xi32>
      %add3A_461 = arith.addi %broadcast_in_dim3A_459, %add3A_460 : vector<16xi32>
      %scan3A_462 = arith.constant 0 : i32
      %scan3A_463 = arith.constant 0 : i32
      %scan3A_464 = arith.constant 273 : i32
      %scan3A_465 = arith.addi %scan3A_463, %scan3A_464 : i32
      %scan3A_466 = arith.constant 1 : i32
      %scan3A_467 = scf.for %scan3A_483 = %scan3A_463 to %scan3A_465 step %scan3A_466 iter_args(%scan3A_484 = %scan3A_462) -> (i32)  : i32 {
        %mul3A_485 = arith.constant 16 : i32
        %mul3A_486 = arith.muli %scan3A_483, %mul3A_485 : i32
        %swap3A_487 = arith.index_cast %mul3A_486 : i32 to index
        %swap3A_488 = tpu.vector_load %arg14[%swap3A_487] {strides = array<i32>} : memref<4368xi32, #tpu.memory_space<vmem>>, vector<16xi32>,
        tpu.vector_store %arg14[%swap3A_487], %broadcast_in_dim3A_1 {strides = array<i32>} : memref<4368xi32, #tpu.memory_space<vmem>>, vector<16xi32>,
        %mul3A_489 = arith.constant 16 : i32
        %mul3A_490 = arith.muli %scan3A_483, %mul3A_489 : i32
        %swap3A_491 = arith.index_cast %mul3A_490 : i32 to index
        %swap3A_492 = tpu.vector_load %arg15[%swap3A_491] {strides = array<i32>} : memref<4368xf32, #tpu.memory_space<vmem>>, vector<16xf32>,
        tpu.vector_store %arg15[%swap3A_491], %broadcast_in_dim3A_3 {strides = array<i32>} : memref<4368xf32, #tpu.memory_space<vmem>>, vector<16xf32>,
        %mul3A_493 = arith.constant 16 : i32
        %mul3A_494 = arith.muli %scan3A_483, %mul3A_493 : i32
        %swap3A_495 = arith.index_cast %mul3A_494 : i32 to index
        %swap3A_496 = tpu.vector_load %arg16[%swap3A_495] {strides = array<i32>} : memref<4368xi32, #tpu.memory_space<vmem>>, vector<16xi32>,
        tpu.vector_store %arg16[%swap3A_495], %add3A_461 {strides = array<i32>} : memref<4368xi32, #tpu.memory_space<vmem>>, vector<16xi32>,
        %scan3A_497 = arith.constant 0 : i32
        scf.yield %scan3A_497 : i32
      }
      %scan3A_468 = arith.constant 273 : i32
      %scan3A_469 = arith.constant 0 : i32
      %scan3A_470 = arith.constant 0 : i32
      %scan3A_471 = arith.constant 256 : i32
      %scan3A_472 = arith.addi %scan3A_470, %scan3A_471 : i32
      %scan3A_473 = arith.constant 1 : i32
      %scan3A_474 = scf.for %scan3A_483 = %scan3A_470 to %scan3A_472 step %scan3A_473 iter_args(%scan3A_484 = %scan3A_469) -> (i32)  : i32 {
        %mul3A_485 = arith.constant 16 : i32
        %mul3A_486 = arith.muli %scan3A_483, %mul3A_485 : i32
        %get3A_487 = arith.index_cast %mul3A_486 : i32 to index
        %get3A_488 = tpu.vector_load %arg12[%get3A_487] {strides = array<i32>} : memref<4096xi32, #tpu.memory_space<vmem>>, vector<16xi32>,
        %mul3A_489 = arith.constant 16 : i32
        %mul3A_490 = arith.muli %scan3A_483, %mul3A_489 : i32
        %get3A_491 = arith.index_cast %mul3A_490 : i32 to index
        %get3A_492 = tpu.vector_load %arg13[%get3A_491] {strides = array<i32>} : memref<4096xf32, #tpu.memory_space<vmem>>, vector<16xf32>,
        %mul3A_493 = arith.constant 16 : i32
        %mul3A_494 = arith.muli %scan3A_483, %mul3A_493 : i32
        %add3A_495 = vector.broadcast %mul3A_494 : i32 to vector<16xi32>
        %add3A_496 = arith.addi %add3A_495, %iota3A : vector<16xi32>
        %and3A_497 = arith.constant 2047 : i32
        %and3A_498 = vector.broadcast %and3A_497 : i32 to vector<16xi32>
        %and3A_499 = arith.andi %add3A_496, %and3A_498 : vector<16xi32>
        %eq3A_500 = vector.broadcast %arg1 : i32 to vector<16xi32>
        %eq3A_501 = arith.cmpi eq, %get3A_488, %eq3A_500 : vector<16xi32>
        %jit3A_502 = arith.constant 1 : i32
        %jit3A_503 = arith.constant 0 : i32
        %broadcast_in_dim3A_504 = vector.broadcast %jit3A_502 : i32 to vector<16xi32>
        %broadcast_in_dim3A_505 = vector.broadcast %jit3A_503 : i32 to vector<16xi32>
        %select_n3A_506 = arith.select %eq3A_501, %broadcast_in_dim3A_504, %broadcast_in_dim3A_505 : vector<16xi1>, vector<16xi32>
        %ge3A_507 = arith.constant 1 : i32
        %ge3A_508 = vector.broadcast %ge3A_507 : i32 to vector<16xi32>
        %ge3A_509 = arith.cmpi sge, %iota3A, %ge3A_508 : vector<16xi32>
        %sub3A_510 = arith.constant 1 : i32
        %sub3A_511 = vector.broadcast %sub3A_510 : i32 to vector<16xi32>
        %sub3A_512 = arith.subi %iota3A, %sub3A_511 : vector<16xi32>
        %max3A = arith.constant 0 : i32
        %max3A_513 = vector.broadcast %max3A : i32 to vector<16xi32>
        %max3A_514 = arith.maxsi %sub3A_512, %max3A_513 : vector<16xi32>
        %broadcast_in_dim3A_515 = vector.shape_cast %max3A_514 : vector<16xi32> to vector<16x1xi32>
        %gather3A = vector.shape_cast %broadcast_in_dim3A_515 : vector<16x1xi32> to vector<16xi32>
        %gather3A_516 = tpu.dynamic_gather %select_n3A_506[%gather3A] in [0] : vector<16xi32>, vector<16xi32> -> vector<16xi32>
        %jit3A_517 = arith.constant 0 : i32
        %broadcast_in_dim3A_518 = vector.broadcast %jit3A_517 : i32 to vector<16xi32>
        %select_n3A_519 = arith.select %ge3A_509, %gather3A_516, %broadcast_in_dim3A_518 : vector<16xi1>, vector<16xi32>
        %add3A_520 = arith.addi %select_n3A_506, %select_n3A_519 : vector<16xi32>
        %ge3A_521 = arith.constant 2 : i32
        %ge3A_522 = vector.broadcast %ge3A_521 : i32 to vector<16xi32>
        %ge3A_523 = arith.cmpi sge, %iota3A, %ge3A_522 : vector<16xi32>
        %sub3A_524 = arith.constant 2 : i32
        %sub3A_525 = vector.broadcast %sub3A_524 : i32 to vector<16xi32>
        %sub3A_526 = arith.subi %iota3A, %sub3A_525 : vector<16xi32>
        %max3A_527 = arith.constant 0 : i32
        %max3A_528 = vector.broadcast %max3A_527 : i32 to vector<16xi32>
        %max3A_529 = arith.maxsi %sub3A_526, %max3A_528 : vector<16xi32>
        %broadcast_in_dim3A_530 = vector.shape_cast %max3A_529 : vector<16xi32> to vector<16x1xi32>
        %gather3A_531 = vector.shape_cast %broadcast_in_dim3A_530 : vector<16x1xi32> to vector<16xi32>
        %gather3A_532 = tpu.dynamic_gather %add3A_520[%gather3A_531] in [0] : vector<16xi32>, vector<16xi32> -> vector<16xi32>
        %jit3A_533 = arith.constant 0 : i32
        %broadcast_in_dim3A_534 = vector.broadcast %jit3A_533 : i32 to vector<16xi32>
        %select_n3A_535 = arith.select %ge3A_523, %gather3A_532, %broadcast_in_dim3A_534 : vector<16xi1>, vector<16xi32>
        %add3A_536 = arith.addi %add3A_520, %select_n3A_535 : vector<16xi32>
        %ge3A_537 = arith.constant 4 : i32
        %ge3A_538 = vector.broadcast %ge3A_537 : i32 to vector<16xi32>
        %ge3A_539 = arith.cmpi sge, %iota3A, %ge3A_538 : vector<16xi32>
        %sub3A_540 = arith.constant 4 : i32
        %sub3A_541 = vector.broadcast %sub3A_540 : i32 to vector<16xi32>
        %sub3A_542 = arith.subi %iota3A, %sub3A_541 : vector<16xi32>
        %max3A_543 = arith.constant 0 : i32
        %max3A_544 = vector.broadcast %max3A_543 : i32 to vector<16xi32>
        %max3A_545 = arith.maxsi %sub3A_542, %max3A_544 : vector<16xi32>
        %broadcast_in_dim3A_546 = vector.shape_cast %max3A_545 : vector<16xi32> to vector<16x1xi32>
        %gather3A_547 = vector.shape_cast %broadcast_in_dim3A_546 : vector<16x1xi32> to vector<16xi32>
        %gather3A_548 = tpu.dynamic_gather %add3A_536[%gather3A_547] in [0] : vector<16xi32>, vector<16xi32> -> vector<16xi32>
        %jit3A_549 = arith.constant 0 : i32
        %broadcast_in_dim3A_550 = vector.broadcast %jit3A_549 : i32 to vector<16xi32>
        %select_n3A_551 = arith.select %ge3A_539, %gather3A_548, %broadcast_in_dim3A_550 : vector<16xi1>, vector<16xi32>
        %add3A_552 = arith.addi %add3A_536, %select_n3A_551 : vector<16xi32>
        %ge3A_553 = arith.constant 8 : i32
        %ge3A_554 = vector.broadcast %ge3A_553 : i32 to vector<16xi32>
        %ge3A_555 = arith.cmpi sge, %iota3A, %ge3A_554 : vector<16xi32>
        %sub3A_556 = arith.constant 8 : i32
        %sub3A_557 = vector.broadcast %sub3A_556 : i32 to vector<16xi32>
        %sub3A_558 = arith.subi %iota3A, %sub3A_557 : vector<16xi32>
        %max3A_559 = arith.constant 0 : i32
        %max3A_560 = vector.broadcast %max3A_559 : i32 to vector<16xi32>
        %max3A_561 = arith.maxsi %sub3A_558, %max3A_560 : vector<16xi32>
        %broadcast_in_dim3A_562 = vector.shape_cast %max3A_561 : vector<16xi32> to vector<16x1xi32>
        %gather3A_563 = vector.shape_cast %broadcast_in_dim3A_562 : vector<16x1xi32> to vector<16xi32>
        %gather3A_564 = tpu.dynamic_gather %add3A_552[%gather3A_563] in [0] : vector<16xi32>, vector<16xi32> -> vector<16xi32>
        %jit3A_565 = arith.constant 0 : i32
        %broadcast_in_dim3A_566 = vector.broadcast %jit3A_565 : i32 to vector<16xi32>
        %select_n3A_567 = arith.select %ge3A_555, %gather3A_564, %broadcast_in_dim3A_566 : vector<16xi1>, vector<16xi32>
        %add3A_568 = arith.addi %add3A_552, %select_n3A_567 : vector<16xi32>
        %add3A_569 = vector.broadcast %scan3A_484 : i32 to vector<16xi32>
        %add3A_570 = arith.addi %add3A_569, %add3A_568 : vector<16xi32>
        %sub3A_571 = arith.constant 1 : i32
        %sub3A_572 = vector.broadcast %sub3A_571 : i32 to vector<16xi32>
        %sub3A_573 = arith.subi %add3A_570, %sub3A_572 : vector<16xi32>
        %add3A_574 = arith.constant 4352 : i32
        %add3A_575 = vector.broadcast %add3A_574 : i32 to vector<16xi32>
        %add3A_576 = arith.addi %add3A_575, %iota3A : vector<16xi32>
        %select_n3A_577 = arith.select %eq3A_501, %sub3A_573, %add3A_576 : vector<16xi1>, vector<16xi32>
        tpu.vector_store_idx %arg14[%select_n3A_577], %and3A_499 : memref<4368xi32, #tpu.memory_space<vmem>>[vector<16xi32>], vector<16xi32>,
        tpu.vector_store_idx %arg15[%select_n3A_577], %get3A_492 : memref<4368xf32, #tpu.memory_space<vmem>>[vector<16xi32>], vector<16xf32>,
        tpu.vector_store_idx %arg16[%select_n3A_577], %add3A_496 : memref<4368xi32, #tpu.memory_space<vmem>>[vector<16xi32>], vector<16xi32>,
        %all_reduce_population_count3A = tpu.all_reduce %eq3A_501 {dim = 0 : i64, kind = #tpu.reduction_kind<sum>} : vector<16xi1> -> vector<16xi32>
        %reduce_max3A_578 = arith.constant true
        %reduce_max3A_579 = vector.broadcast %reduce_max3A_578 : i1 to vector<16xi1>
        %reduce_max3A_580 = arith.constant -2147483648 : i32
        %reduce_max3A_581 = vector.broadcast %reduce_max3A_580 : i32 to vector<16xi32>
        %reduce_max3A_582 = arith.xori %all_reduce_population_count3A, %reduce_max3A_581 : vector<16xi32>
        %reduce_max3A_583 = tpu.scan <max>, %reduce_max3A_582 masked %reduce_max3A_579 : vector<16xi32>, vector<16xi1> -> vector<16xi32>
        %reduce_max3A_584 = arith.xori %reduce_max3A_583, %reduce_max3A_581 : vector<16xi32>
        %reduce_max3A_585 = vector.extract %reduce_max3A_584[15] : i32 from vector<16xi32>
        %add3A_586 = arith.addi %scan3A_484, %reduce_max3A_585 : i32
        scf.yield %add3A_586 : i32
      }
      %scan3A_475 = arith.constant 256 : i32
      %swap3A = arith.constant 4352 : index
      %swap3A_476 = tpu.vector_load %arg16[%swap3A] {strides = array<i32>} : memref<4368xi32, #tpu.memory_space<vmem>>, vector<16xi32>,
      tpu.vector_store %arg16[%swap3A], %add3A_461 {strides = array<i32>} : memref<4368xi32, #tpu.memory_space<vmem>>, vector<16xi32>,
      %broadcast_in_dim3A_477 = arith.constant 0 : i32
      %broadcast_in_dim3A_478 = vector.broadcast %broadcast_in_dim3A_477 : i32 to vector<16xi32>
      %add3A_479 = vector.broadcast %scan3A_474 : i32 to vector<16xi32>
      %add3A_480 = arith.addi %broadcast_in_dim3A_478, %add3A_479 : vector<16xi32>
      %swap3A_481 = arith.constant 0 : index
      %swap3A_482 = tpu.vector_load %arg19[%swap3A_481] {strides = array<i32>} : memref<16xi32, #tpu.memory_space<vmem>>, vector<16xi32>,
      tpu.vector_store %arg19[%swap3A_481], %add3A_480 {strides = array<i32>} : memref<16xi32, #tpu.memory_space<vmem>>, vector<16xi32>,
    } else {
    }
    %ge3A = arith.constant 8 : i32
    %ge3A_20 = arith.cmpi sge, %arg1, %ge3A : i32
    %convert_element_type3A_21 = arith.extui %ge3A_20 : i1 to i32
    %cond3A_22 = arith.constant 0 : i32
    %cond3A_23 = arith.cmpi ne, %convert_element_type3A_21, %cond3A_22 : i32
    scf.if %cond3A_23 {
      %swap3A = arith.constant 0 : index
      %swap3A_458 = tpu.vector_load %arg19[%swap3A] {strides = array<i32>} : memref<16xi32, #tpu.memory_space<vmem>>, vector<16xi32>,
      tpu.vector_store %arg19[%swap3A], %broadcast_in_dim3A_1 {strides = array<i32>} : memref<16xi32, #tpu.memory_space<vmem>>, vector<16xi32>,
    } else {
    }
    %mul3A_24 = arith.constant 16 : i32
    %mul3A_25 = arith.muli %arg1, %mul3A_24 : i32
    %multiple_of3A_26 = tpu.assume_multiple %mul3A_25, 8 : i32
    "tpu.region"() ({
      %run_scoped3A = tpu.sem_alloc : memref<!tpu.dma_semaphore, #tpu.memory_space<semaphore_mem>>
      %dma_start3A_458 = tpu.memref_slice %arg25[%multiple_of3A_26] : memref<256xi32, #tpu.memory_space<vmem_shared>> -> memref<16xi32, #tpu.memory_space<vmem_shared>>
      %dma_start3A_459 = tpu.memref_slice %arg25[%multiple_of3A_26] : memref<256xi32, #tpu.memory_space<vmem_shared>> -> memref<16xi32, #tpu.memory_space<vmem_shared>>
      tpu.enqueue_dma source(%arg19 : memref<16xi32, #tpu.memory_space<vmem>>) target(%dma_start3A_459 : memref<16xi32, #tpu.memory_space<vmem_shared>>) target_semaphore(%run_scoped3A : memref<!tpu.dma_semaphore, #tpu.memory_space<semaphore_mem>>)
      %dma_wait3A_460 = tpu.memref_slice %arg25[%multiple_of3A_26] : memref<256xi32, #tpu.memory_space<vmem_shared>> -> memref<16xi32, #tpu.memory_space<vmem_shared>>
      %dma_wait3A_461 = tpu.memref_slice %arg25[%multiple_of3A_26] : memref<256xi32, #tpu.memory_space<vmem_shared>> -> memref<16xi32, #tpu.memory_space<vmem_shared>>
      tpu.wait_dma2 semaphore(%run_scoped3A : memref<!tpu.dma_semaphore, #tpu.memory_space<semaphore_mem>>) src(%arg19 : memref<16xi32, #tpu.memory_space<vmem>>) dst(%dma_wait3A_461 : memref<16xi32, #tpu.memory_space<vmem_shared>>)
      tpu.yield
    }) : () -> ()
    %barrier3A = arith.constant 0 : index
    tpu.barrier barrier_id(%barrier3A)
    "tpu.region"() ({
      %run_scoped3A = tpu.sem_alloc : memref<!tpu.dma_semaphore, #tpu.memory_space<semaphore_mem>>
      %dma_start3A_458 = arith.constant 0 : i32
      %dma_start3A_459 = tpu.memref_slice %arg18[%dma_start3A_458] : memref<256xi32, #tpu.memory_space<vmem>> -> memref<16xi32, #tpu.memory_space<vmem>>
      %dma_start3A_460 = arith.constant 0 : i32
      %dma_start3A_461 = tpu.memref_slice %arg25[%dma_start3A_460] : memref<256xi32, #tpu.memory_space<vmem_shared>> -> memref<16xi32, #tpu.memory_space<vmem_shared>>
      %dma_start3A_462 = arith.constant 0 : i32
      %dma_start3A_463 = tpu.memref_slice %arg18[%dma_start3A_462] : memref<256xi32, #tpu.memory_space<vmem>> -> memref<16xi32, #tpu.memory_space<vmem>>
      %dma_start3A_464 = arith.constant 0 : i32
      %dma_start3A_465 = tpu.memref_slice %arg25[%dma_start3A_464] : memref<256xi32, #tpu.memory_space<vmem_shared>> -> memref<16xi32, #tpu.memory_space<vmem_shared>>
      tpu.enqueue_dma source(%dma_start3A_465 : memref<16xi32, #tpu.memory_space<vmem_shared>>) target(%dma_start3A_463 : memref<16xi32, #tpu.memory_space<vmem>>) target_semaphore(%run_scoped3A : memref<!tpu.dma_semaphore, #tpu.memory_space<semaphore_mem>>)
      %dma_wait3A_466 = arith.constant 0 : i32
      %dma_wait3A_467 = tpu.memref_slice %arg18[%dma_wait3A_466] : memref<256xi32, #tpu.memory_space<vmem>> -> memref<16xi32, #tpu.memory_space<vmem>>
      %dma_wait3A_468 = arith.constant 0 : i32
      %dma_wait3A_469 = tpu.memref_slice %arg25[%dma_wait3A_468] : memref<256xi32, #tpu.memory_space<vmem_shared>> -> memref<16xi32, #tpu.memory_space<vmem_shared>>
      %dma_wait3A_470 = arith.constant 0 : i32
      %dma_wait3A_471 = tpu.memref_slice %arg18[%dma_wait3A_470] : memref<256xi32, #tpu.memory_space<vmem>> -> memref<16xi32, #tpu.memory_space<vmem>>
      %dma_wait3A_472 = arith.constant 0 : i32
      %dma_wait3A_473 = tpu.memref_slice %arg25[%dma_wait3A_472] : memref<256xi32, #tpu.memory_space<vmem_shared>> -> memref<16xi32, #tpu.memory_space<vmem_shared>>
      tpu.wait_dma2 semaphore(%run_scoped3A : memref<!tpu.dma_semaphore, #tpu.memory_space<semaphore_mem>>) src(%dma_wait3A_473 : memref<16xi32, #tpu.memory_space<vmem_shared>>) dst(%dma_wait3A_471 : memref<16xi32, #tpu.memory_space<vmem>>)
      tpu.yield
    }) : () -> ()
    "tpu.region"() ({
      %run_scoped3A = tpu.sem_alloc : memref<!tpu.dma_semaphore, #tpu.memory_space<semaphore_mem>>
      %dma_start3A_458 = arith.constant 16 : i32
      %dma_start3A_459 = tpu.memref_slice %arg18[%dma_start3A_458] : memref<256xi32, #tpu.memory_space<vmem>> -> memref<16xi32, #tpu.memory_space<vmem>>
      %dma_start3A_460 = arith.constant 16 : i32
      %dma_start3A_461 = tpu.memref_slice %arg25[%dma_start3A_460] : memref<256xi32, #tpu.memory_space<vmem_shared>> -> memref<16xi32, #tpu.memory_space<vmem_shared>>
      %dma_start3A_462 = arith.constant 16 : i32
      %dma_start3A_463 = tpu.memref_slice %arg18[%dma_start3A_462] : memref<256xi32, #tpu.memory_space<vmem>> -> memref<16xi32, #tpu.memory_space<vmem>>
      %dma_start3A_464 = arith.constant 16 : i32
      %dma_start3A_465 = tpu.memref_slice %arg25[%dma_start3A_464] : memref<256xi32, #tpu.memory_space<vmem_shared>> -> memref<16xi32, #tpu.memory_space<vmem_shared>>
      tpu.enqueue_dma source(%dma_start3A_465 : memref<16xi32, #tpu.memory_space<vmem_shared>>) target(%dma_start3A_463 : memref<16xi32, #tpu.memory_space<vmem>>) target_semaphore(%run_scoped3A : memref<!tpu.dma_semaphore, #tpu.memory_space<semaphore_mem>>)
      %dma_wait3A_466 = arith.constant 16 : i32
      %dma_wait3A_467 = tpu.memref_slice %arg18[%dma_wait3A_466] : memref<256xi32, #tpu.memory_space<vmem>> -> memref<16xi32, #tpu.memory_space<vmem>>
      %dma_wait3A_468 = arith.constant 16 : i32
      %dma_wait3A_469 = tpu.memref_slice %arg25[%dma_wait3A_468] : memref<256xi32, #tpu.memory_space<vmem_shared>> -> memref<16xi32, #tpu.memory_space<vmem_shared>>
      %dma_wait3A_470 = arith.constant 16 : i32
      %dma_wait3A_471 = tpu.memref_slice %arg18[%dma_wait3A_470] : memref<256xi32, #tpu.memory_space<vmem>> -> memref<16xi32, #tpu.memory_space<vmem>>
      %dma_wait3A_472 = arith.constant 16 : i32
      %dma_wait3A_473 = tpu.memref_slice %arg25[%dma_wait3A_472] : memref<256xi32, #tpu.memory_space<vmem_shared>> -> memref<16xi32, #tpu.memory_space<vmem_shared>>
      tpu.wait_dma2 semaphore(%run_scoped3A : memref<!tpu.dma_semaphore, #tpu.memory_space<semaphore_mem>>) src(%dma_wait3A_473 : memref<16xi32, #tpu.memory_space<vmem_shared>>) dst(%dma_wait3A_471 : memref<16xi32, #tpu.memory_space<vmem>>)
      tpu.yield
    }) : () -> ()
    "tpu.region"() ({
      %run_scoped3A = tpu.sem_alloc : memref<!tpu.dma_semaphore, #tpu.memory_space<semaphore_mem>>
      %dma_start3A_458 = arith.constant 32 : i32
      %dma_start3A_459 = tpu.memref_slice %arg18[%dma_start3A_458] : memref<256xi32, #tpu.memory_space<vmem>> -> memref<16xi32, #tpu.memory_space<vmem>>
      %dma_start3A_460 = arith.constant 32 : i32
      %dma_start3A_461 = tpu.memref_slice %arg25[%dma_start3A_460] : memref<256xi32, #tpu.memory_space<vmem_shared>> -> memref<16xi32, #tpu.memory_space<vmem_shared>>
      %dma_start3A_462 = arith.constant 32 : i32
      %dma_start3A_463 = tpu.memref_slice %arg18[%dma_start3A_462] : memref<256xi32, #tpu.memory_space<vmem>> -> memref<16xi32, #tpu.memory_space<vmem>>
      %dma_start3A_464 = arith.constant 32 : i32
      %dma_start3A_465 = tpu.memref_slice %arg25[%dma_start3A_464] : memref<256xi32, #tpu.memory_space<vmem_shared>> -> memref<16xi32, #tpu.memory_space<vmem_shared>>
      tpu.enqueue_dma source(%dma_start3A_465 : memref<16xi32, #tpu.memory_space<vmem_shared>>) target(%dma_start3A_463 : memref<16xi32, #tpu.memory_space<vmem>>) target_semaphore(%run_scoped3A : memref<!tpu.dma_semaphore, #tpu.memory_space<semaphore_mem>>)
      %dma_wait3A_466 = arith.constant 32 : i32
      %dma_wait3A_467 = tpu.memref_slice %arg18[%dma_wait3A_466] : memref<256xi32, #tpu.memory_space<vmem>> -> memref<16xi32, #tpu.memory_space<vmem>>
      %dma_wait3A_468 = arith.constant 32 : i32
      %dma_wait3A_469 = tpu.memref_slice %arg25[%dma_wait3A_468] : memref<256xi32, #tpu.memory_space<vmem_shared>> -> memref<16xi32, #tpu.memory_space<vmem_shared>>
      %dma_wait3A_470 = arith.constant 32 : i32
      %dma_wait3A_471 = tpu.memref_slice %arg18[%dma_wait3A_470] : memref<256xi32, #tpu.memory_space<vmem>> -> memref<16xi32, #tpu.memory_space<vmem>>
      %dma_wait3A_472 = arith.constant 32 : i32
      %dma_wait3A_473 = tpu.memref_slice %arg25[%dma_wait3A_472] : memref<256xi32, #tpu.memory_space<vmem_shared>> -> memref<16xi32, #tpu.memory_space<vmem_shared>>
      tpu.wait_dma2 semaphore(%run_scoped3A : memref<!tpu.dma_semaphore, #tpu.memory_space<semaphore_mem>>) src(%dma_wait3A_473 : memref<16xi32, #tpu.memory_space<vmem_shared>>) dst(%dma_wait3A_471 : memref<16xi32, #tpu.memory_space<vmem>>)
      tpu.yield
    }) : () -> ()
    "tpu.region"() ({
      %run_scoped3A = tpu.sem_alloc : memref<!tpu.dma_semaphore, #tpu.memory_space<semaphore_mem>>
      %dma_start3A_458 = arith.constant 48 : i32
      %dma_start3A_459 = tpu.memref_slice %arg18[%dma_start3A_458] : memref<256xi32, #tpu.memory_space<vmem>> -> memref<16xi32, #tpu.memory_space<vmem>>
      %dma_start3A_460 = arith.constant 48 : i32
      %dma_start3A_461 = tpu.memref_slice %arg25[%dma_start3A_460] : memref<256xi32, #tpu.memory_space<vmem_shared>> -> memref<16xi32, #tpu.memory_space<vmem_shared>>
      %dma_start3A_462 = arith.constant 48 : i32
      %dma_start3A_463 = tpu.memref_slice %arg18[%dma_start3A_462] : memref<256xi32, #tpu.memory_space<vmem>> -> memref<16xi32, #tpu.memory_space<vmem>>
      %dma_start3A_464 = arith.constant 48 : i32
      %dma_start3A_465 = tpu.memref_slice %arg25[%dma_start3A_464] : memref<256xi32, #tpu.memory_space<vmem_shared>> -> memref<16xi32, #tpu.memory_space<vmem_shared>>
      tpu.enqueue_dma source(%dma_start3A_465 : memref<16xi32, #tpu.memory_space<vmem_shared>>) target(%dma_start3A_463 : memref<16xi32, #tpu.memory_space<vmem>>) target_semaphore(%run_scoped3A : memref<!tpu.dma_semaphore, #tpu.memory_space<semaphore_mem>>)
      %dma_wait3A_466 = arith.constant 48 : i32
      %dma_wait3A_467 = tpu.memref_slice %arg18[%dma_wait3A_466] : memref<256xi32, #tpu.memory_space<vmem>> -> memref<16xi32, #tpu.memory_space<vmem>>
      %dma_wait3A_468 = arith.constant 48 : i32
      %dma_wait3A_469 = tpu.memref_slice %arg25[%dma_wait3A_468] : memref<256xi32, #tpu.memory_space<vmem_shared>> -> memref<16xi32, #tpu.memory_space<vmem_shared>>
      %dma_wait3A_470 = arith.constant 48 : i32
      %dma_wait3A_471 = tpu.memref_slice %arg18[%dma_wait3A_470] : memref<256xi32, #tpu.memory_space<vmem>> -> memref<16xi32, #tpu.memory_space<vmem>>
      %dma_wait3A_472 = arith.constant 48 : i32
      %dma_wait3A_473 = tpu.memref_slice %arg25[%dma_wait3A_472] : memref<256xi32, #tpu.memory_space<vmem_shared>> -> memref<16xi32, #tpu.memory_space<vmem_shared>>
      tpu.wait_dma2 semaphore(%run_scoped3A : memref<!tpu.dma_semaphore, #tpu.memory_space<semaphore_mem>>) src(%dma_wait3A_473 : memref<16xi32, #tpu.memory_space<vmem_shared>>) dst(%dma_wait3A_471 : memref<16xi32, #tpu.memory_space<vmem>>)
      tpu.yield
    }) : () -> ()
    "tpu.region"() ({
      %run_scoped3A = tpu.sem_alloc : memref<!tpu.dma_semaphore, #tpu.memory_space<semaphore_mem>>
      %dma_start3A_458 = arith.constant 64 : i32
      %dma_start3A_459 = tpu.memref_slice %arg18[%dma_start3A_458] : memref<256xi32, #tpu.memory_space<vmem>> -> memref<16xi32, #tpu.memory_space<vmem>>
      %dma_start3A_460 = arith.constant 64 : i32
      %dma_start3A_461 = tpu.memref_slice %arg25[%dma_start3A_460] : memref<256xi32, #tpu.memory_space<vmem_shared>> -> memref<16xi32, #tpu.memory_space<vmem_shared>>
      %dma_start3A_462 = arith.constant 64 : i32
      %dma_start3A_463 = tpu.memref_slice %arg18[%dma_start3A_462] : memref<256xi32, #tpu.memory_space<vmem>> -> memref<16xi32, #tpu.memory_space<vmem>>
      %dma_start3A_464 = arith.constant 64 : i32
      %dma_start3A_465 = tpu.memref_slice %arg25[%dma_start3A_464] : memref<256xi32, #tpu.memory_space<vmem_shared>> -> memref<16xi32, #tpu.memory_space<vmem_shared>>
      tpu.enqueue_dma source(%dma_start3A_465 : memref<16xi32, #tpu.memory_space<vmem_shared>>) target(%dma_start3A_463 : memref<16xi32, #tpu.memory_space<vmem>>) target_semaphore(%run_scoped3A : memref<!tpu.dma_semaphore, #tpu.memory_space<semaphore_mem>>)
      %dma_wait3A_466 = arith.constant 64 : i32
      %dma_wait3A_467 = tpu.memref_slice %arg18[%dma_wait3A_466] : memref<256xi32, #tpu.memory_space<vmem>> -> memref<16xi32, #tpu.memory_space<vmem>>
      %dma_wait3A_468 = arith.constant 64 : i32
      %dma_wait3A_469 = tpu.memref_slice %arg25[%dma_wait3A_468] : memref<256xi32, #tpu.memory_space<vmem_shared>> -> memref<16xi32, #tpu.memory_space<vmem_shared>>
      %dma_wait3A_470 = arith.constant 64 : i32
      %dma_wait3A_471 = tpu.memref_slice %arg18[%dma_wait3A_470] : memref<256xi32, #tpu.memory_space<vmem>> -> memref<16xi32, #tpu.memory_space<vmem>>
      %dma_wait3A_472 = arith.constant 64 : i32
      %dma_wait3A_473 = tpu.memref_slice %arg25[%dma_wait3A_472] : memref<256xi32, #tpu.memory_space<vmem_shared>> -> memref<16xi32, #tpu.memory_space<vmem_shared>>
      tpu.wait_dma2 semaphore(%run_scoped3A : memref<!tpu.dma_semaphore, #tpu.memory_space<semaphore_mem>>) src(%dma_wait3A_473 : memref<16xi32, #tpu.memory_space<vmem_shared>>) dst(%dma_wait3A_471 : memref<16xi32, #tpu.memory_space<vmem>>)
      tpu.yield
    }) : () -> ()
    "tpu.region"() ({
      %run_scoped3A = tpu.sem_alloc : memref<!tpu.dma_semaphore, #tpu.memory_space<semaphore_mem>>
      %dma_start3A_458 = arith.constant 80 : i32
      %dma_start3A_459 = tpu.memref_slice %arg18[%dma_start3A_458] : memref<256xi32, #tpu.memory_space<vmem>> -> memref<16xi32, #tpu.memory_space<vmem>>
      %dma_start3A_460 = arith.constant 80 : i32
      %dma_start3A_461 = tpu.memref_slice %arg25[%dma_start3A_460] : memref<256xi32, #tpu.memory_space<vmem_shared>> -> memref<16xi32, #tpu.memory_space<vmem_shared>>
      %dma_start3A_462 = arith.constant 80 : i32
      %dma_start3A_463 = tpu.memref_slice %arg18[%dma_start3A_462] : memref<256xi32, #tpu.memory_space<vmem>> -> memref<16xi32, #tpu.memory_space<vmem>>
      %dma_start3A_464 = arith.constant 80 : i32
      %dma_start3A_465 = tpu.memref_slice %arg25[%dma_start3A_464] : memref<256xi32, #tpu.memory_space<vmem_shared>> -> memref<16xi32, #tpu.memory_space<vmem_shared>>
      tpu.enqueue_dma source(%dma_start3A_465 : memref<16xi32, #tpu.memory_space<vmem_shared>>) target(%dma_start3A_463 : memref<16xi32, #tpu.memory_space<vmem>>) target_semaphore(%run_scoped3A : memref<!tpu.dma_semaphore, #tpu.memory_space<semaphore_mem>>)
      %dma_wait3A_466 = arith.constant 80 : i32
      %dma_wait3A_467 = tpu.memref_slice %arg18[%dma_wait3A_466] : memref<256xi32, #tpu.memory_space<vmem>> -> memref<16xi32, #tpu.memory_space<vmem>>
      %dma_wait3A_468 = arith.constant 80 : i32
      %dma_wait3A_469 = tpu.memref_slice %arg25[%dma_wait3A_468] : memref<256xi32, #tpu.memory_space<vmem_shared>> -> memref<16xi32, #tpu.memory_space<vmem_shared>>
      %dma_wait3A_470 = arith.constant 80 : i32
      %dma_wait3A_471 = tpu.memref_slice %arg18[%dma_wait3A_470] : memref<256xi32, #tpu.memory_space<vmem>> -> memref<16xi32, #tpu.memory_space<vmem>>
      %dma_wait3A_472 = arith.constant 80 : i32
      %dma_wait3A_473 = tpu.memref_slice %arg25[%dma_wait3A_472] : memref<256xi32, #tpu.memory_space<vmem_shared>> -> memref<16xi32, #tpu.memory_space<vmem_shared>>
      tpu.wait_dma2 semaphore(%run_scoped3A : memref<!tpu.dma_semaphore, #tpu.memory_space<semaphore_mem>>) src(%dma_wait3A_473 : memref<16xi32, #tpu.memory_space<vmem_shared>>) dst(%dma_wait3A_471 : memref<16xi32, #tpu.memory_space<vmem>>)
      tpu.yield
    }) : () -> ()
    "tpu.region"() ({
      %run_scoped3A = tpu.sem_alloc : memref<!tpu.dma_semaphore, #tpu.memory_space<semaphore_mem>>
      %dma_start3A_458 = arith.constant 96 : i32
      %dma_start3A_459 = tpu.memref_slice %arg18[%dma_start3A_458] : memref<256xi32, #tpu.memory_space<vmem>> -> memref<16xi32, #tpu.memory_space<vmem>>
      %dma_start3A_460 = arith.constant 96 : i32
      %dma_start3A_461 = tpu.memref_slice %arg25[%dma_start3A_460] : memref<256xi32, #tpu.memory_space<vmem_shared>> -> memref<16xi32, #tpu.memory_space<vmem_shared>>
      %dma_start3A_462 = arith.constant 96 : i32
      %dma_start3A_463 = tpu.memref_slice %arg18[%dma_start3A_462] : memref<256xi32, #tpu.memory_space<vmem>> -> memref<16xi32, #tpu.memory_space<vmem>>
      %dma_start3A_464 = arith.constant 96 : i32
      %dma_start3A_465 = tpu.memref_slice %arg25[%dma_start3A_464] : memref<256xi32, #tpu.memory_space<vmem_shared>> -> memref<16xi32, #tpu.memory_space<vmem_shared>>
      tpu.enqueue_dma source(%dma_start3A_465 : memref<16xi32, #tpu.memory_space<vmem_shared>>) target(%dma_start3A_463 : memref<16xi32, #tpu.memory_space<vmem>>) target_semaphore(%run_scoped3A : memref<!tpu.dma_semaphore, #tpu.memory_space<semaphore_mem>>)
      %dma_wait3A_466 = arith.constant 96 : i32
      %dma_wait3A_467 = tpu.memref_slice %arg18[%dma_wait3A_466] : memref<256xi32, #tpu.memory_space<vmem>> -> memref<16xi32, #tpu.memory_space<vmem>>
      %dma_wait3A_468 = arith.constant 96 : i32
      %dma_wait3A_469 = tpu.memref_slice %arg25[%dma_wait3A_468] : memref<256xi32, #tpu.memory_space<vmem_shared>> -> memref<16xi32, #tpu.memory_space<vmem_shared>>
      %dma_wait3A_470 = arith.constant 96 : i32
      %dma_wait3A_471 = tpu.memref_slice %arg18[%dma_wait3A_470] : memref<256xi32, #tpu.memory_space<vmem>> -> memref<16xi32, #tpu.memory_space<vmem>>
      %dma_wait3A_472 = arith.constant 96 : i32
      %dma_wait3A_473 = tpu.memref_slice %arg25[%dma_wait3A_472] : memref<256xi32, #tpu.memory_space<vmem_shared>> -> memref<16xi32, #tpu.memory_space<vmem_shared>>
      tpu.wait_dma2 semaphore(%run_scoped3A : memref<!tpu.dma_semaphore, #tpu.memory_space<semaphore_mem>>) src(%dma_wait3A_473 : memref<16xi32, #tpu.memory_space<vmem_shared>>) dst(%dma_wait3A_471 : memref<16xi32, #tpu.memory_space<vmem>>)
      tpu.yield
    }) : () -> ()
    "tpu.region"() ({
      %run_scoped3A = tpu.sem_alloc : memref<!tpu.dma_semaphore, #tpu.memory_space<semaphore_mem>>
      %dma_start3A_458 = arith.constant 112 : i32
      %dma_start3A_459 = tpu.memref_slice %arg18[%dma_start3A_458] : memref<256xi32, #tpu.memory_space<vmem>> -> memref<16xi32, #tpu.memory_space<vmem>>
      %dma_start3A_460 = arith.constant 112 : i32
      %dma_start3A_461 = tpu.memref_slice %arg25[%dma_start3A_460] : memref<256xi32, #tpu.memory_space<vmem_shared>> -> memref<16xi32, #tpu.memory_space<vmem_shared>>
      %dma_start3A_462 = arith.constant 112 : i32
      %dma_start3A_463 = tpu.memref_slice %arg18[%dma_start3A_462] : memref<256xi32, #tpu.memory_space<vmem>> -> memref<16xi32, #tpu.memory_space<vmem>>
      %dma_start3A_464 = arith.constant 112 : i32
      %dma_start3A_465 = tpu.memref_slice %arg25[%dma_start3A_464] : memref<256xi32, #tpu.memory_space<vmem_shared>> -> memref<16xi32, #tpu.memory_space<vmem_shared>>
      tpu.enqueue_dma source(%dma_start3A_465 : memref<16xi32, #tpu.memory_space<vmem_shared>>) target(%dma_start3A_463 : memref<16xi32, #tpu.memory_space<vmem>>) target_semaphore(%run_scoped3A : memref<!tpu.dma_semaphore, #tpu.memory_space<semaphore_mem>>)
      %dma_wait3A_466 = arith.constant 112 : i32
      %dma_wait3A_467 = tpu.memref_slice %arg18[%dma_wait3A_466] : memref<256xi32, #tpu.memory_space<vmem>> -> memref<16xi32, #tpu.memory_space<vmem>>
      %dma_wait3A_468 = arith.constant 112 : i32
      %dma_wait3A_469 = tpu.memref_slice %arg25[%dma_wait3A_468] : memref<256xi32, #tpu.memory_space<vmem_shared>> -> memref<16xi32, #tpu.memory_space<vmem_shared>>
      %dma_wait3A_470 = arith.constant 112 : i32
      %dma_wait3A_471 = tpu.memref_slice %arg18[%dma_wait3A_470] : memref<256xi32, #tpu.memory_space<vmem>> -> memref<16xi32, #tpu.memory_space<vmem>>
      %dma_wait3A_472 = arith.constant 112 : i32
      %dma_wait3A_473 = tpu.memref_slice %arg25[%dma_wait3A_472] : memref<256xi32, #tpu.memory_space<vmem_shared>> -> memref<16xi32, #tpu.memory_space<vmem_shared>>
      tpu.wait_dma2 semaphore(%run_scoped3A : memref<!tpu.dma_semaphore, #tpu.memory_space<semaphore_mem>>) src(%dma_wait3A_473 : memref<16xi32, #tpu.memory_space<vmem_shared>>) dst(%dma_wait3A_471 : memref<16xi32, #tpu.memory_space<vmem>>)
      tpu.yield
    }) : () -> ()
    %get3A = arith.constant 0 : index
    %get3A_27 = tpu.vector_load %arg18[%get3A] {strides = array<i32>} : memref<256xi32, #tpu.memory_space<vmem>>, vector<16xi32>,
    %reduce_max3A = arith.constant true
    %reduce_max3A_28 = vector.broadcast %reduce_max3A : i1 to vector<16xi1>
    %reduce_max3A_29 = arith.constant -2147483648 : i32
    %reduce_max3A_30 = vector.broadcast %reduce_max3A_29 : i32 to vector<16xi32>
    %reduce_max3A_31 = arith.xori %get3A_27, %reduce_max3A_30 : vector<16xi32>
    %reduce_max3A_32 = tpu.scan <max>, %reduce_max3A_31 masked %reduce_max3A_28 : vector<16xi32>, vector<16xi1> -> vector<16xi32>
    %reduce_max3A_33 = arith.xori %reduce_max3A_32, %reduce_max3A_30 : vector<16xi32>
    %reduce_max3A_34 = vector.extract %reduce_max3A_33[15] : i32 from vector<16xi32>
    %get3A_35 = arith.constant 16 : index
    %get3A_36 = tpu.vector_load %arg18[%get3A_35] {strides = array<i32>} : memref<256xi32, #tpu.memory_space<vmem>>, vector<16xi32>,
    %reduce_max3A_37 = arith.constant true
    %reduce_max3A_38 = vector.broadcast %reduce_max3A_37 : i1 to vector<16xi1>
    %reduce_max3A_39 = arith.constant -2147483648 : i32
    %reduce_max3A_40 = vector.broadcast %reduce_max3A_39 : i32 to vector<16xi32>
    %reduce_max3A_41 = arith.xori %get3A_36, %reduce_max3A_40 : vector<16xi32>
    %reduce_max3A_42 = tpu.scan <max>, %reduce_max3A_41 masked %reduce_max3A_38 : vector<16xi32>, vector<16xi1> -> vector<16xi32>
    %reduce_max3A_43 = arith.xori %reduce_max3A_42, %reduce_max3A_40 : vector<16xi32>
    %reduce_max3A_44 = vector.extract %reduce_max3A_43[15] : i32 from vector<16xi32>
    %get3A_45 = arith.constant 32 : index
    %get3A_46 = tpu.vector_load %arg18[%get3A_45] {strides = array<i32>} : memref<256xi32, #tpu.memory_space<vmem>>, vector<16xi32>,
    %reduce_max3A_47 = arith.constant true
    %reduce_max3A_48 = vector.broadcast %reduce_max3A_47 : i1 to vector<16xi1>
    %reduce_max3A_49 = arith.constant -2147483648 : i32
    %reduce_max3A_50 = vector.broadcast %reduce_max3A_49 : i32 to vector<16xi32>
    %reduce_max3A_51 = arith.xori %get3A_46, %reduce_max3A_50 : vector<16xi32>
    %reduce_max3A_52 = tpu.scan <max>, %reduce_max3A_51 masked %reduce_max3A_48 : vector<16xi32>, vector<16xi1> -> vector<16xi32>
    %reduce_max3A_53 = arith.xori %reduce_max3A_52, %reduce_max3A_50 : vector<16xi32>
    %reduce_max3A_54 = vector.extract %reduce_max3A_53[15] : i32 from vector<16xi32>
    %get3A_55 = arith.constant 48 : index
    %get3A_56 = tpu.vector_load %arg18[%get3A_55] {strides = array<i32>} : memref<256xi32, #tpu.memory_space<vmem>>, vector<16xi32>,
    %reduce_max3A_57 = arith.constant true
    %reduce_max3A_58 = vector.broadcast %reduce_max3A_57 : i1 to vector<16xi1>
    %reduce_max3A_59 = arith.constant -2147483648 : i32
    %reduce_max3A_60 = vector.broadcast %reduce_max3A_59 : i32 to vector<16xi32>
    %reduce_max3A_61 = arith.xori %get3A_56, %reduce_max3A_60 : vector<16xi32>
    %reduce_max3A_62 = tpu.scan <max>, %reduce_max3A_61 masked %reduce_max3A_58 : vector<16xi32>, vector<16xi1> -> vector<16xi32>
    %reduce_max3A_63 = arith.xori %reduce_max3A_62, %reduce_max3A_60 : vector<16xi32>
    %reduce_max3A_64 = vector.extract %reduce_max3A_63[15] : i32 from vector<16xi32>
    %get3A_65 = arith.constant 64 : index
    %get3A_66 = tpu.vector_load %arg18[%get3A_65] {strides = array<i32>} : memref<256xi32, #tpu.memory_space<vmem>>, vector<16xi32>,
    %reduce_max3A_67 = arith.constant true
    %reduce_max3A_68 = vector.broadcast %reduce_max3A_67 : i1 to vector<16xi1>
    %reduce_max3A_69 = arith.constant -2147483648 : i32
    %reduce_max3A_70 = vector.broadcast %reduce_max3A_69 : i32 to vector<16xi32>
    %reduce_max3A_71 = arith.xori %get3A_66, %reduce_max3A_70 : vector<16xi32>
    %reduce_max3A_72 = tpu.scan <max>, %reduce_max3A_71 masked %reduce_max3A_68 : vector<16xi32>, vector<16xi1> -> vector<16xi32>
    %reduce_max3A_73 = arith.xori %reduce_max3A_72, %reduce_max3A_70 : vector<16xi32>
    %reduce_max3A_74 = vector.extract %reduce_max3A_73[15] : i32 from vector<16xi32>
    %get3A_75 = arith.constant 80 : index
    %get3A_76 = tpu.vector_load %arg18[%get3A_75] {strides = array<i32>} : memref<256xi32, #tpu.memory_space<vmem>>, vector<16xi32>,
    %reduce_max3A_77 = arith.constant true
    %reduce_max3A_78 = vector.broadcast %reduce_max3A_77 : i1 to vector<16xi1>
    %reduce_max3A_79 = arith.constant -2147483648 : i32
    %reduce_max3A_80 = vector.broadcast %reduce_max3A_79 : i32 to vector<16xi32>
    %reduce_max3A_81 = arith.xori %get3A_76, %reduce_max3A_80 : vector<16xi32>
    %reduce_max3A_82 = tpu.scan <max>, %reduce_max3A_81 masked %reduce_max3A_78 : vector<16xi32>, vector<16xi1> -> vector<16xi32>
    %reduce_max3A_83 = arith.xori %reduce_max3A_82, %reduce_max3A_80 : vector<16xi32>
    %reduce_max3A_84 = vector.extract %reduce_max3A_83[15] : i32 from vector<16xi32>
    %get3A_85 = arith.constant 96 : index
    %get3A_86 = tpu.vector_load %arg18[%get3A_85] {strides = array<i32>} : memref<256xi32, #tpu.memory_space<vmem>>, vector<16xi32>,
    %reduce_max3A_87 = arith.constant true
    %reduce_max3A_88 = vector.broadcast %reduce_max3A_87 : i1 to vector<16xi1>
    %reduce_max3A_89 = arith.constant -2147483648 : i32
    %reduce_max3A_90 = vector.broadcast %reduce_max3A_89 : i32 to vector<16xi32>
    %reduce_max3A_91 = arith.xori %get3A_86, %reduce_max3A_90 : vector<16xi32>
    %reduce_max3A_92 = tpu.scan <max>, %reduce_max3A_91 masked %reduce_max3A_88 : vector<16xi32>, vector<16xi1> -> vector<16xi32>
    %reduce_max3A_93 = arith.xori %reduce_max3A_92, %reduce_max3A_90 : vector<16xi32>
    %reduce_max3A_94 = vector.extract %reduce_max3A_93[15] : i32 from vector<16xi32>
    %get3A_95 = arith.constant 112 : index
    %get3A_96 = tpu.vector_load %arg18[%get3A_95] {strides = array<i32>} : memref<256xi32, #tpu.memory_space<vmem>>, vector<16xi32>,
    %reduce_max3A_97 = arith.constant true
    %reduce_max3A_98 = vector.broadcast %reduce_max3A_97 : i1 to vector<16xi1>
    %reduce_max3A_99 = arith.constant -2147483648 : i32
    %reduce_max3A_100 = vector.broadcast %reduce_max3A_99 : i32 to vector<16xi32>
    %reduce_max3A_101 = arith.xori %get3A_96, %reduce_max3A_100 : vector<16xi32>
    %reduce_max3A_102 = tpu.scan <max>, %reduce_max3A_101 masked %reduce_max3A_98 : vector<16xi32>, vector<16xi1> -> vector<16xi32>
    %reduce_max3A_103 = arith.xori %reduce_max3A_102, %reduce_max3A_100 : vector<16xi32>
    %reduce_max3A_104 = vector.extract %reduce_max3A_103[15] : i32 from vector<16xi32>
    %add3A_105 = arith.constant 256 : i32
    %add3A_106 = arith.addi %reduce_max3A_34, %add3A_105 : i32
    %sub3A = arith.constant 1 : i32
    %sub3A_107 = arith.subi %add3A_106, %sub3A : i32
    %jit3A = arith.constant 256 : i32
    %div3A = arith.divsi %sub3A_107, %jit3A : i32
    %sign3A = arith.constant 0 : i32
    %sign3A_108 = arith.cmpi sgt, %sub3A_107, %sign3A : i32
    %sign3A_109 = arith.extui %sign3A_108 : i1 to i32
    %sign3A_110 = arith.constant 0 : i32
    %sign3A_111 = arith.cmpi slt, %sub3A_107, %sign3A_110 : i32
    %sign3A_112 = arith.extui %sign3A_111 : i1 to i32
    %sign3A_113 = arith.subi %sign3A_109, %sign3A_112 : i32
    %sign3A_114 = arith.constant 0 : i32
    %sign3A_115 = arith.cmpi sgt, %jit3A, %sign3A_114 : i32
    %sign3A_116 = arith.extui %sign3A_115 : i1 to i32
    %sign3A_117 = arith.constant 0 : i32
    %sign3A_118 = arith.cmpi slt, %jit3A, %sign3A_117 : i32
    %sign3A_119 = arith.extui %sign3A_118 : i1 to i32
    %sign3A_120 = arith.subi %sign3A_116, %sign3A_119 : i32
    %ne3A = arith.cmpi ne, %sign3A_113, %sign3A_120 : i32
    %rem3A = arith.remsi %sub3A_107, %jit3A : i32
    %ne3A_121 = arith.constant 0 : i32
    %ne3A_122 = arith.cmpi ne, %rem3A, %ne3A_121 : i32
    %and3A = arith.andi %ne3A, %ne3A_122 : i1
    %sub3A_123 = arith.constant 1 : i32
    %sub3A_124 = arith.subi %div3A, %sub3A_123 : i32
    %select_n3A = arith.select %and3A, %sub3A_124, %div3A : i32
    %mul3A_125 = arith.constant 256 : i32
    %mul3A_126 = arith.muli %select_n3A, %mul3A_125 : i32
    %add3A_127 = arith.constant 256 : i32
    %add3A_128 = arith.addi %reduce_max3A_44, %add3A_127 : i32
    %sub3A_129 = arith.constant 1 : i32
    %sub3A_130 = arith.subi %add3A_128, %sub3A_129 : i32
    %jit3A_131 = arith.constant 256 : i32
    %div3A_132 = arith.divsi %sub3A_130, %jit3A_131 : i32
    %sign3A_133 = arith.constant 0 : i32
    %sign3A_134 = arith.cmpi sgt, %sub3A_130, %sign3A_133 : i32
    %sign3A_135 = arith.extui %sign3A_134 : i1 to i32
    %sign3A_136 = arith.constant 0 : i32
    %sign3A_137 = arith.cmpi slt, %sub3A_130, %sign3A_136 : i32
    %sign3A_138 = arith.extui %sign3A_137 : i1 to i32
    %sign3A_139 = arith.subi %sign3A_135, %sign3A_138 : i32
    %sign3A_140 = arith.constant 0 : i32
    %sign3A_141 = arith.cmpi sgt, %jit3A_131, %sign3A_140 : i32
    %sign3A_142 = arith.extui %sign3A_141 : i1 to i32
    %sign3A_143 = arith.constant 0 : i32
    %sign3A_144 = arith.cmpi slt, %jit3A_131, %sign3A_143 : i32
    %sign3A_145 = arith.extui %sign3A_144 : i1 to i32
    %sign3A_146 = arith.subi %sign3A_142, %sign3A_145 : i32
    %ne3A_147 = arith.cmpi ne, %sign3A_139, %sign3A_146 : i32
    %rem3A_148 = arith.remsi %sub3A_130, %jit3A_131 : i32
    %ne3A_149 = arith.constant 0 : i32
    %ne3A_150 = arith.cmpi ne, %rem3A_148, %ne3A_149 : i32
    %and3A_151 = arith.andi %ne3A_147, %ne3A_150 : i1
    %sub3A_152 = arith.constant 1 : i32
    %sub3A_153 = arith.subi %div3A_132, %sub3A_152 : i32
    %select_n3A_154 = arith.select %and3A_151, %sub3A_153, %div3A_132 : i32
    %mul3A_155 = arith.constant 256 : i32
    %mul3A_156 = arith.muli %select_n3A_154, %mul3A_155 : i32
    %add3A_157 = arith.constant 256 : i32
    %add3A_158 = arith.addi %reduce_max3A_54, %add3A_157 : i32
    %sub3A_159 = arith.constant 1 : i32
    %sub3A_160 = arith.subi %add3A_158, %sub3A_159 : i32
    %jit3A_161 = arith.constant 256 : i32
    %div3A_162 = arith.divsi %sub3A_160, %jit3A_161 : i32
    %sign3A_163 = arith.constant 0 : i32
    %sign3A_164 = arith.cmpi sgt, %sub3A_160, %sign3A_163 : i32
    %sign3A_165 = arith.extui %sign3A_164 : i1 to i32
    %sign3A_166 = arith.constant 0 : i32
    %sign3A_167 = arith.cmpi slt, %sub3A_160, %sign3A_166 : i32
    %sign3A_168 = arith.extui %sign3A_167 : i1 to i32
    %sign3A_169 = arith.subi %sign3A_165, %sign3A_168 : i32
    %sign3A_170 = arith.constant 0 : i32
    %sign3A_171 = arith.cmpi sgt, %jit3A_161, %sign3A_170 : i32
    %sign3A_172 = arith.extui %sign3A_171 : i1 to i32
    %sign3A_173 = arith.constant 0 : i32
    %sign3A_174 = arith.cmpi slt, %jit3A_161, %sign3A_173 : i32
    %sign3A_175 = arith.extui %sign3A_174 : i1 to i32
    %sign3A_176 = arith.subi %sign3A_172, %sign3A_175 : i32
    %ne3A_177 = arith.cmpi ne, %sign3A_169, %sign3A_176 : i32
    %rem3A_178 = arith.remsi %sub3A_160, %jit3A_161 : i32
    %ne3A_179 = arith.constant 0 : i32
    %ne3A_180 = arith.cmpi ne, %rem3A_178, %ne3A_179 : i32
    %and3A_181 = arith.andi %ne3A_177, %ne3A_180 : i1
    %sub3A_182 = arith.constant 1 : i32
    %sub3A_183 = arith.subi %div3A_162, %sub3A_182 : i32
    %select_n3A_184 = arith.select %and3A_181, %sub3A_183, %div3A_162 : i32
    %mul3A_185 = arith.constant 256 : i32
    %mul3A_186 = arith.muli %select_n3A_184, %mul3A_185 : i32
    %add3A_187 = arith.constant 256 : i32
    %add3A_188 = arith.addi %reduce_max3A_64, %add3A_187 : i32
    %sub3A_189 = arith.constant 1 : i32
    %sub3A_190 = arith.subi %add3A_188, %sub3A_189 : i32
    %jit3A_191 = arith.constant 256 : i32
    %div3A_192 = arith.divsi %sub3A_190, %jit3A_191 : i32
    %sign3A_193 = arith.constant 0 : i32
    %sign3A_194 = arith.cmpi sgt, %sub3A_190, %sign3A_193 : i32
    %sign3A_195 = arith.extui %sign3A_194 : i1 to i32
    %sign3A_196 = arith.constant 0 : i32
    %sign3A_197 = arith.cmpi slt, %sub3A_190, %sign3A_196 : i32
    %sign3A_198 = arith.extui %sign3A_197 : i1 to i32
    %sign3A_199 = arith.subi %sign3A_195, %sign3A_198 : i32
    %sign3A_200 = arith.constant 0 : i32
    %sign3A_201 = arith.cmpi sgt, %jit3A_191, %sign3A_200 : i32
    %sign3A_202 = arith.extui %sign3A_201 : i1 to i32
    %sign3A_203 = arith.constant 0 : i32
    %sign3A_204 = arith.cmpi slt, %jit3A_191, %sign3A_203 : i32
    %sign3A_205 = arith.extui %sign3A_204 : i1 to i32
    %sign3A_206 = arith.subi %sign3A_202, %sign3A_205 : i32
    %ne3A_207 = arith.cmpi ne, %sign3A_199, %sign3A_206 : i32
    %rem3A_208 = arith.remsi %sub3A_190, %jit3A_191 : i32
    %ne3A_209 = arith.constant 0 : i32
    %ne3A_210 = arith.cmpi ne, %rem3A_208, %ne3A_209 : i32
    %and3A_211 = arith.andi %ne3A_207, %ne3A_210 : i1
    %sub3A_212 = arith.constant 1 : i32
    %sub3A_213 = arith.subi %div3A_192, %sub3A_212 : i32
    %select_n3A_214 = arith.select %and3A_211, %sub3A_213, %div3A_192 : i32
    %mul3A_215 = arith.constant 256 : i32
    %mul3A_216 = arith.muli %select_n3A_214, %mul3A_215 : i32
    %add3A_217 = arith.constant 256 : i32
    %add3A_218 = arith.addi %reduce_max3A_74, %add3A_217 : i32
    %sub3A_219 = arith.constant 1 : i32
    %sub3A_220 = arith.subi %add3A_218, %sub3A_219 : i32
    %jit3A_221 = arith.constant 256 : i32
    %div3A_222 = arith.divsi %sub3A_220, %jit3A_221 : i32
    %sign3A_223 = arith.constant 0 : i32
    %sign3A_224 = arith.cmpi sgt, %sub3A_220, %sign3A_223 : i32
    %sign3A_225 = arith.extui %sign3A_224 : i1 to i32
    %sign3A_226 = arith.constant 0 : i32
    %sign3A_227 = arith.cmpi slt, %sub3A_220, %sign3A_226 : i32
    %sign3A_228 = arith.extui %sign3A_227 : i1 to i32
    %sign3A_229 = arith.subi %sign3A_225, %sign3A_228 : i32
    %sign3A_230 = arith.constant 0 : i32
    %sign3A_231 = arith.cmpi sgt, %jit3A_221, %sign3A_230 : i32
    %sign3A_232 = arith.extui %sign3A_231 : i1 to i32
    %sign3A_233 = arith.constant 0 : i32
    %sign3A_234 = arith.cmpi slt, %jit3A_221, %sign3A_233 : i32
    %sign3A_235 = arith.extui %sign3A_234 : i1 to i32
    %sign3A_236 = arith.subi %sign3A_232, %sign3A_235 : i32
    %ne3A_237 = arith.cmpi ne, %sign3A_229, %sign3A_236 : i32
    %rem3A_238 = arith.remsi %sub3A_220, %jit3A_221 : i32
    %ne3A_239 = arith.constant 0 : i32
    %ne3A_240 = arith.cmpi ne, %rem3A_238, %ne3A_239 : i32
    %and3A_241 = arith.andi %ne3A_237, %ne3A_240 : i1
    %sub3A_242 = arith.constant 1 : i32
    %sub3A_243 = arith.subi %div3A_222, %sub3A_242 : i32
    %select_n3A_244 = arith.select %and3A_241, %sub3A_243, %div3A_222 : i32
    %mul3A_245 = arith.constant 256 : i32
    %mul3A_246 = arith.muli %select_n3A_244, %mul3A_245 : i32
    %add3A_247 = arith.constant 256 : i32
    %add3A_248 = arith.addi %reduce_max3A_84, %add3A_247 : i32
    %sub3A_249 = arith.constant 1 : i32
    %sub3A_250 = arith.subi %add3A_248, %sub3A_249 : i32
    %jit3A_251 = arith.constant 256 : i32
    %div3A_252 = arith.divsi %sub3A_250, %jit3A_251 : i32
    %sign3A_253 = arith.constant 0 : i32
    %sign3A_254 = arith.cmpi sgt, %sub3A_250, %sign3A_253 : i32
    %sign3A_255 = arith.extui %sign3A_254 : i1 to i32
    %sign3A_256 = arith.constant 0 : i32
    %sign3A_257 = arith.cmpi slt, %sub3A_250, %sign3A_256 : i32
    %sign3A_258 = arith.extui %sign3A_257 : i1 to i32
    %sign3A_259 = arith.subi %sign3A_255, %sign3A_258 : i32
    %sign3A_260 = arith.constant 0 : i32
    %sign3A_261 = arith.cmpi sgt, %jit3A_251, %sign3A_260 : i32
    %sign3A_262 = arith.extui %sign3A_261 : i1 to i32
    %sign3A_263 = arith.constant 0 : i32
    %sign3A_264 = arith.cmpi slt, %jit3A_251, %sign3A_263 : i32
    %sign3A_265 = arith.extui %sign3A_264 : i1 to i32
    %sign3A_266 = arith.subi %sign3A_262, %sign3A_265 : i32
    %ne3A_267 = arith.cmpi ne, %sign3A_259, %sign3A_266 : i32
    %rem3A_268 = arith.remsi %sub3A_250, %jit3A_251 : i32
    %ne3A_269 = arith.constant 0 : i32
    %ne3A_270 = arith.cmpi ne, %rem3A_268, %ne3A_269 : i32
    %and3A_271 = arith.andi %ne3A_267, %ne3A_270 : i1
    %sub3A_272 = arith.constant 1 : i32
    %sub3A_273 = arith.subi %div3A_252, %sub3A_272 : i32
    %select_n3A_274 = arith.select %and3A_271, %sub3A_273, %div3A_252 : i32
    %mul3A_275 = arith.constant 256 : i32
    %mul3A_276 = arith.muli %select_n3A_274, %mul3A_275 : i32
    %add3A_277 = arith.constant 256 : i32
    %add3A_278 = arith.addi %reduce_max3A_94, %add3A_277 : i32
    %sub3A_279 = arith.constant 1 : i32
    %sub3A_280 = arith.subi %add3A_278, %sub3A_279 : i32
    %jit3A_281 = arith.constant 256 : i32
    %div3A_282 = arith.divsi %sub3A_280, %jit3A_281 : i32
    %sign3A_283 = arith.constant 0 : i32
    %sign3A_284 = arith.cmpi sgt, %sub3A_280, %sign3A_283 : i32
    %sign3A_285 = arith.extui %sign3A_284 : i1 to i32
    %sign3A_286 = arith.constant 0 : i32
    %sign3A_287 = arith.cmpi slt, %sub3A_280, %sign3A_286 : i32
    %sign3A_288 = arith.extui %sign3A_287 : i1 to i32
    %sign3A_289 = arith.subi %sign3A_285, %sign3A_288 : i32
    %sign3A_290 = arith.constant 0 : i32
    %sign3A_291 = arith.cmpi sgt, %jit3A_281, %sign3A_290 : i32
    %sign3A_292 = arith.extui %sign3A_291 : i1 to i32
    %sign3A_293 = arith.constant 0 : i32
    %sign3A_294 = arith.cmpi slt, %jit3A_281, %sign3A_293 : i32
    %sign3A_295 = arith.extui %sign3A_294 : i1 to i32
    %sign3A_296 = arith.subi %sign3A_292, %sign3A_295 : i32
    %ne3A_297 = arith.cmpi ne, %sign3A_289, %sign3A_296 : i32
    %rem3A_298 = arith.remsi %sub3A_280, %jit3A_281 : i32
    %ne3A_299 = arith.constant 0 : i32
    %ne3A_300 = arith.cmpi ne, %rem3A_298, %ne3A_299 : i32
    %and3A_301 = arith.andi %ne3A_297, %ne3A_300 : i1
    %sub3A_302 = arith.constant 1 : i32
    %sub3A_303 = arith.subi %div3A_282, %sub3A_302 : i32
    %select_n3A_304 = arith.select %and3A_301, %sub3A_303, %div3A_282 : i32
    %mul3A_305 = arith.constant 256 : i32
    %mul3A_306 = arith.muli %select_n3A_304, %mul3A_305 : i32
    %add3A_307 = arith.constant 256 : i32
    %add3A_308 = arith.addi %reduce_max3A_104, %add3A_307 : i32
    %sub3A_309 = arith.constant 1 : i32
    %sub3A_310 = arith.subi %add3A_308, %sub3A_309 : i32
    %jit3A_311 = arith.constant 256 : i32
    %div3A_312 = arith.divsi %sub3A_310, %jit3A_311 : i32
    %sign3A_313 = arith.constant 0 : i32
    %sign3A_314 = arith.cmpi sgt, %sub3A_310, %sign3A_313 : i32
    %sign3A_315 = arith.extui %sign3A_314 : i1 to i32
    %sign3A_316 = arith.constant 0 : i32
    %sign3A_317 = arith.cmpi slt, %sub3A_310, %sign3A_316 : i32
    %sign3A_318 = arith.extui %sign3A_317 : i1 to i32
    %sign3A_319 = arith.subi %sign3A_315, %sign3A_318 : i32
    %sign3A_320 = arith.constant 0 : i32
    %sign3A_321 = arith.cmpi sgt, %jit3A_311, %sign3A_320 : i32
    %sign3A_322 = arith.extui %sign3A_321 : i1 to i32
    %sign3A_323 = arith.constant 0 : i32
    %sign3A_324 = arith.cmpi slt, %jit3A_311, %sign3A_323 : i32
    %sign3A_325 = arith.extui %sign3A_324 : i1 to i32
    %sign3A_326 = arith.subi %sign3A_322, %sign3A_325 : i32
    %ne3A_327 = arith.cmpi ne, %sign3A_319, %sign3A_326 : i32
    %rem3A_328 = arith.remsi %sub3A_310, %jit3A_311 : i32
    %ne3A_329 = arith.constant 0 : i32
    %ne3A_330 = arith.cmpi ne, %rem3A_328, %ne3A_329 : i32
    %and3A_331 = arith.andi %ne3A_327, %ne3A_330 : i1
    %sub3A_332 = arith.constant 1 : i32
    %sub3A_333 = arith.subi %div3A_312, %sub3A_332 : i32
    %select_n3A_334 = arith.select %and3A_331, %sub3A_333, %div3A_312 : i32
    %mul3A_335 = arith.constant 256 : i32
    %mul3A_336 = arith.muli %select_n3A_334, %mul3A_335 : i32
    %gt3A = arith.constant 0 : i32
    %gt3A_337 = arith.cmpi sgt, %arg1, %gt3A : i32
    %jit3A_338 = arith.constant 0 : i32
    %select_n3A_339 = arith.select %gt3A_337, %mul3A_126, %jit3A_338 : i32
    %add3A_340 = arith.constant 0 : i32
    %add3A_341 = arith.addi %add3A_340, %select_n3A_339 : i32
    %eq3A = arith.constant 0 : i32
    %eq3A_342 = arith.cmpi eq, %arg1, %eq3A : i32
    %jit3A_343 = arith.constant 0 : i32
    %select_n3A_344 = arith.select %eq3A_342, %mul3A_126, %jit3A_343 : i32
    %add3A_345 = arith.constant 0 : i32
    %add3A_346 = arith.addi %add3A_345, %select_n3A_344 : i32
    %gt3A_347 = arith.constant 1 : i32
    %gt3A_348 = arith.cmpi sgt, %arg1, %gt3A_347 : i32
    %jit3A_349 = arith.constant 0 : i32
    %select_n3A_350 = arith.select %gt3A_348, %mul3A_156, %jit3A_349 : i32
    %add3A_351 = arith.addi %add3A_341, %select_n3A_350 : i32
    %eq3A_352 = arith.constant 1 : i32
    %eq3A_353 = arith.cmpi eq, %arg1, %eq3A_352 : i32
    %jit3A_354 = arith.constant 0 : i32
    %select_n3A_355 = arith.select %eq3A_353, %mul3A_156, %jit3A_354 : i32
    %add3A_356 = arith.addi %add3A_346, %select_n3A_355 : i32
    %gt3A_357 = arith.constant 2 : i32
    %gt3A_358 = arith.cmpi sgt, %arg1, %gt3A_357 : i32
    %jit3A_359 = arith.constant 0 : i32
    %select_n3A_360 = arith.select %gt3A_358, %mul3A_186, %jit3A_359 : i32
    %add3A_361 = arith.addi %add3A_351, %select_n3A_360 : i32
    %eq3A_362 = arith.constant 2 : i32
    %eq3A_363 = arith.cmpi eq, %arg1, %eq3A_362 : i32
    %jit3A_364 = arith.constant 0 : i32
    %select_n3A_365 = arith.select %eq3A_363, %mul3A_186, %jit3A_364 : i32
    %add3A_366 = arith.addi %add3A_356, %select_n3A_365 : i32
    %gt3A_367 = arith.constant 3 : i32
    %gt3A_368 = arith.cmpi sgt, %arg1, %gt3A_367 : i32
    %jit3A_369 = arith.constant 0 : i32
    %select_n3A_370 = arith.select %gt3A_368, %mul3A_216, %jit3A_369 : i32
    %add3A_371 = arith.addi %add3A_361, %select_n3A_370 : i32
    %eq3A_372 = arith.constant 3 : i32
    %eq3A_373 = arith.cmpi eq, %arg1, %eq3A_372 : i32
    %jit3A_374 = arith.constant 0 : i32
    %select_n3A_375 = arith.select %eq3A_373, %mul3A_216, %jit3A_374 : i32
    %add3A_376 = arith.addi %add3A_366, %select_n3A_375 : i32
    %gt3A_377 = arith.constant 4 : i32
    %gt3A_378 = arith.cmpi sgt, %arg1, %gt3A_377 : i32
    %jit3A_379 = arith.constant 0 : i32
    %select_n3A_380 = arith.select %gt3A_378, %mul3A_246, %jit3A_379 : i32
    %add3A_381 = arith.addi %add3A_371, %select_n3A_380 : i32
    %eq3A_382 = arith.constant 4 : i32
    %eq3A_383 = arith.cmpi eq, %arg1, %eq3A_382 : i32
    %jit3A_384 = arith.constant 0 : i32
    %select_n3A_385 = arith.select %eq3A_383, %mul3A_246, %jit3A_384 : i32
    %add3A_386 = arith.addi %add3A_376, %select_n3A_385 : i32
    %gt3A_387 = arith.constant 5 : i32
    %gt3A_388 = arith.cmpi sgt, %arg1, %gt3A_387 : i32
    %jit3A_389 = arith.constant 0 : i32
    %select_n3A_390 = arith.select %gt3A_388, %mul3A_276, %jit3A_389 : i32
    %add3A_391 = arith.addi %add3A_381, %select_n3A_390 : i32
    %eq3A_392 = arith.constant 5 : i32
    %eq3A_393 = arith.cmpi eq, %arg1, %eq3A_392 : i32
    %jit3A_394 = arith.constant 0 : i32
    %select_n3A_395 = arith.select %eq3A_393, %mul3A_276, %jit3A_394 : i32
    %add3A_396 = arith.addi %add3A_386, %select_n3A_395 : i32
    %gt3A_397 = arith.constant 6 : i32
    %gt3A_398 = arith.cmpi sgt, %arg1, %gt3A_397 : i32
    %jit3A_399 = arith.constant 0 : i32
    %select_n3A_400 = arith.select %gt3A_398, %mul3A_306, %jit3A_399 : i32
    %add3A_401 = arith.addi %add3A_391, %select_n3A_400 : i32
    %eq3A_402 = arith.constant 6 : i32
    %eq3A_403 = arith.cmpi eq, %arg1, %eq3A_402 : i32
    %jit3A_404 = arith.constant 0 : i32
    %select_n3A_405 = arith.select %eq3A_403, %mul3A_306, %jit3A_404 : i32
    %add3A_406 = arith.addi %add3A_396, %select_n3A_405 : i32
    %gt3A_407 = arith.constant 7 : i32
    %gt3A_408 = arith.cmpi sgt, %arg1, %gt3A_407 : i32
    %jit3A_409 = arith.constant 0 : i32
    %select_n3A_410 = arith.select %gt3A_408, %mul3A_336, %jit3A_409 : i32
    %add3A_411 = arith.addi %add3A_401, %select_n3A_410 : i32
    %eq3A_412 = arith.constant 7 : i32
    %eq3A_413 = arith.cmpi eq, %arg1, %eq3A_412 : i32
    %jit3A_414 = arith.constant 0 : i32
    %select_n3A_415 = arith.select %eq3A_413, %mul3A_336, %jit3A_414 : i32
    %add3A_416 = arith.addi %add3A_406, %select_n3A_415 : i32
    %lt3A_417 = arith.constant 8 : i32
    %lt3A_418 = arith.cmpi slt, %arg1, %lt3A_417 : i32
    %convert_element_type3A_419 = arith.extui %lt3A_418 : i1 to i32
    %cond3A_420 = arith.constant 0 : i32
    %cond3A_421 = arith.cmpi ne, %convert_element_type3A_419, %cond3A_420 : i32
    scf.if %cond3A_421 {
      %jit3A_458 = arith.constant 256 : i32
      %div3A_459 = arith.divsi %add3A_416, %jit3A_458 : i32
      %sign3A_460 = arith.constant 0 : i32
      %sign3A_461 = arith.cmpi sgt, %add3A_416, %sign3A_460 : i32
      %sign3A_462 = arith.extui %sign3A_461 : i1 to i32
      %sign3A_463 = arith.constant 0 : i32
      %sign3A_464 = arith.cmpi slt, %add3A_416, %sign3A_463 : i32
      %sign3A_465 = arith.extui %sign3A_464 : i1 to i32
      %sign3A_466 = arith.subi %sign3A_462, %sign3A_465 : i32
      %sign3A_467 = arith.constant 0 : i32
      %sign3A_468 = arith.cmpi sgt, %jit3A_458, %sign3A_467 : i32
      %sign3A_469 = arith.extui %sign3A_468 : i1 to i32
      %sign3A_470 = arith.constant 0 : i32
      %sign3A_471 = arith.cmpi slt, %jit3A_458, %sign3A_470 : i32
      %sign3A_472 = arith.extui %sign3A_471 : i1 to i32
      %sign3A_473 = arith.subi %sign3A_469, %sign3A_472 : i32
      %ne3A_474 = arith.cmpi ne, %sign3A_466, %sign3A_473 : i32
      %rem3A_475 = arith.remsi %add3A_416, %jit3A_458 : i32
      %ne3A_476 = arith.constant 0 : i32
      %ne3A_477 = arith.cmpi ne, %rem3A_475, %ne3A_476 : i32
      %and3A_478 = arith.andi %ne3A_474, %ne3A_477 : i1
      %sub3A_479 = arith.constant 1 : i32
      %sub3A_480 = arith.subi %div3A_459, %sub3A_479 : i32
      %select_n3A_481 = arith.select %and3A_478, %sub3A_480, %div3A_459 : i32
      %while3A = arith.constant 0 : i32
      %while3A_482 = arith.constant 0 : i32
      %while3A_483 = arith.subi %select_n3A_481, %while3A : i32
      %while3A_484 = arith.addi %while3A, %while3A_483 : i32
      %while3A_485 = arith.constant 1 : i32
      %while3A_486 = arith.divsi %while3A_483, %while3A_485 : i32
      %while3A_487 = arith.muli %while3A_486, %while3A_485 : i32
      %while3A_488 = arith.addi %while3A, %while3A_487 : i32
      %while3A_489 = arith.constant 1 : i32
      %while3A_490 = scf.for %while3A_504 = %while3A to %while3A_488 step %while3A_489 iter_args(%while3A_505 = %while3A_482) -> (i32)  : i32 {
        %mul3A_506 = arith.constant 256 : i32
        %mul3A_507 = arith.muli %while3A_504, %mul3A_506 : i32
        %mul3A_508 = arith.constant 6144 : i32
        %mul3A_509 = arith.muli %arg0, %mul3A_508 : i32
        %add3A_510 = arith.addi %mul3A_509, %add3A_411 : i32
        %mul3A_511 = arith.constant 256 : i32
        %mul3A_512 = arith.muli %while3A_504, %mul3A_511 : i32
        %add3A_513 = arith.addi %add3A_510, %mul3A_512 : i32
        %multiple_of3A_514 = tpu.assume_multiple %add3A_513, 8 : i32
        "tpu.region"() ({
          %run_scoped3A = tpu.sem_alloc : memref<!tpu.dma_semaphore, #tpu.memory_space<semaphore_mem>>
          %dma_start3A_522 = tpu.memref_slice %arg14[%mul3A_507] : memref<4368xi32, #tpu.memory_space<vmem>> -> memref<256xi32, #tpu.memory_space<vmem>>
          %dma_start3A_523 = tpu.memref_slice %arg11[%multiple_of3A_514] : memref<12288xi32, #tpu.memory_space<hbm>> -> memref<256xi32, #tpu.memory_space<hbm>>
          %dma_start3A_524 = tpu.memref_slice %arg11[%multiple_of3A_514] : memref<12288xi32, #tpu.memory_space<hbm>> -> memref<256xi32, #tpu.memory_space<hbm>>
          %dma_start3A_525 = tpu.memref_slice %arg14[%mul3A_507] : memref<4368xi32, #tpu.memory_space<vmem>> -> memref<256xi32, #tpu.memory_space<vmem>>
          tpu.enqueue_dma source(%dma_start3A_525 : memref<256xi32, #tpu.memory_space<vmem>>) target(%dma_start3A_524 : memref<256xi32, #tpu.memory_space<hbm>>) target_semaphore(%run_scoped3A : memref<!tpu.dma_semaphore, #tpu.memory_space<semaphore_mem>>)
          %dma_wait3A_526 = tpu.memref_slice %arg14[%mul3A_507] : memref<4368xi32, #tpu.memory_space<vmem>> -> memref<256xi32, #tpu.memory_space<vmem>>
          %dma_wait3A_527 = tpu.memref_slice %arg11[%multiple_of3A_514] : memref<12288xi32, #tpu.memory_space<hbm>> -> memref<256xi32, #tpu.memory_space<hbm>>
          %dma_wait3A_528 = tpu.memref_slice %arg11[%multiple_of3A_514] : memref<12288xi32, #tpu.memory_space<hbm>> -> memref<256xi32, #tpu.memory_space<hbm>>
          %dma_wait3A_529 = tpu.memref_slice %arg14[%mul3A_507] : memref<4368xi32, #tpu.memory_space<vmem>> -> memref<256xi32, #tpu.memory_space<vmem>>
          tpu.wait_dma2 semaphore(%run_scoped3A : memref<!tpu.dma_semaphore, #tpu.memory_space<semaphore_mem>>) src(%dma_wait3A_529 : memref<256xi32, #tpu.memory_space<vmem>>) dst(%dma_wait3A_528 : memref<256xi32, #tpu.memory_space<hbm>>)
          tpu.yield
        }) : () -> ()
        %mul3A_515 = arith.constant 256 : i32
        %mul3A_516 = arith.muli %while3A_504, %mul3A_515 : i32
        %mul3A_517 = arith.constant 256 : i32
        %mul3A_518 = arith.muli %while3A_504, %mul3A_517 : i32
        %add3A_519 = arith.addi %add3A_411, %mul3A_518 : i32
        %multiple_of3A_520 = tpu.assume_multiple %add3A_519, 8 : i32
        "tpu.region"() ({
          %run_scoped3A = tpu.sem_alloc : memref<!tpu.dma_semaphore, #tpu.memory_space<semaphore_mem>>
          %dma_start3A_522 = tpu.memref_slice %arg15[%mul3A_516] : memref<4368xf32, #tpu.memory_space<vmem>> -> memref<256xf32, #tpu.memory_space<vmem>>
          %dma_start3A_523 = tpu.memref_slice %arg8[%multiple_of3A_520] : memref<6144xf32, #tpu.memory_space<hbm>> -> memref<256xf32, #tpu.memory_space<hbm>>
          %dma_start3A_524 = tpu.memref_slice %arg8[%multiple_of3A_520] : memref<6144xf32, #tpu.memory_space<hbm>> -> memref<256xf32, #tpu.memory_space<hbm>>
          %dma_start3A_525 = tpu.memref_slice %arg15[%mul3A_516] : memref<4368xf32, #tpu.memory_space<vmem>> -> memref<256xf32, #tpu.memory_space<vmem>>
          tpu.enqueue_dma source(%dma_start3A_525 : memref<256xf32, #tpu.memory_space<vmem>>) target(%dma_start3A_524 : memref<256xf32, #tpu.memory_space<hbm>>) target_semaphore(%run_scoped3A : memref<!tpu.dma_semaphore, #tpu.memory_space<semaphore_mem>>)
          %dma_wait3A_526 = tpu.memref_slice %arg15[%mul3A_516] : memref<4368xf32, #tpu.memory_space<vmem>> -> memref<256xf32, #tpu.memory_space<vmem>>
          %dma_wait3A_527 = tpu.memref_slice %arg8[%multiple_of3A_520] : memref<6144xf32, #tpu.memory_space<hbm>> -> memref<256xf32, #tpu.memory_space<hbm>>
          %dma_wait3A_528 = tpu.memref_slice %arg8[%multiple_of3A_520] : memref<6144xf32, #tpu.memory_space<hbm>> -> memref<256xf32, #tpu.memory_space<hbm>>
          %dma_wait3A_529 = tpu.memref_slice %arg15[%mul3A_516] : memref<4368xf32, #tpu.memory_space<vmem>> -> memref<256xf32, #tpu.memory_space<vmem>>
          tpu.wait_dma2 semaphore(%run_scoped3A : memref<!tpu.dma_semaphore, #tpu.memory_space<semaphore_mem>>) src(%dma_wait3A_529 : memref<256xf32, #tpu.memory_space<vmem>>) dst(%dma_wait3A_528 : memref<256xf32, #tpu.memory_space<hbm>>)
          tpu.yield
        }) : () -> ()
        %while3A_521 = arith.constant 0 : i32
        scf.yield %while3A_521 : i32
      }
      %while3A_491 = arith.constant 1 : i32
      %while3A_492 = scf.for %while3A_504 = %while3A_488 to %while3A_484 step %while3A_491 iter_args(%while3A_505 = %while3A_490) -> (i32)  : i32 {
        %mul3A_506 = arith.constant 256 : i32
        %mul3A_507 = arith.muli %while3A_504, %mul3A_506 : i32
        %mul3A_508 = arith.constant 6144 : i32
        %mul3A_509 = arith.muli %arg0, %mul3A_508 : i32
        %add3A_510 = arith.addi %mul3A_509, %add3A_411 : i32
        %mul3A_511 = arith.constant 256 : i32
        %mul3A_512 = arith.muli %while3A_504, %mul3A_511 : i32
        %add3A_513 = arith.addi %add3A_510, %mul3A_512 : i32
        %multiple_of3A_514 = tpu.assume_multiple %add3A_513, 8 : i32
        "tpu.region"() ({
          %run_scoped3A = tpu.sem_alloc : memref<!tpu.dma_semaphore, #tpu.memory_space<semaphore_mem>>
          %dma_start3A_522 = tpu.memref_slice %arg14[%mul3A_507] : memref<4368xi32, #tpu.memory_space<vmem>> -> memref<256xi32, #tpu.memory_space<vmem>>
          %dma_start3A_523 = tpu.memref_slice %arg11[%multiple_of3A_514] : memref<12288xi32, #tpu.memory_space<hbm>> -> memref<256xi32, #tpu.memory_space<hbm>>
          %dma_start3A_524 = tpu.memref_slice %arg11[%multiple_of3A_514] : memref<12288xi32, #tpu.memory_space<hbm>> -> memref<256xi32, #tpu.memory_space<hbm>>
          %dma_start3A_525 = tpu.memref_slice %arg14[%mul3A_507] : memref<4368xi32, #tpu.memory_space<vmem>> -> memref<256xi32, #tpu.memory_space<vmem>>
          tpu.enqueue_dma source(%dma_start3A_525 : memref<256xi32, #tpu.memory_space<vmem>>) target(%dma_start3A_524 : memref<256xi32, #tpu.memory_space<hbm>>) target_semaphore(%run_scoped3A : memref<!tpu.dma_semaphore, #tpu.memory_space<semaphore_mem>>)
          %dma_wait3A_526 = tpu.memref_slice %arg14[%mul3A_507] : memref<4368xi32, #tpu.memory_space<vmem>> -> memref<256xi32, #tpu.memory_space<vmem>>
          %dma_wait3A_527 = tpu.memref_slice %arg11[%multiple_of3A_514] : memref<12288xi32, #tpu.memory_space<hbm>> -> memref<256xi32, #tpu.memory_space<hbm>>
          %dma_wait3A_528 = tpu.memref_slice %arg11[%multiple_of3A_514] : memref<12288xi32, #tpu.memory_space<hbm>> -> memref<256xi32, #tpu.memory_space<hbm>>
          %dma_wait3A_529 = tpu.memref_slice %arg14[%mul3A_507] : memref<4368xi32, #tpu.memory_space<vmem>> -> memref<256xi32, #tpu.memory_space<vmem>>
          tpu.wait_dma2 semaphore(%run_scoped3A : memref<!tpu.dma_semaphore, #tpu.memory_space<semaphore_mem>>) src(%dma_wait3A_529 : memref<256xi32, #tpu.memory_space<vmem>>) dst(%dma_wait3A_528 : memref<256xi32, #tpu.memory_space<hbm>>)
          tpu.yield
        }) : () -> ()
        %mul3A_515 = arith.constant 256 : i32
        %mul3A_516 = arith.muli %while3A_504, %mul3A_515 : i32
        %mul3A_517 = arith.constant 256 : i32
        %mul3A_518 = arith.muli %while3A_504, %mul3A_517 : i32
        %add3A_519 = arith.addi %add3A_411, %mul3A_518 : i32
        %multiple_of3A_520 = tpu.assume_multiple %add3A_519, 8 : i32
        "tpu.region"() ({
          %run_scoped3A = tpu.sem_alloc : memref<!tpu.dma_semaphore, #tpu.memory_space<semaphore_mem>>
          %dma_start3A_522 = tpu.memref_slice %arg15[%mul3A_516] : memref<4368xf32, #tpu.memory_space<vmem>> -> memref<256xf32, #tpu.memory_space<vmem>>
          %dma_start3A_523 = tpu.memref_slice %arg8[%multiple_of3A_520] : memref<6144xf32, #tpu.memory_space<hbm>> -> memref<256xf32, #tpu.memory_space<hbm>>
          %dma_start3A_524 = tpu.memref_slice %arg8[%multiple_of3A_520] : memref<6144xf32, #tpu.memory_space<hbm>> -> memref<256xf32, #tpu.memory_space<hbm>>
          %dma_start3A_525 = tpu.memref_slice %arg15[%mul3A_516] : memref<4368xf32, #tpu.memory_space<vmem>> -> memref<256xf32, #tpu.memory_space<vmem>>
          tpu.enqueue_dma source(%dma_start3A_525 : memref<256xf32, #tpu.memory_space<vmem>>) target(%dma_start3A_524 : memref<256xf32, #tpu.memory_space<hbm>>) target_semaphore(%run_scoped3A : memref<!tpu.dma_semaphore, #tpu.memory_space<semaphore_mem>>)
          %dma_wait3A_526 = tpu.memref_slice %arg15[%mul3A_516] : memref<4368xf32, #tpu.memory_space<vmem>> -> memref<256xf32, #tpu.memory_space<vmem>>
          %dma_wait3A_527 = tpu.memref_slice %arg8[%multiple_of3A_520] : memref<6144xf32, #tpu.memory_space<hbm>> -> memref<256xf32, #tpu.memory_space<hbm>>
          %dma_wait3A_528 = tpu.memref_slice %arg8[%multiple_of3A_520] : memref<6144xf32, #tpu.memory_space<hbm>> -> memref<256xf32, #tpu.memory_space<hbm>>
          %dma_wait3A_529 = tpu.memref_slice %arg15[%mul3A_516] : memref<4368xf32, #tpu.memory_space<vmem>> -> memref<256xf32, #tpu.memory_space<vmem>>
          tpu.wait_dma2 semaphore(%run_scoped3A : memref<!tpu.dma_semaphore, #tpu.memory_space<semaphore_mem>>) src(%dma_wait3A_529 : memref<256xf32, #tpu.memory_space<vmem>>) dst(%dma_wait3A_528 : memref<256xf32, #tpu.memory_space<hbm>>)
          tpu.yield
        }) : () -> ()
        %while3A_521 = arith.constant 0 : i32
        scf.yield %while3A_521 : i32
      }
      %scan3A_493 = arith.constant 0 : i32
      %scan3A_494 = arith.constant 0 : i32
      %scan3A_495 = arith.constant 273 : i32
      %scan3A_496 = arith.addi %scan3A_494, %scan3A_495 : i32
      %scan3A_497 = arith.constant 1 : i32
      %scan3A_498 = scf.for %scan3A_504 = %scan3A_494 to %scan3A_496 step %scan3A_497 iter_args(%scan3A_505 = %scan3A_493) -> (i32)  : i32 {
        %mul3A_506 = arith.constant 16 : i32
        %mul3A_507 = arith.muli %scan3A_504, %mul3A_506 : i32
        %add3A_508 = arith.addi %add3A_411, %mul3A_507 : i32
        %add3A_509 = vector.broadcast %add3A_508 : i32 to vector<16xi32>
        %add3A_510 = arith.addi %add3A_509, %iota3A : vector<16xi32>
        %mul3A_511 = arith.constant 16 : i32
        %mul3A_512 = arith.muli %scan3A_504, %mul3A_511 : i32
        %swap3A = arith.index_cast %mul3A_512 : i32 to index
        %swap3A_513 = tpu.vector_load %arg17[%swap3A] {strides = array<i32>} : memref<4368xi32, #tpu.memory_space<vmem>>, vector<16xi32>,
        tpu.vector_store %arg17[%swap3A], %add3A_510 {strides = array<i32>} : memref<4368xi32, #tpu.memory_space<vmem>>, vector<16xi32>,
        %scan3A_514 = arith.constant 0 : i32
        scf.yield %scan3A_514 : i32
      }
      %scan3A_499 = arith.constant 273 : i32
      %dma_start3A_500 = arith.constant 0 : i32
      %dma_start3A_501 = tpu.memref_slice %arg9[%dma_start3A_500] : memref<4608xi32, #tpu.memory_space<hbm>> -> memref<4608xi32, #tpu.memory_space<hbm>>
      tpu.enqueue_indirect_dma source(%arg17 : memref<4368xi32, #tpu.memory_space<vmem>>) target(%dma_start3A_501 : memref<4608xi32, #tpu.memory_space<hbm>>) offsets(%arg16 : memref<4368xi32, #tpu.memory_space<vmem>>) semaphore(%arg26 : memref<!tpu.dma_semaphore, #tpu.memory_space<semaphore_mem>>)
      %dma_wait3A_502 = arith.constant 0 : i32
      %dma_wait3A_503 = tpu.memref_slice %arg9[%dma_wait3A_502] : memref<4608xi32, #tpu.memory_space<hbm>> -> memref<4608xi32, #tpu.memory_space<hbm>>
      tpu.wait_indirect_dma semaphore(%arg26 : memref<!tpu.dma_semaphore, #tpu.memory_space<semaphore_mem>>) src(%arg17 : memref<4368xi32, #tpu.memory_space<vmem>>) dst(%dma_wait3A_503 : memref<4608xi32, #tpu.memory_space<hbm>>)
    } else {
    }
    %eq3A_422 = arith.constant 8 : i32
    %eq3A_423 = arith.cmpi eq, %arg1, %eq3A_422 : i32
    %convert_element_type3A_424 = arith.extui %eq3A_423 : i1 to i32
    %cond3A_425 = arith.constant 0 : i32
    %cond3A_426 = arith.cmpi ne, %convert_element_type3A_424, %cond3A_425 : i32
    scf.if %cond3A_426 {
      %broadcast_in_dim3A_458 = arith.constant 0 : i32
      %broadcast_in_dim3A_459 = vector.broadcast %broadcast_in_dim3A_458 : i32 to vector<16xi32>
      %broadcast_in_dim3A_460 = arith.constant 0 : i32
      %broadcast_in_dim3A_461 = vector.broadcast %broadcast_in_dim3A_460 : i32 to vector<16xi32>
      %jit3A_462 = arith.constant 256 : i32
      %div3A_463 = arith.divsi %mul3A_126, %jit3A_462 : i32
      %sign3A_464 = arith.constant 0 : i32
      %sign3A_465 = arith.cmpi sgt, %mul3A_126, %sign3A_464 : i32
      %sign3A_466 = arith.extui %sign3A_465 : i1 to i32
      %sign3A_467 = arith.constant 0 : i32
      %sign3A_468 = arith.cmpi slt, %mul3A_126, %sign3A_467 : i32
      %sign3A_469 = arith.extui %sign3A_468 : i1 to i32
      %sign3A_470 = arith.subi %sign3A_466, %sign3A_469 : i32
      %sign3A_471 = arith.constant 0 : i32
      %sign3A_472 = arith.cmpi sgt, %jit3A_462, %sign3A_471 : i32
      %sign3A_473 = arith.extui %sign3A_472 : i1 to i32
      %sign3A_474 = arith.constant 0 : i32
      %sign3A_475 = arith.cmpi slt, %jit3A_462, %sign3A_474 : i32
      %sign3A_476 = arith.extui %sign3A_475 : i1 to i32
      %sign3A_477 = arith.subi %sign3A_473, %sign3A_476 : i32
      %ne3A_478 = arith.cmpi ne, %sign3A_470, %sign3A_477 : i32
      %rem3A_479 = arith.remsi %mul3A_126, %jit3A_462 : i32
      %ne3A_480 = arith.constant 0 : i32
      %ne3A_481 = arith.cmpi ne, %rem3A_479, %ne3A_480 : i32
      %and3A_482 = arith.andi %ne3A_478, %ne3A_481 : i1
      %sub3A_483 = arith.constant 1 : i32
      %sub3A_484 = arith.subi %div3A_463, %sub3A_483 : i32
      %select_n3A_485 = arith.select %and3A_482, %sub3A_484, %div3A_463 : i32
      %add3A_486 = arith.constant 0 : i32
      %add3A_487 = arith.addi %add3A_486, %select_n3A_485 : i32
      %ge3A_488 = vector.broadcast %add3A_487 : i32 to vector<16xi32>
      %ge3A_489 = arith.cmpi sge, %iota3A, %ge3A_488 : vector<16xi32>
      %jit3A_490 = arith.constant 1 : i32
      %jit3A_491 = arith.constant 0 : i32
      %broadcast_in_dim3A_492 = vector.broadcast %jit3A_490 : i32 to vector<16xi32>
      %broadcast_in_dim3A_493 = vector.broadcast %jit3A_491 : i32 to vector<16xi32>
      %select_n3A_494 = arith.select %ge3A_489, %broadcast_in_dim3A_492, %broadcast_in_dim3A_493 : vector<16xi1>, vector<16xi32>
      %add3A_495 = arith.addi %broadcast_in_dim3A_459, %select_n3A_494 : vector<16xi32>
      %add3A_496 = arith.constant 16 : i32
      %add3A_497 = vector.broadcast %add3A_496 : i32 to vector<16xi32>
      %add3A_498 = arith.addi %iota3A, %add3A_497 : vector<16xi32>
      %ge3A_499 = vector.broadcast %add3A_487 : i32 to vector<16xi32>
      %ge3A_500 = arith.cmpi sge, %add3A_498, %ge3A_499 : vector<16xi32>
      %jit3A_501 = arith.constant 1 : i32
      %jit3A_502 = arith.constant 0 : i32
      %broadcast_in_dim3A_503 = vector.broadcast %jit3A_501 : i32 to vector<16xi32>
      %broadcast_in_dim3A_504 = vector.broadcast %jit3A_502 : i32 to vector<16xi32>
      %select_n3A_505 = arith.select %ge3A_500, %broadcast_in_dim3A_503, %broadcast_in_dim3A_504 : vector<16xi1>, vector<16xi32>
      %add3A_506 = arith.addi %broadcast_in_dim3A_461, %select_n3A_505 : vector<16xi32>
      %jit3A_507 = arith.constant 256 : i32
      %div3A_508 = arith.divsi %mul3A_156, %jit3A_507 : i32
      %sign3A_509 = arith.constant 0 : i32
      %sign3A_510 = arith.cmpi sgt, %mul3A_156, %sign3A_509 : i32
      %sign3A_511 = arith.extui %sign3A_510 : i1 to i32
      %sign3A_512 = arith.constant 0 : i32
      %sign3A_513 = arith.cmpi slt, %mul3A_156, %sign3A_512 : i32
      %sign3A_514 = arith.extui %sign3A_513 : i1 to i32
      %sign3A_515 = arith.subi %sign3A_511, %sign3A_514 : i32
      %sign3A_516 = arith.constant 0 : i32
      %sign3A_517 = arith.cmpi sgt, %jit3A_507, %sign3A_516 : i32
      %sign3A_518 = arith.extui %sign3A_517 : i1 to i32
      %sign3A_519 = arith.constant 0 : i32
      %sign3A_520 = arith.cmpi slt, %jit3A_507, %sign3A_519 : i32
      %sign3A_521 = arith.extui %sign3A_520 : i1 to i32
      %sign3A_522 = arith.subi %sign3A_518, %sign3A_521 : i32
      %ne3A_523 = arith.cmpi ne, %sign3A_515, %sign3A_522 : i32
      %rem3A_524 = arith.remsi %mul3A_156, %jit3A_507 : i32
      %ne3A_525 = arith.constant 0 : i32
      %ne3A_526 = arith.cmpi ne, %rem3A_524, %ne3A_525 : i32
      %and3A_527 = arith.andi %ne3A_523, %ne3A_526 : i1
      %sub3A_528 = arith.constant 1 : i32
      %sub3A_529 = arith.subi %div3A_508, %sub3A_528 : i32
      %select_n3A_530 = arith.select %and3A_527, %sub3A_529, %div3A_508 : i32
      %add3A_531 = arith.addi %add3A_487, %select_n3A_530 : i32
      %ge3A_532 = vector.broadcast %add3A_531 : i32 to vector<16xi32>
      %ge3A_533 = arith.cmpi sge, %iota3A, %ge3A_532 : vector<16xi32>
      %jit3A_534 = arith.constant 1 : i32
      %jit3A_535 = arith.constant 0 : i32
      %broadcast_in_dim3A_536 = vector.broadcast %jit3A_534 : i32 to vector<16xi32>
      %broadcast_in_dim3A_537 = vector.broadcast %jit3A_535 : i32 to vector<16xi32>
      %select_n3A_538 = arith.select %ge3A_533, %broadcast_in_dim3A_536, %broadcast_in_dim3A_537 : vector<16xi1>, vector<16xi32>
      %add3A_539 = arith.addi %add3A_495, %select_n3A_538 : vector<16xi32>
      %add3A_540 = arith.constant 16 : i32
      %add3A_541 = vector.broadcast %add3A_540 : i32 to vector<16xi32>
      %add3A_542 = arith.addi %iota3A, %add3A_541 : vector<16xi32>
      %ge3A_543 = vector.broadcast %add3A_531 : i32 to vector<16xi32>
      %ge3A_544 = arith.cmpi sge, %add3A_542, %ge3A_543 : vector<16xi32>
      %jit3A_545 = arith.constant 1 : i32
      %jit3A_546 = arith.constant 0 : i32
      %broadcast_in_dim3A_547 = vector.broadcast %jit3A_545 : i32 to vector<16xi32>
      %broadcast_in_dim3A_548 = vector.broadcast %jit3A_546 : i32 to vector<16xi32>
      %select_n3A_549 = arith.select %ge3A_544, %broadcast_in_dim3A_547, %broadcast_in_dim3A_548 : vector<16xi1>, vector<16xi32>
      %add3A_550 = arith.addi %add3A_506, %select_n3A_549 : vector<16xi32>
      %jit3A_551 = arith.constant 256 : i32
      %div3A_552 = arith.divsi %mul3A_186, %jit3A_551 : i32
      %sign3A_553 = arith.constant 0 : i32
      %sign3A_554 = arith.cmpi sgt, %mul3A_186, %sign3A_553 : i32
      %sign3A_555 = arith.extui %sign3A_554 : i1 to i32
      %sign3A_556 = arith.constant 0 : i32
      %sign3A_557 = arith.cmpi slt, %mul3A_186, %sign3A_556 : i32
      %sign3A_558 = arith.extui %sign3A_557 : i1 to i32
      %sign3A_559 = arith.subi %sign3A_555, %sign3A_558 : i32
      %sign3A_560 = arith.constant 0 : i32
      %sign3A_561 = arith.cmpi sgt, %jit3A_551, %sign3A_560 : i32
      %sign3A_562 = arith.extui %sign3A_561 : i1 to i32
      %sign3A_563 = arith.constant 0 : i32
      %sign3A_564 = arith.cmpi slt, %jit3A_551, %sign3A_563 : i32
      %sign3A_565 = arith.extui %sign3A_564 : i1 to i32
      %sign3A_566 = arith.subi %sign3A_562, %sign3A_565 : i32
      %ne3A_567 = arith.cmpi ne, %sign3A_559, %sign3A_566 : i32
      %rem3A_568 = arith.remsi %mul3A_186, %jit3A_551 : i32
      %ne3A_569 = arith.constant 0 : i32
      %ne3A_570 = arith.cmpi ne, %rem3A_568, %ne3A_569 : i32
      %and3A_571 = arith.andi %ne3A_567, %ne3A_570 : i1
      %sub3A_572 = arith.constant 1 : i32
      %sub3A_573 = arith.subi %div3A_552, %sub3A_572 : i32
      %select_n3A_574 = arith.select %and3A_571, %sub3A_573, %div3A_552 : i32
      %add3A_575 = arith.addi %add3A_531, %select_n3A_574 : i32
      %ge3A_576 = vector.broadcast %add3A_575 : i32 to vector<16xi32>
      %ge3A_577 = arith.cmpi sge, %iota3A, %ge3A_576 : vector<16xi32>
      %jit3A_578 = arith.constant 1 : i32
      %jit3A_579 = arith.constant 0 : i32
      %broadcast_in_dim3A_580 = vector.broadcast %jit3A_578 : i32 to vector<16xi32>
      %broadcast_in_dim3A_581 = vector.broadcast %jit3A_579 : i32 to vector<16xi32>
      %select_n3A_582 = arith.select %ge3A_577, %broadcast_in_dim3A_580, %broadcast_in_dim3A_581 : vector<16xi1>, vector<16xi32>
      %add3A_583 = arith.addi %add3A_539, %select_n3A_582 : vector<16xi32>
      %add3A_584 = arith.constant 16 : i32
      %add3A_585 = vector.broadcast %add3A_584 : i32 to vector<16xi32>
      %add3A_586 = arith.addi %iota3A, %add3A_585 : vector<16xi32>
      %ge3A_587 = vector.broadcast %add3A_575 : i32 to vector<16xi32>
      %ge3A_588 = arith.cmpi sge, %add3A_586, %ge3A_587 : vector<16xi32>
      %jit3A_589 = arith.constant 1 : i32
      %jit3A_590 = arith.constant 0 : i32
      %broadcast_in_dim3A_591 = vector.broadcast %jit3A_589 : i32 to vector<16xi32>
      %broadcast_in_dim3A_592 = vector.broadcast %jit3A_590 : i32 to vector<16xi32>
      %select_n3A_593 = arith.select %ge3A_588, %broadcast_in_dim3A_591, %broadcast_in_dim3A_592 : vector<16xi1>, vector<16xi32>
      %add3A_594 = arith.addi %add3A_550, %select_n3A_593 : vector<16xi32>
      %jit3A_595 = arith.constant 256 : i32
      %div3A_596 = arith.divsi %mul3A_216, %jit3A_595 : i32
      %sign3A_597 = arith.constant 0 : i32
      %sign3A_598 = arith.cmpi sgt, %mul3A_216, %sign3A_597 : i32
      %sign3A_599 = arith.extui %sign3A_598 : i1 to i32
      %sign3A_600 = arith.constant 0 : i32
      %sign3A_601 = arith.cmpi slt, %mul3A_216, %sign3A_600 : i32
      %sign3A_602 = arith.extui %sign3A_601 : i1 to i32
      %sign3A_603 = arith.subi %sign3A_599, %sign3A_602 : i32
      %sign3A_604 = arith.constant 0 : i32
      %sign3A_605 = arith.cmpi sgt, %jit3A_595, %sign3A_604 : i32
      %sign3A_606 = arith.extui %sign3A_605 : i1 to i32
      %sign3A_607 = arith.constant 0 : i32
      %sign3A_608 = arith.cmpi slt, %jit3A_595, %sign3A_607 : i32
      %sign3A_609 = arith.extui %sign3A_608 : i1 to i32
      %sign3A_610 = arith.subi %sign3A_606, %sign3A_609 : i32
      %ne3A_611 = arith.cmpi ne, %sign3A_603, %sign3A_610 : i32
      %rem3A_612 = arith.remsi %mul3A_216, %jit3A_595 : i32
      %ne3A_613 = arith.constant 0 : i32
      %ne3A_614 = arith.cmpi ne, %rem3A_612, %ne3A_613 : i32
      %and3A_615 = arith.andi %ne3A_611, %ne3A_614 : i1
      %sub3A_616 = arith.constant 1 : i32
      %sub3A_617 = arith.subi %div3A_596, %sub3A_616 : i32
      %select_n3A_618 = arith.select %and3A_615, %sub3A_617, %div3A_596 : i32
      %add3A_619 = arith.addi %add3A_575, %select_n3A_618 : i32
      %ge3A_620 = vector.broadcast %add3A_619 : i32 to vector<16xi32>
      %ge3A_621 = arith.cmpi sge, %iota3A, %ge3A_620 : vector<16xi32>
      %jit3A_622 = arith.constant 1 : i32
      %jit3A_623 = arith.constant 0 : i32
      %broadcast_in_dim3A_624 = vector.broadcast %jit3A_622 : i32 to vector<16xi32>
      %broadcast_in_dim3A_625 = vector.broadcast %jit3A_623 : i32 to vector<16xi32>
      %select_n3A_626 = arith.select %ge3A_621, %broadcast_in_dim3A_624, %broadcast_in_dim3A_625 : vector<16xi1>, vector<16xi32>
      %add3A_627 = arith.addi %add3A_583, %select_n3A_626 : vector<16xi32>
      %add3A_628 = arith.constant 16 : i32
      %add3A_629 = vector.broadcast %add3A_628 : i32 to vector<16xi32>
      %add3A_630 = arith.addi %iota3A, %add3A_629 : vector<16xi32>
      %ge3A_631 = vector.broadcast %add3A_619 : i32 to vector<16xi32>
      %ge3A_632 = arith.cmpi sge, %add3A_630, %ge3A_631 : vector<16xi32>
      %jit3A_633 = arith.constant 1 : i32
      %jit3A_634 = arith.constant 0 : i32
      %broadcast_in_dim3A_635 = vector.broadcast %jit3A_633 : i32 to vector<16xi32>
      %broadcast_in_dim3A_636 = vector.broadcast %jit3A_634 : i32 to vector<16xi32>
      %select_n3A_637 = arith.select %ge3A_632, %broadcast_in_dim3A_635, %broadcast_in_dim3A_636 : vector<16xi1>, vector<16xi32>
      %add3A_638 = arith.addi %add3A_594, %select_n3A_637 : vector<16xi32>
      %jit3A_639 = arith.constant 256 : i32
      %div3A_640 = arith.divsi %mul3A_246, %jit3A_639 : i32
      %sign3A_641 = arith.constant 0 : i32
      %sign3A_642 = arith.cmpi sgt, %mul3A_246, %sign3A_641 : i32
      %sign3A_643 = arith.extui %sign3A_642 : i1 to i32
      %sign3A_644 = arith.constant 0 : i32
      %sign3A_645 = arith.cmpi slt, %mul3A_246, %sign3A_644 : i32
      %sign3A_646 = arith.extui %sign3A_645 : i1 to i32
      %sign3A_647 = arith.subi %sign3A_643, %sign3A_646 : i32
      %sign3A_648 = arith.constant 0 : i32
      %sign3A_649 = arith.cmpi sgt, %jit3A_639, %sign3A_648 : i32
      %sign3A_650 = arith.extui %sign3A_649 : i1 to i32
      %sign3A_651 = arith.constant 0 : i32
      %sign3A_652 = arith.cmpi slt, %jit3A_639, %sign3A_651 : i32
      %sign3A_653 = arith.extui %sign3A_652 : i1 to i32
      %sign3A_654 = arith.subi %sign3A_650, %sign3A_653 : i32
      %ne3A_655 = arith.cmpi ne, %sign3A_647, %sign3A_654 : i32
      %rem3A_656 = arith.remsi %mul3A_246, %jit3A_639 : i32
      %ne3A_657 = arith.constant 0 : i32
      %ne3A_658 = arith.cmpi ne, %rem3A_656, %ne3A_657 : i32
      %and3A_659 = arith.andi %ne3A_655, %ne3A_658 : i1
      %sub3A_660 = arith.constant 1 : i32
      %sub3A_661 = arith.subi %div3A_640, %sub3A_660 : i32
      %select_n3A_662 = arith.select %and3A_659, %sub3A_661, %div3A_640 : i32
      %add3A_663 = arith.addi %add3A_619, %select_n3A_662 : i32
      %ge3A_664 = vector.broadcast %add3A_663 : i32 to vector<16xi32>
      %ge3A_665 = arith.cmpi sge, %iota3A, %ge3A_664 : vector<16xi32>
      %jit3A_666 = arith.constant 1 : i32
      %jit3A_667 = arith.constant 0 : i32
      %broadcast_in_dim3A_668 = vector.broadcast %jit3A_666 : i32 to vector<16xi32>
      %broadcast_in_dim3A_669 = vector.broadcast %jit3A_667 : i32 to vector<16xi32>
      %select_n3A_670 = arith.select %ge3A_665, %broadcast_in_dim3A_668, %broadcast_in_dim3A_669 : vector<16xi1>, vector<16xi32>
      %add3A_671 = arith.addi %add3A_627, %select_n3A_670 : vector<16xi32>
      %add3A_672 = arith.constant 16 : i32
      %add3A_673 = vector.broadcast %add3A_672 : i32 to vector<16xi32>
      %add3A_674 = arith.addi %iota3A, %add3A_673 : vector<16xi32>
      %ge3A_675 = vector.broadcast %add3A_663 : i32 to vector<16xi32>
      %ge3A_676 = arith.cmpi sge, %add3A_674, %ge3A_675 : vector<16xi32>
      %jit3A_677 = arith.constant 1 : i32
      %jit3A_678 = arith.constant 0 : i32
      %broadcast_in_dim3A_679 = vector.broadcast %jit3A_677 : i32 to vector<16xi32>
      %broadcast_in_dim3A_680 = vector.broadcast %jit3A_678 : i32 to vector<16xi32>
      %select_n3A_681 = arith.select %ge3A_676, %broadcast_in_dim3A_679, %broadcast_in_dim3A_680 : vector<16xi1>, vector<16xi32>
      %add3A_682 = arith.addi %add3A_638, %select_n3A_681 : vector<16xi32>
      %jit3A_683 = arith.constant 256 : i32
      %div3A_684 = arith.divsi %mul3A_276, %jit3A_683 : i32
      %sign3A_685 = arith.constant 0 : i32
      %sign3A_686 = arith.cmpi sgt, %mul3A_276, %sign3A_685 : i32
      %sign3A_687 = arith.extui %sign3A_686 : i1 to i32
      %sign3A_688 = arith.constant 0 : i32
      %sign3A_689 = arith.cmpi slt, %mul3A_276, %sign3A_688 : i32
      %sign3A_690 = arith.extui %sign3A_689 : i1 to i32
      %sign3A_691 = arith.subi %sign3A_687, %sign3A_690 : i32
      %sign3A_692 = arith.constant 0 : i32
      %sign3A_693 = arith.cmpi sgt, %jit3A_683, %sign3A_692 : i32
      %sign3A_694 = arith.extui %sign3A_693 : i1 to i32
      %sign3A_695 = arith.constant 0 : i32
      %sign3A_696 = arith.cmpi slt, %jit3A_683, %sign3A_695 : i32
      %sign3A_697 = arith.extui %sign3A_696 : i1 to i32
      %sign3A_698 = arith.subi %sign3A_694, %sign3A_697 : i32
      %ne3A_699 = arith.cmpi ne, %sign3A_691, %sign3A_698 : i32
      %rem3A_700 = arith.remsi %mul3A_276, %jit3A_683 : i32
      %ne3A_701 = arith.constant 0 : i32
      %ne3A_702 = arith.cmpi ne, %rem3A_700, %ne3A_701 : i32
      %and3A_703 = arith.andi %ne3A_699, %ne3A_702 : i1
      %sub3A_704 = arith.constant 1 : i32
      %sub3A_705 = arith.subi %div3A_684, %sub3A_704 : i32
      %select_n3A_706 = arith.select %and3A_703, %sub3A_705, %div3A_684 : i32
      %add3A_707 = arith.addi %add3A_663, %select_n3A_706 : i32
      %ge3A_708 = vector.broadcast %add3A_707 : i32 to vector<16xi32>
      %ge3A_709 = arith.cmpi sge, %iota3A, %ge3A_708 : vector<16xi32>
      %jit3A_710 = arith.constant 1 : i32
      %jit3A_711 = arith.constant 0 : i32
      %broadcast_in_dim3A_712 = vector.broadcast %jit3A_710 : i32 to vector<16xi32>
      %broadcast_in_dim3A_713 = vector.broadcast %jit3A_711 : i32 to vector<16xi32>
      %select_n3A_714 = arith.select %ge3A_709, %broadcast_in_dim3A_712, %broadcast_in_dim3A_713 : vector<16xi1>, vector<16xi32>
      %add3A_715 = arith.addi %add3A_671, %select_n3A_714 : vector<16xi32>
      %add3A_716 = arith.constant 16 : i32
      %add3A_717 = vector.broadcast %add3A_716 : i32 to vector<16xi32>
      %add3A_718 = arith.addi %iota3A, %add3A_717 : vector<16xi32>
      %ge3A_719 = vector.broadcast %add3A_707 : i32 to vector<16xi32>
      %ge3A_720 = arith.cmpi sge, %add3A_718, %ge3A_719 : vector<16xi32>
      %jit3A_721 = arith.constant 1 : i32
      %jit3A_722 = arith.constant 0 : i32
      %broadcast_in_dim3A_723 = vector.broadcast %jit3A_721 : i32 to vector<16xi32>
      %broadcast_in_dim3A_724 = vector.broadcast %jit3A_722 : i32 to vector<16xi32>
      %select_n3A_725 = arith.select %ge3A_720, %broadcast_in_dim3A_723, %broadcast_in_dim3A_724 : vector<16xi1>, vector<16xi32>
      %add3A_726 = arith.addi %add3A_682, %select_n3A_725 : vector<16xi32>
      %jit3A_727 = arith.constant 256 : i32
      %div3A_728 = arith.divsi %mul3A_306, %jit3A_727 : i32
      %sign3A_729 = arith.constant 0 : i32
      %sign3A_730 = arith.cmpi sgt, %mul3A_306, %sign3A_729 : i32
      %sign3A_731 = arith.extui %sign3A_730 : i1 to i32
      %sign3A_732 = arith.constant 0 : i32
      %sign3A_733 = arith.cmpi slt, %mul3A_306, %sign3A_732 : i32
      %sign3A_734 = arith.extui %sign3A_733 : i1 to i32
      %sign3A_735 = arith.subi %sign3A_731, %sign3A_734 : i32
      %sign3A_736 = arith.constant 0 : i32
      %sign3A_737 = arith.cmpi sgt, %jit3A_727, %sign3A_736 : i32
      %sign3A_738 = arith.extui %sign3A_737 : i1 to i32
      %sign3A_739 = arith.constant 0 : i32
      %sign3A_740 = arith.cmpi slt, %jit3A_727, %sign3A_739 : i32
      %sign3A_741 = arith.extui %sign3A_740 : i1 to i32
      %sign3A_742 = arith.subi %sign3A_738, %sign3A_741 : i32
      %ne3A_743 = arith.cmpi ne, %sign3A_735, %sign3A_742 : i32
      %rem3A_744 = arith.remsi %mul3A_306, %jit3A_727 : i32
      %ne3A_745 = arith.constant 0 : i32
      %ne3A_746 = arith.cmpi ne, %rem3A_744, %ne3A_745 : i32
      %and3A_747 = arith.andi %ne3A_743, %ne3A_746 : i1
      %sub3A_748 = arith.constant 1 : i32
      %sub3A_749 = arith.subi %div3A_728, %sub3A_748 : i32
      %select_n3A_750 = arith.select %and3A_747, %sub3A_749, %div3A_728 : i32
      %add3A_751 = arith.addi %add3A_707, %select_n3A_750 : i32
      %ge3A_752 = vector.broadcast %add3A_751 : i32 to vector<16xi32>
      %ge3A_753 = arith.cmpi sge, %iota3A, %ge3A_752 : vector<16xi32>
      %jit3A_754 = arith.constant 1 : i32
      %jit3A_755 = arith.constant 0 : i32
      %broadcast_in_dim3A_756 = vector.broadcast %jit3A_754 : i32 to vector<16xi32>
      %broadcast_in_dim3A_757 = vector.broadcast %jit3A_755 : i32 to vector<16xi32>
      %select_n3A_758 = arith.select %ge3A_753, %broadcast_in_dim3A_756, %broadcast_in_dim3A_757 : vector<16xi1>, vector<16xi32>
      %add3A_759 = arith.addi %add3A_715, %select_n3A_758 : vector<16xi32>
      %add3A_760 = arith.constant 16 : i32
      %add3A_761 = vector.broadcast %add3A_760 : i32 to vector<16xi32>
      %add3A_762 = arith.addi %iota3A, %add3A_761 : vector<16xi32>
      %ge3A_763 = vector.broadcast %add3A_751 : i32 to vector<16xi32>
      %ge3A_764 = arith.cmpi sge, %add3A_762, %ge3A_763 : vector<16xi32>
      %jit3A_765 = arith.constant 1 : i32
      %jit3A_766 = arith.constant 0 : i32
      %broadcast_in_dim3A_767 = vector.broadcast %jit3A_765 : i32 to vector<16xi32>
      %broadcast_in_dim3A_768 = vector.broadcast %jit3A_766 : i32 to vector<16xi32>
      %select_n3A_769 = arith.select %ge3A_764, %broadcast_in_dim3A_767, %broadcast_in_dim3A_768 : vector<16xi1>, vector<16xi32>
      %add3A_770 = arith.addi %add3A_726, %select_n3A_769 : vector<16xi32>
      %jit3A_771 = arith.constant 256 : i32
      %div3A_772 = arith.divsi %mul3A_336, %jit3A_771 : i32
      %sign3A_773 = arith.constant 0 : i32
      %sign3A_774 = arith.cmpi sgt, %mul3A_336, %sign3A_773 : i32
      %sign3A_775 = arith.extui %sign3A_774 : i1 to i32
      %sign3A_776 = arith.constant 0 : i32
      %sign3A_777 = arith.cmpi slt, %mul3A_336, %sign3A_776 : i32
      %sign3A_778 = arith.extui %sign3A_777 : i1 to i32
      %sign3A_779 = arith.subi %sign3A_775, %sign3A_778 : i32
      %sign3A_780 = arith.constant 0 : i32
      %sign3A_781 = arith.cmpi sgt, %jit3A_771, %sign3A_780 : i32
      %sign3A_782 = arith.extui %sign3A_781 : i1 to i32
      %sign3A_783 = arith.constant 0 : i32
      %sign3A_784 = arith.cmpi slt, %jit3A_771, %sign3A_783 : i32
      %sign3A_785 = arith.extui %sign3A_784 : i1 to i32
      %sign3A_786 = arith.subi %sign3A_782, %sign3A_785 : i32
      %ne3A_787 = arith.cmpi ne, %sign3A_779, %sign3A_786 : i32
      %rem3A_788 = arith.remsi %mul3A_336, %jit3A_771 : i32
      %ne3A_789 = arith.constant 0 : i32
      %ne3A_790 = arith.cmpi ne, %rem3A_788, %ne3A_789 : i32
      %and3A_791 = arith.andi %ne3A_787, %ne3A_790 : i1
      %sub3A_792 = arith.constant 1 : i32
      %sub3A_793 = arith.subi %div3A_772, %sub3A_792 : i32
      %select_n3A_794 = arith.select %and3A_791, %sub3A_793, %div3A_772 : i32
      %add3A_795 = arith.addi %add3A_751, %select_n3A_794 : i32
      %ge3A_796 = vector.broadcast %add3A_795 : i32 to vector<16xi32>
      %ge3A_797 = arith.cmpi sge, %iota3A, %ge3A_796 : vector<16xi32>
      %jit3A_798 = arith.constant 1 : i32
      %jit3A_799 = arith.constant 0 : i32
      %broadcast_in_dim3A_800 = vector.broadcast %jit3A_798 : i32 to vector<16xi32>
      %broadcast_in_dim3A_801 = vector.broadcast %jit3A_799 : i32 to vector<16xi32>
      %select_n3A_802 = arith.select %ge3A_797, %broadcast_in_dim3A_800, %broadcast_in_dim3A_801 : vector<16xi1>, vector<16xi32>
      %add3A_803 = arith.addi %add3A_759, %select_n3A_802 : vector<16xi32>
      %add3A_804 = arith.constant 16 : i32
      %add3A_805 = vector.broadcast %add3A_804 : i32 to vector<16xi32>
      %add3A_806 = arith.addi %iota3A, %add3A_805 : vector<16xi32>
      %ge3A_807 = vector.broadcast %add3A_795 : i32 to vector<16xi32>
      %ge3A_808 = arith.cmpi sge, %add3A_806, %ge3A_807 : vector<16xi32>
      %jit3A_809 = arith.constant 1 : i32
      %jit3A_810 = arith.constant 0 : i32
      %broadcast_in_dim3A_811 = vector.broadcast %jit3A_809 : i32 to vector<16xi32>
      %broadcast_in_dim3A_812 = vector.broadcast %jit3A_810 : i32 to vector<16xi32>
      %select_n3A_813 = arith.select %ge3A_808, %broadcast_in_dim3A_811, %broadcast_in_dim3A_812 : vector<16xi1>, vector<16xi32>
      %add3A_814 = arith.addi %add3A_770, %select_n3A_813 : vector<16xi32>
      %min3A = arith.constant 7 : i32
      %min3A_815 = vector.broadcast %min3A : i32 to vector<16xi32>
      %min3A_816 = arith.minsi %add3A_803, %min3A_815 : vector<16xi32>
      %swap3A = arith.constant 0 : index
      %swap3A_817 = tpu.vector_load %arg20[%swap3A] {strides = array<i32>} : memref<32xi32, #tpu.memory_space<vmem>>, vector<16xi32>,
      tpu.vector_store %arg20[%swap3A], %min3A_816 {strides = array<i32>} : memref<32xi32, #tpu.memory_space<vmem>>, vector<16xi32>,
      %min3A_818 = arith.constant 7 : i32
      %min3A_819 = vector.broadcast %min3A_818 : i32 to vector<16xi32>
      %min3A_820 = arith.minsi %add3A_814, %min3A_819 : vector<16xi32>
      %swap3A_821 = arith.constant 16 : index
      %swap3A_822 = tpu.vector_load %arg20[%swap3A_821] {strides = array<i32>} : memref<32xi32, #tpu.memory_space<vmem>>, vector<16xi32>,
      tpu.vector_store %arg20[%swap3A_821], %min3A_820 {strides = array<i32>} : memref<32xi32, #tpu.memory_space<vmem>>, vector<16xi32>,
      "tpu.region"() ({
        %run_scoped3A = tpu.sem_alloc : memref<!tpu.dma_semaphore, #tpu.memory_space<semaphore_mem>>
        tpu.enqueue_dma source(%arg20 : memref<32xi32, #tpu.memory_space<vmem>>) target(%arg10 : memref<32xi32, #tpu.memory_space<hbm>>) target_semaphore(%run_scoped3A : memref<!tpu.dma_semaphore, #tpu.memory_space<semaphore_mem>>)
        tpu.wait_dma2 semaphore(%run_scoped3A : memref<!tpu.dma_semaphore, #tpu.memory_space<semaphore_mem>>) src(%arg20 : memref<32xi32, #tpu.memory_space<vmem>>) dst(%arg10 : memref<32xi32, #tpu.memory_space<hbm>>)
        tpu.yield
      }) : () -> ()
    } else {
    }
    %barrier3A_427 = arith.constant 0 : index
    tpu.barrier barrier_id(%barrier3A_427)
    %mul3A_428 = arith.constant 192 : i32
    %mul3A_429 = arith.muli %add3A, %mul3A_428 : i32
    %mul3A_430 = arith.constant 6144 : i32
    %mul3A_431 = arith.muli %arg0, %mul3A_430 : i32
    %add3A_432 = arith.addi %mul3A_431, %mul3A_429 : i32
    %add3A_433 = arith.constant 0 : i32
    %add3A_434 = arith.addi %add3A_432, %add3A_433 : i32
    %multiple_of3A_435 = tpu.assume_multiple %add3A_434, 8 : i32
    "tpu.region"() ({
      %run_scoped3A = tpu.sem_alloc : memref<!tpu.dma_semaphore, #tpu.memory_space<semaphore_mem>>
      %dma_start3A_458 = tpu.memref_slice %arg11[%multiple_of3A_435] : memref<12288xi32, #tpu.memory_space<hbm>> -> memref<96xi32, #tpu.memory_space<hbm>>
      %dma_start3A_459 = tpu.memref_slice %arg11[%multiple_of3A_435] : memref<12288xi32, #tpu.memory_space<hbm>> -> memref<96xi32, #tpu.memory_space<hbm>>
      tpu.enqueue_dma source(%dma_start3A_459 : memref<96xi32, #tpu.memory_space<hbm>>) target(%arg23 : memref<96xi32, #tpu.memory_space<vmem>>) target_semaphore(%run_scoped3A : memref<!tpu.dma_semaphore, #tpu.memory_space<semaphore_mem>>)
      %dma_wait3A_460 = tpu.memref_slice %arg11[%multiple_of3A_435] : memref<12288xi32, #tpu.memory_space<hbm>> -> memref<96xi32, #tpu.memory_space<hbm>>
      %dma_wait3A_461 = tpu.memref_slice %arg11[%multiple_of3A_435] : memref<12288xi32, #tpu.memory_space<hbm>> -> memref<96xi32, #tpu.memory_space<hbm>>
      tpu.wait_dma2 semaphore(%run_scoped3A : memref<!tpu.dma_semaphore, #tpu.memory_space<semaphore_mem>>) src(%dma_wait3A_461 : memref<96xi32, #tpu.memory_space<hbm>>) dst(%arg23 : memref<96xi32, #tpu.memory_space<vmem>>)
      tpu.yield
    }) : () -> ()
    %dma_start3A = arith.constant 0 : i32
    %dma_start3A_436 = arith.constant 0 : i32
    %dma_start3A_437 = tpu.memref_slice %arg6[%dma_start3A, %dma_start3A_436] : memref<2048x768xf32, #tpu.memory_space<hbm>> -> memref<2048x768xf32, #tpu.memory_space<hbm>>
    tpu.enqueue_indirect_dma source(%dma_start3A_437 : memref<2048x768xf32, #tpu.memory_space<hbm>>) target(%arg24 : memref<96x768xf32, #tpu.memory_space<vmem>>) offsets(%arg23 : memref<96xi32, #tpu.memory_space<vmem>>) semaphore(%arg26 : memref<!tpu.dma_semaphore, #tpu.memory_space<semaphore_mem>>)
    %dma_wait3A = arith.constant 0 : i32
    %dma_wait3A_438 = arith.constant 0 : i32
    %dma_wait3A_439 = tpu.memref_slice %arg6[%dma_wait3A, %dma_wait3A_438] : memref<2048x768xf32, #tpu.memory_space<hbm>> -> memref<2048x768xf32, #tpu.memory_space<hbm>>
    tpu.wait_indirect_dma semaphore(%arg26 : memref<!tpu.dma_semaphore, #tpu.memory_space<semaphore_mem>>) src(%dma_wait3A_439 : memref<2048x768xf32, #tpu.memory_space<hbm>>) dst(%arg24 : memref<96x768xf32, #tpu.memory_space<vmem>>)
    %add3A_440 = arith.constant 0 : i32
    %add3A_441 = arith.addi %mul3A_429, %add3A_440 : i32
    %multiple_of3A_442 = tpu.assume_multiple %add3A_441, 8 : i32
    "tpu.region"() ({
      %run_scoped3A = tpu.sem_alloc : memref<!tpu.dma_semaphore, #tpu.memory_space<semaphore_mem>>
      %dma_start3A_458 = arith.constant 0 : i32
      %dma_start3A_459 = tpu.memref_slice %arg7[%multiple_of3A_442, %dma_start3A_458] : memref<6144x768xf32, #tpu.memory_space<hbm>> -> memref<96x768xf32, #tpu.memory_space<hbm>>
      %dma_start3A_460 = arith.constant 0 : i32
      %dma_start3A_461 = tpu.memref_slice %arg7[%multiple_of3A_442, %dma_start3A_460] : memref<6144x768xf32, #tpu.memory_space<hbm>> -> memref<96x768xf32, #tpu.memory_space<hbm>>
      tpu.enqueue_dma source(%arg24 : memref<96x768xf32, #tpu.memory_space<vmem>>) target(%dma_start3A_461 : memref<96x768xf32, #tpu.memory_space<hbm>>) target_semaphore(%run_scoped3A : memref<!tpu.dma_semaphore, #tpu.memory_space<semaphore_mem>>)
      %dma_wait3A_462 = arith.constant 0 : i32
      %dma_wait3A_463 = tpu.memref_slice %arg7[%multiple_of3A_442, %dma_wait3A_462] : memref<6144x768xf32, #tpu.memory_space<hbm>> -> memref<96x768xf32, #tpu.memory_space<hbm>>
      %dma_wait3A_464 = arith.constant 0 : i32
      %dma_wait3A_465 = tpu.memref_slice %arg7[%multiple_of3A_442, %dma_wait3A_464] : memref<6144x768xf32, #tpu.memory_space<hbm>> -> memref<96x768xf32, #tpu.memory_space<hbm>>
      tpu.wait_dma2 semaphore(%run_scoped3A : memref<!tpu.dma_semaphore, #tpu.memory_space<semaphore_mem>>) src(%arg24 : memref<96x768xf32, #tpu.memory_space<vmem>>) dst(%dma_wait3A_465 : memref<96x768xf32, #tpu.memory_space<hbm>>)
      tpu.yield
    }) : () -> ()
    %mul3A_443 = arith.constant 6144 : i32
    %mul3A_444 = arith.muli %arg0, %mul3A_443 : i32
    %add3A_445 = arith.addi %mul3A_444, %mul3A_429 : i32
    %add3A_446 = arith.constant 96 : i32
    %add3A_447 = arith.addi %add3A_445, %add3A_446 : i32
    %multiple_of3A_448 = tpu.assume_multiple %add3A_447, 8 : i32
    "tpu.region"() ({
      %run_scoped3A = tpu.sem_alloc : memref<!tpu.dma_semaphore, #tpu.memory_space<semaphore_mem>>
      %dma_start3A_458 = tpu.memref_slice %arg11[%multiple_of3A_448] : memref<12288xi32, #tpu.memory_space<hbm>> -> memref<96xi32, #tpu.memory_space<hbm>>
      %dma_start3A_459 = tpu.memref_slice %arg11[%multiple_of3A_448] : memref<12288xi32, #tpu.memory_space<hbm>> -> memref<96xi32, #tpu.memory_space<hbm>>
      tpu.enqueue_dma source(%dma_start3A_459 : memref<96xi32, #tpu.memory_space<hbm>>) target(%arg23 : memref<96xi32, #tpu.memory_space<vmem>>) target_semaphore(%run_scoped3A : memref<!tpu.dma_semaphore, #tpu.memory_space<semaphore_mem>>)
      %dma_wait3A_460 = tpu.memref_slice %arg11[%multiple_of3A_448] : memref<12288xi32, #tpu.memory_space<hbm>> -> memref<96xi32, #tpu.memory_space<hbm>>
      %dma_wait3A_461 = tpu.memref_slice %arg11[%multiple_of3A_448] : memref<12288xi32, #tpu.memory_space<hbm>> -> memref<96xi32, #tpu.memory_space<hbm>>
      tpu.wait_dma2 semaphore(%run_scoped3A : memref<!tpu.dma_semaphore, #tpu.memory_space<semaphore_mem>>) src(%dma_wait3A_461 : memref<96xi32, #tpu.memory_space<hbm>>) dst(%arg23 : memref<96xi32, #tpu.memory_space<vmem>>)
      tpu.yield
    }) : () -> ()
    %dma_start3A_449 = arith.constant 0 : i32
    %dma_start3A_450 = arith.constant 0 : i32
    %dma_start3A_451 = tpu.memref_slice %arg6[%dma_start3A_449, %dma_start3A_450] : memref<2048x768xf32, #tpu.memory_space<hbm>> -> memref<2048x768xf32, #tpu.memory_space<hbm>>
    tpu.enqueue_indirect_dma source(%dma_start3A_451 : memref<2048x768xf32, #tpu.memory_space<hbm>>) target(%arg24 : memref<96x768xf32, #tpu.memory_space<vmem>>) offsets(%arg23 : memref<96xi32, #tpu.memory_space<vmem>>) semaphore(%arg26 : memref<!tpu.dma_semaphore, #tpu.memory_space<semaphore_mem>>)
    %dma_wait3A_452 = arith.constant 0 : i32
    %dma_wait3A_453 = arith.constant 0 : i32
    %dma_wait3A_454 = tpu.memref_slice %arg6[%dma_wait3A_452, %dma_wait3A_453] : memref<2048x768xf32, #tpu.memory_space<hbm>> -> memref<2048x768xf32, #tpu.memory_space<hbm>>
    tpu.wait_indirect_dma semaphore(%arg26 : memref<!tpu.dma_semaphore, #tpu.memory_space<semaphore_mem>>) src(%dma_wait3A_454 : memref<2048x768xf32, #tpu.memory_space<hbm>>) dst(%arg24 : memref<96x768xf32, #tpu.memory_space<vmem>>)
    %add3A_455 = arith.constant 96 : i32
    %add3A_456 = arith.addi %mul3A_429, %add3A_455 : i32
    %multiple_of3A_457 = tpu.assume_multiple %add3A_456, 8 : i32
    "tpu.region"() ({
      %run_scoped3A = tpu.sem_alloc : memref<!tpu.dma_semaphore, #tpu.memory_space<semaphore_mem>>
      %dma_start3A_458 = arith.constant 0 : i32
      %dma_start3A_459 = tpu.memref_slice %arg7[%multiple_of3A_457, %dma_start3A_458] : memref<6144x768xf32, #tpu.memory_space<hbm>> -> memref<96x768xf32, #tpu.memory_space<hbm>>
      %dma_start3A_460 = arith.constant 0 : i32
      %dma_start3A_461 = tpu.memref_slice %arg7[%multiple_of3A_457, %dma_start3A_460] : memref<6144x768xf32, #tpu.memory_space<hbm>> -> memref<96x768xf32, #tpu.memory_space<hbm>>
      tpu.enqueue_dma source(%arg24 : memref<96x768xf32, #tpu.memory_space<vmem>>) target(%dma_start3A_461 : memref<96x768xf32, #tpu.memory_space<hbm>>) target_semaphore(%run_scoped3A : memref<!tpu.dma_semaphore, #tpu.memory_space<semaphore_mem>>)
      %dma_wait3A_462 = arith.constant 0 : i32
      %dma_wait3A_463 = tpu.memref_slice %arg7[%multiple_of3A_457, %dma_wait3A_462] : memref<6144x768xf32, #tpu.memory_space<hbm>> -> memref<96x768xf32, #tpu.memory_space<hbm>>
      %dma_wait3A_464 = arith.constant 0 : i32
      %dma_wait3A_465 = tpu.memref_slice %arg7[%multiple_of3A_457, %dma_wait3A_464] : memref<6144x768xf32, #tpu.memory_space<hbm>> -> memref<96x768xf32, #tpu.memory_space<hbm>>
      tpu.wait_dma2 semaphore(%run_scoped3A : memref<!tpu.dma_semaphore, #tpu.memory_space<semaphore_mem>>) src(%arg24 : memref<96x768xf32, #tpu.memory_space<vmem>>) dst(%dma_wait3A_465 : memref<96x768xf32, #tpu.memory_space<hbm>>)
      tpu.yield
    }) : () -> ()
    return
  }
}

module attributes {stable_mosaic.version = 14 : i64} {
  func.func @_router_body(%arg0: i32, %arg1: memref<512x768xf32, #tpu.memory_space<vmem>>, %arg2: memref<768x8xf32, #tpu.memory_space<vmem>>, %arg3: memref<1x8xf32, #tpu.memory_space<vmem>>, %arg4: memref<512xi32, #tpu.memory_space<vmem>>, %arg5: memref<512xi32, #tpu.memory_space<vmem>>, %arg6: memref<512xf32, #tpu.memory_space<vmem>>, %arg7: memref<512xf32, #tpu.memory_space<vmem>>) attributes {dimension_semantics = [#tpu.dimension_semantics<arbitrary>], iteration_bounds = array<i64: 4>, scalar_prefetch = 0 : i64, scratch_operands = 0 : i64, tpu.core_type = #tpu.core_type<tc>, window_params = [{transform_indices = @transform_0, window_bounds = array<i64: 512, 768>}, {pipeline_mode = #tpu.pipeline_mode<synchronous>, transform_indices = @transform_1, window_bounds = array<i64: 768, 8>}, {pipeline_mode = #tpu.pipeline_mode<synchronous>, transform_indices = @transform_2, window_bounds = array<i64: 1, 8>}, {transform_indices = @transform_3, window_bounds = array<i64: 512>}, {transform_indices = @transform_4, window_bounds = array<i64: 512>}, {transform_indices = @transform_5, window_bounds = array<i64: 512>}, {transform_indices = @transform_6, window_bounds = array<i64: 512>}]} {
    %get3A = arith.constant 0 : index
    %get3A_0 = arith.constant 0 : index
    %get3A_1 = vector.load %arg1[%get3A, %get3A_0] : memref<512x768xf32, #tpu.memory_space<vmem>>, vector<512x768xf32>
    %get3A_2 = arith.constant 0 : index
    %get3A_3 = arith.constant 0 : index
    %get3A_4 = vector.load %arg2[%get3A_2, %get3A_3] : memref<768x8xf32, #tpu.memory_space<vmem>>, vector<768x8xf32>
    %dot_general3A = arith.constant dense<0.000000e+00> : vector<512x8xf32>
    %dot_general3A_5 = tpu.matmul %get3A_1, %get3A_4, %dot_general3A {dimension_numbers = #tpu.dot_dimension_numbers<[1], [0], [0], [1], [0, 0, 1, 1], [], []>, transpose_lhs_hint = false} : vector<512x768xf32>, vector<768x8xf32>, vector<512x8xf32> -> vector<512x8xf32>
    %get3A_6 = arith.constant 0 : index
    %get3A_7 = arith.constant 0 : index
    %get3A_8 = vector.load %arg3[%get3A_6, %get3A_7] : memref<1x8xf32, #tpu.memory_space<vmem>>, vector<1x8xf32>
    %add3A = vector.broadcast %get3A_8 : vector<1x8xf32> to vector<512x8xf32>
    %add3A_9 = arith.addf %dot_general3A_5, %add3A : vector<512x8xf32>
    %reduce_max3A = arith.constant dense<0xFF800000> : vector<512xf32>
    %reduce_max3A_10 = vector.multi_reduction <maximumf>, %add3A_9, %reduce_max3A [1] : vector<512x8xf32> to vector<512xf32>
    %broadcast_in_dim3A = vector.shape_cast %reduce_max3A_10 : vector<512xf32> to vector<512x1xf32>
    %sub3A = vector.broadcast %broadcast_in_dim3A : vector<512x1xf32> to vector<512x8xf32>
    %sub3A_11 = arith.subf %add3A_9, %sub3A : vector<512x8xf32>
    %exp3A = math.exp %sub3A_11 : vector<512x8xf32>
    %reduce_sum3A = arith.constant dense<0.000000e+00> : vector<512xf32>
    %reduce_sum3A_12 = vector.multi_reduction <add>, %exp3A, %reduce_sum3A [1] : vector<512x8xf32> to vector<512xf32>
    %broadcast_in_dim3A_13 = vector.shape_cast %reduce_sum3A_12 : vector<512xf32> to vector<512x1xf32>
    %div3A = vector.broadcast %broadcast_in_dim3A_13 : vector<512x1xf32> to vector<512x8xf32>
    %div3A_14 = arith.divf %exp3A, %div3A : vector<512x8xf32>
    %iota3A = tpu.iota {dimensions = array<i32: 1>} : vector<512x8xi32>
    %reduce_max3A_15 = arith.constant dense<0xFF800000> : vector<512xf32>
    %reduce_max3A_16 = vector.multi_reduction <maximumf>, %div3A_14, %reduce_max3A_15 [1] : vector<512x8xf32> to vector<512xf32>
    %broadcast_in_dim3A_17 = vector.shape_cast %reduce_max3A_16 : vector<512xf32> to vector<512x1xf32>
    %eq3A = vector.broadcast %broadcast_in_dim3A_17 : vector<512x1xf32> to vector<512x8xf32>
    %eq3A_18 = arith.cmpf oeq, %div3A_14, %eq3A : vector<512x8xf32>
    %jit3A = arith.constant 8 : i32
    %broadcast_in_dim3A_19 = vector.broadcast %jit3A : i32 to vector<512x8xi32>
    %select_n3A = arith.select %eq3A_18, %iota3A, %broadcast_in_dim3A_19 : vector<512x8xi1>, vector<512x8xi32>
    %reduce_min3A = arith.constant dense<2147483647> : vector<512xi32>
    %reduce_min3A_20 = vector.multi_reduction <minsi>, %select_n3A, %reduce_min3A [1] : vector<512x8xi32> to vector<512xi32>
    %broadcast_in_dim3A_21 = vector.shape_cast %reduce_min3A_20 : vector<512xi32> to vector<512x1xi32>
    %eq3A_22 = vector.broadcast %broadcast_in_dim3A_21 : vector<512x1xi32> to vector<512x8xi32>
    %eq3A_23 = arith.cmpi eq, %iota3A, %eq3A_22 : vector<512x8xi32>
    %jit3A_24 = arith.constant 0xFF800000 : f32
    %broadcast_in_dim3A_25 = vector.broadcast %jit3A_24 : f32 to vector<512x8xf32>
    %select_n3A_26 = arith.select %eq3A_23, %broadcast_in_dim3A_25, %div3A_14 : vector<512x8xi1>, vector<512x8xf32>
    %reduce_max3A_27 = arith.constant dense<0xFF800000> : vector<512xf32>
    %reduce_max3A_28 = vector.multi_reduction <maximumf>, %select_n3A_26, %reduce_max3A_27 [1] : vector<512x8xf32> to vector<512xf32>
    %broadcast_in_dim3A_29 = vector.shape_cast %reduce_max3A_28 : vector<512xf32> to vector<512x1xf32>
    %eq3A_30 = vector.broadcast %broadcast_in_dim3A_29 : vector<512x1xf32> to vector<512x8xf32>
    %eq3A_31 = arith.cmpf oeq, %select_n3A_26, %eq3A_30 : vector<512x8xf32>
    %jit3A_32 = arith.constant 8 : i32
    %broadcast_in_dim3A_33 = vector.broadcast %jit3A_32 : i32 to vector<512x8xi32>
    %select_n3A_34 = arith.select %eq3A_31, %iota3A, %broadcast_in_dim3A_33 : vector<512x8xi1>, vector<512x8xi32>
    %reduce_min3A_35 = arith.constant dense<2147483647> : vector<512xi32>
    %reduce_min3A_36 = vector.multi_reduction <minsi>, %select_n3A_34, %reduce_min3A_35 [1] : vector<512x8xi32> to vector<512xi32>
    %broadcast_in_dim3A_37 = vector.shape_cast %reduce_min3A_36 : vector<512xi32> to vector<512x1xi32>
    %add3A_38 = arith.addf %broadcast_in_dim3A_17, %broadcast_in_dim3A_29 : vector<512x1xf32>
    %max3A = arith.constant 9.99999971E-10 : f32
    %max3A_39 = vector.broadcast %max3A : f32 to vector<512x1xf32>
    %max3A_40 = arith.maximumf %add3A_38, %max3A_39 : vector<512x1xf32>
    %div3A_41 = arith.constant 5.000000e-01 : f32
    %div3A_42 = vector.broadcast %div3A_41 : f32 to vector<512x1xf32>
    %div3A_43 = arith.divf %div3A_42, %max3A_40 : vector<512x1xf32>
    %squeeze3A = vector.shape_cast %broadcast_in_dim3A_21 : vector<512x1xi32> to vector<512xi32>
    %swap3A = arith.constant 0 : index
    %swap3A_44 = vector.load %arg4[%swap3A] : memref<512xi32, #tpu.memory_space<vmem>>, vector<512xi32>
    tpu.vector_store %arg4[%swap3A], %squeeze3A {strides = array<i32>} : memref<512xi32, #tpu.memory_space<vmem>>, vector<512xi32>,
    %squeeze3A_45 = vector.shape_cast %broadcast_in_dim3A_37 : vector<512x1xi32> to vector<512xi32>
    %swap3A_46 = arith.constant 0 : index
    %swap3A_47 = vector.load %arg5[%swap3A_46] : memref<512xi32, #tpu.memory_space<vmem>>, vector<512xi32>
    tpu.vector_store %arg5[%swap3A_46], %squeeze3A_45 {strides = array<i32>} : memref<512xi32, #tpu.memory_space<vmem>>, vector<512xi32>,
    %mul3A = arith.mulf %broadcast_in_dim3A_17, %div3A_43 : vector<512x1xf32>
    %squeeze3A_48 = vector.shape_cast %mul3A : vector<512x1xf32> to vector<512xf32>
    %swap3A_49 = arith.constant 0 : index
    %swap3A_50 = vector.load %arg6[%swap3A_49] : memref<512xf32, #tpu.memory_space<vmem>>, vector<512xf32>
    tpu.vector_store %arg6[%swap3A_49], %squeeze3A_48 {strides = array<i32>} : memref<512xf32, #tpu.memory_space<vmem>>, vector<512xf32>,
    %mul3A_51 = arith.mulf %broadcast_in_dim3A_29, %div3A_43 : vector<512x1xf32>
    %squeeze3A_52 = vector.shape_cast %mul3A_51 : vector<512x1xf32> to vector<512xf32>
    %swap3A_53 = arith.constant 0 : index
    %swap3A_54 = vector.load %arg7[%swap3A_53] : memref<512xf32, #tpu.memory_space<vmem>>, vector<512xf32>
    tpu.vector_store %arg7[%swap3A_53], %squeeze3A_52 {strides = array<i32>} : memref<512xf32, #tpu.memory_space<vmem>>, vector<512xf32>,
    return
  }
  func.func @transform_0(%arg0: i32) -> (i32, i32) {
    %c0_i32 = arith.constant 0 : i32
    %c0_i32_0 = arith.constant 0 : i32
    return %arg0, %c0_i32 : i32, i32
  }
  func.func @transform_1(%arg0: i32) -> (i32, i32) {
    %c0_i32 = arith.constant 0 : i32
    %c0_i32_0 = arith.constant 0 : i32
    %c0_i32_1 = arith.constant 0 : i32
    return %c0_i32, %c0_i32_0 : i32, i32
  }
  func.func @transform_2(%arg0: i32) -> (i32, i32) {
    %c0_i32 = arith.constant 0 : i32
    %c0_i32_0 = arith.constant 0 : i32
    %c0_i32_1 = arith.constant 0 : i32
    return %c0_i32, %c0_i32_0 : i32, i32
  }
  func.func @transform_3(%arg0: i32) -> i32 {
    %c0_i32 = arith.constant 0 : i32
    return %arg0 : i32
  }
  func.func @transform_4(%arg0: i32) -> i32 {
    %c0_i32 = arith.constant 0 : i32
    return %arg0 : i32
  }
  func.func @transform_5(%arg0: i32) -> i32 {
    %c0_i32 = arith.constant 0 : i32
    return %arg0 : i32
  }
  func.func @transform_6(%arg0: i32) -> i32 {
    %c0_i32 = arith.constant 0 : i32
    return %arg0 : i32
  }
}

module attributes {stable_mosaic.version = 14 : i64} {
  func.func @_group_body(%arg0: i32, %arg1: memref<32xi32, #tpu.memory_space<smem>>, %arg2: memref<256x768xf32, #tpu.memory_space<vmem>>, %arg3: memref<1x768x256xf32, #tpu.memory_space<vmem>>, %arg4: memref<1x1x256xf32, #tpu.memory_space<vmem>>, %arg5: memref<1x1x256xf32, #tpu.memory_space<vmem>>, %arg6: memref<1x1x256xf32, #tpu.memory_space<vmem>>, %arg7: memref<1x256x768xf32, #tpu.memory_space<vmem>>, %arg8: memref<1x1x768xf32, #tpu.memory_space<vmem>>, %arg9: memref<1x1x256xf32, #tpu.memory_space<vmem>>, %arg10: memref<256x768xf32, #tpu.memory_space<vmem>>) attributes {dimension_semantics = [#tpu.dimension_semantics<arbitrary>], iteration_bounds = array<i64: 24>, scalar_prefetch = 1 : i64, scratch_operands = 0 : i64, tpu.core_type = #tpu.core_type<tc>, window_params = [{transform_indices = @transform_0, window_bounds = array<i64: 256, 768>}, {transform_indices = @transform_1, window_bounds = array<i64: 1, 768, 256>}, {transform_indices = @transform_2, window_bounds = array<i64: 1, 1, 256>}, {transform_indices = @transform_3, window_bounds = array<i64: 1, 1, 256>}, {transform_indices = @transform_4, window_bounds = array<i64: 1, 1, 256>}, {transform_indices = @transform_5, window_bounds = array<i64: 1, 256, 768>}, {transform_indices = @transform_6, window_bounds = array<i64: 1, 1, 768>}, {transform_indices = @transform_7, window_bounds = array<i64: 1, 1, 256>}, {transform_indices = @transform_8, window_bounds = array<i64: 256, 768>}]} {
    %get3A = arith.constant 0 : index
    %get3A_0 = arith.constant 0 : index
    %get3A_1 = vector.load %arg2[%get3A, %get3A_0] : memref<256x768xf32, #tpu.memory_space<vmem>>, vector<256x768xf32>
    %get3A_2 = arith.constant 0 : index
    %get3A_3 = arith.constant 0 : index
    %get3A_4 = arith.constant 0 : index
    %get3A_5 = vector.load %arg3[%get3A_2, %get3A_3, %get3A_4] : memref<1x768x256xf32, #tpu.memory_space<vmem>>, vector<1x768x256xf32>
    %get3A_6 = vector.shape_cast %get3A_5 : vector<1x768x256xf32> to vector<768x256xf32>
    %dot_general3A = arith.constant dense<0.000000e+00> : vector<256x256xf32>
    %dot_general3A_7 = tpu.matmul %get3A_1, %get3A_6, %dot_general3A {dimension_numbers = #tpu.dot_dimension_numbers<[1], [0], [0], [1], [0, 0, 1, 1], [], []>, transpose_lhs_hint = false} : vector<256x768xf32>, vector<768x256xf32>, vector<256x256xf32> -> vector<256x256xf32>
    %get3A_8 = arith.constant 0 : index
    %get3A_9 = arith.constant 0 : index
    %get3A_10 = arith.constant 0 : index
    %get3A_11 = vector.load %arg4[%get3A_8, %get3A_9, %get3A_10] : memref<1x1x256xf32, #tpu.memory_space<vmem>>, vector<1x1x256xf32>
    %get3A_12 = vector.shape_cast %get3A_11 : vector<1x1x256xf32> to vector<1x256xf32>
    %add3A = vector.broadcast %get3A_12 : vector<1x256xf32> to vector<256x256xf32>
    %add3A_13 = arith.addf %dot_general3A_7, %add3A : vector<256x256xf32>
    %reduce_sum3A = arith.constant dense<0.000000e+00> : vector<256xf32>
    %reduce_sum3A_14 = vector.multi_reduction <add>, %add3A_13, %reduce_sum3A [1] : vector<256x256xf32> to vector<256xf32>
    %broadcast_in_dim3A = vector.shape_cast %reduce_sum3A_14 : vector<256xf32> to vector<256x1xf32>
    %mul3A = arith.mulf %add3A_13, %add3A_13 : vector<256x256xf32>
    %reduce_sum3A_15 = arith.constant dense<0.000000e+00> : vector<256xf32>
    %reduce_sum3A_16 = vector.multi_reduction <add>, %mul3A, %reduce_sum3A_15 [1] : vector<256x256xf32> to vector<256xf32>
    %broadcast_in_dim3A_17 = vector.shape_cast %reduce_sum3A_16 : vector<256xf32> to vector<256x1xf32>
    %mul3A_18 = arith.constant 3.906250e-03 : f32
    %mul3A_19 = vector.broadcast %mul3A_18 : f32 to vector<256x1xf32>
    %mul3A_20 = arith.mulf %broadcast_in_dim3A, %mul3A_19 : vector<256x1xf32>
    %mul3A_21 = arith.constant 3.906250e-03 : f32
    %mul3A_22 = vector.broadcast %mul3A_21 : f32 to vector<256x1xf32>
    %mul3A_23 = arith.mulf %broadcast_in_dim3A_17, %mul3A_22 : vector<256x1xf32>
    %mul3A_24 = arith.mulf %mul3A_20, %mul3A_20 : vector<256x1xf32>
    %sub3A = arith.subf %mul3A_23, %mul3A_24 : vector<256x1xf32>
    %sub3A_25 = vector.broadcast %mul3A_20 : vector<256x1xf32> to vector<256x256xf32>
    %sub3A_26 = arith.subf %add3A_13, %sub3A_25 : vector<256x256xf32>
    %add3A_27 = arith.constant 9.99999974E-6 : f32
    %add3A_28 = vector.broadcast %add3A_27 : f32 to vector<256x1xf32>
    %add3A_29 = arith.addf %sub3A, %add3A_28 : vector<256x1xf32>
    %rsqrt3A = math.rsqrt %add3A_29 : vector<256x1xf32>
    %mul3A_30 = vector.broadcast %rsqrt3A : vector<256x1xf32> to vector<256x256xf32>
    %mul3A_31 = arith.mulf %sub3A_26, %mul3A_30 : vector<256x256xf32>
    %get3A_32 = arith.constant 0 : index
    %get3A_33 = arith.constant 0 : index
    %get3A_34 = arith.constant 0 : index
    %get3A_35 = vector.load %arg5[%get3A_32, %get3A_33, %get3A_34] : memref<1x1x256xf32, #tpu.memory_space<vmem>>, vector<1x1x256xf32>
    %get3A_36 = vector.shape_cast %get3A_35 : vector<1x1x256xf32> to vector<1x256xf32>
    %mul3A_37 = vector.broadcast %get3A_36 : vector<1x256xf32> to vector<256x256xf32>
    %mul3A_38 = arith.mulf %mul3A_31, %mul3A_37 : vector<256x256xf32>
    %get3A_39 = arith.constant 0 : index
    %get3A_40 = arith.constant 0 : index
    %get3A_41 = arith.constant 0 : index
    %get3A_42 = vector.load %arg6[%get3A_39, %get3A_40, %get3A_41] : memref<1x1x256xf32, #tpu.memory_space<vmem>>, vector<1x1x256xf32>
    %get3A_43 = vector.shape_cast %get3A_42 : vector<1x1x256xf32> to vector<1x256xf32>
    %add3A_44 = vector.broadcast %get3A_43 : vector<1x256xf32> to vector<256x256xf32>
    %add3A_45 = arith.addf %mul3A_38, %add3A_44 : vector<256x256xf32>
    %get3A_46 = arith.constant 0 : index
    %get3A_47 = arith.constant 0 : index
    %get3A_48 = arith.constant 0 : index
    %get3A_49 = vector.load %arg9[%get3A_46, %get3A_47, %get3A_48] : memref<1x1x256xf32, #tpu.memory_space<vmem>>, vector<1x1x256xf32>
    %get3A_50 = vector.shape_cast %get3A_49 : vector<1x1x256xf32> to vector<1x256xf32>
    %transpose3A = tpu.transpose %get3A_50, [1, 0] : vector<1x256xf32> -> vector<256x1xf32>
    %mul3A_51 = vector.broadcast %transpose3A : vector<256x1xf32> to vector<256x256xf32>
    %mul3A_52 = arith.mulf %mul3A_51, %add3A_45 : vector<256x256xf32>
    %mul3A_53 = arith.constant 0.707106769 : f32
    %mul3A_54 = vector.broadcast %mul3A_53 : f32 to vector<256x256xf32>
    %mul3A_55 = arith.mulf %add3A_45, %mul3A_54 : vector<256x256xf32>
    %erf3A = math.erf %mul3A_55 : vector<256x256xf32>
    %mul3A_56 = arith.mulf %mul3A_52, %erf3A : vector<256x256xf32>
    %add3A_57 = arith.addf %mul3A_52, %mul3A_56 : vector<256x256xf32>
    %get3A_58 = arith.constant 0 : index
    %get3A_59 = arith.constant 0 : index
    %get3A_60 = arith.constant 0 : index
    %get3A_61 = vector.load %arg7[%get3A_58, %get3A_59, %get3A_60] : memref<1x256x768xf32, #tpu.memory_space<vmem>>, vector<1x256x768xf32>
    %get3A_62 = vector.shape_cast %get3A_61 : vector<1x256x768xf32> to vector<256x768xf32>
    %dot_general3A_63 = arith.constant dense<0.000000e+00> : vector<256x768xf32>
    %dot_general3A_64 = tpu.matmul %add3A_57, %get3A_62, %dot_general3A_63 {dimension_numbers = #tpu.dot_dimension_numbers<[1], [0], [0], [1], [0, 0, 1, 1], [], []>, transpose_lhs_hint = false} : vector<256x256xf32>, vector<256x768xf32>, vector<256x768xf32> -> vector<256x768xf32>
    %mul3A_65 = arith.constant 2.000000e+00 : f32
    %mul3A_66 = vector.broadcast %mul3A_65 : f32 to vector<256x1xf32>
    %mul3A_67 = arith.mulf %mul3A_66, %transpose3A : vector<256x1xf32>
    %get3A_68 = arith.constant 0 : index
    %get3A_69 = arith.constant 0 : index
    %get3A_70 = arith.constant 0 : index
    %get3A_71 = vector.load %arg8[%get3A_68, %get3A_69, %get3A_70] : memref<1x1x768xf32, #tpu.memory_space<vmem>>, vector<1x1x768xf32>
    %get3A_72 = vector.shape_cast %get3A_71 : vector<1x1x768xf32> to vector<1x768xf32>
    %mul3A_73 = vector.broadcast %mul3A_67 : vector<256x1xf32> to vector<256x768xf32>
    %mul3A_74 = vector.broadcast %get3A_72 : vector<1x768xf32> to vector<256x768xf32>
    %mul3A_75 = arith.mulf %mul3A_73, %mul3A_74 : vector<256x768xf32>
    %add3A_76 = arith.addf %dot_general3A_64, %mul3A_75 : vector<256x768xf32>
    %swap3A = arith.constant 0 : index
    %swap3A_77 = arith.constant 0 : index
    %swap3A_78 = vector.load %arg10[%swap3A, %swap3A_77] : memref<256x768xf32, #tpu.memory_space<vmem>>, vector<256x768xf32>
    tpu.vector_store %arg10[%swap3A, %swap3A_77], %add3A_76 {strides = array<i32>} : memref<256x768xf32, #tpu.memory_space<vmem>>, vector<256x768xf32>,
    return
  }
  func.func @transform_0(%arg0: i32, %arg1: memref<32xi32, #tpu.memory_space<smem>>) -> (i32, i32) {
    %c0_i32 = arith.constant 0 : i32
    %c0_i32_0 = arith.constant 0 : i32
    return %arg0, %c0_i32 : i32, i32
  }
  func.func @transform_1(%arg0: i32, %arg1: memref<32xi32, #tpu.memory_space<smem>>) -> (i32, i32, i32) {
    %get3A = arith.index_cast %arg0 : i32 to index
    %get3A_0 = memref.load %arg1[%get3A] : memref<32xi32, #tpu.memory_space<smem>>
    %c0_i32 = arith.constant 0 : i32
    %c0_i32_1 = arith.constant 0 : i32
    %c0_i32_2 = arith.constant 0 : i32
    return %get3A_0, %c0_i32, %c0_i32_1 : i32, i32, i32
  }
  func.func @transform_2(%arg0: i32, %arg1: memref<32xi32, #tpu.memory_space<smem>>) -> (i32, i32, i32) {
    %get3A = arith.index_cast %arg0 : i32 to index
    %get3A_0 = memref.load %arg1[%get3A] : memref<32xi32, #tpu.memory_space<smem>>
    %c0_i32 = arith.constant 0 : i32
    %c0_i32_1 = arith.constant 0 : i32
    %c0_i32_2 = arith.constant 0 : i32
    return %get3A_0, %c0_i32, %c0_i32_1 : i32, i32, i32
  }
  func.func @transform_3(%arg0: i32, %arg1: memref<32xi32, #tpu.memory_space<smem>>) -> (i32, i32, i32) {
    %get3A = arith.index_cast %arg0 : i32 to index
    %get3A_0 = memref.load %arg1[%get3A] : memref<32xi32, #tpu.memory_space<smem>>
    %c0_i32 = arith.constant 0 : i32
    %c0_i32_1 = arith.constant 0 : i32
    %c0_i32_2 = arith.constant 0 : i32
    return %get3A_0, %c0_i32, %c0_i32_1 : i32, i32, i32
  }
  func.func @transform_4(%arg0: i32, %arg1: memref<32xi32, #tpu.memory_space<smem>>) -> (i32, i32, i32) {
    %get3A = arith.index_cast %arg0 : i32 to index
    %get3A_0 = memref.load %arg1[%get3A] : memref<32xi32, #tpu.memory_space<smem>>
    %c0_i32 = arith.constant 0 : i32
    %c0_i32_1 = arith.constant 0 : i32
    %c0_i32_2 = arith.constant 0 : i32
    return %get3A_0, %c0_i32, %c0_i32_1 : i32, i32, i32
  }
  func.func @transform_5(%arg0: i32, %arg1: memref<32xi32, #tpu.memory_space<smem>>) -> (i32, i32, i32) {
    %get3A = arith.index_cast %arg0 : i32 to index
    %get3A_0 = memref.load %arg1[%get3A] : memref<32xi32, #tpu.memory_space<smem>>
    %c0_i32 = arith.constant 0 : i32
    %c0_i32_1 = arith.constant 0 : i32
    %c0_i32_2 = arith.constant 0 : i32
    return %get3A_0, %c0_i32, %c0_i32_1 : i32, i32, i32
  }
  func.func @transform_6(%arg0: i32, %arg1: memref<32xi32, #tpu.memory_space<smem>>) -> (i32, i32, i32) {
    %get3A = arith.index_cast %arg0 : i32 to index
    %get3A_0 = memref.load %arg1[%get3A] : memref<32xi32, #tpu.memory_space<smem>>
    %c0_i32 = arith.constant 0 : i32
    %c0_i32_1 = arith.constant 0 : i32
    %c0_i32_2 = arith.constant 0 : i32
    return %get3A_0, %c0_i32, %c0_i32_1 : i32, i32, i32
  }
  func.func @transform_7(%arg0: i32, %arg1: memref<32xi32, #tpu.memory_space<smem>>) -> (i32, i32, i32) {
    %c0_i32 = arith.constant 0 : i32
    %c0_i32_0 = arith.constant 0 : i32
    %c0_i32_1 = arith.constant 0 : i32
    return %arg0, %c0_i32, %c0_i32_0 : i32, i32, i32
  }
  func.func @transform_8(%arg0: i32, %arg1: memref<32xi32, #tpu.memory_space<smem>>) -> (i32, i32) {
    %c0_i32 = arith.constant 0 : i32
    %c0_i32_0 = arith.constant 0 : i32
    return %arg0, %c0_i32 : i32, i32
  }
}

</mosaic_0001>

<sc_bundles>
// kernel: kernel.6.cloned.1.call-start
scs
__scs_entry_jumppad:
0x0: {  	(pc) =	sbr.rel $0x88, $3  }
0x1: {  	(tag) =	ssettag $0x0;
	lr =	simm.s32 $0x1  }
0x2: {  	[smem:$0x3F98] =	sst lr;
	_ =	strace $0xD0000000  }
0x3: {  	_ = 	snop  }
0x4: {  	_ = 	snop  }
0x5: {  	_ = 	snop  }
0x6: {  	_ = 	snop  }
0x7: {  	_ = 	snop  }
__scs_overlays_trampoline_lowered:
0x8: {  	[smem:$0x3FA7] =	sst s0  }
0x9: {  	[smem:$0x3FA8] =	sst s1  }
0xa: {  	[smem:$0x3FA9] =	sst s2  }
0xb: {  	[smem:$0x3FAA] =	sst s3  }
0xc: {  	[smem:$0x3FAB] =	sst s4  }
0xd: {  	[smem:$0x3FAC] =	sst s5  }
0xe: {  	[smem:$0x3FAD] =	sst s6  }
0xf: {  	[smem:$0x3FAE] =	sst s7  }
0x10: {  	[smem:$0x3FAF] =	sst s8  }
0x11: {  	[smem:$0x3FB0] =	sst s9;
	s0 =	simm.s32 @!p0 $0x0  }
0x12: {  	s1 =	sld [smem:$0x3F96];
	s0 =	simm.s32 @p0 $0x1  }
0x13: {  	[smem:$0x3FB1] =	sst s0;
	s0 =	simm.s32 @!p1 $0x0  }
0x14: {  	s2 =	sld [smem:$0x3F95];
	s0 =	simm.s32 @p1 $0x1  }
0x15: {  	[smem:$0x3FB2] =	sst s0;
	s0 =	simm.s32 @!p2 $0x0  }
0x16: {  	s3 =	sld [smem:$0x3FDB];
	s0 =	simm.s32 @p2 $0x1  }
0x17: {  	s4 =	simm.s32 $0x1BF5;
	[smem:$0x3FB4] =	sst s0  }
0x18: {  	s0 =	sld [smem:$0x3F97];
	_ =	swait.ge [sflag:s4], $0x0  }
0x19: {  	s7 =	sld [smem:$0x3F98]  }
0x1a: {  	s8 =	sadd.s32 $0xFFFFE003, lr  }
0x1b: {  	s9 =	sadd.s32 $0xFFFFFEF7, lr;
	s5 =	simm.s32 $0xFFFFFFFF;
	p2 =	slt.u32 s8, $0xFFFFF086  }
0x1c: {  	p1 =	slt.u32 s9, $0xF7A;
	s5 =	simm.s32 @!p2 $0x0  }
0x1d: {  	s5 =	simm.s32 @p1 $0x1;
	p0 =	seq.s32 s7, s2  }
0x1e: {  	s7 =	smul.u32 @!p0 $0xF7A, s2;
	p2 =	seq.s32 @!p0 s5, $0x0  }
0x1f: {  	s9 =	smul.u32 $0xF7A, s1;
	s8 =	simm.s32 @!p0 $0x1BF5;
	p2 =	por !p2, p0  }
0x20: {  	[sflag:s8] =	ssyncset.s32 @!p0 $0xFFFFF086;
	s6 =	sadd.s32 @!p0 s3, s7;
	s7 =	simm.s32 @!p0 $0x108  }
0x21: {  	s3 =	sadd.s32 s3, s9;
	s6 =	sadd.s32 @!p0 $0x88, s6;
	s7 =	simm.s32 @p2 $0x1082  }
0x22: {  	[simem:s7], [sflag:s8] =	dma.local @!p0 [hbm:s6], $0xF7A  }
0x23: {  	s9 =	sor.u32 $0xD0000000, s2;
	s6 =	simm.s32 $0x108;
	_ =	swait.ge @!p0 [sflag:s8], $0x0  }
0x24: {  	s3 =	sadd.s32 $0x88, s3;
	s6 =	simm.s32 @!p1 $0x1082;
	[sflag:s4] =	ssyncset.s32 $0xFFFFF086  }
0x25: {  	[simem:s6], [sflag:s4] =	dma.local [hbm:s3], $0xF7A  }
0x26: {  	[smem:$0x3F98] =	sst s1;
	(tag) =	ssettag s2;
	_ =	strace s9  }
0x27: {  	s1 =	sld [smem:$0x3FA8]  }
0x28: {  	s2 =	sld [smem:$0x3FA9]  }
0x29: {  	s4 =	sld [smem:$0x3FAB]  }
0x2a: {  	p0 =	seq.s32 s5, $0x0;
	s5 =	sld [smem:$0x3FAC]  }
0x2b: {  	s6 =	sld [smem:$0x3FAD]  }
0x2c: {  	s7 =	sld [smem:$0x3FAE]  }
0x2d: {  	s3 =	simm.s32 $0x108;
	s8 =	sld [smem:$0x3FAF]  }
0x2e: {  	s3 =	simm.s32 @!p0 $0x1082;
	s9 =	sld [smem:$0x3FB0]  }
0x2f: {  	lr =	sadd.s32 s0, s3;
	s0 =	sld [smem:$0x3FA7]  }
0x30: {  	s3 =	sld [smem:$0x3FAA]  }
0x31: {  	[smem:$0x3FB3] =	sst s10  }
0x32: {  	s10 =	sld [smem:$0x3FB1];
	_ =	sdelay $0x3  }
0x33: {  	p0 =	seq.s32 s10, $0x1;
	s10 =	sld [smem:$0x3FB3];
	_ =	sdelay $0x3  }
0x34: {  	[smem:$0x3FB3] =	sst s10  }
0x35: {  	s10 =	sld [smem:$0x3FB2];
	_ =	sdelay $0x3  }
0x36: {  	p1 =	seq.s32 s10, $0x1;
	s10 =	sld [smem:$0x3FB3];
	_ =	sdelay $0x3  }
0x37: {  	[smem:$0x3FB3] =	sst s10  }
0x38: {  	s10 =	sld [smem:$0x3FB4]  }
0x39: {  	_ = 	snop;
	(pc) =	sbr.ind lr, $3  }
0x3a: {  	_ = 	snop  }
0x3b: {  	_ = 	snop  }
0x3c: {  	p2 =	seq.s32 s10, $0x1;
	s10 =	sld [smem:$0x3FB3]  }
0x3d: {  	_ =	shalt  }
0x3e: {  	_ =	shalt  }
0x3f: {  	_ =	shalt  }
0x40: {  	_ =	shalt  }
0x41: {  	_ =	shalt  }
0x42: {  	_ =	shalt  }
0x43: {  	_ =	shalt  }
0x44: {  	_ =	shalt  }
0x45: {  	_ =	shalt  }
0x46: {  	_ =	shalt  }
0x47: {  	_ =	shalt  }
0x48: {  	_ =	shalt  }
0x49: {  	_ =	shalt  }
0x4a: {  	_ =	shalt  }
0x4b: {  	_ =	shalt  }
0x4c: {  	_ =	shalt  }
0x4d: {  	_ =	shalt  }
0x4e: {  	_ =	shalt  }
0x4f: {  	_ =	shalt  }
0x50: {  	_ =	shalt  }
0x51: {  	_ =	shalt  }
0x52: {  	_ =	shalt  }
0x53: {  	_ =	shalt  }
0x54: {  	_ =	shalt  }
0x55: {  	_ =	shalt  }
0x56: {  	_ =	shalt  }
0x57: {  	_ =	shalt  }
0x58: {  	_ =	shalt  }
0x59: {  	_ =	shalt  }
0x5a: {  	_ =	shalt  }
0x5b: {  	_ =	shalt  }
0x5c: {  	_ =	shalt  }
0x5d: {  	_ =	shalt  }
0x5e: {  	_ =	shalt  }
0x5f: {  	_ =	shalt  }
0x60: {  	_ =	shalt  }
0x61: {  	_ =	shalt  }
0x62: {  	_ =	shalt  }
0x63: {  	_ =	shalt  }
0x64: {  	_ =	shalt  }
0x65: {  	_ =	shalt  }
0x66: {  	_ =	shalt  }
0x67: {  	_ =	shalt  }
0x68: {  	_ =	shalt  }
0x69: {  	_ =	shalt  }
0x6a: {  	_ =	shalt  }
0x6b: {  	_ =	shalt  }
0x6c: {  	_ =	shalt  }
0x6d: {  	_ =	shalt  }
0x6e: {  	_ =	shalt  }
0x6f: {  	_ =	shalt  }
0x70: {  	_ =	shalt  }
0x71: {  	_ =	shalt  }
0x72: {  	_ =	shalt  }
0x73: {  	_ =	shalt  }
0x74: {  	_ =	shalt  }
0x75: {  	_ =	shalt  }
0x76: {  	_ =	shalt  }
0x77: {  	_ =	shalt  }
0x78: {  	_ =	shalt  }
0x79: {  	_ =	shalt  }
0x7a: {  	_ =	shalt  }
0x7b: {  	_ =	shalt  }
0x7c: {  	_ =	shalt  }
0x7d: {  	_ =	shalt  }
0x7e: {  	_ =	shalt  }
0x7f: {  	_ =	shalt  }
0x80: {  	_ =	shalt  }
0x81: {  	_ =	shalt  }
0x82: {  	_ =	shalt  }
0x83: {  	_ =	shalt  }
0x84: {  	_ =	shalt  }
0x85: {  	_ =	shalt  }
0x86: {  	_ =	shalt  }
0x87: {  	_ =	shalt  }
.Lfunc_end0:
.L_simem_size_0:
called_computation_lowered:
.L_overlay_start_0:
0x88: {  	s2 =	sld [smem:$0x3FD9]  }
0x89: {  	s3 =	sld [smem:$0x3FFE];
	_ =	sdelay $0x1  }
0x8a: {  	s1 =	srdreg.scid  }
0x8b: {  	s0 =	sand.u32 $0x1, s1  }
0x8c: {  	s17 =	sshll.u32 s0, $0xA;
	s2 =	sadd.s32 s3, s2  }
0x8d: {  	s2 =	sadd.s32 s2, s17  }
0x8e: {  	[smem:$0x3FBF] =	sst s2  }
0x8f: {  	_ = 	snop  }
0x90: {  	s2 =	sld [smem:$0x3FC9]  }
0x91: {  	s18 =	sld [smem:$0x3FD0];
	(tm) =	ssettm $0x1  }
0x92: {  	s4 =	sld [smem:$0x3FFB];
	_ =	sdelay $0x3  }
0x93: {  	_ =	strace s4  }
0x94: {  	s4 =	sld [smem:$0x3FFC];
	_ =	sdelay $0x3  }
0x95: {  	_ =	strace s4  }
0x96: {  	s4 =	sld [smem:$0x3FFD];
	_ =	sdelay $0x3  }
0x97: {  	_ =	strace s4  }
0x98: {  	_ =	strace $0x8FFFFFFF  }
0x99: {  	s19 =	sld [smem:$0x3FDB];
	_ =	sdelay $0x1  }
0x9a: {  	s5 =	simm.s32 $_scs_section_size  }
0x9b: {  	s6 =	simm.s32 $_size__tile_overlayer_lowered;
	s7 =	simm.s32 $_tile_overlayer_lowered  }
0x9c: {  	s22 =	simm.s32 $0x1BFF;
	s21 =	sshll.u32 s7, $0x1;
	s4 =	sadd.s32 s5, s19  }
0x9d: {  	s8 =	simm.s32 $0x0;
	s20 =	sshll.u32 s6, $0x1;
	s6 =	sadd.s32 s21, s4  }
0x9e: {  	[timem:s8], [sflag:s22] =	dma.local [hbm:s6], s20  }
0x9f: {  	_ =	swait.ge [sflag:s22], s20  }
0xa0: {  	s5 =	ssub.s32 $0x0, s20;
	[sflag:s22] =	ssyncset.done $0x0  }
0xa1: {  	[sflag:s22] =	ssyncadd.s32 s5;
	_ =	sdelay $0x1  }
0xa2: {  	s23 =	simm.s32 $0x1B8B  }
0xa3: {  	_ =	swait.ge [sflag:s23], $0x1  }
0xa4: {  	[sflag:s23] =	ssyncset.done $0x0  }
0xa5: {  	s25 =	simm.s32 $0x1B8E;
	s24 =	sld [smem:$0x3FFE];
	[sflag:s23] =	ssyncadd.s32 $0xFFFFFFFF  }
0xa6: {  	s26 =	simm.s32 $execute0_lowered;
	[smem:$0x3FD2] =	sst s25  }
0xa7: {  	s6 =	sshll.u32 s26, $0x1;
	_ =	strace $0x80000046;
	[dreg:$0x1] =	wrdreg $0xFFFFFFFF  }
0xa8: {  	s28 =	simm.s32 $_size_execute0_lowered;
	s4 =	sadd.s32 s4, s6;
	[dreg:$0x0] =	wrdreg $0x0  }
0xa9: {  	s6 =	sshll.u32 s28, $0x1;
	[dreg:$0x2] =	wrdreg s4  }
0xaa: {  	[dreg:$0x3] =	wrdreg s6  }
0xab: {  	[dreg:$0x4] =	wrdreg $0xC0  }
0xac: {  	_ =	task [dreg:s8], $0x5FFFF  }
0xad: {  	[dreg:$0x1] =	wrdreg $0xFFFFFFFF  }
0xae: {  	[dreg:$0x0] =	wrdreg $0x60  }
0xaf: {  	[dreg:$0x2] =	wrdreg s24  }
0xb0: {  	[dreg:$0x3] =	wrdreg s2  }
0xb1: {  	[dreg:$0x4] =	wrdreg s18  }
0xb2: {  	[dreg:$0x5] =	wrdreg $0x18B800  }
0xb3: {  	[dreg:$0x6] =	wrdreg $0x9  }
0xb4: {  	_ =	task.clear_ibuf [dreg:s8], $0x7FFFF;
	_ =	strace $0x90000046  }
0xb5: {  	s29 =	simm.s32 $0x9;
	_ =	strace $0x80000048  }
0xb6: {  	_ =	swait.ge [sflag:s29], $0x1  }
0xb7: {  	[sflag:s29] =	ssyncadd.s32 $0xFFFFFFFF  }
0xb8: {  	_ =	strace $0x90000048  }
0xb9: {  	_ =	sfence  }
0xba: {  	s30 =	sld [smem:$0x0];
	_ =	sdelay $0x2  }
0xbb: {  	s31 =	sshll.u32 s1, $0xD;
	s1 =	sshrl.u32 s1, $0x2  }
0xbc: {  	s3 =	sand.u32 $0x4000, s31;
	s1 =	sadd.s32 s1, s30  }
0xbd: {  	s0 =	sor.u32 s3, s0;
	s1 =	sshll.u32 s1, $0x11  }
0xbe: {  	s0 =	sor.u32 s1, s0  }
0xbf: {  	s0 =	sadd.s32 $0x8F2B, s0  }
0xc0: {  	[sflag:s0] =	ssyncadd.remote.s32 $0x1  }
0xc1: {  	_ =	sfence.sel $0xFFFF  }
0xc2: {  	[dreg:$0x0] =	wrdreg $0xFFFFFFFF;
	(pc) =	sbr.abs _section_cstart, $3  }
0xc3: {  	[dreg:$0x1] =	wrdreg $0xFFFFFFFF  }
0xc4: {  	_ =	task.clear_ibuf [dreg:s8], $0x2FFFF;
	_ =	strace $0x9FFFFFFF  }
0xc5: {  	(tm) =	ssettm $0x7FFFFFFF  }
tec
execute0_lowered:
.L_overlay_start_1:
0x0: {  	(tag) =	ssettag $0x1  }
0x1: {  	s2 =	rddreg [dreg:$0x0]  }
0x2: {  	s1 =	rddreg [dreg:$0x1]  }
0x3: {  	s0 =	srdreg.scid;
	s3 =	rddreg [dreg:$0x2]  }
0x4: {  	s10 =	stileid.u32;
	s12 =	rddreg [dreg:$0x3];
	s5 =	simm.s32 $0x0  }
0x5: {  	s28 =	simm.s32 $0x1;
	s0 =	sand.u32 $0x1, s0;
	[smem:$0x7FF] =	sst s5  }
0x6: {  	s7 =	sadd.s32 $0x3600, s2;
	s24 =	sadd.s32 $0x3800, s2;
	s25 =	sadd.s32 $0x3A00, s2  }
0x7: {  	s26 =	sadd.s32 $0x3C00, s2;
	s31 =	smul.u32 $0x180, s10;
	s11 =	sadd.s32 $0x3E00, s2  }
0x8: {  	s8 =	sadd.s32 $0x94400, s2;
	_ =	strace $0x80000047;
	[dreg:$0x5] =	wrdreg s7  }
0x9: {  	s16 =	sshll.u32 s10, $0x4;
	s17 =	sadd.s32 $0x10, s12;
	[dreg:$0x6] =	wrdreg s24  }
0xa: {  	s19 =	sadd.s32 $0x20, s12;
	s20 =	sadd.s32 $0x30, s12;
	[dreg:$0x7] =	wrdreg s25  }
0xb: {  	s21 =	sadd.s32 $0x40, s12;
	s22 =	sadd.s32 $0x50, s12;
	[dreg:$0x8] =	wrdreg s26  }
0xc: {  	p0 =	sgt.u32 s10, $0x7;
	p1 =	sgt.u32 s10, $0x6;
	[dreg:$0x9] =	wrdreg s8  }
0xd: {  	p2 =	sne.s32 s10, $0x8;
	p3 =	seq.s32 s10, $0x2;
	[dreg:$0xe] =	wrdreg s17  }
0xe: {  	p4 =	seq.s32 s10, $0x1;
	s29 =	sadd.s32 $0x100, s1;
	[dreg:$0xf] =	wrdreg s19  }
0xf: {  	s30 =	sadd.s32 $0x200, s1;
	s4 =	sshll.u32 s0, $0x4;
	[dreg:$0x10] =	wrdreg s20  }
0x10: {  	s9 =	smul.u32 $0x1800, s0;
	s0 =	ssub.s32 $0x2, s0;
	[dreg:$0x11] =	wrdreg s21  }
0x11: {  	[dreg:$0x12] =	wrdreg s22;
	s25 =	sadd.s32 $0x60, s12;
	s26 =	sadd.s32 $0x70, s12  }
0x12: {  	s19 =	simm.s32 $0xCB80;
	s20 =	simm.s32 $0xD380;
	s21 =	simm.s32 $0xDB80  }
0x13: {  	s4 =	sor.u32 s10, s4;
	s8 =	sshrl.u32 s0, $0x1;
	[dreg:$0x17] =	wrdreg s25  }
0x14: {  	s7 =	sshrl.u32 s31, $0x3;
	[dreg:$0x18] =	wrdreg s26;
	s25 =	simm.s32 $0x2000  }
0x15: {  	s26 =	simm.s32 $0x3180;
	s4 =	smul.u32 $0xC0, s4;
	s13 =	sadd.s32 s31, s9  }
0x16: {  	s0 =	ssub.s32 s0, s8;
	s15 =	sadd.s32 s11, s7;
	s8 =	simm.s32 $0x0  }
0x17: {  	s14 =	sshrl.u32 s13, $0x3;
	[dreg:$0xc] =	wrdreg s15;
	s0 =	smax.u32 s0, $0x1  }
0x18: {  	s6 =	sshrl.u32 s4, $0x3;
	[dreg:$0x16] =	wrdreg s0;
	s0 =	simm.s32 @!p1 $0x0  }
0x19: {  	s6 =	smul.u32 $0x300, s6;
	s0 =	simm.s32 @p1 $0x1;
	p1 =	sgt.u32 s10, $0x5  }
0x1a: {  	s13 =	simm.s32 $0x2;
	[smem:$0x7F3] =	sst s0;
	s0 =	simm.s32 @!p1 $0x0  }
0x1b: {  	s6 =	sadd.s32 s6, s2;
	s0 =	simm.s32 @p1 $0x1;
	p1 =	sgt.u32 s10, $0x4  }
0x1c: {  	s2 =	sadd.s32 $0x4200, s2;
	[smem:$0x7F4] =	sst s0;
	s0 =	simm.s32 @!p1 $0x0  }
0x1d: {  	[dreg:$0xa] =	wrdreg s2;
	s0 =	simm.s32 @p1 $0x1;
	p1 =	sgt.u32 s10, $0x3  }
0x1e: {  	s2 =	sadd.s32 s3, s14;
	[smem:$0x7F5] =	sst s0;
	s0 =	simm.s32 @!p1 $0x0  }
0x1f: {  	v3 =	vimm.s32 $0xEDCBA987;
	v2 =	vlaneseq.u32;
	v5 =	vimm.s32 $0x65432100;
	[dreg:$0xb] =	wrdreg s2;
	s0 =	simm.s32 @p1 $0x1;
	p1 =	sgt.u32 s10, $0x2  }
0x20: {  	v10 =	vimm.s32 $0xDCBA9876;
	v12 =	vimm.s32 $0xBA987654;
	v7 =	vunpack.c.l.s4.s8 v3;
	s23 =	sadd.s32 $0x4400, s6;
	[smem:$0x7F6] =	sst s0;
	s0 =	simm.s32 @!p1 $0x0  }
0x21: {  	v14 =	vimm.s32 $0x32100000;
	vm0 =	vmmov $0xffff;
	v8 =	vunpack.c.l.s4.s8 v5;
	[dreg:$0x14] =	wrdreg s23;
	s0 =	simm.s32 @p1 $0x1;
	p1 =	sgt.u32 s10, $0x1  }
0x22: {  	vm1 =	vmmov $0x3;
	vm3 =	vcmask $0x3F30;
	v9 =	vunpack.c.0.s8.s32 v7;
	s24 =	sadd.s32 $0x6800, s6;
	[smem:$0x7F7] =	sst s0;
	s0 =	simm.s32 @!p1 $0x0  }
0x23: {  	vm2 =	vmmov $0xf;
	v0 =	vmov s10;
	v8 =	vunpack.c.0.s8.s32 v8;
	s18 =	sadd.s32 s9, s4;
	[dreg:$0x15] =	wrdreg s24;
	s0 =	simm.s32 @p1 $0x1  }
0x24: {  	v3 =	vimm.f32 $0.0e+00;
	v4 =	vadd.s32 $0x1, v2;
	v9 =	vand.u32 $0xF, v9;
	s2 =	sadd.s32 s16, s12;
	[smem:$0x7F8] =	sst s0;
	s0 =	simm.s32 @!p2 $0x0  }
0x25: {  	v10 =	vunpack.c.l.s4.s8 v10;
	v8 =	vcombine.low v8, v9;
	v9 =	vimm.s32 $0x54321000;
	s24 =	simm.s32 $0x4300;
	s0 =	simm.s32 @p2 $0x1;
	p2 =	seq.s32 s10, $0x7  }
0x26: {  	v5 =	vimm.s32 $0x0;
	v13 =	vunpack.c.l.s4.s8 v9;
	v9 =	vimm.s32 $0xE40000;
	s23 =	simm.s32 $0xE380;
	[smem:$0x7F9] =	sst s0;
	s0 =	simm.s32 @!p2 $0x0  }
0x27: {  	v11 =	vshrl.u32 v2, $0x3;
	v10 =	vunpack.c.0.s8.s32 v10;
	v15 =	vunpack.c.l.s2.s4 v9;
	[dreg:$0xd] =	wrdreg s2;
	s0 =	simm.s32 @p2 $0x1;
	p2 =	seq.s32 s10, $0x6  }
0x28: {  	v12 =	vunpack.c.l.s4.s8 v12;
	v9 =	vmul.u32 $0x8, v11;
	v11 =	vunpack.c.0.s8.s32 v13;
	s2 =	sshrl.u32 s18, $0x3;
	[smem:$0x7FA] =	sst s0;
	s0 =	simm.s32 @!p2 $0x0  }
0x29: {  	v10 =	vand.u32 $0xF, v10;
	v13 =	vunpack.c.l.s4.s8 v14;
	v14 =	vunpack.c.l.s4.s8 v15;
	s2 =	sadd.s32 s3, s2;
	s0 =	simm.s32 @p2 $0x1;
	p2 =	seq.s32 s10, $0x5  }
.Ltmp0:
0x2a: {  	v6 =	vadd.s32 $0x11, v2;
	v12 =	vunpack.c.0.s8.s32 v12;
	v10 =	vcombine.low v11, v10;
	[smem:$0x7FB] =	sst s0;
	s0 =	simm.s32 @!p2 $0x0;
	(pc) =	sbr.rel .LBB2_1-.Ltmp0, $4  }
0x2b: {  	v11 =	vunpack.c.0.s8.s32 v13;
	v13 =	vimm.s32 $0x7060504;
	v14 =	vunpack.c.0.s8.s32 v14;
	[dreg:$0x13] =	wrdreg s2;
	s0 =	simm.s32 @p2 $0x1;
	p2 =	seq.s32 s10, $0x4  }
0x2c: {  	v1 =	vor.u32 $0x1000, v0;
	v12 =	vand.u32 $0xF, v12;
	v13 =	vunpack.c.0.s8.s32 v13;
	s31 =	sadd.s32 $0xC, s2;
	[smem:$0x7FC] =	sst s0;
	s0 =	simm.s32 @!p2 $0x0  }
0x2d: {  	v7 =	vand.u32 $0x7, v2;
	s12 =	simm.s32 $0xEB80;
	v11 =	vcombine.low v11, v12;
	v14 =	vand.u32 $0x3, v14;
	[dreg:$0x19] =	wrdreg s31;
	s0 =	simm.s32 @p2 $0x1  }
0x2e: {  	v12 =	vor.u32 $0x8, v2;
	v13 =	vsel vm3, v13, v14;
	vm3 =	vmmov $0xff;
	p1 =	seq.s32 s10, $0x0;
	p2 =	seq.s32 s10, $0x3;
	[smem:$0x7FD] =	sst s0  }
.LBB2_17:
0x2f: {  	s0 =	rddreg [dreg:$0x9]  }
0x30: {  	[tilespmem:s2+$0x5480] =	vst v14;
	s1 =	simm.s32 $0x1110;
	s22 =	simm.s32 $0x5480;
	s31 =	simm.s32 $0x1  }
0x31: {  	[hbm4b:s0+s1] =	stream.indirect.scatter [tilespmem:s22], [sflag:$0x1], $0x1, s24, s1, $0xb8;
	[tilespmem:$0x18B90] =	vst v63  }
0x32: {  	_ =	swait.ge [sflag:s31], $0x1110  }
0x33: {  	[sflag:s31] =	ssyncset.done $0x0  }
0x34: {  	[sflag:s31] =	ssyncadd.s32 $0xFFFFEEF0  }
.LBB2_20:
0x35: {  	[bflag:$0x0] =	sbarrier.arrive $0xFFFF  }
0x36: {  	s4 =	simm.s32 $0x6B00;
	s0 =	rddreg [dreg:$0x13]  }
0x37: {  	[tilespmem:s4], [sflag:$0x2] =	stream.linear.gather [hbm4b:s0+s5], $0x60, $0x38;
	[tilespmem:$0x18B90] =	vst v63  }
0x38: {  	_ =	swait.ge [sflag:s13], $0x60  }
0x39: {  	[sflag:s13] =	ssyncset.done $0x0  }
0x3a: {  	[sflag:s13] =	ssyncadd.s32 $0xFFFFFFA0  }
0x3b: {  	v14 =	vld [tilespmem:$0x6B00];
	_ =	sdelay $0x4  }
0x3c: {  	v15 =	vshrl.u32 v14, $0x3  }
0x3d: {  	v15 =	vmul.u32 $0x30, v15  }
0x3e: {  	v14 =	vand.u32 $0x7, v14  }
0x3f: {  	v14 =	vor.u32 v14, v15  }
0x40: {  	v15 =	vperm.xlane v14, v7;
	_ =	sdelay $0x1  }
0x41: {  	v15 =	vadd.s32 v9, v15;
	_ =	sdelay $0x3  }
0x42: {  	s22 =	simm.s32 $0x6B80;
	s1 =	rddreg [dreg:$0x1];
	v14 =	vperm.xlane v14, v12  }
0x43: {  	[tilespmem:s22], [sflag:$0x1] =	stream.indirect_vreg.gather [hbm4b:s1+s5], $0x80, v15, vm0, $0xb8;
	[tilespmem:$0x18B90] =	vst v63  }
0x44: {  	s31 =	simm.s32 $0x7380;
	v14 =	vadd.s32 v9, v14  }
0x45: {  	[tilespmem:s31], [sflag:$0x1] =	stream.indirect_vreg.gather [hbm4b:s29+s5], $0x80, v15, vm0, $0xb8;
	[tilespmem:$0x18B90] =	vst v63  }
0x46: {  	s6 =	simm.s32 $0x7B80  }
0x47: {  	[tilespmem:s6], [sflag:$0x1] =	stream.indirect_vreg.gather [hbm4b:s30+s5], $0x80, v15, vm0, $0xb8;
	[tilespmem:$0x18B90] =	vst v63  }
0x48: {  	s7 =	simm.s32 $0x8380  }
0x49: {  	[tilespmem:s7], [sflag:$0x1] =	stream.indirect_vreg.gather [hbm4b:s1+s5], $0x80, v14, vm0, $0xb8;
	[tilespmem:$0x18B90] =	vst v63  }
0x4a: {  	s10 =	simm.s32 $0x8B80  }
0x4b: {  	[tilespmem:s10], [sflag:$0x1] =	stream.indirect_vreg.gather [hbm4b:s29+s5], $0x80, v14, vm0, $0xb8;
	[tilespmem:$0x18B90] =	vst v63  }
0x4c: {  	s14 =	simm.s32 $0x9380  }
0x4d: {  	[tilespmem:s14], [sflag:$0x1] =	stream.indirect_vreg.gather [hbm4b:s30+s5], $0x80, v14, vm0, $0xb8;
	[tilespmem:$0x18B90] =	vst v63  }
0x4e: {  	v14 =	vld [tilespmem:$0x6B10];
	_ =	sdelay $0x4  }
0x4f: {  	v15 =	vshrl.u32 v14, $0x3  }
0x50: {  	v15 =	vmul.u32 $0x30, v15  }
0x51: {  	v14 =	vand.u32 $0x7, v14  }
0x52: {  	v14 =	vor.u32 v14, v15  }
0x53: {  	v15 =	vperm.xlane v14, v7;
	_ =	sdelay $0x1  }
0x54: {  	v15 =	vadd.s32 v9, v15;
	_ =	sdelay $0x3  }
0x55: {  	s15 =	simm.s32 $0x9B80;
	v14 =	vperm.xlane v14, v12  }
0x56: {  	[tilespmem:s15], [sflag:$0x1] =	stream.indirect_vreg.gather [hbm4b:s1+s5], $0x80, v15, vm0, $0xb8;
	[tilespmem:$0x18B90] =	vst v63  }
0x57: {  	s16 =	simm.s32 $0xA380;
	v14 =	vadd.s32 v9, v14  }
0x58: {  	[tilespmem:s16], [sflag:$0x1] =	stream.indirect_vreg.gather [hbm4b:s29+s5], $0x80, v15, vm0, $0xb8;
	[tilespmem:$0x18B90] =	vst v63  }
0x59: {  	s17 =	simm.s32 $0xAB80  }
0x5a: {  	[tilespmem:s17], [sflag:$0x1] =	stream.indirect_vreg.gather [hbm4b:s30+s5], $0x80, v15, vm0, $0xb8;
	[tilespmem:$0x18B90] =	vst v63  }
0x5b: {  	s18 =	simm.s32 $0xB380  }
0x5c: {  	[tilespmem:s18], [sflag:$0x1] =	stream.indirect_vreg.gather [hbm4b:s1+s5], $0x80, v14, vm0, $0xb8;
	[tilespmem:$0x18B90] =	vst v63  }
0x5d: {  	s22 =	simm.s32 $0xBB80  }
0x5e: {  	[tilespmem:s22], [sflag:$0x1] =	stream.indirect_vreg.gather [hbm4b:s29+s5], $0x80, v14, vm0, $0xb8;
	[tilespmem:$0x18B90] =	vst v63  }
0x5f: {  	s31 =	simm.s32 $0xC380  }
0x60: {  	[tilespmem:s31], [sflag:$0x1] =	stream.indirect_vreg.gather [hbm4b:s30+s5], $0x80, v14, vm0, $0xb8;
	[tilespmem:$0x18B90] =	vst v63  }
0x61: {  	v14 =	vld [tilespmem:$0x6B20];
	_ =	sdelay $0x4  }
0x62: {  	v15 =	vshrl.u32 v14, $0x3  }
0x63: {  	v15 =	vmul.u32 $0x30, v15  }
0x64: {  	v14 =	vand.u32 $0x7, v14  }
0x65: {  	v14 =	vor.u32 v14, v15  }
0x66: {  	v15 =	vperm.xlane v14, v7;
	_ =	sdelay $0x1  }
0x67: {  	v15 =	vadd.s32 v9, v15;
	_ =	sdelay $0x3  }
0x68: {  	v14 =	vperm.xlane v14, v12  }
0x69: {  	[tilespmem:s19], [sflag:$0x1] =	stream.indirect_vreg.gather [hbm4b:s1+s5], $0x80, v15, vm0, $0xb8;
	[tilespmem:$0x18B90] =	vst v63  }
0x6a: {  	v14 =	vadd.s32 v9, v14  }
0x6b: {  	[tilespmem:s20], [sflag:$0x1] =	stream.indirect_vreg.gather [hbm4b:s29+s5], $0x80, v15, vm0, $0xb8;
	[tilespmem:$0x18B90] =	vst v63  }
0x6c: {  	_ = 	snop  }
0x6d: {  	[tilespmem:s21], [sflag:$0x1] =	stream.indirect_vreg.gather [hbm4b:s30+s5], $0x80, v15, vm0, $0xb8;
	[tilespmem:$0x18B90] =	vst v63  }
0x6e: {  	_ = 	snop  }
0x6f: {  	[tilespmem:s23], [sflag:$0x1] =	stream.indirect_vreg.gather [hbm4b:s1+s5], $0x80, v14, vm0, $0xb8;
	[tilespmem:$0x18B90] =	vst v63  }
0x70: {  	_ = 	snop  }
0x71: {  	[tilespmem:s12], [sflag:$0x1] =	stream.indirect_vreg.gather [hbm4b:s29+s5], $0x80, v14, vm0, $0xb8;
	[tilespmem:$0x18B90] =	vst v63  }
0x72: {  	s2 =	simm.s32 $0xF380  }
0x73: {  	[tilespmem:s2], [sflag:$0x1] =	stream.indirect_vreg.gather [hbm4b:s30+s5], $0x80, v14, vm0, $0xb8;
	[tilespmem:$0x18B90] =	vst v63  }
0x74: {  	v14 =	vld [tilespmem:$0x6B30];
	_ =	sdelay $0x4  }
0x75: {  	v15 =	vshrl.u32 v14, $0x3  }
0x76: {  	v15 =	vmul.u32 $0x30, v15  }
0x77: {  	v14 =	vand.u32 $0x7, v14  }
0x78: {  	v14 =	vor.u32 v14, v15  }
0x79: {  	v15 =	vperm.xlane v14, v7;
	_ =	sdelay $0x1  }
0x7a: {  	v15 =	vadd.s32 v9, v15;
	_ =	sdelay $0x3  }
0x7b: {  	s2 =	simm.s32 $0xFB80;
	v14 =	vperm.xlane v14, v12  }
0x7c: {  	[tilespmem:s2], [sflag:$0x1] =	stream.indirect_vreg.gather [hbm4b:s1+s5], $0x80, v15, vm0, $0xb8;
	[tilespmem:$0x18B90] =	vst v63  }
0x7d: {  	v14 =	vadd.s32 v9, v14;
	s2 =	simm.s32 $0x10380  }
0x7e: {  	[tilespmem:s2], [sflag:$0x1] =	stream.indirect_vreg.gather [hbm4b:s29+s5], $0x80, v15, vm0, $0xb8;
	[tilespmem:$0x18B90] =	vst v63  }
0x7f: {  	s2 =	simm.s32 $0x10B80  }
0x80: {  	[tilespmem:s2], [sflag:$0x1] =	stream.indirect_vreg.gather [hbm4b:s30+s5], $0x80, v15, vm0, $0xb8;
	[tilespmem:$0x18B90] =	vst v63  }
0x81: {  	s2 =	simm.s32 $0x11380  }
0x82: {  	[tilespmem:s2], [sflag:$0x1] =	stream.indirect_vreg.gather [hbm4b:s1+s5], $0x80, v14, vm0, $0xb8;
	[tilespmem:$0x18B90] =	vst v63  }
0x83: {  	s2 =	simm.s32 $0x11B80  }
0x84: {  	[tilespmem:s2], [sflag:$0x1] =	stream.indirect_vreg.gather [hbm4b:s29+s5], $0x80, v14, vm0, $0xb8;
	[tilespmem:$0x18B90] =	vst v63  }
0x85: {  	s2 =	simm.s32 $0x12380  }
0x86: {  	[tilespmem:s2], [sflag:$0x1] =	stream.indirect_vreg.gather [hbm4b:s30+s5], $0x80, v14, vm0, $0xb8;
	[tilespmem:$0x18B90] =	vst v63  }
0x87: {  	v14 =	vld [tilespmem:$0x6B40];
	_ =	sdelay $0x4  }
0x88: {  	v15 =	vshrl.u32 v14, $0x3  }
0x89: {  	v15 =	vmul.u32 $0x30, v15  }
0x8a: {  	v14 =	vand.u32 $0x7, v14  }
0x8b: {  	v14 =	vor.u32 v14, v15  }
0x8c: {  	v15 =	vperm.xlane v14, v7;
	_ =	sdelay $0x1  }
0x8d: {  	v15 =	vadd.s32 v9, v15;
	_ =	sdelay $0x3  }
0x8e: {  	s2 =	simm.s32 $0x12B80;
	v14 =	vperm.xlane v14, v12  }
0x8f: {  	[tilespmem:s2], [sflag:$0x1] =	stream.indirect_vreg.gather [hbm4b:s1+s5], $0x80, v15, vm0, $0xb8;
	[tilespmem:$0x18B90] =	vst v63  }
0x90: {  	v14 =	vadd.s32 v9, v14;
	s2 =	simm.s32 $0x13380  }
0x91: {  	[tilespmem:s2], [sflag:$0x1] =	stream.indirect_vreg.gather [hbm4b:s29+s5], $0x80, v15, vm0, $0xb8;
	[tilespmem:$0x18B90] =	vst v63  }
0x92: {  	s2 =	simm.s32 $0x13B80  }
0x93: {  	[tilespmem:s2], [sflag:$0x1] =	stream.indirect_vreg.gather [hbm4b:s30+s5], $0x80, v15, vm0, $0xb8;
	[tilespmem:$0x18B90] =	vst v63  }
0x94: {  	s2 =	simm.s32 $0x14380  }
0x95: {  	[tilespmem:s2], [sflag:$0x1] =	stream.indirect_vreg.gather [hbm4b:s1+s5], $0x80, v14, vm0, $0xb8;
	[tilespmem:$0x18B90] =	vst v63  }
0x96: {  	s2 =	simm.s32 $0x14B80  }
0x97: {  	[tilespmem:s2], [sflag:$0x1] =	stream.indirect_vreg.gather [hbm4b:s29+s5], $0x80, v14, vm0, $0xb8;
	[tilespmem:$0x18B90] =	vst v63  }
0x98: {  	s2 =	simm.s32 $0x15380  }
0x99: {  	[tilespmem:s2], [sflag:$0x1] =	stream.indirect_vreg.gather [hbm4b:s30+s5], $0x80, v14, vm0, $0xb8;
	[tilespmem:$0x18B90] =	vst v63  }
0x9a: {  	v14 =	vld [tilespmem:$0x6B50];
	_ =	sdelay $0x4  }
0x9b: {  	v15 =	vshrl.u32 v14, $0x3  }
0x9c: {  	v15 =	vmul.u32 $0x30, v15  }
0x9d: {  	v14 =	vand.u32 $0x7, v14  }
0x9e: {  	v14 =	vor.u32 v14, v15  }
0x9f: {  	v15 =	vperm.xlane v14, v7;
	_ =	sdelay $0x1  }
0xa0: {  	v15 =	vadd.s32 v9, v15;
	_ =	sdelay $0x3  }
0xa1: {  	s2 =	simm.s32 $0x15B80;
	v14 =	vperm.xlane v14, v12  }
0xa2: {  	[tilespmem:s2], [sflag:$0x1] =	stream.indirect_vreg.gather [hbm4b:s1+s5], $0x80, v15, vm0, $0xb8;
	[tilespmem:$0x18B90] =	vst v63  }
0xa3: {  	v14 =	vadd.s32 v9, v14;
	s2 =	simm.s32 $0x16380  }
0xa4: {  	[tilespmem:s2], [sflag:$0x1] =	stream.indirect_vreg.gather [hbm4b:s29+s5], $0x80, v15, vm0, $0xb8;
	[tilespmem:$0x18B90] =	vst v63  }
0xa5: {  	s2 =	simm.s32 $0x16B80  }
0xa6: {  	[tilespmem:s2], [sflag:$0x1] =	stream.indirect_vreg.gather [hbm4b:s30+s5], $0x80, v15, vm0, $0xb8;
	[tilespmem:$0x18B90] =	vst v63  }
0xa7: {  	s2 =	simm.s32 $0x17380  }
0xa8: {  	[tilespmem:s2], [sflag:$0x1] =	stream.indirect_vreg.gather [hbm4b:s1+s5], $0x80, v14, vm0, $0xb8;
	[tilespmem:$0x18B90] =	vst v63  }
0xa9: {  	s2 =	simm.s32 $0x17B80  }
0xaa: {  	[tilespmem:s2], [sflag:$0x1] =	stream.indirect_vreg.gather [hbm4b:s29+s5], $0x80, v14, vm0, $0xb8;
	[tilespmem:$0x18B90] =	vst v63  }
0xab: {  	s2 =	simm.s32 $0x18380  }
0xac: {  	[tilespmem:s2], [sflag:$0x1] =	stream.indirect_vreg.gather [hbm4b:s30+s5], $0x80, v14, vm0, $0xb8;
	[tilespmem:$0x18B90] =	vst v63  }
0xad: {  	_ =	swait.ge [sflag:s28], $0x12000  }
0xae: {  	[sflag:s28] =	ssyncset.done $0x0  }
0xaf: {  	s2 =	simm.s32 $0x6B80;
	s0 =	rddreg [dreg:$0x14];
	[sflag:s28] =	ssyncadd.s32 $0xFFFEE000  }
0xb0: {  	[hbm4b:s0+s5] =	stream.linear.scatter [tilespmem:s2], [sflag:$0x2], $0x12000, $0x38;
	[tilespmem:$0x18B90] =	vst v63  }
0xb1: {  	_ =	swait.ge [sflag:s13], $0x12000  }
0xb2: {  	[sflag:s13] =	ssyncset.done $0x0  }
0xb3: {  	s0 =	rddreg [dreg:$0x19];
	[sflag:s13] =	ssyncadd.s32 $0xFFFEE000  }
0xb4: {  	[tilespmem:s4], [sflag:$0x2] =	stream.linear.gather [hbm4b:s0+s5], $0x60, $0x38;
	[tilespmem:$0x18B90] =	vst v63  }
0xb5: {  	_ =	swait.ge [sflag:s13], $0x60  }
0xb6: {  	[sflag:s13] =	ssyncset.done $0x0  }
0xb7: {  	[sflag:s13] =	ssyncadd.s32 $0xFFFFFFA0  }
0xb8: {  	v14 =	vld [tilespmem:$0x6B00];
	_ =	sdelay $0x4  }
0xb9: {  	v15 =	vshrl.u32 v14, $0x3  }
0xba: {  	v15 =	vmul.u32 $0x30, v15  }
0xbb: {  	v14 =	vand.u32 $0x7, v14  }
0xbc: {  	v14 =	vor.u32 v14, v15  }
0xbd: {  	v15 =	vperm.xlane v14, v7;
	_ =	sdelay $0x1  }
0xbe: {  	v15 =	vadd.s32 v9, v15;
	_ =	sdelay $0x3  }
0xbf: {  	v14 =	vperm.xlane v14, v12  }
0xc0: {  	[tilespmem:s2], [sflag:$0x1] =	stream.indirect_vreg.gather [hbm4b:s1+s5], $0x80, v15, vm0, $0xb8;
	[tilespmem:$0x18B90] =	vst v63  }
0xc1: {  	s4 =	simm.s32 $0x7380;
	v14 =	vadd.s32 v9, v14  }
0xc2: {  	[tilespmem:s4], [sflag:$0x1] =	stream.indirect_vreg.gather [hbm4b:s29+s5], $0x80, v15, vm0, $0xb8;
	[tilespmem:$0x18B90] =	vst v63  }
0xc3: {  	_ = 	snop  }
0xc4: {  	[tilespmem:s6], [sflag:$0x1] =	stream.indirect_vreg.gather [hbm4b:s30+s5], $0x80, v15, vm0, $0xb8;
	[tilespmem:$0x18B90] =	vst v63  }
0xc5: {  	_ = 	snop  }
0xc6: {  	[tilespmem:s7], [sflag:$0x1] =	stream.indirect_vreg.gather [hbm4b:s1+s5], $0x80, v14, vm0, $0xb8;
	[tilespmem:$0x18B90] =	vst v63  }
0xc7: {  	_ = 	snop  }
0xc8: {  	[tilespmem:s10], [sflag:$0x1] =	stream.indirect_vreg.gather [hbm4b:s29+s5], $0x80, v14, vm0, $0xb8;
	[tilespmem:$0x18B90] =	vst v63  }
0xc9: {  	_ = 	snop  }
0xca: {  	[tilespmem:s14], [sflag:$0x1] =	stream.indirect_vreg.gather [hbm4b:s30+s5], $0x80, v14, vm0, $0xb8;
	[tilespmem:$0x18B90] =	vst v63  }
0xcb: {  	v14 =	vld [tilespmem:$0x6B10];
	_ =	sdelay $0x4  }
0xcc: {  	v15 =	vshrl.u32 v14, $0x3  }
0xcd: {  	v15 =	vmul.u32 $0x30, v15  }
0xce: {  	v14 =	vand.u32 $0x7, v14  }
0xcf: {  	v14 =	vor.u32 v14, v15  }
0xd0: {  	v15 =	vperm.xlane v14, v7;
	_ =	sdelay $0x1  }
0xd1: {  	v15 =	vadd.s32 v9, v15;
	_ =	sdelay $0x3  }
0xd2: {  	v14 =	vperm.xlane v14, v12  }
0xd3: {  	[tilespmem:s15], [sflag:$0x1] =	stream.indirect_vreg.gather [hbm4b:s1+s5], $0x80, v15, vm0, $0xb8;
	[tilespmem:$0x18B90] =	vst v63  }
0xd4: {  	v14 =	vadd.s32 v9, v14  }
0xd5: {  	[tilespmem:s16], [sflag:$0x1] =	stream.indirect_vreg.gather [hbm4b:s29+s5], $0x80, v15, vm0, $0xb8;
	[tilespmem:$0x18B90] =	vst v63  }
0xd6: {  	_ = 	snop  }
0xd7: {  	[tilespmem:s17], [sflag:$0x1] =	stream.indirect_vreg.gather [hbm4b:s30+s5], $0x80, v15, vm0, $0xb8;
	[tilespmem:$0x18B90] =	vst v63  }
0xd8: {  	_ = 	snop  }
0xd9: {  	[tilespmem:s18], [sflag:$0x1] =	stream.indirect_vreg.gather [hbm4b:s1+s5], $0x80, v14, vm0, $0xb8;
	[tilespmem:$0x18B90] =	vst v63  }
0xda: {  	_ = 	snop  }
0xdb: {  	[tilespmem:s22], [sflag:$0x1] =	stream.indirect_vreg.gather [hbm4b:s29+s5], $0x80, v14, vm0, $0xb8;
	[tilespmem:$0x18B90] =	vst v63  }
0xdc: {  	_ = 	snop  }
0xdd: {  	[tilespmem:s31], [sflag:$0x1] =	stream.indirect_vreg.gather [hbm4b:s30+s5], $0x80, v14, vm0, $0xb8;
	[tilespmem:$0x18B90] =	vst v63  }
0xde: {  	v14 =	vld [tilespmem:$0x6B20];
	_ =	sdelay $0x4  }
0xdf: {  	v15 =	vshrl.u32 v14, $0x3  }
0xe0: {  	v15 =	vmul.u32 $0x30, v15  }
0xe1: {  	v14 =	vand.u32 $0x7, v14  }
0xe2: {  	v14 =	vor.u32 v14, v15  }
0xe3: {  	v15 =	vperm.xlane v14, v7;
	_ =	sdelay $0x1  }
0xe4: {  	v15 =	vadd.s32 v9, v15;
	_ =	sdelay $0x3  }
0xe5: {  	v14 =	vperm.xlane v14, v12  }
0xe6: {  	[tilespmem:s19], [sflag:$0x1] =	stream.indirect_vreg.gather [hbm4b:s1+s5], $0x80, v15, vm0, $0xb8;
	[tilespmem:$0x18B90] =	vst v63  }
0xe7: {  	v14 =	vadd.s32 v9, v14  }
0xe8: {  	[tilespmem:s20], [sflag:$0x1] =	stream.indirect_vreg.gather [hbm4b:s29+s5], $0x80, v15, vm0, $0xb8;
	[tilespmem:$0x18B90] =	vst v63  }
0xe9: {  	_ = 	snop  }
0xea: {  	[tilespmem:s21], [sflag:$0x1] =	stream.indirect_vreg.gather [hbm4b:s30+s5], $0x80, v15, vm0, $0xb8;
	[tilespmem:$0x18B90] =	vst v63  }
0xeb: {  	_ = 	snop  }
0xec: {  	[tilespmem:s23], [sflag:$0x1] =	stream.indirect_vreg.gather [hbm4b:s1+s5], $0x80, v14, vm0, $0xb8;
	[tilespmem:$0x18B90] =	vst v63  }
0xed: {  	_ = 	snop  }
0xee: {  	[tilespmem:s12], [sflag:$0x1] =	stream.indirect_vreg.gather [hbm4b:s29+s5], $0x80, v14, vm0, $0xb8;
	[tilespmem:$0x18B90] =	vst v63  }
0xef: {  	s6 =	simm.s32 $0xF380  }
0xf0: {  	[tilespmem:s6], [sflag:$0x1] =	stream.indirect_vreg.gather [hbm4b:s30+s5], $0x80, v14, vm0, $0xb8;
	[tilespmem:$0x18B90] =	vst v63  }
0xf1: {  	v14 =	vld [tilespmem:$0x6B30];
	_ =	sdelay $0x4  }
0xf2: {  	v15 =	vshrl.u32 v14, $0x3  }
0xf3: {  	v15 =	vmul.u32 $0x30, v15  }
0xf4: {  	v14 =	vand.u32 $0x7, v14  }
0xf5: {  	v14 =	vor.u32 v14, v15  }
0xf6: {  	v15 =	vperm.xlane v14, v7;
	_ =	sdelay $0x1  }
0xf7: {  	v15 =	vadd.s32 v9, v15;
	_ =	sdelay $0x3  }
0xf8: {  	s7 =	simm.s32 $0xFB80;
	v14 =	vperm.xlane v14, v12  }
0xf9: {  	[tilespmem:s7], [sflag:$0x1] =	stream.indirect_vreg.gather [hbm4b:s1+s5], $0x80, v15, vm0, $0xb8;
	[tilespmem:$0x18B90] =	vst v63  }
0xfa: {  	s10 =	simm.s32 $0x10380;
	v14 =	vadd.s32 v9, v14  }
0xfb: {  	[tilespmem:s10], [sflag:$0x1] =	stream.indirect_vreg.gather [hbm4b:s29+s5], $0x80, v15, vm0, $0xb8;
	[tilespmem:$0x18B90] =	vst v63  }
0xfc: {  	s14 =	simm.s32 $0x10B80  }
0xfd: {  	[tilespmem:s14], [sflag:$0x1] =	stream.indirect_vreg.gather [hbm4b:s30+s5], $0x80, v15, vm0, $0xb8;
	[tilespmem:$0x18B90] =	vst v63  }
0xfe: {  	s15 =	simm.s32 $0x11380  }
0xff: {  	[tilespmem:s15], [sflag:$0x1] =	stream.indirect_vreg.gather [hbm4b:s1+s5], $0x80, v14, vm0, $0xb8;
	[tilespmem:$0x18B90] =	vst v63  }
0x100: {  	s16 =	simm.s32 $0x11B80  }
0x101: {  	[tilespmem:s16], [sflag:$0x1] =	stream.indirect_vreg.gather [hbm4b:s29+s5], $0x80, v14, vm0, $0xb8;
	[tilespmem:$0x18B90] =	vst v63  }
0x102: {  	s17 =	simm.s32 $0x12380  }
0x103: {  	[tilespmem:s17], [sflag:$0x1] =	stream.indirect_vreg.gather [hbm4b:s30+s5], $0x80, v14, vm0, $0xb8;
	[tilespmem:$0x18B90] =	vst v63  }
0x104: {  	v14 =	vld [tilespmem:$0x6B40];
	_ =	sdelay $0x4  }
0x105: {  	v15 =	vshrl.u32 v14, $0x3  }
0x106: {  	v15 =	vmul.u32 $0x30, v15  }
0x107: {  	v14 =	vand.u32 $0x7, v14  }
0x108: {  	v14 =	vor.u32 v14, v15  }
0x109: {  	v15 =	vperm.xlane v14, v7;
	_ =	sdelay $0x1  }
0x10a: {  	v15 =	vadd.s32 v9, v15;
	_ =	sdelay $0x3  }
0x10b: {  	s18 =	simm.s32 $0x12B80;
	v14 =	vperm.xlane v14, v12  }
0x10c: {  	[tilespmem:s18], [sflag:$0x1] =	stream.indirect_vreg.gather [hbm4b:s1+s5], $0x80, v15, vm0, $0xb8;
	[tilespmem:$0x18B90] =	vst v63  }
0x10d: {  	s22 =	simm.s32 $0x13380;
	v14 =	vadd.s32 v9, v14  }
0x10e: {  	[tilespmem:s22], [sflag:$0x1] =	stream.indirect_vreg.gather [hbm4b:s29+s5], $0x80, v15, vm0, $0xb8;
	[tilespmem:$0x18B90] =	vst v63  }
0x10f: {  	s31 =	simm.s32 $0x13B80  }
0x110: {  	[tilespmem:s31], [sflag:$0x1] =	stream.indirect_vreg.gather [hbm4b:s30+s5], $0x80, v15, vm0, $0xb8;
	[tilespmem:$0x18B90] =	vst v63  }
0x111: {  	s4 =	simm.s32 $0x14380  }
0x112: {  	[tilespmem:s4], [sflag:$0x1] =	stream.indirect_vreg.gather [hbm4b:s1+s5], $0x80, v14, vm0, $0xb8;
	[tilespmem:$0x18B90] =	vst v63  }
0x113: {  	s6 =	simm.s32 $0x14B80  }
0x114: {  	[tilespmem:s6], [sflag:$0x1] =	stream.indirect_vreg.gather [hbm4b:s29+s5], $0x80, v14, vm0, $0xb8;
	[tilespmem:$0x18B90] =	vst v63  }
0x115: {  	s7 =	simm.s32 $0x15380  }
0x116: {  	[tilespmem:s7], [sflag:$0x1] =	stream.indirect_vreg.gather [hbm4b:s30+s5], $0x80, v14, vm0, $0xb8;
	[tilespmem:$0x18B90] =	vst v63  }
0x117: {  	v14 =	vld [tilespmem:$0x6B50];
	_ =	sdelay $0x4  }
0x118: {  	v15 =	vshrl.u32 v14, $0x3  }
0x119: {  	v15 =	vmul.u32 $0x30, v15  }
0x11a: {  	v14 =	vand.u32 $0x7, v14  }
0x11b: {  	v14 =	vor.u32 v14, v15  }
0x11c: {  	v15 =	vperm.xlane v14, v7;
	_ =	sdelay $0x1  }
0x11d: {  	v15 =	vadd.s32 v9, v15;
	_ =	sdelay $0x3  }
0x11e: {  	s10 =	simm.s32 $0x15B80;
	v14 =	vperm.xlane v14, v12  }
0x11f: {  	[tilespmem:s10], [sflag:$0x1] =	stream.indirect_vreg.gather [hbm4b:s1+s5], $0x80, v15, vm0, $0xb8;
	[tilespmem:$0x18B90] =	vst v63  }
0x120: {  	s14 =	simm.s32 $0x16380;
	v14 =	vadd.s32 v9, v14  }
0x121: {  	[tilespmem:s14], [sflag:$0x1] =	stream.indirect_vreg.gather [hbm4b:s29+s5], $0x80, v15, vm0, $0xb8;
	[tilespmem:$0x18B90] =	vst v63  }
0x122: {  	s15 =	simm.s32 $0x16B80  }
0x123: {  	[tilespmem:s15], [sflag:$0x1] =	stream.indirect_vreg.gather [hbm4b:s30+s5], $0x80, v15, vm0, $0xb8;
	[tilespmem:$0x18B90] =	vst v63  }
0x124: {  	s16 =	simm.s32 $0x17380  }
0x125: {  	[tilespmem:s16], [sflag:$0x1] =	stream.indirect_vreg.gather [hbm4b:s1+s5], $0x80, v14, vm0, $0xb8;
	[tilespmem:$0x18B90] =	vst v63  }
0x126: {  	s17 =	simm.s32 $0x17B80  }
0x127: {  	[tilespmem:s17], [sflag:$0x1] =	stream.indirect_vreg.gather [hbm4b:s29+s5], $0x80, v14, vm0, $0xb8;
	[tilespmem:$0x18B90] =	vst v63  }
0x128: {  	s18 =	simm.s32 $0x18380  }
0x129: {  	[tilespmem:s18], [sflag:$0x1] =	stream.indirect_vreg.gather [hbm4b:s30+s5], $0x80, v14, vm0, $0xb8;
	[tilespmem:$0x18B90] =	vst v63  }
0x12a: {  	_ =	swait.ge [sflag:s28], $0x12000  }
0x12b: {  	[sflag:s28] =	ssyncset.done $0x0  }
0x12c: {  	s2 =	simm.s32 $0x6B80;
	s22 =	rddreg [dreg:$0x15];
	[sflag:s28] =	ssyncadd.s32 $0xFFFEE000  }
0x12d: {  	[hbm4b:s22+s5] =	stream.linear.scatter [tilespmem:s2], [sflag:$0x2], $0x12000, $0x38;
	[tilespmem:$0x18B90] =	vst v63  }
0x12e: {  	_ =	swait.ge [sflag:s13], $0x12000  }
0x12f: {  	s8 =	sadd.s32 $0x1, s8;
	s31 =	rddreg [dreg:$0x16]  }
0x130: {  	p5 =	sne.s32 s8, s31  }
.Ltmp1:
0x131: {  	_ = 	snop;
	(pc) =	sbr.rel @!p5 .LBB2_21-.Ltmp1, $3  }
0x132: {  	_ =	sdelay $0x1  }
0x133: {  	[sflag:s13] =	ssyncset.done $0x0  }
0x134: {  	[sflag:s13] =	ssyncadd.s32 $0xFFFEE000  }
.LBB2_1:
0x135: {  	[tilespmem:$0x6800] =	vst v5  }
0x136: {  	[tilespmem:$0x6980] =	vst v3  }
0x137: {  	[tilespmem:$0x6810] =	vst v5  }
0x138: {  	[tilespmem:$0x6990] =	vst v3  }
0x139: {  	[tilespmem:$0x6820] =	vst v5  }
0x13a: {  	[tilespmem:$0x69A0] =	vst v3  }
0x13b: {  	[tilespmem:$0x6830] =	vst v5  }
0x13c: {  	[tilespmem:$0x69B0] =	vst v3  }
0x13d: {  	[tilespmem:$0x6840] =	vst v5  }
0x13e: {  	[tilespmem:$0x69C0] =	vst v3  }
0x13f: {  	[tilespmem:$0x6850] =	vst v5  }
0x140: {  	[tilespmem:$0x69D0] =	vst v3  }
0x141: {  	[tilespmem:$0x6860] =	vst v5  }
0x142: {  	[tilespmem:$0x69E0] =	vst v3  }
0x143: {  	[tilespmem:$0x6870] =	vst v5  }
0x144: {  	[tilespmem:$0x69F0] =	vst v3  }
0x145: {  	[tilespmem:$0x6880] =	vst v5  }
0x146: {  	[tilespmem:$0x6A00] =	vst v3  }
0x147: {  	[tilespmem:$0x6890] =	vst v5  }
0x148: {  	[tilespmem:$0x6A10] =	vst v3  }
0x149: {  	[tilespmem:$0x68A0] =	vst v5  }
0x14a: {  	[tilespmem:$0x6A20] =	vst v3  }
0x14b: {  	[tilespmem:$0x68B0] =	vst v5  }
0x14c: {  	[tilespmem:$0x6A30] =	vst v3  }
0x14d: {  	[tilespmem:$0x68C0] =	vst v5  }
0x14e: {  	[tilespmem:$0x6A40] =	vst v3  }
0x14f: {  	[tilespmem:$0x68D0] =	vst v5  }
0x150: {  	[tilespmem:$0x6A50] =	vst v3  }
0x151: {  	[tilespmem:$0x68E0] =	vst v5  }
0x152: {  	[tilespmem:$0x6A60] =	vst v3  }
0x153: {  	[tilespmem:$0x68F0] =	vst v5  }
0x154: {  	[tilespmem:$0x6A70] =	vst v3  }
0x155: {  	[tilespmem:$0x6900] =	vst v5  }
0x156: {  	[tilespmem:$0x6A80] =	vst v3  }
0x157: {  	[tilespmem:$0x6910] =	vst v5  }
0x158: {  	[tilespmem:$0x6A90] =	vst v3  }
0x159: {  	[tilespmem:$0x6920] =	vst v5  }
0x15a: {  	[tilespmem:$0x6AA0] =	vst v3  }
0x15b: {  	[tilespmem:$0x6930] =	vst v5  }
0x15c: {  	[tilespmem:$0x6AB0] =	vst v3  }
0x15d: {  	[tilespmem:$0x6940] =	vst v5  }
0x15e: {  	[tilespmem:$0x6AC0] =	vst v3  }
0x15f: {  	[tilespmem:$0x6950] =	vst v5  }
0x160: {  	[tilespmem:$0x6AD0] =	vst v3  }
0x161: {  	[tilespmem:$0x6960] =	vst v5  }
0x162: {  	[tilespmem:$0x6AE0] =	vst v3  }
0x163: {  	[tilespmem:$0x6970] =	vst v5  }
0x164: {  	[tilespmem:$0x6AF0] =	vst v3;
	s0 =	rddreg [dreg:$0xb];
	s2 =	simm.s32 $0x6800  }
0x165: {  	[hbm4b:s0+s5] =	stream.linear.scatter [tilespmem:s2], [sflag:$0x2], $0x180, $0x38;
	[tilespmem:$0x18B90] =	vst v63  }
0x166: {  	_ =	swait.ge [sflag:s13], $0x180  }
0x167: {  	s31 =	simm.s32 $0x6980;
	[sflag:s13] =	ssyncset.done $0x0  }
.Ltmp2:
0x168: {  	s22 =	rddreg [dreg:$0xc];
	[sflag:s13] =	ssyncadd.s32 $0xFFFFFE80;
	(pc) =	sbr.rel @p0 .LBB2_7-.Ltmp2, $4  }
0x169: {  	[hbm4b:s22+s5] =	stream.linear.scatter [tilespmem:s31], [sflag:$0x2], $0x180, $0x38;
	[tilespmem:$0x18B90] =	vst v63  }
0x16a: {  	_ =	swait.ge [sflag:s13], $0x180  }
0x16b: {  	[sflag:s13] =	ssyncset.done $0x0  }
0x16c: {  	v14 =	vimm.s32 $0x0;
	[sflag:s13] =	ssyncadd.s32 $0xFFFFFE80  }
0x16d: {  	s31 =	simm.s32 $0x0;
	s0 =	rddreg [dreg:$0x5]  }
0x16e: {  	[tilespmem:s31], [sflag:$0x2] =	stream.linear.gather [hbm4b:s0+s31], $0x800, $0x38;
	[tilespmem:$0x18B90] =	vst v63  }
0x16f: {  	_ =	swait.ge [sflag:s13], $0x800  }
0x170: {  	[sflag:s13] =	ssyncset.done $0x0  }
0x171: {  	s1 =	simm.s32 $0x800;
	s15 =	rddreg [dreg:$0x6];
	[sflag:s13] =	ssyncadd.s32 $0xFFFFF800  }
0x172: {  	[tilespmem:s1], [sflag:$0x2] =	stream.linear.gather [hbm4b:s15+s31], $0x800, $0x38;
	[tilespmem:$0x18B90] =	vst v63  }
0x173: {  	_ =	swait.ge [sflag:s13], $0x800  }
0x174: {  	[sflag:s13] =	ssyncset.done $0x0  }
0x175: {  	s17 =	simm.s32 $0x1000;
	s16 =	rddreg [dreg:$0x7];
	[sflag:s13] =	ssyncadd.s32 $0xFFFFF800  }
0x176: {  	[tilespmem:s17], [sflag:$0x2] =	stream.linear.gather [hbm4b:s16+s31], $0x800, $0x38;
	[tilespmem:$0x18B90] =	vst v63  }
0x177: {  	_ =	swait.ge [sflag:s13], $0x800  }
0x178: {  	[sflag:s13] =	ssyncset.done $0x0  }
0x179: {  	s22 =	simm.s32 $0x1800;
	s18 =	rddreg [dreg:$0x8];
	[sflag:s13] =	ssyncadd.s32 $0xFFFFF800  }
0x17a: {  	[tilespmem:s22], [sflag:$0x2] =	stream.linear.gather [hbm4b:s18+s31], $0x800, $0x38;
	[tilespmem:$0x18B90] =	vst v63  }
0x17b: {  	_ =	swait.ge [sflag:s13], $0x800  }
0x17c: {  	[sflag:s13] =	ssyncset.done $0x0  }
0x17d: {  	s0 =	simm.s32 $0x0;
	[sflag:s13] =	ssyncadd.s32 $0xFFFFF800  }
.LBB2_3:
0x17e: {  	p5 =	sne.s32 s0, $0x4400  }
.Ltmp3:
0x17f: {  	_ = 	snop;
	(pc) =	sbr.rel @p5 .LBB2_3-.Ltmp3, $4  }
0x180: {  	s2 =	sshra.s32 s0, $0x2  }
0x181: {  	[tilespmem:s2+$0x2000] =	vst v5  }
0x182: {  	[tilespmem:s2+$0x3180] =	vst v3  }
0x183: {  	s0 =	sadd.s32 $0x40, s0;
	[tilespmem:s2+$0x4300] =	vst v1  }
0x184: {  	v14 =	vld [tilespmem:s31+$0x0];
	_ =	sdelay $0x4  }
0x185: {  	vm5 =	veq.s32 v14, v0  }
0x186: {  	v14 =	vsel vm5, $0x1, v5  }
0x187: {  	v15 =	vperm.xlane v14, v8  }
0x188: {  	vm4 =	veq.s32 v2, $0x0  }
0x189: {  	v15 =	vsel vm4, $0x0, v15  }
0x18a: {  	v14 =	vadd.s32 v14, v15  }
0x18b: {  	v15 =	vperm.xlane v14, v10;
	_ =	sdelay $0x1  }
0x18c: {  	v15 =	vsel vm1, $0x0, v15  }
0x18d: {  	v14 =	vadd.s32 v15, v14  }
0x18e: {  	v15 =	vperm.xlane v14, v11;
	_ =	sdelay $0x1  }
0x18f: {  	v15 =	vsel vm2, $0x0, v15  }
0x190: {  	v14 =	vadd.s32 v15, v14;
	v15 =	vmov s31  }
0x191: {  	v16 =	vperm.xlane v14, v13;
	v15 =	vadd.s32 $0xFFFFFFFF, v15  }
0x192: {  	v17 =	vmpcnt.ones.xlane vm5;
	v15 =	vbroadcast v15, $0x0  }
0x193: {  	v16 =	vsel vm3, $0x0, v16  }
0x194: {  	v17 =	vxor.u32 $0x80000000, v17;
	v15 =	vadd.s32 v16, v15  }
0x195: {  	(xrf0) =	vmax.scan.msk.u32 $0xffff, v17;
	v15 =	vadd.s32 v14, v15;
	v14 =	vor.u32 $0x1100, v2  }
0x196: {  	v15 =	vsel vm5, v15, v14  }
0x197: {  	v16 =	vor.u32 s31, v2  }
0x198: {  	v18 =	vand.u32 $0x7FF, v16;
	_ =	sdelay $0x1  }
0x199: {  	s10 =	simm.s32 $0x1000  }
0x19a: {  	v17 =	vld [tilespmem:s10+$0x0];
	[tilespmem:v15+s25+$0x0] =	vst.idx.msk $0xffff, v18;
	v18, _, _ =	vpop (xrf0)  }
0x19b: {  	(v2sf) =	vpush v18, $0xF;
	_ =	sdelay $0xd  }
0x19c: {  	s22 =	simm.s32 $0x10;
	s0 =	simm.s32 $0x20;
	s2 =	simm.s32 $0x0;
	[tilespmem:v15+s26+$0x0] =	vst.idx.msk $0xffff, v17  }
.LBB2_5:
0x19d: {  	p5 =	sne.s32 s0, $0xFF0;
	[tilespmem:v15+s24+$0x0] =	vst.idx.msk $0xffff, v16;
	s31 =	sadd.s32 $0x10, s31;
	s4 =	spop (v2sf)  }
0x19e: {  	s10 =	sadd.s32 $0x10, s10;
	v15 =	vld [tilespmem:s31+$0x0];
	s2 =	sadd.s32 s4, s2  }
0x19f: {  	v17 =	vld [tilespmem:s10+$0x0];
	s2 =	sadd.s32 $0x80000000, s2;
	_ =	sdelay $0x3  }
0x1a0: {  	vm5 =	veq.s32 v15, v0  }
0x1a1: {  	v15 =	vsel vm5, $0x1, v5;
	v16 =	vmpcnt.ones.xlane vm5  }
0x1a2: {  	v18 =	vperm.xlane v15, v8  }
0x1a3: {  	v16 =	vxor.u32 $0x80000000, v16  }
0x1a4: {  	v18 =	vsel vm4, $0x0, v18;
	(xrf0) =	vmax.scan.msk.u32 $0xffff, v16  }
0x1a5: {  	v15 =	vadd.s32 v15, v18  }
0x1a6: {  	v16 =	vperm.xlane v15, v10;
	_ =	sdelay $0x1  }
0x1a7: {  	v16 =	vsel vm1, $0x0, v16  }
0x1a8: {  	v15 =	vadd.s32 v16, v15  }
0x1a9: {  	v16 =	vperm.xlane v15, v11;
	v18, _, _ =	vpop (xrf0)  }
0x1aa: {  	(v2sf) =	vpush v18, $0xF  }
0x1ab: {  	v16 =	vsel vm2, $0x0, v16  }
0x1ac: {  	v15 =	vadd.s32 v16, v15;
	v16 =	vmov s2  }
0x1ad: {  	v18 =	vperm.xlane v15, v13;
	v16 =	vadd.s32 $0xFFFFFFFF, v16  }
0x1ae: {  	v16 =	vbroadcast v16, $0x0  }
0x1af: {  	v18 =	vsel vm3, $0x0, v18  }
0x1b0: {  	v16 =	vadd.s32 v18, v16  }
0x1b1: {  	v15 =	vadd.s32 v15, v16  }
0x1b2: {  	v15 =	vsel vm5, v15, v14;
	_ =	sdelay $0x1  }
.Ltmp4:
0x1b3: {  	(pc) =	sbr.rel @p5 .LBB2_5-.Ltmp4, $4  }
0x1b4: {  	v16 =	vor.u32 s22, v2;
	s22 =	smov.u32 s0  }
0x1b5: {  	v18 =	vand.u32 $0x7FF, v16  }
0x1b6: {  	[tilespmem:v15+s25+$0x0] =	vst.idx.msk $0xffff, v18  }
0x1b7: {  	s0 =	sadd.s32 $0x10, s0;
	[tilespmem:v15+s26+$0x0] =	vst.idx.msk $0xffff, v17  }
0x1b8: {  	_ =	sdelay $0x3  }
0x1b9: {  	[tilespmem:v15+s24+$0x0] =	vst.idx.msk $0xffff, v16;
	s0 =	sadd.s32 $0x10, s31  }
0x1ba: {  	v15 =	vld [tilespmem:s0+$0x0];
	_ =	sdelay $0x4  }
0x1bb: {  	vm4 =	veq.s32 v15, v0  }
0x1bc: {  	v15 =	vmpcnt.ones.xlane vm4;
	_ =	sdelay $0x1  }
0x1bd: {  	v58 =	vsel vm4, $0x1, v5;
	v15 =	vxor.u32 $0x80000000, v15  }
0x1be: {  	v17 =	vperm.xlane v58, v8;
	(xrf0) =	vmax.scan.msk.u32 $0xffff, v15  }
0x1bf: {  	vm5 =	veq.s32 v2, $0x0  }
0x1c0: {  	v15 =	vsel vm5, $0x0, v17  }
0x1c1: {  	v15 =	vadd.s32 v58, v15  }
0x1c2: {  	v16 =	vperm.xlane v15, v10;
	_ =	sdelay $0x1  }
0x1c3: {  	v16 =	vsel vm1, $0x0, v16;
	v59, _, _ =	vpop (xrf0)  }
0x1c4: {  	v15 =	vadd.s32 v16, v15;
	(v2sf) =	vpush v59, $0xF  }
0x1c5: {  	s17 =	spop (v2sf);
	v16 =	vperm.xlane v15, v11  }
0x1c6: {  	s0 =	sadd.s32 s17, s2  }
0x1c7: {  	s0 =	sadd.s32 $0x80000000, s0;
	v16 =	vsel vm2, $0x0, v16  }
0x1c8: {  	v60 =	vmov s0;
	v15 =	vadd.s32 v16, v15  }
0x1c9: {  	v16 =	vadd.s32 $0xFFFFFFFF, v60;
	v61 =	vperm.xlane v15, v13  }
0x1ca: {  	v16 =	vbroadcast v16, $0x0  }
0x1cb: {  	v17 =	vsel vm3, $0x0, v61  }
0x1cc: {  	v16 =	vadd.s32 v17, v16  }
0x1cd: {  	v15 =	vadd.s32 v15, v16  }
0x1ce: {  	s18 =	sadd.s32 $0x10, s10;
	v14 =	vsel vm4, v15, v14  }
0x1cf: {  	v15 =	vld [tilespmem:s18+$0x0];
	_ =	sdelay $0x1  }
0x1d0: {  	v62 =	vor.u32 s22, v2  }
0x1d1: {  	v63 =	vand.u32 $0x7FF, v62  }
0x1d2: {  	[tilespmem:v14+s25+$0x0] =	vst.idx.msk $0xffff, v63;
	s31 =	spop (v2sf)  }
0x1d3: {  	[tilespmem:v14+s26+$0x0] =	vst.idx.msk $0xffff, v15;
	s0 =	sadd.s32 s31, s0  }
0x1d4: {  	[tilespmem:v14+s24+$0x0] =	vst.idx.msk $0xffff, v62;
	s0 =	sadd.s32 $0x80000000, s0  }
0x1d5: {  	[tilespmem:$0x5400] =	vst v1;
	v14 =	vmov s0  }
.LBB2_7:
0x1d6: {  	[tilespmem:$0x6700] =	vst v14;
	s0 =	rddreg [dreg:$0xd];
	s2 =	simm.s32 $0x6700  }
0x1d7: {  	[spmem:s0] =	stream.linear.scatter [tilespmem:s2], [sflag:$0x2], $0x10, $0x38;
	[tilespmem:$0x18B90] =	vst v63  }
0x1d8: {  	_ =	swait.ge [sflag:s13], $0x10  }
0x1d9: {  	[sflag:s13] =	ssyncset.done $0x0  }
0x1da: {  	[sflag:s13] =	ssyncadd.s32 $0xFFFFFFF0  }
0x1db: {  	[bflag:$0x0] =	sbarrier.arrive $0xFFFF  }
0x1dc: {  	s7 =	simm.s32 $0x6600;
	s6 =	rddreg [dreg:$0x3]  }
0x1dd: {  	[tilespmem:s7], [sflag:$0x2] =	stream.linear.gather [spmem:s6], $0x10, $0x38;
	[tilespmem:$0x18B90] =	vst v63  }
0x1de: {  	_ =	swait.ge [sflag:s13], $0x10  }
0x1df: {  	[sflag:s13] =	ssyncset.done $0x0  }
0x1e0: {  	s14 =	simm.s32 $0x6610;
	s10 =	rddreg [dreg:$0xe];
	[sflag:s13] =	ssyncadd.s32 $0xFFFFFFF0  }
0x1e1: {  	[tilespmem:s14], [sflag:$0x2] =	stream.linear.gather [spmem:s10], $0x10, $0x38;
	[tilespmem:$0x18B90] =	vst v63  }
0x1e2: {  	_ =	swait.ge [sflag:s13], $0x10  }
0x1e3: {  	[sflag:s13] =	ssyncset.done $0x0  }
0x1e4: {  	s16 =	simm.s32 $0x6620;
	s15 =	rddreg [dreg:$0xf];
	[sflag:s13] =	ssyncadd.s32 $0xFFFFFFF0  }
0x1e5: {  	[tilespmem:s16], [sflag:$0x2] =	stream.linear.gather [spmem:s15], $0x10, $0x38;
	[tilespmem:$0x18B90] =	vst v63  }
0x1e6: {  	_ =	swait.ge [sflag:s13], $0x10  }
0x1e7: {  	[sflag:s13] =	ssyncset.done $0x0  }
0x1e8: {  	s18 =	simm.s32 $0x6630;
	s17 =	rddreg [dreg:$0x10];
	[sflag:s13] =	ssyncadd.s32 $0xFFFFFFF0  }
0x1e9: {  	[tilespmem:s18], [sflag:$0x2] =	stream.linear.gather [spmem:s17], $0x10, $0x38;
	[tilespmem:$0x18B90] =	vst v63  }
0x1ea: {  	_ =	swait.ge [sflag:s13], $0x10  }
0x1eb: {  	[sflag:s13] =	ssyncset.done $0x0  }
0x1ec: {  	s1 =	simm.s32 $0x6640;
	s22 =	rddreg [dreg:$0x11];
	[sflag:s13] =	ssyncadd.s32 $0xFFFFFFF0  }
0x1ed: {  	[tilespmem:s1], [sflag:$0x2] =	stream.linear.gather [spmem:s22], $0x10, $0x38;
	[tilespmem:$0x18B90] =	vst v63  }
0x1ee: {  	_ =	swait.ge [sflag:s13], $0x10  }
0x1ef: {  	[sflag:s13] =	ssyncset.done $0x0  }
0x1f0: {  	s4 =	simm.s32 $0x6650;
	s2 =	rddreg [dreg:$0x12];
	[sflag:s13] =	ssyncadd.s32 $0xFFFFFFF0  }
0x1f1: {  	[tilespmem:s4], [sflag:$0x2] =	stream.linear.gather [spmem:s2], $0x10, $0x38;
	[tilespmem:$0x18B90] =	vst v63  }
0x1f2: {  	_ =	swait.ge [sflag:s13], $0x10  }
0x1f3: {  	[sflag:s13] =	ssyncset.done $0x0  }
0x1f4: {  	s7 =	simm.s32 $0x6660;
	s6 =	rddreg [dreg:$0x17];
	[sflag:s13] =	ssyncadd.s32 $0xFFFFFFF0  }
0x1f5: {  	[tilespmem:s7], [sflag:$0x2] =	stream.linear.gather [spmem:s6], $0x10, $0x38;
	[tilespmem:$0x18B90] =	vst v63  }
0x1f6: {  	_ =	swait.ge [sflag:s13], $0x10  }
0x1f7: {  	[sflag:s13] =	ssyncset.done $0x0  }
0x1f8: {  	s14 =	simm.s32 $0x6670;
	s10 =	rddreg [dreg:$0x18];
	[sflag:s13] =	ssyncadd.s32 $0xFFFFFFF0  }
0x1f9: {  	[tilespmem:s14], [sflag:$0x2] =	stream.linear.gather [spmem:s10], $0x10, $0x38;
	[tilespmem:$0x18B90] =	vst v63  }
0x1fa: {  	_ =	swait.ge [sflag:s13], $0x10  }
0x1fb: {  	[sflag:s13] =	ssyncset.done $0x0  }
0x1fc: {  	[sflag:s13] =	ssyncadd.s32 $0xFFFFFFF0  }
0x1fd: {  	v14 =	vld [tilespmem:$0x6600]  }
0x1fe: {  	v15 =	vld [tilespmem:$0x6610]  }
0x1ff: {  	v16 =	vld [tilespmem:$0x6620]  }
0x200: {  	v17 =	vld [tilespmem:$0x6630]  }
0x201: {  	v18 =	vld [tilespmem:$0x6640]  }
0x202: {  	v19 =	vld [tilespmem:$0x6650];
	v14 =	vxor.u32 $0x80000000, v14  }
0x203: {  	(xrf0) =	vmax.scan.msk.u32 $0xffff, v14;
	v14 =	vxor.u32 $0x80000000, v15;
	v15 =	vld [tilespmem:$0x6660]  }
0x204: {  	(xrf0) =	vmax.scan.msk.u32 $0xffff, v14;
	v14 =	vxor.u32 $0x80000000, v16  }
0x205: {  	(xrf0) =	vmax.scan.msk.u32 $0xffff, v14;
	v14 =	vxor.u32 $0x80000000, v17  }
0x206: {  	v63 =	vld [tilespmem:$0x6670];
	(xrf0) =	vmax.scan.msk.u32 $0xffff, v14;
	v14 =	vxor.u32 $0x80000000, v18  }
0x207: {  	(xrf0) =	vmax.scan.msk.u32 $0xffff, v14;
	v14 =	vxor.u32 $0x80000000, v19  }
0x208: {  	(xrf0) =	vmax.scan.msk.u32 $0xffff, v14;
	v14 =	vxor.u32 $0x80000000, v15  }
0x209: {  	v15, _, _ =	vpop (xrf0)  }
0x20a: {  	(v2sf) =	vpush v15, $0xF  }
0x20b: {  	(xrf0) =	vmax.scan.msk.u32 $0xffff, v14;
	v15 =	vxor.u32 $0x80000000, v63;
	v14, _, _ =	vpop (xrf0)  }
0x20c: {  	(v2sf) =	vpush v14, $0xF;
	v14, _, _ =	vpop (xrf0)  }
0x20d: {  	(v2sf) =	vpush v14, $0xF  }
0x20e: {  	(xrf0) =	vmax.scan.msk.u32 $0xffff, v15;
	v15, _, _ =	vpop (xrf0)  }
0x20f: {  	(v2sf) =	vpush v15, $0xF  }
0x210: {  	v14, _, _ =	vpop (xrf0)  }
0x211: {  	(v2sf) =	vpush v14, $0xF  }
0x212: {  	v15, _, _ =	vpop (xrf0)  }
0x213: {  	(v2sf) =	vpush v15, $0xF  }
0x214: {  	v14, _, _ =	vpop (xrf0)  }
0x215: {  	(v2sf) =	vpush v14, $0xF;
	_ =	sdelay $0x1  }
0x216: {  	v14, _, _ =	vpop (xrf0)  }
0x217: {  	(v2sf) =	vpush v14, $0xF  }
0x218: {  	s15 =	spop (v2sf)  }
0x219: {  	s10 =	sadd.s32 $0x800000FF, s15  }
0x21a: {  	s4 =	spop (v2sf);
	s16 =	sand.u32 $0xFF, s10  }
0x21b: {  	s22 =	sshra.s32 s10, $0x1F;
	p5 =	slt.s32 s10, $0x1;
	s6 =	spop (v2sf)  }
0x21c: {  	p6 =	sne.s32 s16, $0x0;
	s22 =	sshrl.u32 s22, $0x18;
	s4 =	sadd.s32 $0x800000FF, s4  }
0x21d: {  	s7 =	spop (v2sf);
	p5 =	por !p5, !p6;
	s10 =	sadd.s32 s22, s10  }
0x21e: {  	s22 =	simm.s32 $0x1;
	s17 =	sshra.s32 s4, $0x1F;
	s15 =	sand.u32 $0xFF, s4  }
0x21f: {  	s6 =	sadd.s32 $0x800000FF, s6;
	s14 =	spop (v2sf);
	p5 =	por !p5, !p5  }
0x220: {  	s10 =	sshrl.u32 s10, $0x8;
	p6 =	sne.s32 s15, $0x0;
	s18 =	sand.u32 $0xFF, s6  }
0x221: {  	s1 =	sshra.s32 s6, $0x1F;
	s7 =	sadd.s32 $0x800000FF, s7;
	s31 =	spop (v2sf)  }
0x222: {  	s22 =	simm.s32 @!p5 $0x0;
	p5 =	slt.s32 s4, $0x1;
	s15 =	sshrl.u32 s1, $0x18  }
0x223: {  	s14 =	sadd.s32 $0x800000FF, s14;
	s0 =	spop (v2sf);
	s10 =	ssub.s32 s10, s22  }
0x224: {  	s22 =	sshrl.u32 s17, $0x18;
	p5 =	por !p5, !p6;
	p6 =	sne.s32 s18, $0x0  }
0x225: {  	s16 =	sadd.s32 s15, s6;
	s17 =	sand.u32 $0xFF, s7;
	s18 =	sshra.s32 s7, $0x1F  }
0x226: {  	s2 =	spop (v2sf);
	s4 =	sadd.s32 s22, s4;
	p5 =	por !p5, !p5  }
0x227: {  	s22 =	simm.s32 $0x1;
	s1 =	sshrl.u32 s18, $0x18;
	s0 =	sadd.s32 $0x800000FF, s0  }
0x228: {  	s4 =	sshrl.u32 s4, $0x8;
	s22 =	simm.s32 @!p5 $0x0;
	p5 =	slt.s32 s6, $0x1  }
0x229: {  	s6 =	simm.s32 $0x1;
	s2 =	sadd.s32 $0x800000FF, s2;
	p5 =	por !p5, !p6  }
0x22a: {  	s22 =	ssub.s32 s4, s22;
	s4 =	sshrl.u32 s16, $0x8;
	p5 =	por !p5, !p5  }
0x22b: {  	p6 =	slt.s32 s7, $0x1;
	s16 =	sand.u32 $0xFF, s14;
	s6 =	simm.s32 @!p5 $0x0  }
0x22c: {  	p5 =	sne.s32 s17, $0x0;
	s17 =	sadd.s32 $0x800000FF, s31;
	s31 =	simm.s32 $0x1  }
0x22d: {  	s6 =	ssub.s32 s4, s6;
	p5 =	por !p6, !p5;
	s4 =	sadd.s32 s1, s7  }
0x22e: {  	s7 =	simm.s32 $0x1;
	p6 =	sne.s32 s16, $0x0;
	p5 =	por !p5, !p5  }
0x22f: {  	s18 =	sand.u32 $0xFF, s17;
	s4 =	sshrl.u32 s4, $0x8;
	s7 =	simm.s32 @!p5 $0x0  }
0x230: {  	s1 =	sshra.s32 s17, $0x1F;
	p5 =	slt.s32 s14, $0x1;
	s15 =	ssub.s32 s4, s7  }
0x231: {  	s7 =	sshra.s32 s14, $0x1F;
	p5 =	por !p5, !p6;
	p6 =	sne.s32 s18, $0x0  }
0x232: {  	s18 =	sshra.s32 s0, $0x1F;
	s4 =	sshrl.u32 s7, $0x18;
	p5 =	por !p5, !p5  }
0x233: {  	s7 =	simm.s32 $0x1;
	s4 =	sadd.s32 s4, s14;
	s31 =	simm.s32 @!p5 $0x0  }
0x234: {  	s14 =	sshrl.u32 s1, $0x18;
	p5 =	slt.s32 s17, $0x1;
	s1 =	sshrl.u32 s18, $0x18  }
0x235: {  	s18 =	sshra.s32 s2, $0x1F;
	s4 =	sshrl.u32 s4, $0x8;
	s14 =	sadd.s32 s14, s17  }
0x236: {  	p5 =	por !p5, !p6;
	s17 =	sand.u32 $0xFF, s0;
	p6 =	slt.s32 s0, $0x1  }
0x237: {  	s0 =	sadd.s32 s1, s0;
	s16 =	ssub.s32 s4, s31;
	p5 =	por !p5, !p5  }
0x238: {  	s4 =	sshrl.u32 s14, $0x8;
	s14 =	sand.u32 $0xFF, s2;
	s0 =	sshrl.u32 s0, $0x8  }
0x239: {  	s31 =	sshll.u32 s6, $0x8;
	s7 =	simm.s32 @!p5 $0x0;
	p5 =	sne.s32 s17, $0x0  }
0x23a: {  	s6 =	sshll.u32 s16, $0x8;
	s17 =	ssub.s32 s4, s7;
	p5 =	por !p6, !p5  }
0x23b: {  	s7 =	simm.s32 $0x1;
	p6 =	slt.s32 s2, $0x1;
	p5 =	por !p5, !p5  }
0x23c: {  	s4 =	sshrl.u32 s18, $0x18;
	s7 =	simm.s32 @!p5 $0x0;
	p5 =	sne.s32 s14, $0x0  }
.Ltmp5:
0x23d: {  	s2 =	sadd.s32 s4, s2;
	p5 =	por !p6, !p5;
	(pc) =	sbr.rel @!p0 .LBB2_8-.Ltmp5, $4  }
0x23e: {  	s4 =	simm.s32 $0x1;
	s18 =	sshrl.u32 s2, $0x8;
	p5 =	por !p5, !p5  }
0x23f: {  	s1 =	ssub.s32 s0, s7;
	s7 =	sshll.u32 s22, $0x8;
	s4 =	simm.s32 @!p5 $0x0  }
0x240: {  	s22 =	sshll.u32 s15, $0x8;
	s0 =	sshll.u32 s17, $0x8;
	s18 =	ssub.s32 s18, s4  }
0x241: {  	s2 =	sshll.u32 s1, $0x8;
	s4 =	sshll.u32 s10, $0x8;
	s10 =	sshll.u32 s18, $0x8  }
0x242: {  	s1 =	sld [smem:$0x7F9];
	_ =	sdelay $0x2  }
0x243: {  	p5 =	seq.s32 s1, $0x1  }
.Ltmp6:
0x244: {  	_ = 	snop;
	(pc) =	sbr.rel @p5 .LBB2_20-.Ltmp6, $1  }
0x245: {  	_ =	sdelay $0x3  }
0x246: {  	s4 =	sshra.s32 s4, $0x8  }
0x247: {  	s7 =	sshra.s32 s7, $0x8;
	v14 =	vmov s4  }
0x248: {  	s4 =	sadd.s32 s4, s7;
	vm4 =	vlt.s32 v14, v4  }
0x249: {  	s16 =	sshra.s32 s31, $0x8;
	v15 =	vsel vm4, $0x1, v5;
	vm4 =	vlt.s32 v14, v6;
	v14 =	vmov s4  }
0x24a: {  	s17 =	sshra.s32 s22, $0x8;
	s4 =	sadd.s32 s16, s4;
	v16 =	vsel vm4, $0x1, v5;
	vm4 =	vlt.s32 v14, v4;
	vm5 =	vlt.s32 v14, v6  }
0x24b: {  	v18 =	vmov s4;
	s4 =	sadd.s32 s17, s4;
	v14 =	vsel vm4, $0x1, v5;
	v17 =	vsel vm5, $0x1, v5  }
0x24c: {  	s6 =	sshra.s32 s6, $0x8;
	vm4 =	vlt.s32 v18, v4;
	v48 =	vmov s4;
	v14 =	vadd.s32 v15, v14  }
0x24d: {  	s0 =	sshra.s32 s0, $0x8;
	s4 =	sadd.s32 s6, s4;
	v15 =	vadd.s32 v16, v17;
	v47 =	vsel vm4, $0x1, v5;
	vm4 =	vlt.s32 v18, v6  }
0x24e: {  	s2 =	sshra.s32 s2, $0x8;
	v51 =	vmov s4;
	s0 =	sadd.s32 s0, s4;
	v49 =	vsel vm4, $0x1, v5;
	vm4 =	vlt.s32 v48, v4  }
0x24f: {  	v14 =	vadd.s32 v47, v14;
	v55 =	vmov s0;
	s0 =	sadd.s32 s2, s0;
	v50 =	vsel vm4, $0x1, v5  }
0x250: {  	s18 =	sshra.s32 s10, $0x8;
	vm4 =	vlt.s32 v48, v6;
	v15 =	vadd.s32 v49, v15;
	v57 =	vmov s0  }
0x251: {  	s0 =	sadd.s32 s18, s0;
	v52 =	vsel vm4, $0x1, v5;
	vm4 =	vlt.s32 v51, v4;
	v14 =	vadd.s32 v50, v14  }
0x252: {  	v60 =	vmov s0;
	v53 =	vsel vm4, $0x1, v5;
	vm4 =	vlt.s32 v51, v6  }
0x253: {  	v15 =	vadd.s32 v52, v15;
	v54 =	vsel vm4, $0x1, v5;
	vm4 =	vlt.s32 v55, v4  }
0x254: {  	v14 =	vadd.s32 v53, v14;
	v56 =	vsel vm4, $0x1, v5;
	vm4 =	vlt.s32 v55, v6  }
0x255: {  	v15 =	vadd.s32 v54, v15;
	v58 =	vsel vm4, $0x1, v5;
	vm4 =	vlt.s32 v57, v4  }
0x256: {  	v14 =	vadd.s32 v56, v14;
	v59 =	vsel vm4, $0x1, v5;
	vm4 =	vlt.s32 v57, v6  }
0x257: {  	v15 =	vadd.s32 v58, v15;
	v61 =	vsel vm4, $0x1, v5;
	vm4 =	vlt.s32 v60, v4  }
0x258: {  	v14 =	vadd.s32 v59, v14;
	v62 =	vsel vm4, $0x1, v5;
	vm4 =	vlt.s32 v60, v6  }
0x259: {  	v15 =	vadd.s32 v61, v15;
	v14 =	vadd.s32 v62, v14;
	v63 =	vsel vm4, $0x1, v5  }
0x25a: {  	v15 =	vadd.s32 v63, v15;
	v14 =	vmin.u32 v14, $0x7  }
0x25b: {  	[tilespmem:$0x6780] =	vst v14;
	v14 =	vmin.u32 v15, $0x7  }
.Ltmp7:
0x25c: {  	s22 =	rddreg [dreg:$0xa];
	s31 =	simm.s32 $0x6780;
	[tilespmem:$0x6790] =	vst v14;
	(pc) =	sbr.rel .LBB2_20-.Ltmp7, $4  }
0x25d: {  	[hbm4b:s22+s5] =	stream.linear.scatter [tilespmem:s31], [sflag:$0x2], $0x80, $0x38;
	[tilespmem:$0x18B90] =	vst v63  }
0x25e: {  	_ =	swait.ge [sflag:s13], $0x80  }
0x25f: {  	[sflag:s13] =	ssyncset.done $0x0  }
0x260: {  	[sflag:s13] =	ssyncadd.s32 $0xFFFFFF80  }
.LBB2_8:
0x261: {  	s1 =	sld [smem:$0x7F8]  }
0x262: {  	s18 =	sld [smem:$0x7F7]  }
0x263: {  	s14 =	smov.u32 s4  }
0x264: {  	s15 =	smov.u32 s7;
	s16 =	smov.u32 s31;
	p5 =	seq.s32 s1, $0x1  }
0x265: {  	s14 =	simm.s32 @p1 $0x0;
	s15 =	simm.s32 @!p5 $0x0;
	p5 =	seq.s32 s18, $0x1  }
0x266: {  	s16 =	simm.s32 @!p5 $0x0;
	s14 =	sadd.s32 s14, s15  }
0x267: {  	s4 =	simm.s32 @!p1 $0x0;
	s14 =	sadd.s32 s16, s14;
	s16 =	sld [smem:$0x7F6]  }
0x268: {  	s7 =	simm.s32 @!p4 $0x0;
	s31 =	simm.s32 @!p3 $0x0;
	s17 =	sld [smem:$0x7FD]  }
0x269: {  	s4 =	sadd.s32 s4, s7;
	s7 =	smov.u32 s6;
	s18 =	sld [smem:$0x7F5]  }
0x26a: {  	s4 =	sadd.s32 s31, s4;
	s15 =	smov.u32 s22;
	p5 =	seq.s32 s16, $0x1  }
0x26b: {  	s22 =	simm.s32 @!p2 $0x0;
	s15 =	simm.s32 @!p5 $0x0;
	p5 =	seq.s32 s17, $0x1  }
0x26c: {  	s4 =	sadd.s32 s22, s4;
	s6 =	simm.s32 @!p5 $0x0;
	p5 =	seq.s32 s18, $0x1  }
0x26d: {  	s22 =	sld [smem:$0x7FC];
	s14 =	sadd.s32 s15, s14;
	s7 =	simm.s32 @!p5 $0x0  }
0x26e: {  	s31 =	sadd.s32 s7, s14;
	s14 =	sld [smem:$0x7FB]  }
0x26f: {  	s17 =	sld [smem:$0x7F4]  }
0x270: {  	s16 =	smov.u32 s2;
	p5 =	seq.s32 s22, $0x1  }
0x271: {  	s15 =	smov.u32 s0;
	s0 =	simm.s32 @!p5 $0x0;
	p5 =	seq.s32 s14, $0x1  }
0x272: {  	s18 =	sld [smem:$0x7FA];
	s2 =	simm.s32 @!p5 $0x0;
	p5 =	seq.s32 s17, $0x1  }
0x273: {  	s15 =	simm.s32 @!p5 $0x0  }
0x274: {  	s4 =	sadd.s32 s6, s4;
	s22 =	sadd.s32 s15, s31;
	s31 =	sld [smem:$0x7F3]  }
0x275: {  	s0 =	sadd.s32 s0, s4;
	p5 =	seq.s32 s18, $0x1  }
0x276: {  	s7 =	smov.u32 s10;
	s0 =	sadd.s32 s2, s0;
	s10 =	simm.s32 @!p5 $0x0  }
0x277: {  	s0 =	sadd.s32 s10, s0;
	p5 =	seq.s32 s31, $0x1  }
0x278: {  	s16 =	simm.s32 @!p5 $0x0;
	p5 =	slt.s32 s0, $0x100  }
.Ltmp8:
0x279: {  	_ = 	snop;
	(pc) =	sbr.rel @p5 .LBB2_15-.Ltmp8, $3  }
0x27a: {  	_ =	sdelay $0x1  }
0x27b: {  	s7 =	simm.s32 @!p0 $0x0;
	s2 =	sadd.s32 s16, s22  }
0x27c: {  	s10 =	sadd.s32 s7, s2  }
0x27d: {  	s2 =	sshra.s32 s0, $0x1F  }
0x27e: {  	s2 =	sshrl.u32 s2, $0x18  }
0x27f: {  	s31 =	sadd.s32 s2, s0  }
0x280: {  	s4 =	sshra.s32 s31, $0x8  }
0x281: {  	p6 =	sne.s32 s4, $0x1  }
.Ltmp9:
0x282: {  	_ = 	snop;
	(pc) =	sbr.rel @!p6 .LBB2_10-.Ltmp9, $3  }
0x283: {  	_ =	sdelay $0x1  }
0x284: {  	s6 =	sadd.s32 s10, s9;
	p5 =	por $0x0, $0x0;
	s0 =	simm.s32 $0x2000  }
0x285: {  	s2 =	simm.s32 $0x3180;
	s7 =	sadd.s32 $0xFFFFFFFF, s4;
	s4 =	sshrl.u32 s6, $0x3  }
0x286: {  	s4 =	sadd.s32 s3, s4;
	s18 =	sshrl.u32 s10, $0x3  }
0x287: {  	[hbm4b:s4+s5] =	stream.linear.scatter [tilespmem:s0], [sflag:$0x2], $0x100, $0x38;
	[tilespmem:$0x18B90] =	vst v63  }
0x288: {  	s6 =	sadd.s32 $0x100, s10;
	p6 =	sne.s32 s7, $0x1;
	_ =	swait.ge [sflag:s13], $0x100  }
.Ltmp10:
0x289: {  	s31 =	sadd.s32 $0xFFFFFFFF, s7;
	[sflag:s13] =	ssyncset.done $0x0;
	(pc) =	sbr.rel @!p6 .LBB2_12-.Ltmp10, $4  }
0x28a: {  	s4 =	sadd.s32 s11, s18;
	s22 =	sadd.s32 s6, s9;
	[sflag:s13] =	ssyncadd.s32 $0xFFFFFF00  }
0x28b: {  	[hbm4b:s4+s5] =	stream.linear.scatter [tilespmem:s2], [sflag:$0x2], $0x100, $0x38;
	[tilespmem:$0x18B90] =	vst v63  }
0x28c: {  	p5 =	por $0x1, $0x1;
	s4 =	sshrl.u32 s22, $0x3;
	_ =	swait.ge [sflag:s13], $0x100  }
0x28d: {  	s2 =	simm.s32 $0x3280;
	s22 =	simm.s32 $0x2000;
	[sflag:s13] =	ssyncset.done $0x0  }
.LBB2_13:
0x28e: {  	s4 =	sadd.s32 s3, s4;
	[sflag:s13] =	ssyncadd.s32 $0xFFFFFF00;
	s22 =	sadd.s32 $0x100, s22  }
0x28f: {  	[hbm4b:s4+s5] =	stream.linear.scatter [tilespmem:s22], [sflag:$0x2], $0x100, $0x38;
	[tilespmem:$0x18B90] =	vst v63  }
0x290: {  	p6 =	sne.s32 s31, $0x1;
	s31 =	sadd.s32 $0xFFFFFFFF, s31;
	_ =	swait.ge [sflag:s13], $0x100  }
.Ltmp11:
0x291: {  	s4 =	sshrl.u32 s6, $0x3;
	[sflag:s13] =	ssyncset.done $0x0;
	(pc) =	sbr.rel @p6 .LBB2_13-.Ltmp11, $4  }
0x292: {  	s6 =	sadd.s32 $0x100, s6;
	s4 =	sadd.s32 s11, s4;
	[sflag:s13] =	ssyncadd.s32 $0xFFFFFF00  }
0x293: {  	[hbm4b:s4+s5] =	stream.linear.scatter [tilespmem:s2], [sflag:$0x2], $0x100, $0x38;
	[tilespmem:$0x18B90] =	vst v63  }
0x294: {  	s4 =	sadd.s32 s6, s9;
	_ =	swait.ge [sflag:s13], $0x100  }
0x295: {  	s2 =	sadd.s32 $0x100, s2;
	s4 =	sshrl.u32 s4, $0x3;
	[sflag:s13] =	ssyncset.done $0x0  }
.LBB2_14:
0x296: {  	s7 =	sadd.s32 @p5 $0x100, s22  }
0x297: {  	s4 =	sadd.s32 s3, s4;
	[sflag:s13] =	ssyncadd.s32 @p5 $0xFFFFFF00;
	s0 =	smov.u32 @p5 s7  }
0x298: {  	[hbm4b:s4+s5] =	stream.linear.scatter [tilespmem:s0], [sflag:$0x2], $0x100, $0x38;
	[tilespmem:$0x18B90] =	vst v63  }
0x299: {  	_ =	swait.ge [sflag:s13], $0x100  }
0x29a: {  	s31 =	sshrl.u32 s6, $0x3;
	[sflag:s13] =	ssyncset.done $0x0  }
0x29b: {  	s0 =	sadd.s32 s11, s31;
	[sflag:s13] =	ssyncadd.s32 $0xFFFFFF00  }
0x29c: {  	[hbm4b:s0+s5] =	stream.linear.scatter [tilespmem:s2], [sflag:$0x2], $0x100, $0x38;
	[tilespmem:$0x18B90] =	vst v63  }
0x29d: {  	_ =	swait.ge [sflag:s13], $0x100  }
0x29e: {  	[sflag:s13] =	ssyncset.done $0x0  }
0x29f: {  	[sflag:s13] =	ssyncadd.s32 $0xFFFFFF00  }
.LBB2_15:
0x2a0: {  	s0 =	simm.s32 $0x40;
	v14 =	vadd.s32 s10, v2;
	s2 =	simm.s32 $0x0  }
.LBB2_16:
0x2a1: {  	p5 =	sne.s32 s0, $0x4400  }
0x2a2: {  	[tilespmem:s2+$0x5480] =	vst v14;
	s10 =	sadd.s32 $0x10, s10;
	s2 =	smov.u32 s0;
	s0 =	sadd.s32 $0x40, s0  }
.Ltmp12:
0x2a3: {  	(pc) =	sbr.rel @p5 .LBB2_16-.Ltmp12, $2  }
0x2a4: {  	_ =	sdelay $0x2  }
0x2a5: {  	v14 =	vadd.s32 s10, v2;
	s2 =	sshra.s32 s2, $0x2  }
.Ltmp13:
0x2a6: {  	_ = 	snop;
	(pc) =	sbr.rel .LBB2_17-.Ltmp13, $1  }
0x2a7: {  	_ =	sdelay $0x3  }
.LBB2_10:
.Ltmp14:
0x2a8: {  	(pc) =	sbr.rel .LBB2_14-.Ltmp14, $2  }
0x2a9: {  	_ =	sdelay $0x2  }
0x2aa: {  	s22 =	simm.s32 $0x2000;
	s6 =	smov.u32 s10  }
.LBB2_12:
.Ltmp15:
0x2ab: {  	(pc) =	sbr.rel .LBB2_14-.Ltmp15, $2  }
0x2ac: {  	_ =	sdelay $0x2  }
0x2ad: {  	s22 =	simm.s32 $0x2000  }
.LBB2_21:
0x2ae: {  	_ =	sfence.sel $0x180000  }
0x2af: {  	[bflag:$0x0] =	sbarrier.arrive $0xFFFF  }
0x2b0: {  	_ =	strace $0x90000047  }
0x2b1: {  	s0 =	stileid.u32;
	[bflag:$0x2] =	sbarrier.arrive $0xFFFF  }
0x2b2: {  	p0 =	sne.s32 s0, $0x0;
	s0 =	rddreg [dreg:$0x4]  }
0x2b3: {  	s0 =	sadd.s32 @!p0 $0x100000, s0  }
0x2b4: {  	[sflag:s0] =	ssyncadd.tile.s32 @!p0 $0x1;
	_ =	shalt  }
.Lfunc_end2:
_tile_overlayer_lowered:
.L_overlay_start_2:
0x2b5: {  	(tag) =	ssettag $0x2  }
0x2b6: {  	s0 =	rddreg [dreg:$0x0];
	s2 =	stileid.u32  }
0x2b7: {  	s1 =	rddreg [dreg:$0x1];
	p0 =	sne.s32 s2, $0x0  }
0x2b8: {  	s3 =	rddreg [dreg:$0x2];
	[bflag:$0x3] =	sbarrier.arrive $0xFFFF;
	s2 =	simm.s32 @!p0 $0x1C02  }
0x2b9: {  	[timem:s3], [sflag:s2] =	dma.local @!p0 [hbm:s0], s1  }
0x2ba: {  	s0 =	simm.s32 @!p0 $0x2  }
0x2bb: {  	_ =	swait.ge @!p0 [sflag:s0], s1  }
0x2bc: {  	s1 =	ssub.s32 @!p0 $0x0, s1;
	[sflag:s0] =	ssyncset.done @!p0 $0x0  }
0x2bd: {  	[sflag:s0] =	ssyncadd.s32 @!p0 s1  }
0x2be: {  	[bflag:$0x3] =	sbarrier.arrive $0xFFFF  }
0x2bf: {  	_ =	shalt  }

// kernel: kernel.9.cloned.1.call-start
scs
__scs_entry_jumppad:
0x0: {  	(pc) =	sbr.rel $0x88, $3  }
0x1: {  	(tag) =	ssettag $0x0;
	lr =	simm.s32 $0x1  }
0x2: {  	[smem:$0x3F98] =	sst lr;
	_ =	strace $0xD0000000  }
0x3: {  	_ = 	snop  }
0x4: {  	_ = 	snop  }
0x5: {  	_ = 	snop  }
0x6: {  	_ = 	snop  }
0x7: {  	_ = 	snop  }
__scs_overlays_trampoline_lowered:
0x8: {  	[smem:$0x3FA7] =	sst s0  }
0x9: {  	[smem:$0x3FA8] =	sst s1  }
0xa: {  	[smem:$0x3FA9] =	sst s2  }
0xb: {  	[smem:$0x3FAA] =	sst s3  }
0xc: {  	[smem:$0x3FAB] =	sst s4  }
0xd: {  	[smem:$0x3FAC] =	sst s5  }
0xe: {  	[smem:$0x3FAD] =	sst s6  }
0xf: {  	[smem:$0x3FAE] =	sst s7  }
0x10: {  	[smem:$0x3FAF] =	sst s8  }
0x11: {  	[smem:$0x3FB0] =	sst s9;
	s0 =	simm.s32 @!p0 $0x0  }
0x12: {  	s1 =	sld [smem:$0x3F96];
	s0 =	simm.s32 @p0 $0x1  }
0x13: {  	[smem:$0x3FB1] =	sst s0;
	s0 =	simm.s32 @!p1 $0x0  }
0x14: {  	s2 =	sld [smem:$0x3F95];
	s0 =	simm.s32 @p1 $0x1  }
0x15: {  	[smem:$0x3FB2] =	sst s0;
	s0 =	simm.s32 @!p2 $0x0  }
0x16: {  	s3 =	sld [smem:$0x3FDB];
	s0 =	simm.s32 @p2 $0x1  }
0x17: {  	s4 =	simm.s32 $0x1BF5;
	[smem:$0x3FB4] =	sst s0  }
0x18: {  	s0 =	sld [smem:$0x3F97];
	_ =	swait.ge [sflag:s4], $0x0  }
0x19: {  	s7 =	sld [smem:$0x3F98]  }
0x1a: {  	s8 =	sadd.s32 $0xFFFFE003, lr  }
0x1b: {  	s9 =	sadd.s32 $0xFFFFFEF7, lr;
	s5 =	simm.s32 $0xFFFFFFFF;
	p2 =	slt.u32 s8, $0xFFFFF086  }
0x1c: {  	p1 =	slt.u32 s9, $0xF7A;
	s5 =	simm.s32 @!p2 $0x0  }
0x1d: {  	s5 =	simm.s32 @p1 $0x1;
	p0 =	seq.s32 s7, s2  }
0x1e: {  	s7 =	smul.u32 @!p0 $0xF7A, s2;
	p2 =	seq.s32 @!p0 s5, $0x0  }
0x1f: {  	s9 =	smul.u32 $0xF7A, s1;
	s8 =	simm.s32 @!p0 $0x1BF5;
	p2 =	por !p2, p0  }
0x20: {  	[sflag:s8] =	ssyncset.s32 @!p0 $0xFFFFF086;
	s6 =	sadd.s32 @!p0 s3, s7;
	s7 =	simm.s32 @!p0 $0x108  }
0x21: {  	s3 =	sadd.s32 s3, s9;
	s6 =	sadd.s32 @!p0 $0x88, s6;
	s7 =	simm.s32 @p2 $0x1082  }
0x22: {  	[simem:s7], [sflag:s8] =	dma.local @!p0 [hbm:s6], $0xF7A  }
0x23: {  	s9 =	sor.u32 $0xD0000000, s2;
	s6 =	simm.s32 $0x108;
	_ =	swait.ge @!p0 [sflag:s8], $0x0  }
0x24: {  	s3 =	sadd.s32 $0x88, s3;
	s6 =	simm.s32 @!p1 $0x1082;
	[sflag:s4] =	ssyncset.s32 $0xFFFFF086  }
0x25: {  	[simem:s6], [sflag:s4] =	dma.local [hbm:s3], $0xF7A  }
0x26: {  	[smem:$0x3F98] =	sst s1;
	(tag) =	ssettag s2;
	_ =	strace s9  }
0x27: {  	s1 =	sld [smem:$0x3FA8]  }
0x28: {  	s2 =	sld [smem:$0x3FA9]  }
0x29: {  	s4 =	sld [smem:$0x3FAB]  }
0x2a: {  	p0 =	seq.s32 s5, $0x0;
	s5 =	sld [smem:$0x3FAC]  }
0x2b: {  	s6 =	sld [smem:$0x3FAD]  }
0x2c: {  	s7 =	sld [smem:$0x3FAE]  }
0x2d: {  	s3 =	simm.s32 $0x108;
	s8 =	sld [smem:$0x3FAF]  }
0x2e: {  	s3 =	simm.s32 @!p0 $0x1082;
	s9 =	sld [smem:$0x3FB0]  }
0x2f: {  	lr =	sadd.s32 s0, s3;
	s0 =	sld [smem:$0x3FA7]  }
0x30: {  	s3 =	sld [smem:$0x3FAA]  }
0x31: {  	[smem:$0x3FB3] =	sst s10  }
0x32: {  	s10 =	sld [smem:$0x3FB1];
	_ =	sdelay $0x3  }
0x33: {  	p0 =	seq.s32 s10, $0x1;
	s10 =	sld [smem:$0x3FB3];
	_ =	sdelay $0x3  }
0x34: {  	[smem:$0x3FB3] =	sst s10  }
0x35: {  	s10 =	sld [smem:$0x3FB2];
	_ =	sdelay $0x3  }
0x36: {  	p1 =	seq.s32 s10, $0x1;
	s10 =	sld [smem:$0x3FB3];
	_ =	sdelay $0x3  }
0x37: {  	[smem:$0x3FB3] =	sst s10  }
0x38: {  	s10 =	sld [smem:$0x3FB4]  }
0x39: {  	_ = 	snop;
	(pc) =	sbr.ind lr, $3  }
0x3a: {  	_ = 	snop  }
0x3b: {  	_ = 	snop  }
0x3c: {  	p2 =	seq.s32 s10, $0x1;
	s10 =	sld [smem:$0x3FB3]  }
0x3d: {  	_ =	shalt  }
0x3e: {  	_ =	shalt  }
0x3f: {  	_ =	shalt  }
0x40: {  	_ =	shalt  }
0x41: {  	_ =	shalt  }
0x42: {  	_ =	shalt  }
0x43: {  	_ =	shalt  }
0x44: {  	_ =	shalt  }
0x45: {  	_ =	shalt  }
0x46: {  	_ =	shalt  }
0x47: {  	_ =	shalt  }
0x48: {  	_ =	shalt  }
0x49: {  	_ =	shalt  }
0x4a: {  	_ =	shalt  }
0x4b: {  	_ =	shalt  }
0x4c: {  	_ =	shalt  }
0x4d: {  	_ =	shalt  }
0x4e: {  	_ =	shalt  }
0x4f: {  	_ =	shalt  }
0x50: {  	_ =	shalt  }
0x51: {  	_ =	shalt  }
0x52: {  	_ =	shalt  }
0x53: {  	_ =	shalt  }
0x54: {  	_ =	shalt  }
0x55: {  	_ =	shalt  }
0x56: {  	_ =	shalt  }
0x57: {  	_ =	shalt  }
0x58: {  	_ =	shalt  }
0x59: {  	_ =	shalt  }
0x5a: {  	_ =	shalt  }
0x5b: {  	_ =	shalt  }
0x5c: {  	_ =	shalt  }
0x5d: {  	_ =	shalt  }
0x5e: {  	_ =	shalt  }
0x5f: {  	_ =	shalt  }
0x60: {  	_ =	shalt  }
0x61: {  	_ =	shalt  }
0x62: {  	_ =	shalt  }
0x63: {  	_ =	shalt  }
0x64: {  	_ =	shalt  }
0x65: {  	_ =	shalt  }
0x66: {  	_ =	shalt  }
0x67: {  	_ =	shalt  }
0x68: {  	_ =	shalt  }
0x69: {  	_ =	shalt  }
0x6a: {  	_ =	shalt  }
0x6b: {  	_ =	shalt  }
0x6c: {  	_ =	shalt  }
0x6d: {  	_ =	shalt  }
0x6e: {  	_ =	shalt  }
0x6f: {  	_ =	shalt  }
0x70: {  	_ =	shalt  }
0x71: {  	_ =	shalt  }
0x72: {  	_ =	shalt  }
0x73: {  	_ =	shalt  }
0x74: {  	_ =	shalt  }
0x75: {  	_ =	shalt  }
0x76: {  	_ =	shalt  }
0x77: {  	_ =	shalt  }
0x78: {  	_ =	shalt  }
0x79: {  	_ =	shalt  }
0x7a: {  	_ =	shalt  }
0x7b: {  	_ =	shalt  }
0x7c: {  	_ =	shalt  }
0x7d: {  	_ =	shalt  }
0x7e: {  	_ =	shalt  }
0x7f: {  	_ =	shalt  }
0x80: {  	_ =	shalt  }
0x81: {  	_ =	shalt  }
0x82: {  	_ =	shalt  }
0x83: {  	_ =	shalt  }
0x84: {  	_ =	shalt  }
0x85: {  	_ =	shalt  }
0x86: {  	_ =	shalt  }
0x87: {  	_ =	shalt  }
.Lfunc_end0:
.L_simem_size_0:
called_computation.1_lowered:
.L_overlay_start_0:
0x88: {  	s2 =	sld [smem:$0x3FD9]  }
0x89: {  	s3 =	sld [smem:$0x3FFE];
	_ =	sdelay $0x1  }
0x8a: {  	s1 =	srdreg.scid  }
0x8b: {  	s0 =	sand.u32 $0x1, s1  }
0x8c: {  	s17 =	sshll.u32 s0, $0xA;
	s2 =	sadd.s32 s3, s2  }
0x8d: {  	s2 =	sadd.s32 s2, s17  }
0x8e: {  	[smem:$0x3FBF] =	sst s2  }
0x8f: {  	_ = 	snop  }
0x90: {  	s2 =	sld [smem:$0x3FD0];
	(tm) =	ssettm $0x1  }
0x91: {  	s18 =	sld [smem:$0x3FFB];
	_ =	sdelay $0x3  }
0x92: {  	_ =	strace s18  }
0x93: {  	s3 =	sld [smem:$0x3FFC];
	_ =	sdelay $0x3  }
0x94: {  	_ =	strace s3  }
0x95: {  	s3 =	sld [smem:$0x3FFD];
	_ =	sdelay $0x3  }
0x96: {  	_ =	strace s3  }
0x97: {  	_ =	strace $0x8FFFFFFF  }
0x98: {  	s19 =	sld [smem:$0x3FDB];
	_ =	sdelay $0x1  }
0x99: {  	s4 =	simm.s32 $_scs_section_size  }
0x9a: {  	s5 =	simm.s32 $_size__tile_overlayer_lowered;
	s6 =	simm.s32 $_tile_overlayer_lowered  }
0x9b: {  	s22 =	simm.s32 $0x1BFF;
	s21 =	sshll.u32 s6, $0x1;
	s3 =	sadd.s32 s4, s19  }
0x9c: {  	s7 =	simm.s32 $0x0;
	s20 =	sshll.u32 s5, $0x1;
	s5 =	sadd.s32 s21, s3  }
0x9d: {  	[timem:s7], [sflag:s22] =	dma.local [hbm:s5], s20  }
0x9e: {  	_ =	swait.ge [sflag:s22], s20  }
0x9f: {  	s4 =	ssub.s32 $0x0, s20;
	[sflag:s22] =	ssyncset.done $0x0  }
0xa0: {  	[sflag:s22] =	ssyncadd.s32 s4;
	_ =	sdelay $0x1  }
0xa1: {  	s23 =	simm.s32 $0x1B8B  }
0xa2: {  	_ =	swait.ge [sflag:s23], $0x1  }
0xa3: {  	[sflag:s23] =	ssyncset.done $0x0  }
0xa4: {  	s25 =	simm.s32 $0x1B8E;
	s24 =	sld [smem:$0x3FFE];
	[sflag:s23] =	ssyncadd.s32 $0xFFFFFFFF  }
0xa5: {  	s26 =	simm.s32 $execute0_lowered;
	[smem:$0x3FD2] =	sst s25  }
0xa6: {  	s5 =	sshll.u32 s26, $0x1;
	_ =	strace $0x80000049;
	[dreg:$0x1] =	wrdreg $0xFFFFFFFF  }
0xa7: {  	s28 =	simm.s32 $_size_execute0_lowered;
	s3 =	sadd.s32 s3, s5;
	[dreg:$0x0] =	wrdreg $0x0  }
0xa8: {  	s5 =	sshll.u32 s28, $0x1;
	[dreg:$0x2] =	wrdreg s3  }
0xa9: {  	[dreg:$0x3] =	wrdreg s5  }
0xaa: {  	[dreg:$0x4] =	wrdreg $0xC0  }
0xab: {  	_ =	task [dreg:s7], $0x5FFFF  }
0xac: {  	[dreg:$0x1] =	wrdreg $0xFFFFFFFF  }
0xad: {  	[dreg:$0x0] =	wrdreg $0x60  }
0xae: {  	[dreg:$0x2] =	wrdreg s24  }
0xaf: {  	[dreg:$0x3] =	wrdreg s2  }
0xb0: {  	[dreg:$0x4] =	wrdreg $0x9  }
0xb1: {  	_ =	task.clear_ibuf [dreg:s7], $0x5FFFF;
	_ =	strace $0x90000049  }
0xb2: {  	s29 =	simm.s32 $0x9;
	_ =	strace $0x8000004B  }
0xb3: {  	_ =	swait.ge [sflag:s29], $0x1  }
0xb4: {  	[sflag:s29] =	ssyncadd.s32 $0xFFFFFFFF  }
0xb5: {  	_ =	strace $0x9000004B  }
0xb6: {  	_ =	sfence  }
0xb7: {  	s30 =	sld [smem:$0x0];
	_ =	sdelay $0x2  }
0xb8: {  	s31 =	sshll.u32 s1, $0xD;
	s1 =	sshrl.u32 s1, $0x2  }
0xb9: {  	s3 =	sand.u32 $0x4000, s31;
	s1 =	sadd.s32 s1, s30  }
0xba: {  	s0 =	sor.u32 s3, s0;
	s1 =	sshll.u32 s1, $0x11  }
0xbb: {  	s0 =	sor.u32 s1, s0  }
0xbc: {  	s0 =	sadd.s32 $0x8F2B, s0  }
0xbd: {  	[sflag:s0] =	ssyncadd.remote.s32 $0x1  }
0xbe: {  	_ =	sfence.sel $0xFFFF  }
0xbf: {  	[dreg:$0x0] =	wrdreg $0xFFFFFFFF;
	(pc) =	sbr.abs _section_cstart, $3  }
0xc0: {  	[dreg:$0x1] =	wrdreg $0xFFFFFFFF  }
0xc1: {  	_ =	task.clear_ibuf [dreg:s7], $0x2FFFF;
	_ =	strace $0x9FFFFFFF  }
0xc2: {  	(tm) =	ssettm $0x7FFFFFFF  }
0xc3: {  	_ =	shalt  }
tec
execute0_lowered:
.L_overlay_start_1:
0x0: {  	(tag) =	ssettag $0x1  }
0x1: {  	s0 =	rddreg [dreg:$0x0]  }
0x2: {  	s1 =	rddreg [dreg:$0x1]  }
0x3: {  	s3 =	srdreg.scid;
	s2 =	simm.s32 $0x0;
	s5 =	stileid.u32  }
0x4: {  	s10 =	simm.s32 $0x2;
	s12 =	simm.s32 $0x100;
	s15 =	simm.s32 $0x1  }
0x5: {  	s28 =	simm.s32 $0x11900;
	s29 =	simm.s32 $0x12100;
	s30 =	simm.s32 $0x12900  }
0x6: {  	s31 =	simm.s32 $0x13100;
	s11 =	simm.s32 $0x14900;
	s13 =	simm.s32 $0x15100  }
0x7: {  	s14 =	simm.s32 $0x15900;
	s16 =	simm.s32 $0x16100;
	s17 =	simm.s32 $0x16900  }
0x8: {  	s18 =	simm.s32 $0x17100;
	s19 =	simm.s32 $0x17900;
	s20 =	simm.s32 $0x0  }
0x9: {  	s3 =	sand.u32 $0x1, s3;
	[smem:$0x7FF] =	sst s2;
	s5 =	sshll.u32 s5, $0x3  }
0xa: {  	s4 =	sshll.u32 s3, $0x7;
	_ =	strace $0x8000004A;
	s26 =	ssub.s32 $0x2, s3  }
0xb: {  	s3 =	sadd.s32 $0x94800, s0;
	s5 =	sor.u32 s5, s4;
	s7 =	sshrl.u32 s26, $0x1  }
0xc: {  	s6 =	sadd.s32 s5, s0;
	s9 =	ssub.s32 s26, s7;
	s8 =	smul.u32 $0x300, s5  }
0xd: {  	v2 =	vlaneseq.u32;
	s7 =	sadd.s32 $0x94A00, s0;
	s26 =	simm.s32 $0x11100;
	s4 =	sadd.s32 $0x94400, s6  }
0xe: {  	vm0 =	vmmov $0xffff;
	v1 =	vshrl.u32 v2, $0x3;
	s5 =	sadd.s32 $0x94500, s6;
	s6 =	sadd.s32 $0x94900, s0;
	s9 =	smax.u32 s9, $0x1  }
0xf: {  	v0 =	vand.u32 $0x7, v2;
	v2 =	vor.u32 $0x8, v2;
	v1 =	vmul.u32 $0x8, v1;
	s0 =	simm.s32 $0x13900;
	s8 =	sadd.s32 s1, s8;
	s1 =	simm.s32 $0x14100  }
.LBB2_1:
0x10: {  	[tilespmem:s2], [sflag:$0x2] =	stream.linear.gather [hbm4b:s4+s2], $0x40, $0x38;
	[tilespmem:$0x18100] =	vst v63  }
0x11: {  	_ =	swait.ge [sflag:s10], $0x40  }
0x12: {  	[sflag:s10] =	ssyncset.done $0x0  }
0x13: {  	s21 =	simm.s32 $0x80;
	[sflag:s10] =	ssyncadd.s32 $0xFFFFFFC0  }
0x14: {  	[tilespmem:s21], [sflag:$0x2] =	stream.linear.gather [hbm4b:s5+s2], $0x40, $0x38;
	[tilespmem:$0x18100] =	vst v63  }
0x15: {  	_ =	swait.ge [sflag:s10], $0x40  }
0x16: {  	[sflag:s10] =	ssyncset.done $0x0  }
0x17: {  	[sflag:s10] =	ssyncadd.s32 $0xFFFFFFC0  }
0x18: {  	v3 =	vld [tilespmem:$0x0];
	_ =	sdelay $0x4  }
0x19: {  	v4 =	vshrl.u32 v3, $0x3  }
0x1a: {  	v4 =	vmul.u32 $0x30, v4  }
0x1b: {  	v3 =	vand.u32 $0x7, v3  }
0x1c: {  	v3 =	vor.u32 v3, v4  }
0x1d: {  	v4 =	vperm.xlane v3, v0;
	_ =	sdelay $0x1  }
0x1e: {  	v4 =	vadd.s32 v1, v4;
	_ =	sdelay $0x3  }
0x1f: {  	v3 =	vperm.xlane v3, v2  }
0x20: {  	[tilespmem:s12], [sflag:$0x1] =	stream.indirect_vreg.gather [hbm4b:s3+s2], $0x80, v4, vm0, $0xb8;
	[tilespmem:$0x18100] =	vst v63  }
0x21: {  	s24 =	simm.s32 $0x900;
	v3 =	vadd.s32 v1, v3  }
0x22: {  	[tilespmem:s24], [sflag:$0x1] =	stream.indirect_vreg.gather [hbm4b:s6+s2], $0x80, v4, vm0, $0xb8;
	[tilespmem:$0x18100] =	vst v63  }
0x23: {  	s25 =	simm.s32 $0x1100  }
0x24: {  	[tilespmem:s25], [sflag:$0x1] =	stream.indirect_vreg.gather [hbm4b:s7+s2], $0x80, v4, vm0, $0xb8;
	[tilespmem:$0x18100] =	vst v63  }
0x25: {  	s22 =	simm.s32 $0x1900  }
0x26: {  	[tilespmem:s22], [sflag:$0x1] =	stream.indirect_vreg.gather [hbm4b:s3+s2], $0x80, v3, vm0, $0xb8;
	[tilespmem:$0x18100] =	vst v63  }
0x27: {  	s23 =	simm.s32 $0x2100  }
0x28: {  	[tilespmem:s23], [sflag:$0x1] =	stream.indirect_vreg.gather [hbm4b:s6+s2], $0x80, v3, vm0, $0xb8;
	[tilespmem:$0x18100] =	vst v63  }
0x29: {  	s24 =	simm.s32 $0x2900  }
0x2a: {  	[tilespmem:s24], [sflag:$0x1] =	stream.indirect_vreg.gather [hbm4b:s7+s2], $0x80, v3, vm0, $0xb8;
	[tilespmem:$0x18100] =	vst v63  }
0x2b: {  	v3 =	vld [tilespmem:$0x10];
	_ =	sdelay $0x4  }
0x2c: {  	v4 =	vshrl.u32 v3, $0x3  }
0x2d: {  	v4 =	vmul.u32 $0x30, v4  }
0x2e: {  	v3 =	vand.u32 $0x7, v3  }
0x2f: {  	v3 =	vor.u32 v3, v4  }
0x30: {  	v4 =	vperm.xlane v3, v0;
	_ =	sdelay $0x1  }
0x31: {  	v4 =	vadd.s32 v1, v4;
	_ =	sdelay $0x3  }
0x32: {  	s25 =	simm.s32 $0x3100;
	v3 =	vperm.xlane v3, v2  }
0x33: {  	[tilespmem:s25], [sflag:$0x1] =	stream.indirect_vreg.gather [hbm4b:s3+s2], $0x80, v4, vm0, $0xb8;
	[tilespmem:$0x18100] =	vst v63  }
0x34: {  	s22 =	simm.s32 $0x3900;
	v3 =	vadd.s32 v1, v3  }
0x35: {  	[tilespmem:s22], [sflag:$0x1] =	stream.indirect_vreg.gather [hbm4b:s6+s2], $0x80, v4, vm0, $0xb8;
	[tilespmem:$0x18100] =	vst v63  }
0x36: {  	s23 =	simm.s32 $0x4100  }
0x37: {  	[tilespmem:s23], [sflag:$0x1] =	stream.indirect_vreg.gather [hbm4b:s7+s2], $0x80, v4, vm0, $0xb8;
	[tilespmem:$0x18100] =	vst v63  }
0x38: {  	s24 =	simm.s32 $0x4900  }
0x39: {  	[tilespmem:s24], [sflag:$0x1] =	stream.indirect_vreg.gather [hbm4b:s3+s2], $0x80, v3, vm0, $0xb8;
	[tilespmem:$0x18100] =	vst v63  }
0x3a: {  	s25 =	simm.s32 $0x5100  }
0x3b: {  	[tilespmem:s25], [sflag:$0x1] =	stream.indirect_vreg.gather [hbm4b:s6+s2], $0x80, v3, vm0, $0xb8;
	[tilespmem:$0x18100] =	vst v63  }
0x3c: {  	s22 =	simm.s32 $0x5900  }
0x3d: {  	[tilespmem:s22], [sflag:$0x1] =	stream.indirect_vreg.gather [hbm4b:s7+s2], $0x80, v3, vm0, $0xb8;
	[tilespmem:$0x18100] =	vst v63  }
0x3e: {  	v3 =	vld [tilespmem:$0x20];
	_ =	sdelay $0x4  }
0x3f: {  	v4 =	vshrl.u32 v3, $0x3  }
0x40: {  	v4 =	vmul.u32 $0x30, v4  }
0x41: {  	v3 =	vand.u32 $0x7, v3  }
0x42: {  	v3 =	vor.u32 v3, v4  }
0x43: {  	v4 =	vperm.xlane v3, v0;
	_ =	sdelay $0x1  }
0x44: {  	v4 =	vadd.s32 v1, v4;
	_ =	sdelay $0x3  }
0x45: {  	s23 =	simm.s32 $0x6100;
	v3 =	vperm.xlane v3, v2  }
0x46: {  	[tilespmem:s23], [sflag:$0x1] =	stream.indirect_vreg.gather [hbm4b:s3+s2], $0x80, v4, vm0, $0xb8;
	[tilespmem:$0x18100] =	vst v63  }
0x47: {  	s24 =	simm.s32 $0x6900;
	v3 =	vadd.s32 v1, v3  }
0x48: {  	[tilespmem:s24], [sflag:$0x1] =	stream.indirect_vreg.gather [hbm4b:s6+s2], $0x80, v4, vm0, $0xb8;
	[tilespmem:$0x18100] =	vst v63  }
0x49: {  	s25 =	simm.s32 $0x7100  }
0x4a: {  	[tilespmem:s25], [sflag:$0x1] =	stream.indirect_vreg.gather [hbm4b:s7+s2], $0x80, v4, vm0, $0xb8;
	[tilespmem:$0x18100] =	vst v63  }
0x4b: {  	s22 =	simm.s32 $0x7900  }
0x4c: {  	[tilespmem:s22], [sflag:$0x1] =	stream.indirect_vreg.gather [hbm4b:s3+s2], $0x80, v3, vm0, $0xb8;
	[tilespmem:$0x18100] =	vst v63  }
0x4d: {  	s23 =	simm.s32 $0x8100  }
0x4e: {  	[tilespmem:s23], [sflag:$0x1] =	stream.indirect_vreg.gather [hbm4b:s6+s2], $0x80, v3, vm0, $0xb8;
	[tilespmem:$0x18100] =	vst v63  }
0x4f: {  	s24 =	simm.s32 $0x8900  }
0x50: {  	[tilespmem:s24], [sflag:$0x1] =	stream.indirect_vreg.gather [hbm4b:s7+s2], $0x80, v3, vm0, $0xb8;
	[tilespmem:$0x18100] =	vst v63  }
0x51: {  	v3 =	vld [tilespmem:$0x30];
	_ =	sdelay $0x4  }
0x52: {  	v4 =	vshrl.u32 v3, $0x3  }
0x53: {  	v4 =	vmul.u32 $0x30, v4  }
0x54: {  	v3 =	vand.u32 $0x7, v3  }
0x55: {  	v3 =	vor.u32 v3, v4  }
0x56: {  	v4 =	vperm.xlane v3, v0;
	_ =	sdelay $0x1  }
0x57: {  	v4 =	vadd.s32 v1, v4;
	_ =	sdelay $0x3  }
0x58: {  	s25 =	simm.s32 $0x9100;
	v3 =	vperm.xlane v3, v2  }
0x59: {  	[tilespmem:s25], [sflag:$0x1] =	stream.indirect_vreg.gather [hbm4b:s3+s2], $0x80, v4, vm0, $0xb8;
	[tilespmem:$0x18100] =	vst v63  }
0x5a: {  	s22 =	simm.s32 $0x9900;
	v3 =	vadd.s32 v1, v3  }
0x5b: {  	[tilespmem:s22], [sflag:$0x1] =	stream.indirect_vreg.gather [hbm4b:s6+s2], $0x80, v4, vm0, $0xb8;
	[tilespmem:$0x18100] =	vst v63  }
0x5c: {  	s23 =	simm.s32 $0xA100  }
0x5d: {  	[tilespmem:s23], [sflag:$0x1] =	stream.indirect_vreg.gather [hbm4b:s7+s2], $0x80, v4, vm0, $0xb8;
	[tilespmem:$0x18100] =	vst v63  }
0x5e: {  	s24 =	simm.s32 $0xA900  }
0x5f: {  	[tilespmem:s24], [sflag:$0x1] =	stream.indirect_vreg.gather [hbm4b:s3+s2], $0x80, v3, vm0, $0xb8;
	[tilespmem:$0x18100] =	vst v63  }
0x60: {  	s25 =	simm.s32 $0xB100  }
0x61: {  	[tilespmem:s25], [sflag:$0x1] =	stream.indirect_vreg.gather [hbm4b:s6+s2], $0x80, v3, vm0, $0xb8;
	[tilespmem:$0x18100] =	vst v63  }
0x62: {  	s22 =	simm.s32 $0xB900  }
0x63: {  	[tilespmem:s22], [sflag:$0x1] =	stream.indirect_vreg.gather [hbm4b:s7+s2], $0x80, v3, vm0, $0xb8;
	[tilespmem:$0x18100] =	vst v63  }
0x64: {  	_ =	swait.ge [sflag:s15], $0xC000  }
0x65: {  	[sflag:s15] =	ssyncset.done $0x0  }
0x66: {  	[sflag:s15] =	ssyncadd.s32 $0xFFFF4000  }
0x67: {  	v3 =	vld [tilespmem:$0x80];
	_ =	sdelay $0x4  }
0x68: {  	v4 =	vshrl.u32 v3, $0x3  }
0x69: {  	v4 =	vmul.u32 $0x30, v4  }
0x6a: {  	v3 =	vand.u32 $0x7, v3  }
0x6b: {  	v3 =	vor.u32 v3, v4  }
0x6c: {  	v4 =	vperm.xlane v3, v0;
	_ =	sdelay $0x1  }
0x6d: {  	v4 =	vadd.s32 v1, v4;
	_ =	sdelay $0x3  }
0x6e: {  	s23 =	simm.s32 $0xC100;
	v3 =	vperm.xlane v3, v2  }
0x6f: {  	[tilespmem:s23], [sflag:$0x1] =	stream.indirect_vreg.gather [hbm4b:s3+s2], $0x80, v4, vm0, $0xb8;
	[tilespmem:$0x18100] =	vst v63  }
0x70: {  	s24 =	simm.s32 $0xC900;
	v3 =	vadd.s32 v1, v3  }
0x71: {  	[tilespmem:s24], [sflag:$0x1] =	stream.indirect_vreg.gather [hbm4b:s6+s2], $0x80, v4, vm0, $0xb8;
	[tilespmem:$0x18100] =	vst v63  }
0x72: {  	s25 =	simm.s32 $0xD100  }
0x73: {  	[tilespmem:s25], [sflag:$0x1] =	stream.indirect_vreg.gather [hbm4b:s7+s2], $0x80, v4, vm0, $0xb8;
	[tilespmem:$0x18100] =	vst v63  }
0x74: {  	s22 =	simm.s32 $0xD900  }
0x75: {  	[tilespmem:s22], [sflag:$0x1] =	stream.indirect_vreg.gather [hbm4b:s3+s2], $0x80, v3, vm0, $0xb8;
	[tilespmem:$0x18100] =	vst v63  }
0x76: {  	s23 =	simm.s32 $0xE100  }
0x77: {  	[tilespmem:s23], [sflag:$0x1] =	stream.indirect_vreg.gather [hbm4b:s6+s2], $0x80, v3, vm0, $0xb8;
	[tilespmem:$0x18100] =	vst v63  }
0x78: {  	s24 =	simm.s32 $0xE900  }
0x79: {  	[tilespmem:s24], [sflag:$0x1] =	stream.indirect_vreg.gather [hbm4b:s7+s2], $0x80, v3, vm0, $0xb8;
	[tilespmem:$0x18100] =	vst v63  }
0x7a: {  	v3 =	vld [tilespmem:$0x90];
	_ =	sdelay $0x4  }
0x7b: {  	v4 =	vshrl.u32 v3, $0x3  }
0x7c: {  	v4 =	vmul.u32 $0x30, v4  }
0x7d: {  	v3 =	vand.u32 $0x7, v3  }
0x7e: {  	v3 =	vor.u32 v3, v4  }
0x7f: {  	v4 =	vperm.xlane v3, v0;
	_ =	sdelay $0x1  }
0x80: {  	v4 =	vadd.s32 v1, v4;
	_ =	sdelay $0x3  }
0x81: {  	s25 =	simm.s32 $0xF100;
	v3 =	vperm.xlane v3, v2  }
0x82: {  	[tilespmem:s25], [sflag:$0x1] =	stream.indirect_vreg.gather [hbm4b:s3+s2], $0x80, v4, vm0, $0xb8;
	[tilespmem:$0x18100] =	vst v63  }
0x83: {  	s22 =	simm.s32 $0xF900;
	v3 =	vadd.s32 v1, v3  }
0x84: {  	[tilespmem:s22], [sflag:$0x1] =	stream.indirect_vreg.gather [hbm4b:s6+s2], $0x80, v4, vm0, $0xb8;
	[tilespmem:$0x18100] =	vst v63  }
0x85: {  	s23 =	simm.s32 $0x10100  }
0x86: {  	[tilespmem:s23], [sflag:$0x1] =	stream.indirect_vreg.gather [hbm4b:s7+s2], $0x80, v4, vm0, $0xb8;
	[tilespmem:$0x18100] =	vst v63  }
0x87: {  	s24 =	simm.s32 $0x10900  }
0x88: {  	[tilespmem:s24], [sflag:$0x1] =	stream.indirect_vreg.gather [hbm4b:s3+s2], $0x80, v3, vm0, $0xb8;
	[tilespmem:$0x18100] =	vst v63  }
0x89: {  	_ = 	snop  }
0x8a: {  	[tilespmem:s26], [sflag:$0x1] =	stream.indirect_vreg.gather [hbm4b:s6+s2], $0x80, v3, vm0, $0xb8;
	[tilespmem:$0x18100] =	vst v63  }
0x8b: {  	_ = 	snop  }
0x8c: {  	[tilespmem:s28], [sflag:$0x1] =	stream.indirect_vreg.gather [hbm4b:s7+s2], $0x80, v3, vm0, $0xb8;
	[tilespmem:$0x18100] =	vst v63  }
0x8d: {  	v3 =	vld [tilespmem:$0xA0];
	_ =	sdelay $0x4  }
0x8e: {  	v4 =	vshrl.u32 v3, $0x3  }
0x8f: {  	v4 =	vmul.u32 $0x30, v4  }
0x90: {  	v3 =	vand.u32 $0x7, v3  }
0x91: {  	v3 =	vor.u32 v3, v4  }
0x92: {  	v4 =	vperm.xlane v3, v0;
	_ =	sdelay $0x1  }
0x93: {  	v4 =	vadd.s32 v1, v4;
	_ =	sdelay $0x3  }
0x94: {  	v3 =	vperm.xlane v3, v2  }
0x95: {  	[tilespmem:s29], [sflag:$0x1] =	stream.indirect_vreg.gather [hbm4b:s3+s2], $0x80, v4, vm0, $0xb8;
	[tilespmem:$0x18100] =	vst v63  }
0x96: {  	v3 =	vadd.s32 v1, v3  }
0x97: {  	[tilespmem:s30], [sflag:$0x1] =	stream.indirect_vreg.gather [hbm4b:s6+s2], $0x80, v4, vm0, $0xb8;
	[tilespmem:$0x18100] =	vst v63  }
0x98: {  	_ = 	snop  }
0x99: {  	[tilespmem:s31], [sflag:$0x1] =	stream.indirect_vreg.gather [hbm4b:s7+s2], $0x80, v4, vm0, $0xb8;
	[tilespmem:$0x18100] =	vst v63  }
0x9a: {  	_ = 	snop  }
0x9b: {  	[tilespmem:s0], [sflag:$0x1] =	stream.indirect_vreg.gather [hbm4b:s3+s2], $0x80, v3, vm0, $0xb8;
	[tilespmem:$0x18100] =	vst v63  }
0x9c: {  	_ = 	snop  }
0x9d: {  	[tilespmem:s1], [sflag:$0x1] =	stream.indirect_vreg.gather [hbm4b:s6+s2], $0x80, v3, vm0, $0xb8;
	[tilespmem:$0x18100] =	vst v63  }
0x9e: {  	_ = 	snop  }
0x9f: {  	[tilespmem:s11], [sflag:$0x1] =	stream.indirect_vreg.gather [hbm4b:s7+s2], $0x80, v3, vm0, $0xb8;
	[tilespmem:$0x18100] =	vst v63  }
0xa0: {  	v3 =	vld [tilespmem:$0xB0];
	_ =	sdelay $0x4  }
0xa1: {  	v4 =	vshrl.u32 v3, $0x3  }
0xa2: {  	v4 =	vmul.u32 $0x30, v4  }
0xa3: {  	v3 =	vand.u32 $0x7, v3  }
0xa4: {  	v3 =	vor.u32 v3, v4  }
0xa5: {  	v4 =	vperm.xlane v3, v0;
	_ =	sdelay $0x1  }
0xa6: {  	v4 =	vadd.s32 v1, v4;
	_ =	sdelay $0x3  }
0xa7: {  	v3 =	vperm.xlane v3, v2  }
0xa8: {  	[tilespmem:s13], [sflag:$0x1] =	stream.indirect_vreg.gather [hbm4b:s3+s2], $0x80, v4, vm0, $0xb8;
	[tilespmem:$0x18100] =	vst v63  }
0xa9: {  	v3 =	vadd.s32 v1, v3  }
0xaa: {  	[tilespmem:s14], [sflag:$0x1] =	stream.indirect_vreg.gather [hbm4b:s6+s2], $0x80, v4, vm0, $0xb8;
	[tilespmem:$0x18100] =	vst v63  }
0xab: {  	_ = 	snop  }
0xac: {  	[tilespmem:s16], [sflag:$0x1] =	stream.indirect_vreg.gather [hbm4b:s7+s2], $0x80, v4, vm0, $0xb8;
	[tilespmem:$0x18100] =	vst v63  }
0xad: {  	_ = 	snop  }
0xae: {  	[tilespmem:s17], [sflag:$0x1] =	stream.indirect_vreg.gather [hbm4b:s3+s2], $0x80, v3, vm0, $0xb8;
	[tilespmem:$0x18100] =	vst v63  }
0xaf: {  	_ = 	snop  }
0xb0: {  	[tilespmem:s18], [sflag:$0x1] =	stream.indirect_vreg.gather [hbm4b:s6+s2], $0x80, v3, vm0, $0xb8;
	[tilespmem:$0x18100] =	vst v63  }
0xb1: {  	s25 =	simm.s32 $0x0  }
0xb2: {  	[tilespmem:s19], [sflag:$0x1] =	stream.indirect_vreg.gather [hbm4b:s7+s2], $0x80, v3, vm0, $0xb8;
	[tilespmem:$0x18100] =	vst v63  }
0xb3: {  	s21 =	smul.u32 $0x1800, s25;
	_ =	swait.ge [sflag:s15], $0xC000  }
0xb4: {  	s22 =	sand.u32 $0x380, s2;
	[sflag:s15] =	ssyncset.done $0x0  }
0xb5: {  	s21 =	sor.u32 s22, s21;
	[sflag:s15] =	ssyncadd.s32 $0xFFFF4000  }
0xb6: {  	v12 =	vld [tilespmem:s21+$0xC100]  }
0xb7: {  	v13 =	vld [tilespmem:s21+$0xC110]  }
0xb8: {  	v14 =	vld [tilespmem:s21+$0xC120]  }
0xb9: {  	v15 =	vld [tilespmem:s21+$0xC130]  }
0xba: {  	v16 =	vld [tilespmem:s21+$0xC140]  }
0xbb: {  	v17 =	vld [tilespmem:s21+$0xC150]  }
0xbc: {  	v18 =	vld [tilespmem:s21+$0xC160]  }
0xbd: {  	v19 =	vld [tilespmem:s21+$0xC170]  }
0xbe: {  	v20 =	vld [tilespmem:s21+$0xC500]  }
0xbf: {  	v21 =	vld [tilespmem:s21+$0xC510]  }
0xc0: {  	v22 =	vld [tilespmem:s21+$0xC520]  }
0xc1: {  	v23 =	vld [tilespmem:s21+$0xC530]  }
0xc2: {  	v24 =	vld [tilespmem:s21+$0xC540]  }
0xc3: {  	v25 =	vld [tilespmem:s21+$0xC550]  }
0xc4: {  	v26 =	vld [tilespmem:s21+$0xC560]  }
0xc5: {  	v27 =	vld [tilespmem:s21+$0xC570]  }
0xc6: {  	v28 =	vld [tilespmem:s21+$0xC900]  }
0xc7: {  	v29 =	vld [tilespmem:s21+$0xC910]  }
0xc8: {  	v30 =	vld [tilespmem:s21+$0xC920]  }
0xc9: {  	v31 =	vld [tilespmem:s21+$0xC930]  }
0xca: {  	v32 =	vld [tilespmem:s21+$0xC940]  }
0xcb: {  	v33 =	vld [tilespmem:s21+$0xC950]  }
0xcc: {  	v34 =	vld [tilespmem:s21+$0xC960]  }
0xcd: {  	v35 =	vld [tilespmem:s21+$0xC970]  }
0xce: {  	v36 =	vld [tilespmem:s21+$0xCD00]  }
0xcf: {  	v37 =	vld [tilespmem:s21+$0xCD10]  }
0xd0: {  	v38 =	vld [tilespmem:s21+$0xCD20]  }
0xd1: {  	v39 =	vld [tilespmem:s21+$0xCD30]  }
0xd2: {  	v40 =	vld [tilespmem:s21+$0xCD40]  }
0xd3: {  	v41 =	vld [tilespmem:s21+$0xCD50]  }
0xd4: {  	v42 =	vld [tilespmem:s21+$0xCD60]  }
0xd5: {  	v43 =	vld [tilespmem:s21+$0xCD70]  }
0xd6: {  	v44 =	vld [tilespmem:s21+$0xD100]  }
0xd7: {  	v45 =	vld [tilespmem:s21+$0xD110]  }
0xd8: {  	v46 =	vld [tilespmem:s21+$0xD120]  }
0xd9: {  	v47 =	vld [tilespmem:s21+$0xD130]  }
0xda: {  	v48 =	vld [tilespmem:s21+$0xD140]  }
0xdb: {  	v49 =	vld [tilespmem:s21+$0xD150]  }
0xdc: {  	v50 =	vld [tilespmem:s21+$0xD160]  }
0xdd: {  	v11 =	vld [tilespmem:s21+$0xD170]  }
0xde: {  	v10 =	vld [tilespmem:s21+$0xD500]  }
0xdf: {  	v9 =	vld [tilespmem:s21+$0xD510]  }
0xe0: {  	v8 =	vld [tilespmem:s21+$0xD520]  }
0xe1: {  	v7 =	vld [tilespmem:s21+$0xD530]  }
0xe2: {  	v6 =	vld [tilespmem:s21+$0xD540]  }
0xe3: {  	v51 =	vld [tilespmem:s21+$0x100]  }
0xe4: {  	v52 =	vld [tilespmem:s21+$0x110]  }
0xe5: {  	v53 =	vld [tilespmem:s21+$0x120]  }
0xe6: {  	v54 =	vld [tilespmem:s21+$0x130]  }
0xe7: {  	v55 =	vld [tilespmem:s21+$0x140]  }
0xe8: {  	v62 =	vld [tilespmem:s21+$0x150];
	v12 =	vadd.f32 v12, v51  }
0xe9: {  	v63 =	vld [tilespmem:s21+$0x160];
	v13 =	vadd.f32 v13, v52  }
0xea: {  	[tilespmem:s21+$0x100] =	vst v12;
	v12 =	vadd.f32 v14, v53;
	v14 =	vld [tilespmem:s21+$0x170]  }
0xeb: {  	[tilespmem:s21+$0x110] =	vst v13;
	v13 =	vadd.f32 v15, v54;
	v15 =	vld [tilespmem:s21+$0x500]  }
0xec: {  	[tilespmem:s21+$0x120] =	vst v12;
	v12 =	vadd.f32 v16, v55;
	v16 =	vld [tilespmem:s21+$0x510]  }
0xed: {  	[tilespmem:s21+$0x130] =	vst v13;
	v13 =	vadd.f32 v17, v62;
	v17 =	vld [tilespmem:s21+$0x520]  }
0xee: {  	v5 =	vld [tilespmem:s21+$0xD550]  }
0xef: {  	[tilespmem:s21+$0x140] =	vst v12;
	v12 =	vadd.f32 v18, v63;
	v18 =	vld [tilespmem:s21+$0x570]  }
0xf0: {  	[tilespmem:s21+$0x150] =	vst v13;
	v13 =	vadd.f32 v19, v14;
	v14 =	vld [tilespmem:s21+$0x530]  }
0xf1: {  	[tilespmem:s21+$0x160] =	vst v12;
	v12 =	vadd.f32 v20, v15;
	v15 =	vld [tilespmem:s21+$0x540]  }
0xf2: {  	[tilespmem:s21+$0x170] =	vst v13;
	v13 =	vadd.f32 v21, v16;
	v16 =	vadd.f32 v22, v17;
	v17 =	vld [tilespmem:s21+$0x560]  }
0xf3: {  	[tilespmem:s21+$0x500] =	vst v12;
	v12 =	vld [tilespmem:s21+$0x550]  }
0xf4: {  	[tilespmem:s21+$0x510] =	vst v13;
	v13 =	vld [tilespmem:s21+$0x900];
	v18 =	vadd.f32 v27, v18  }
0xf5: {  	[tilespmem:s21+$0x520] =	vst v16;
	v16 =	vld [tilespmem:s21+$0x910];
	v14 =	vadd.f32 v23, v14  }
0xf6: {  	v4 =	vld [tilespmem:s21+$0xD560];
	v15 =	vadd.f32 v24, v15;
	[tilespmem:s21+$0x570] =	vst v18  }
0xf7: {  	[tilespmem:s21+$0x530] =	vst v14;
	v14 =	vld [tilespmem:s21+$0x920];
	v17 =	vadd.f32 v26, v17  }
0xf8: {  	v12 =	vadd.f32 v25, v12;
	[tilespmem:s21+$0x540] =	vst v15;
	v15 =	vld [tilespmem:s21+$0x930]  }
0xf9: {  	v18 =	vld [tilespmem:s21+$0x970];
	[tilespmem:s21+$0x560] =	vst v17;
	v13 =	vadd.f32 v28, v13  }
0xfa: {  	v16 =	vadd.f32 v29, v16;
	[tilespmem:s21+$0x550] =	vst v12;
	v12 =	vld [tilespmem:s21+$0x940]  }
0xfb: {  	v17 =	vld [tilespmem:s21+$0x950];
	[tilespmem:s21+$0x900] =	vst v13  }
0xfc: {  	[tilespmem:s21+$0x910] =	vst v16;
	v16 =	vld [tilespmem:s21+$0x960];
	v13 =	vadd.f32 v30, v14  }
0xfd: {  	v14 =	vld [tilespmem:s21+$0xD00];
	v15 =	vadd.f32 v31, v15  }
0xfe: {  	[tilespmem:s21+$0x920] =	vst v13;
	v13 =	vld [tilespmem:s21+$0xD10]  }
0xff: {  	v12 =	vadd.f32 v32, v12;
	[tilespmem:s21+$0x930] =	vst v15;
	v15 =	vld [tilespmem:s21+$0xD20]  }
0x100: {  	v3 =	vld [tilespmem:s21+$0xD570];
	v17 =	vadd.f32 v33, v17  }
0x101: {  	v16 =	vadd.f32 v34, v16;
	[tilespmem:s21+$0x940] =	vst v12;
	v12 =	vld [tilespmem:s21+$0xD30]  }
0x102: {  	[tilespmem:s21+$0x950] =	vst v17;
	v17 =	vld [tilespmem:s21+$0xD40];
	v14 =	vadd.f32 v36, v14  }
0x103: {  	v18 =	vadd.f32 v35, v18;
	[tilespmem:s21+$0x960] =	vst v16;
	v16 =	vld [tilespmem:s21+$0xD50]  }
0x104: {  	v13 =	vadd.f32 v37, v13;
	[tilespmem:s21+$0xD00] =	vst v14;
	v14 =	vadd.f32 v38, v15;
	v15 =	vld [tilespmem:s21+$0xD60]  }
0x105: {  	[tilespmem:s21+$0x970] =	vst v18;
	v18 =	vld [tilespmem:s21+$0xD70]  }
0x106: {  	[tilespmem:s21+$0xD10] =	vst v13;
	v13 =	vld [tilespmem:s21+$0x1100];
	v12 =	vadd.f32 v39, v12  }
0x107: {  	v17 =	vadd.f32 v40, v17;
	[tilespmem:s21+$0xD20] =	vst v14;
	v14 =	vld [tilespmem:s21+$0x1110]  }
0x108: {  	v16 =	vadd.f32 v41, v16;
	[tilespmem:s21+$0xD30] =	vst v12;
	v12 =	vld [tilespmem:s21+$0x1120]  }
0x109: {  	[tilespmem:s21+$0xD40] =	vst v17;
	v17 =	vld [tilespmem:s21+$0x1130];
	v15 =	vadd.f32 v42, v15  }
0x10a: {  	v19 =	vld [tilespmem:s21+$0x1140];
	[tilespmem:s21+$0xD50] =	vst v16;
	v16 =	vadd.f32 v43, v18  }
0x10b: {  	v18 =	vld [tilespmem:s21+$0x1150];
	v13 =	vadd.f32 v44, v13;
	[tilespmem:s21+$0xD60] =	vst v15  }
0x10c: {  	v20 =	vld [tilespmem:s21+$0x1160];
	[tilespmem:s21+$0xD70] =	vst v16;
	v14 =	vadd.f32 v45, v14  }
0x10d: {  	v16 =	vld [tilespmem:s21+$0x1170];
	[tilespmem:s21+$0x1100] =	vst v13;
	v12 =	vadd.f32 v46, v12  }
0x10e: {  	v15 =	vld [tilespmem:s21+$0x1500];
	v13 =	vadd.f32 v47, v17;
	[tilespmem:s21+$0x1110] =	vst v14  }
0x10f: {  	v14 =	vld [tilespmem:s21+$0x1510];
	[tilespmem:s21+$0x1120] =	vst v12;
	v12 =	vadd.f32 v48, v19  }
0x110: {  	[tilespmem:s21+$0x1130] =	vst v13;
	v13 =	vld [tilespmem:s21+$0x1520];
	v18 =	vadd.f32 v49, v18  }
0x111: {  	s22 =	simm.s32 $0x1;
	s23 =	simm.s32 $0x0;
	v17 =	vadd.f32 v50, v20;
	[tilespmem:s21+$0x1140] =	vst v12;
	v12 =	vld [tilespmem:s21+$0x1530]  }
.LBB2_2:
0x112: {  	s24 =	sshrl.u32 s22, $0x3;
	p0 =	sne.s32 s22, $0x3F;
	[tilespmem:s21+$0x1150] =	vst v18;
	v11 =	vadd.f32 v11, v16;
	v16 =	vld [tilespmem:s21+$0x1540]  }
0x113: {  	s23 =	sadd.s32 $0x80, s23;
	s24 =	smul.u32 $0x1800, s24;
	[tilespmem:s21+$0x1160] =	vst v17;
	v10 =	vadd.f32 v10, v15;
	v15 =	vld [tilespmem:s21+$0x1550]  }
0x114: {  	s25 =	sand.u32 $0x380, s23;
	[tilespmem:s21+$0x1170] =	vst v11;
	v9 =	vadd.f32 v9, v14;
	v11 =	vld [tilespmem:s21+$0x1560]  }
0x115: {  	s24 =	sor.u32 s25, s24;
	[tilespmem:s21+$0x1500] =	vst v10;
	v8 =	vadd.f32 v8, v13;
	v10 =	vld [tilespmem:s21+$0x1570]  }
0x116: {  	v39 =	vld [tilespmem:s24+$0xC100];
	[tilespmem:s21+$0x1510] =	vst v9;
	v7 =	vadd.f32 v7, v12  }
0x117: {  	v40 =	vld [tilespmem:s24+$0xC110];
	[tilespmem:s21+$0x1520] =	vst v8;
	v6 =	vadd.f32 v6, v16  }
0x118: {  	v41 =	vld [tilespmem:s24+$0xC120];
	[tilespmem:s21+$0x1530] =	vst v7;
	v5 =	vadd.f32 v5, v15  }
0x119: {  	v42 =	vld [tilespmem:s24+$0xC130];
	[tilespmem:s21+$0x1540] =	vst v6;
	v4 =	vadd.f32 v4, v11  }
0x11a: {  	v43 =	vld [tilespmem:s24+$0xC140];
	[tilespmem:s21+$0x1550] =	vst v5;
	v3 =	vadd.f32 v3, v10  }
0x11b: {  	v44 =	vld [tilespmem:s24+$0xC150];
	[tilespmem:s21+$0x1560] =	vst v4  }
0x11c: {  	v45 =	vld [tilespmem:s24+$0xC160];
	[tilespmem:s21+$0x1570] =	vst v3;
	s21 =	smov.u32 s24  }
0x11d: {  	v46 =	vld [tilespmem:s21+$0xC170]  }
0x11e: {  	v47 =	vld [tilespmem:s21+$0xC500]  }
0x11f: {  	v48 =	vld [tilespmem:s21+$0xC510]  }
0x120: {  	v49 =	vld [tilespmem:s21+$0xC520]  }
0x121: {  	v50 =	vld [tilespmem:s21+$0xC530]  }
0x122: {  	v38 =	vld [tilespmem:s21+$0xC540]  }
0x123: {  	v37 =	vld [tilespmem:s21+$0xC550]  }
0x124: {  	v36 =	vld [tilespmem:s21+$0xC560]  }
0x125: {  	v35 =	vld [tilespmem:s21+$0xC570]  }
0x126: {  	v34 =	vld [tilespmem:s21+$0xC900]  }
0x127: {  	v33 =	vld [tilespmem:s21+$0xC910]  }
0x128: {  	v32 =	vld [tilespmem:s21+$0xC920]  }
0x129: {  	v31 =	vld [tilespmem:s21+$0xC930]  }
0x12a: {  	v30 =	vld [tilespmem:s21+$0xC940]  }
0x12b: {  	v29 =	vld [tilespmem:s21+$0xC950]  }
0x12c: {  	v28 =	vld [tilespmem:s21+$0xC960]  }
0x12d: {  	v27 =	vld [tilespmem:s21+$0xC970]  }
0x12e: {  	v26 =	vld [tilespmem:s21+$0xCD00]  }
0x12f: {  	v25 =	vld [tilespmem:s21+$0xCD10]  }
0x130: {  	v24 =	vld [tilespmem:s21+$0xCD20]  }
0x131: {  	v23 =	vld [tilespmem:s21+$0xCD30]  }
0x132: {  	v22 =	vld [tilespmem:s21+$0xCD40]  }
0x133: {  	v21 =	vld [tilespmem:s21+$0xCD50]  }
0x134: {  	v20 =	vld [tilespmem:s21+$0xCD60]  }
0x135: {  	v19 =	vld [tilespmem:s21+$0xCD70]  }
0x136: {  	v18 =	vld [tilespmem:s21+$0xD100]  }
0x137: {  	v17 =	vld [tilespmem:s21+$0xD110]  }
0x138: {  	v16 =	vld [tilespmem:s21+$0xD120]  }
0x139: {  	v15 =	vld [tilespmem:s21+$0xD130]  }
0x13a: {  	v14 =	vld [tilespmem:s21+$0xD140]  }
0x13b: {  	v13 =	vld [tilespmem:s21+$0xD150]  }
0x13c: {  	v12 =	vld [tilespmem:s21+$0xD160]  }
0x13d: {  	v11 =	vld [tilespmem:s21+$0xD170]  }
0x13e: {  	v10 =	vld [tilespmem:s21+$0xD500]  }
0x13f: {  	v9 =	vld [tilespmem:s21+$0xD510]  }
0x140: {  	v8 =	vld [tilespmem:s21+$0xD520]  }
0x141: {  	v7 =	vld [tilespmem:s21+$0xD530]  }
0x142: {  	v6 =	vld [tilespmem:s21+$0xD540]  }
0x143: {  	v5 =	vld [tilespmem:s21+$0xD550]  }
0x144: {  	v4 =	vld [tilespmem:s21+$0xD560]  }
0x145: {  	v3 =	vld [tilespmem:s21+$0xD570]  }
0x146: {  	v51 =	vld [tilespmem:s21+$0x100]  }
0x147: {  	v52 =	vld [tilespmem:s21+$0x110]  }
0x148: {  	v53 =	vld [tilespmem:s21+$0x120]  }
0x149: {  	v54 =	vld [tilespmem:s21+$0x130]  }
0x14a: {  	v55 =	vld [tilespmem:s21+$0x140]  }
0x14b: {  	v39 =	vadd.f32 v39, v51;
	v51 =	vld [tilespmem:s21+$0x150]  }
0x14c: {  	v40 =	vadd.f32 v40, v52;
	v52 =	vld [tilespmem:s21+$0x160]  }
0x14d: {  	[tilespmem:s21+$0x100] =	vst v39;
	v39 =	vadd.f32 v41, v53;
	v41 =	vld [tilespmem:s21+$0x170]  }
0x14e: {  	[tilespmem:s21+$0x110] =	vst v40;
	v40 =	vadd.f32 v42, v54;
	v42 =	vld [tilespmem:s21+$0x500]  }
0x14f: {  	[tilespmem:s21+$0x120] =	vst v39;
	v39 =	vadd.f32 v43, v55;
	v43 =	vld [tilespmem:s21+$0x510]  }
0x150: {  	[tilespmem:s21+$0x130] =	vst v40;
	v40 =	vadd.f32 v44, v51;
	v44 =	vld [tilespmem:s21+$0x520]  }
0x151: {  	[tilespmem:s21+$0x140] =	vst v39;
	v39 =	vadd.f32 v45, v52;
	v45 =	vld [tilespmem:s21+$0x530]  }
0x152: {  	[tilespmem:s21+$0x150] =	vst v40;
	v40 =	vadd.f32 v46, v41;
	v41 =	vld [tilespmem:s21+$0x540]  }
0x153: {  	[tilespmem:s21+$0x160] =	vst v39;
	v39 =	vadd.f32 v47, v42;
	v42 =	vld [tilespmem:s21+$0x550]  }
0x154: {  	[tilespmem:s21+$0x170] =	vst v40;
	v40 =	vadd.f32 v48, v43;
	v43 =	vld [tilespmem:s21+$0x560]  }
0x155: {  	[tilespmem:s21+$0x500] =	vst v39;
	v39 =	vadd.f32 v49, v44;
	v44 =	vld [tilespmem:s21+$0x570]  }
0x156: {  	[tilespmem:s21+$0x510] =	vst v40;
	v40 =	vadd.f32 v50, v45;
	v45 =	vld [tilespmem:s21+$0x900]  }
0x157: {  	[tilespmem:s21+$0x520] =	vst v39;
	v38 =	vadd.f32 v38, v41;
	v39 =	vld [tilespmem:s21+$0x910]  }
0x158: {  	[tilespmem:s21+$0x530] =	vst v40;
	v37 =	vadd.f32 v37, v42;
	v40 =	vld [tilespmem:s21+$0x920]  }
0x159: {  	[tilespmem:s21+$0x540] =	vst v38;
	v36 =	vadd.f32 v36, v43;
	v38 =	vld [tilespmem:s21+$0x930]  }
0x15a: {  	[tilespmem:s21+$0x550] =	vst v37;
	v35 =	vadd.f32 v35, v44;
	v37 =	vld [tilespmem:s21+$0x940]  }
0x15b: {  	[tilespmem:s21+$0x560] =	vst v36;
	v34 =	vadd.f32 v34, v45;
	v36 =	vld [tilespmem:s21+$0x950]  }
0x15c: {  	[tilespmem:s21+$0x570] =	vst v35;
	v33 =	vadd.f32 v33, v39;
	v35 =	vld [tilespmem:s21+$0x960]  }
0x15d: {  	[tilespmem:s21+$0x900] =	vst v34;
	v32 =	vadd.f32 v32, v40;
	v34 =	vld [tilespmem:s21+$0x970]  }
0x15e: {  	[tilespmem:s21+$0x910] =	vst v33;
	v31 =	vadd.f32 v31, v38;
	v33 =	vld [tilespmem:s21+$0xD00]  }
0x15f: {  	[tilespmem:s21+$0x920] =	vst v32;
	v30 =	vadd.f32 v30, v37;
	v32 =	vld [tilespmem:s21+$0xD10]  }
0x160: {  	[tilespmem:s21+$0x930] =	vst v31;
	v29 =	vadd.f32 v29, v36;
	v31 =	vld [tilespmem:s21+$0xD20]  }
0x161: {  	[tilespmem:s21+$0x940] =	vst v30;
	v28 =	vadd.f32 v28, v35;
	v30 =	vld [tilespmem:s21+$0xD30]  }
0x162: {  	[tilespmem:s21+$0x950] =	vst v29;
	v27 =	vadd.f32 v27, v34;
	v29 =	vld [tilespmem:s21+$0xD40]  }
0x163: {  	[tilespmem:s21+$0x960] =	vst v28;
	v26 =	vadd.f32 v26, v33;
	v28 =	vld [tilespmem:s21+$0xD50]  }
0x164: {  	[tilespmem:s21+$0x970] =	vst v27;
	v25 =	vadd.f32 v25, v32;
	v27 =	vld [tilespmem:s21+$0xD60]  }
0x165: {  	[tilespmem:s21+$0xD00] =	vst v26;
	v24 =	vadd.f32 v24, v31;
	v26 =	vld [tilespmem:s21+$0xD70]  }
0x166: {  	[tilespmem:s21+$0xD10] =	vst v25;
	v23 =	vadd.f32 v23, v30;
	v25 =	vld [tilespmem:s21+$0x1100]  }
0x167: {  	[tilespmem:s21+$0xD20] =	vst v24;
	v22 =	vadd.f32 v22, v29;
	v24 =	vld [tilespmem:s21+$0x1110]  }
0x168: {  	[tilespmem:s21+$0xD30] =	vst v23;
	v21 =	vadd.f32 v21, v28;
	v23 =	vld [tilespmem:s21+$0x1120]  }
0x169: {  	[tilespmem:s21+$0xD40] =	vst v22;
	v20 =	vadd.f32 v20, v27;
	v22 =	vld [tilespmem:s21+$0x1130]  }
0x16a: {  	[tilespmem:s21+$0xD50] =	vst v21;
	v19 =	vadd.f32 v19, v26;
	v21 =	vld [tilespmem:s21+$0x1140]  }
0x16b: {  	[tilespmem:s21+$0xD60] =	vst v20;
	v18 =	vadd.f32 v18, v25;
	v20 =	vld [tilespmem:s21+$0x1150]  }
0x16c: {  	[tilespmem:s21+$0xD70] =	vst v19;
	v17 =	vadd.f32 v17, v24;
	v19 =	vld [tilespmem:s21+$0x1160]  }
.Ltmp0:
0x16d: {  	[tilespmem:s21+$0x1100] =	vst v18;
	v18 =	vadd.f32 v16, v23;
	v16 =	vld [tilespmem:s21+$0x1170];
	(pc) =	sbr.rel @p0 .LBB2_2-.Ltmp0, $4  }
0x16e: {  	[tilespmem:s21+$0x1110] =	vst v17;
	v17 =	vadd.f32 v15, v22;
	v15 =	vld [tilespmem:s21+$0x1500]  }
0x16f: {  	[tilespmem:s21+$0x1120] =	vst v18;
	v21 =	vadd.f32 v14, v21;
	v14 =	vld [tilespmem:s21+$0x1510]  }
0x170: {  	[tilespmem:s21+$0x1130] =	vst v17;
	v18 =	vadd.f32 v13, v20;
	v13 =	vld [tilespmem:s21+$0x1520]  }
0x171: {  	s22 =	sadd.s32 $0x1, s22;
	[tilespmem:s21+$0x1140] =	vst v21;
	v17 =	vadd.f32 v12, v19;
	v12 =	vld [tilespmem:s21+$0x1530]  }
0x172: {  	[tilespmem:s21+$0x1150] =	vst v18;
	v60 =	vld [tilespmem:s21+$0x1540];
	v11 =	vadd.f32 v11, v16  }
0x173: {  	v61 =	vld [tilespmem:s21+$0x1550];
	[tilespmem:s21+$0x1160] =	vst v17;
	v10 =	vadd.f32 v10, v15  }
0x174: {  	v62 =	vld [tilespmem:s21+$0x1560];
	[tilespmem:s21+$0x1170] =	vst v11;
	v9 =	vadd.f32 v9, v14  }
0x175: {  	v63 =	vld [tilespmem:s21+$0x1570];
	[tilespmem:s21+$0x1500] =	vst v10;
	v8 =	vadd.f32 v8, v13  }
0x176: {  	[tilespmem:s21+$0x1510] =	vst v9;
	v7 =	vadd.f32 v7, v12  }
0x177: {  	[tilespmem:s21+$0x1520] =	vst v8;
	v6 =	vadd.f32 v6, v60  }
0x178: {  	v5 =	vadd.f32 v5, v61;
	[tilespmem:s21+$0x1530] =	vst v7  }
0x179: {  	v4 =	vadd.f32 v4, v62;
	[tilespmem:s21+$0x1540] =	vst v6  }
0x17a: {  	s20 =	sadd.s32 $0x1, s20;
	v3 =	vadd.f32 v3, v63;
	[tilespmem:s21+$0x1550] =	vst v5  }
0x17b: {  	p0 =	sne.s32 s20, s9;
	[tilespmem:s21+$0x1560] =	vst v4  }
.Ltmp1:
0x17c: {  	[tilespmem:s21+$0x1570] =	vst v3;
	(pc) =	sbr.rel @p0 .LBB2_1-.Ltmp1, $4  }
0x17d: {  	[hbm4b:s8+s2] =	stream.linear.scatter [tilespmem:s12], [sflag:$0x2], $0xC000, $0x38;
	[tilespmem:$0x18100] =	vst v63  }
0x17e: {  	_ =	swait.ge [sflag:s10], $0xC000  }
0x17f: {  	[sflag:s10] =	ssyncset.done $0x0  }
0x180: {  	[sflag:s10] =	ssyncadd.s32 $0xFFFF4000  }
0x181: {  	_ =	sfence.sel $0x180000  }
0x182: {  	[bflag:$0x0] =	sbarrier.arrive $0xFFFF  }
0x183: {  	_ =	strace $0x9000004A  }
0x184: {  	s0 =	stileid.u32;
	[bflag:$0x2] =	sbarrier.arrive $0xFFFF  }
0x185: {  	p0 =	sne.s32 s0, $0x0;
	s0 =	rddreg [dreg:$0x2]  }
0x186: {  	s0 =	sadd.s32 @!p0 $0x100000, s0  }
0x187: {  	[sflag:s0] =	ssyncadd.tile.s32 @!p0 $0x1;
	_ =	shalt  }
.Lfunc_end2:
_tile_overlayer_lowered:
.L_overlay_start_2:
0x188: {  	(tag) =	ssettag $0x2  }
0x189: {  	s0 =	rddreg [dreg:$0x0];
	s2 =	stileid.u32  }
0x18a: {  	s1 =	rddreg [dreg:$0x1];
	p0 =	sne.s32 s2, $0x0  }
0x18b: {  	s3 =	rddreg [dreg:$0x2];
	[bflag:$0x3] =	sbarrier.arrive $0xFFFF;
	s2 =	simm.s32 @!p0 $0x1C02  }
0x18c: {  	[timem:s3], [sflag:s2] =	dma.local @!p0 [hbm:s0], s1  }
0x18d: {  	s0 =	simm.s32 @!p0 $0x2  }
0x18e: {  	_ =	swait.ge @!p0 [sflag:s0], s1  }
0x18f: {  	s1 =	ssub.s32 @!p0 $0x0, s1;
	[sflag:s0] =	ssyncset.done @!p0 $0x0  }
0x190: {  	[sflag:s0] =	ssyncadd.s32 @!p0 s1  }
0x191: {  	[bflag:$0x3] =	sbarrier.arrive $0xFFFF  }
0x192: {  	_ =	shalt  }

</sc_bundles>
